<compile_context>
chip_gen: v7x
topology: tpu7x:2x2x1
jax: 0.10.2.dev20260603
libtpu: 0.0.44.dev20260713+nightly
codegen_flags: <defaults>
</compile_context>

<pallas_src>
import jax
import jax.numpy as jnp
from jax import lax
from jax.experimental import pallas as pl
from jax.experimental.pallas import tpu as pltpu
from jax.experimental.pallas import tpu_sc as plsc

NN = 10000
NP = 10240
EE = 320000
NC = 2
NS = 16
NW = NC * NS
K = 128
NCHUNK = EE // K
RPT = NP // NS
DEGW = 8


def _tile_ids():
    cid = lax.axis_index("c")
    sid = lax.axis_index("s")
    wid = cid * NS + sid
    per, rem = NCHUNK // NW, NCHUNK % NW
    start = wid * per + jnp.minimum(wid, rem)
    cnt = per + (wid < rem).astype(jnp.int32)
    return cid, sid, start, cnt



def _deg_body(src_hbm, dst_hbm, out_hbm, sbuf, dbuf, tbl0, tbl1,
              is0, is1, is2, is3):
    isem = (is0, is1, is2, is3)
    cid, sid, start, cnt = _tile_ids()
    wid = cid * NS + sid
    zero16 = jnp.zeros((16,), jnp.float32)
    one16 = jnp.full((16,), 1.0, jnp.float32)

    def idx_start(t, i):
        pltpu.async_copy(src_hbm.at[pl.ds((start + t) * K, K)], sbuf.at[i], isem[i])
        pltpu.async_copy(dst_hbm.at[pl.ds((start + t) * K, K)], dbuf.at[i], isem[i])

    def idx_wait(t, i):
        pltpu.make_async_copy(src_hbm.at[pl.ds((start + t) * K, K)], sbuf.at[i],
                              isem[i]).wait()
        pltpu.make_async_copy(dst_hbm.at[pl.ds((start + t) * K, K)], dbuf.at[i],
                              isem[i]).wait()

    idx_start(0, 0)
    idx_start(1, 1)

    def zstep(i, carry):
        tbl0[pl.ds(i * 16, 16)] = zero16
        tbl1[pl.ds(i * 16, 16)] = zero16
        return carry

    lax.fori_loop(0, NP // 16, zstep, 0)

    def superstep(s, carry):
        for b in range(4):
            t = s * 4 + b
            ni = (b + 2) % 4

            @pl.when(t < cnt)
            def _proc():
                idx_wait(t, b)

                @pl.when(t + 2 < cnt)
                def _prefetch():
                    idx_start(t + 2, ni)

                for j in range(K // 16):
                    sv = sbuf[b, pl.ds(j * 16, 16)]
                    dv = dbuf[b, pl.ds(j * 16, 16)]
                    plsc.addupdate_scatter(tbl0, [sv], one16)
                    plsc.addupdate_scatter(tbl1, [dv], one16)
        return carry

    lax.fori_loop(0, (cnt + 4) // 4, superstep, 0)
    pltpu.sync_copy(tbl0, out_hbm.at[pl.ds(wid * NP, NP)])
    pltpu.sync_copy(tbl1, out_hbm.at[pl.ds((NW + wid) * NP, NP)])


def _sc_degrees(src, dst):
    k = pl.kernel(
        _deg_body,
        out_type=jax.ShapeDtypeStruct((2 * NW * NP,), jnp.float32),
        mesh=plsc.VectorSubcoreMesh(core_axis_name="c", subcore_axis_name="s"),
        compiler_params=pltpu.CompilerParams(needs_layout_passes=False),
        scratch_types=[
            pltpu.VMEM((4, K), jnp.int32),
            pltpu.VMEM((4, K), jnp.int32),
            pltpu.VMEM((NP,), jnp.float32),
            pltpu.VMEM((NP,), jnp.float32),
            pltpu.SemaphoreType.DMA,
            pltpu.SemaphoreType.DMA,
            pltpu.SemaphoreType.DMA,
            pltpu.SemaphoreType.DMA,
        ],
    )
    return k(src, dst).reshape(2, NW, NP)



def _agg_body(h_hbm, src_hbm, dst_hbm, zeros_hbm, out_hbm,
              sidx, didx, rows,
              gs0, gs1, ss0, ss1, is0, is1, is2, is3, agg_sh):
    gsem = (gs0, gs1)
    ssem = (ss0, ss1)
    isem = (is0, is1, is2, is3)
    cid, sid, start, cnt = _tile_ids()
    r0 = sid * RPT

    def idx_start(t, i):
        pltpu.async_copy(src_hbm.at[pl.ds((start + t) * K, K)], sidx.at[i], isem[i])
        pltpu.async_copy(dst_hbm.at[pl.ds((start + t) * K, K)], didx.at[i], isem[i])

    def idx_wait(t, i):
        pltpu.make_async_copy(src_hbm.at[pl.ds((start + t) * K, K)], sidx.at[i],
                              isem[i]).wait()
        pltpu.make_async_copy(dst_hbm.at[pl.ds((start + t) * K, K)], didx.at[i],
                              isem[i]).wait()

    pltpu.sync_copy(zeros_hbm.at[pl.ds(r0, RPT)], agg_sh.at[pl.ds(r0, RPT)])
    idx_start(0, 0)
    idx_start(1, 1)
    plsc.subcore_barrier()

    def superstep(s, carry):
        for b in range(4):
            t = s * 4 + b
            r = b % 2
            pr = (b - 1) % 2
            pi = (b - 1) % 4
            ni = (b + 2) % 4

            @pl.when(t < cnt)
            def _launch():
                @pl.when(t >= 2)
                def _free():
                    pltpu.make_async_copy(rows.at[r], agg_sh.at[didx.at[0]],
                                          ssem[r]).wait()
                idx_wait(t, b)
                pltpu.async_copy(h_hbm.at[sidx.at[b]], rows.at[r], gsem[r])

                @pl.when(t + 2 < cnt)
                def _prefetch():
                    idx_start(t + 2, ni)

            @pl.when(jnp.logical_and(t >= 1, t <= cnt))
            def _consume():
                pltpu.make_async_copy(h_hbm.at[sidx.at[pi]], rows.at[pr],
                                      gsem[pr]).wait()
                pltpu.async_copy(rows.at[pr], agg_sh.at[didx.at[pi]],
                                 ssem[pr], add=True)
        return carry

    lax.fori_loop(0, (cnt + 4) // 4, superstep, 0)
    for r in range(2):
        pltpu.make_async_copy(rows.at[r], agg_sh.at[didx.at[0]], ssem[r]).wait()
    plsc.subcore_barrier()
    pltpu.sync_copy(agg_sh.at[pl.ds(r0, RPT)], out_hbm.at[cid].at[pl.ds(r0, RPT)])


def _sc_aggregate(h, src, dst):
    zeros = jnp.zeros((NP, 128), jnp.float32)
    k = pl.kernel(
        _agg_body,
        out_type=jax.ShapeDtypeStruct((NC, NP, 128), jnp.float32),
        mesh=plsc.VectorSubcoreMesh(core_axis_name="c", subcore_axis_name="s"),
        scratch_types=[
            pltpu.VMEM((4, K), jnp.int32),
            pltpu.VMEM((4, K), jnp.int32),
            pltpu.VMEM((2, K, 128), jnp.float32),
            pltpu.SemaphoreType.DMA,
            pltpu.SemaphoreType.DMA,
            pltpu.SemaphoreType.DMA,
            pltpu.SemaphoreType.DMA,
            pltpu.SemaphoreType.DMA,
            pltpu.SemaphoreType.DMA,
            pltpu.SemaphoreType.DMA,
            pltpu.SemaphoreType.DMA,
            pltpu.VMEM_SHARED((NP, 128), jnp.float32),
        ],
    )
    return k(h, src, dst, zeros)



def _norm_col(deg_t):
    d = jnp.sum(deg_t, axis=0, keepdims=True)
    d = jnp.transpose(d)[:NN, :]
    return lax.rsqrt(jnp.maximum(d, 1.0))


def _nsrc(deg):
    return _norm_col(deg[0])


def _ndst(deg):
    return _norm_col(deg[1])


def _t1_body(deg_ref, x_ref, w1_ref, out_ref):
    deg = deg_ref[...]
    out_ref[...] = jnp.dot(x_ref[...] * _nsrc(deg), w1_ref[...],
                           preferred_element_type=jnp.float32)


def _t2_body(deg_ref, p_ref, b1_ref, out_ref):
    deg = deg_ref[...]
    agg = p_ref[0, :NN, :] + p_ref[1, :NN, :]
    h1 = jnp.maximum(agg * _ndst(deg) + b1_ref[...][None, :], 0.0)
    out_ref[...] = h1 * _nsrc(deg)


def _t3_body(deg_ref, p_ref, b2_ref, w2_ref, out_ref):
    deg = deg_ref[...]
    agg = p_ref[0, :NN, :] + p_ref[1, :NN, :]
    pre = jnp.dot(agg, w2_ref[...], preferred_element_type=jnp.float32)
    out_ref[...] = jnp.maximum(pre * _ndst(deg) + b2_ref[...][None, :], 0.0)


def _tc_call(body, out_shape, *args):
    return pl.pallas_call(body, out_shape=out_shape)(*args)


BM = 200


def _adj_body(a_ref, b_ref, out_ref):
    out_ref[...] = lax.dot_general(
        a_ref[...], b_ref[...], (((1,), (1,)), ((), ())),
        preferred_element_type=jnp.float32)


def _adj(h2):
    return pl.pallas_call(
        _adj_body,
        grid=(NN // BM,),
        in_specs=[pl.BlockSpec((BM, 64), lambda i: (i, 0)),
                  pl.BlockSpec((NN, 64), lambda i: (0, 0))],
        out_specs=pl.BlockSpec((BM, NN), lambda i: (i, 0)),
        out_shape=jax.ShapeDtypeStruct((NN, NN), jnp.float32),
    )(h2, h2)



def kernel(inputs, edge_index, W1, b1, W2, b2):
    src = edge_index[0]
    dst = edge_index[1]
    deg = _sc_degrees(src, dst)
    h1pre = _tc_call(_t1_body, jax.ShapeDtypeStruct((NN, 128), jnp.float32),
                     deg, inputs, W1)
    p1 = _sc_aggregate(h1pre, src, dst)
    h1n = _tc_call(_t2_body, jax.ShapeDtypeStruct((NN, 128), jnp.float32),
                   deg, p1, b1)
    p2 = _sc_aggregate(h1n, src, dst)
    h2 = _tc_call(_t3_body, jax.ShapeDtypeStruct((NN, 64), jnp.float32),
                  deg, p2, b2, W2)
    adj = _adj(h2)
    return (adj, h2)

# --- scband reference (transcript-rebuilt; emitter-appended) ---
"""Pipeline reference for scband-gcn-70274254897512 (READ-ONLY COPY).

The authoritative reference and input builder live on the scoring server;
editing this copy changes nothing except your own understanding.
"""

import jax, jax.numpy as jnp
import numpy as np

N = 10000
E = 320000
D_IN = 128
D_H = 128
D_OUT = 64


def setup_inputs(seed: int = 0) -> dict:
    key = jax.random.key(seed)
    k1, k2, k3, k4 = jax.random.split(key, 4)
    inputs = jax.random.normal(k1, (N, D_IN), dtype=jnp.float32)
    edge_index = jax.random.randint(k2, (2, E), 0, N, dtype=jnp.int32)
    W1 = jax.random.normal(k3, (D_IN, D_H), dtype=jnp.float32) * (1.0 / np.sqrt(D_IN))
    b1 = jnp.zeros((D_H,), dtype=jnp.float32)
    W2 = jax.random.normal(k4, (D_H, D_OUT), dtype=jnp.float32) * (1.0 / np.sqrt(D_H))
    b2 = jnp.zeros((D_OUT,), dtype=jnp.float32)
    return {"inputs": inputs, "edge_index": edge_index, "W1": W1, "b1": b1, "W2": W2, "b2": b2}


def _graph_conv(x, src, dst, W, b):
    # DGL GraphConv with norm='both', allow_zero_in_degree=True, activation=relu
    deg_out = jnp.clip(jnp.bincount(src, length=N), 1).astype(x.dtype)
    norm_src = deg_out ** -0.5
    h = x * norm_src[:, None]
    h = h @ W
    m = jnp.take(h, src, axis=0)                 # gather messages from src
    agg = jax.ops.segment_sum(m, dst, num_segments=N)  # scatter-add to dst
    deg_in = jnp.clip(jnp.bincount(dst, length=N), 1).astype(x.dtype)
    norm_dst = deg_in ** -0.5
    agg = agg * norm_dst[:, None]
    agg = agg + b
    return jax.nn.relu(agg)


def reference(inputs, edge_index, W1, b1, W2, b2):
    src = edge_index[0]
    dst = edge_index[1]
    h = _graph_conv(inputs, src, dst, W1, b1)
    h = jax.nn.relu(h)  # extra relu in GCN.forward (idempotent after conv activation)
    h2 = _graph_conv(h, src, dst, W2, b2)
    # conv2 is invoked 3x with identical params/inputs (mean, log_std, h) -> identical result
    # InnerProductDecoder with act=identity, dropout inactive in eval
    adj = h2 @ h2.T
    return (adj, h2)

if __name__ == "__main__":
    import jax
    _d = setup_inputs()
    print(jax.jit(kernel)(*tuple(_d.values())))

</pallas_src>

<mosaic_0001>
#map = affine_map<(d0, d1) -> (0, 0)>
#map1 = affine_map<(d0, d1) -> (0)>
#map2 = affine_map<(d0, d1) -> (0, 0, 0)>
module attributes {stable_mosaic.version = 14 : i64} {
  func.func @_agg_body(%arg0: i32, %arg1: i32, %arg2: memref<10000x128xf32, #tpu.memory_space<hbm>>, %arg3: memref<320000xi32, #tpu.memory_space<hbm>>, %arg4: memref<320000xi32, #tpu.memory_space<hbm>>, %arg5: memref<10240x128xf32, #tpu.memory_space<hbm>>, %arg6: memref<2x10240x128xf32, #tpu.memory_space<hbm>>, %arg7: memref<4x128xi32, #tpu.memory_space<vmem>>, %arg8: memref<4x128xi32, #tpu.memory_space<vmem>>, %arg9: memref<2x128x128xf32, #tpu.memory_space<vmem>>, %arg10: memref<!tpu.dma_semaphore, #tpu.memory_space<semaphore_mem>>, %arg11: memref<!tpu.dma_semaphore, #tpu.memory_space<semaphore_mem>>, %arg12: memref<!tpu.dma_semaphore, #tpu.memory_space<semaphore_mem>>, %arg13: memref<!tpu.dma_semaphore, #tpu.memory_space<semaphore_mem>>, %arg14: memref<!tpu.dma_semaphore, #tpu.memory_space<semaphore_mem>>, %arg15: memref<!tpu.dma_semaphore, #tpu.memory_space<semaphore_mem>>, %arg16: memref<!tpu.dma_semaphore, #tpu.memory_space<semaphore_mem>>, %arg17: memref<!tpu.dma_semaphore, #tpu.memory_space<semaphore_mem>>, %arg18: memref<10240x128xf32, #tpu.memory_space<vmem_shared>>) attributes {dimension_semantics = [#tpu.dimension_semantics<core_parallel>, #tpu.dimension_semantics<subcore_parallel>], iteration_bounds = array<i64: 2, 16>, scalar_prefetch = 0 : i64, scratch_operands = 12 : i64, tpu.core_type = #tpu.core_type<sc_vector_subcore>, window_params = [{transform_indices = #map}, {transform_indices = #map1}, {transform_indices = #map1}, {transform_indices = #map}, {transform_indices = #map2}]} {
    %mul3A = arith.constant 16 : i32
    %mul3A_0 = arith.muli %arg0, %mul3A : i32
    %add3A = arith.addi %mul3A_0, %arg1 : i32
    %mul3A_1 = arith.constant 78 : i32
    %mul3A_2 = arith.muli %add3A, %mul3A_1 : i32
    %min3A = arith.constant 4 : i32
    %min3A_3 = arith.minsi %add3A, %min3A : i32
    %add3A_4 = arith.addi %mul3A_2, %min3A_3 : i32
    %lt3A = arith.constant 4 : i32
    %lt3A_5 = arith.cmpi slt, %add3A, %lt3A : i32
    %convert_element_type3A = arith.extui %lt3A_5 : i1 to i32
    %add3A_6 = arith.constant 78 : i32
    %add3A_7 = arith.addi %add3A_6, %convert_element_type3A : i32
    %mul3A_8 = arith.constant 640 : i32
    %mul3A_9 = arith.muli %arg1, %mul3A_8 : i32
    "tpu.region"() ({
      %run_scoped3A = tpu.sem_alloc : memref<!tpu.dma_semaphore, #tpu.memory_space<semaphore_mem>>
      %dma_start3A_112 = arith.constant 0 : i32
      %dma_start3A_113 = tpu.memref_slice %arg18[%mul3A_9, %dma_start3A_112] : memref<10240x128xf32, #tpu.memory_space<vmem_shared>> -> memref<640x128xf32, #tpu.memory_space<vmem_shared>>
      %dma_start3A_114 = arith.constant 0 : i32
      %dma_start3A_115 = tpu.memref_slice %arg5[%mul3A_9, %dma_start3A_114] : memref<10240x128xf32, #tpu.memory_space<hbm>> -> memref<640x128xf32, #tpu.memory_space<hbm>>
      tpu.enqueue_dma source(%dma_start3A_115 : memref<640x128xf32, #tpu.memory_space<hbm>>) target(%dma_start3A_113 : memref<640x128xf32, #tpu.memory_space<vmem_shared>>) target_semaphore(%run_scoped3A : memref<!tpu.dma_semaphore, #tpu.memory_space<semaphore_mem>>)
      %dma_wait3A_116 = arith.constant 0 : i32
      %dma_wait3A_117 = tpu.memref_slice %arg18[%mul3A_9, %dma_wait3A_116] : memref<10240x128xf32, #tpu.memory_space<vmem_shared>> -> memref<640x128xf32, #tpu.memory_space<vmem_shared>>
      %dma_wait3A_118 = arith.constant 0 : i32
      %dma_wait3A_119 = tpu.memref_slice %arg5[%mul3A_9, %dma_wait3A_118] : memref<10240x128xf32, #tpu.memory_space<hbm>> -> memref<640x128xf32, #tpu.memory_space<hbm>>
      tpu.wait_dma2 semaphore(%run_scoped3A : memref<!tpu.dma_semaphore, #tpu.memory_space<semaphore_mem>>) src(%dma_wait3A_119 : memref<640x128xf32, #tpu.memory_space<hbm>>) dst(%dma_wait3A_117 : memref<640x128xf32, #tpu.memory_space<vmem_shared>>)
      tpu.yield
    }) : () -> ()
    %add3A_10 = arith.constant 0 : i32
    %add3A_11 = arith.addi %add3A_4, %add3A_10 : i32
    %mul3A_12 = arith.constant 128 : i32
    %mul3A_13 = arith.muli %add3A_11, %mul3A_12 : i32
    %dma_start3A = arith.constant 0 : i32
    %dma_start3A_14 = arith.constant 0 : i32
    %dma_start3A_15 = tpu.memref_slice %arg7[%dma_start3A, %dma_start3A_14] : memref<4x128xi32, #tpu.memory_space<vmem>> -> memref<1x128xi32, #tpu.memory_space<vmem>>
    %dma_start3A_16 = tpu.memref_squeeze %dma_start3A_15 : memref<1x128xi32, #tpu.memory_space<vmem>> -> memref<128xi32, #tpu.memory_space<vmem>>
    %dma_start3A_17 = tpu.memref_slice %arg3[%mul3A_13] : memref<320000xi32, #tpu.memory_space<hbm>> -> memref<128xi32, #tpu.memory_space<hbm>>
    %dma_start3A_18 = arith.constant 0 : i32
    %dma_start3A_19 = tpu.memref_slice %arg7[%dma_start3A, %dma_start3A_18] : memref<4x128xi32, #tpu.memory_space<vmem>> -> memref<1x128xi32, #tpu.memory_space<vmem>>
    %dma_start3A_20 = tpu.memref_squeeze %dma_start3A_19 : memref<1x128xi32, #tpu.memory_space<vmem>> -> memref<128xi32, #tpu.memory_space<vmem>>
    %dma_start3A_21 = tpu.memref_slice %arg3[%mul3A_13] : memref<320000xi32, #tpu.memory_space<hbm>> -> memref<128xi32, #tpu.memory_space<hbm>>
    tpu.enqueue_dma source(%dma_start3A_21 : memref<128xi32, #tpu.memory_space<hbm>>) target(%dma_start3A_20 : memref<128xi32, #tpu.memory_space<vmem>>) target_semaphore(%arg14 : memref<!tpu.dma_semaphore, #tpu.memory_space<semaphore_mem>>)
    %add3A_22 = arith.constant 0 : i32
    %add3A_23 = arith.addi %add3A_4, %add3A_22 : i32
    %mul3A_24 = arith.constant 128 : i32
    %mul3A_25 = arith.muli %add3A_23, %mul3A_24 : i32
    %dma_start3A_26 = arith.constant 0 : i32
    %dma_start3A_27 = arith.constant 0 : i32
    %dma_start3A_28 = tpu.memref_slice %arg8[%dma_start3A_26, %dma_start3A_27] : memref<4x128xi32, #tpu.memory_space<vmem>> -> memref<1x128xi32, #tpu.memory_space<vmem>>
    %dma_start3A_29 = tpu.memref_squeeze %dma_start3A_28 : memref<1x128xi32, #tpu.memory_space<vmem>> -> memref<128xi32, #tpu.memory_space<vmem>>
    %dma_start3A_30 = tpu.memref_slice %arg4[%mul3A_25] : memref<320000xi32, #tpu.memory_space<hbm>> -> memref<128xi32, #tpu.memory_space<hbm>>
    %dma_start3A_31 = arith.constant 0 : i32
    %dma_start3A_32 = tpu.memref_slice %arg8[%dma_start3A_26, %dma_start3A_31] : memref<4x128xi32, #tpu.memory_space<vmem>> -> memref<1x128xi32, #tpu.memory_space<vmem>>
    %dma_start3A_33 = tpu.memref_squeeze %dma_start3A_32 : memref<1x128xi32, #tpu.memory_space<vmem>> -> memref<128xi32, #tpu.memory_space<vmem>>
    %dma_start3A_34 = tpu.memref_slice %arg4[%mul3A_25] : memref<320000xi32, #tpu.memory_space<hbm>> -> memref<128xi32, #tpu.memory_space<hbm>>
    tpu.enqueue_dma source(%dma_start3A_34 : memref<128xi32, #tpu.memory_space<hbm>>) target(%dma_start3A_33 : memref<128xi32, #tpu.memory_space<vmem>>) target_semaphore(%arg14 : memref<!tpu.dma_semaphore, #tpu.memory_space<semaphore_mem>>)
    %add3A_35 = arith.constant 1 : i32
    %add3A_36 = arith.addi %add3A_4, %add3A_35 : i32
    %mul3A_37 = arith.constant 128 : i32
    %mul3A_38 = arith.muli %add3A_36, %mul3A_37 : i32
    %dma_start3A_39 = arith.constant 1 : i32
    %dma_start3A_40 = arith.constant 0 : i32
    %dma_start3A_41 = tpu.memref_slice %arg7[%dma_start3A_39, %dma_start3A_40] : memref<4x128xi32, #tpu.memory_space<vmem>> -> memref<1x128xi32, #tpu.memory_space<vmem>>
    %dma_start3A_42 = tpu.memref_squeeze %dma_start3A_41 : memref<1x128xi32, #tpu.memory_space<vmem>> -> memref<128xi32, #tpu.memory_space<vmem>>
    %dma_start3A_43 = tpu.memref_slice %arg3[%mul3A_38] : memref<320000xi32, #tpu.memory_space<hbm>> -> memref<128xi32, #tpu.memory_space<hbm>>
    %dma_start3A_44 = arith.constant 0 : i32
    %dma_start3A_45 = tpu.memref_slice %arg7[%dma_start3A_39, %dma_start3A_44] : memref<4x128xi32, #tpu.memory_space<vmem>> -> memref<1x128xi32, #tpu.memory_space<vmem>>
    %dma_start3A_46 = tpu.memref_squeeze %dma_start3A_45 : memref<1x128xi32, #tpu.memory_space<vmem>> -> memref<128xi32, #tpu.memory_space<vmem>>
    %dma_start3A_47 = tpu.memref_slice %arg3[%mul3A_38] : memref<320000xi32, #tpu.memory_space<hbm>> -> memref<128xi32, #tpu.memory_space<hbm>>
    tpu.enqueue_dma source(%dma_start3A_47 : memref<128xi32, #tpu.memory_space<hbm>>) target(%dma_start3A_46 : memref<128xi32, #tpu.memory_space<vmem>>) target_semaphore(%arg15 : memref<!tpu.dma_semaphore, #tpu.memory_space<semaphore_mem>>)
    %add3A_48 = arith.constant 1 : i32
    %add3A_49 = arith.addi %add3A_4, %add3A_48 : i32
    %mul3A_50 = arith.constant 128 : i32
    %mul3A_51 = arith.muli %add3A_49, %mul3A_50 : i32
    %dma_start3A_52 = arith.constant 1 : i32
    %dma_start3A_53 = arith.constant 0 : i32
    %dma_start3A_54 = tpu.memref_slice %arg8[%dma_start3A_52, %dma_start3A_53] : memref<4x128xi32, #tpu.memory_space<vmem>> -> memref<1x128xi32, #tpu.memory_space<vmem>>
    %dma_start3A_55 = tpu.memref_squeeze %dma_start3A_54 : memref<1x128xi32, #tpu.memory_space<vmem>> -> memref<128xi32, #tpu.memory_space<vmem>>
    %dma_start3A_56 = tpu.memref_slice %arg4[%mul3A_51] : memref<320000xi32, #tpu.memory_space<hbm>> -> memref<128xi32, #tpu.memory_space<hbm>>
    %dma_start3A_57 = arith.constant 0 : i32
    %dma_start3A_58 = tpu.memref_slice %arg8[%dma_start3A_52, %dma_start3A_57] : memref<4x128xi32, #tpu.memory_space<vmem>> -> memref<1x128xi32, #tpu.memory_space<vmem>>
    %dma_start3A_59 = tpu.memref_squeeze %dma_start3A_58 : memref<1x128xi32, #tpu.memory_space<vmem>> -> memref<128xi32, #tpu.memory_space<vmem>>
    %dma_start3A_60 = tpu.memref_slice %arg4[%mul3A_51] : memref<320000xi32, #tpu.memory_space<hbm>> -> memref<128xi32, #tpu.memory_space<hbm>>
    tpu.enqueue_dma source(%dma_start3A_60 : memref<128xi32, #tpu.memory_space<hbm>>) target(%dma_start3A_59 : memref<128xi32, #tpu.memory_space<vmem>>) target_semaphore(%arg15 : memref<!tpu.dma_semaphore, #tpu.memory_space<semaphore_mem>>)
    %barrier3A = arith.constant 0 : index
    tpu.barrier barrier_id(%barrier3A)
    %add3A_61 = arith.constant 4 : i32
    %add3A_62 = arith.addi %add3A_7, %add3A_61 : i32
    %jit3A = arith.constant 4 : i32
    %div3A = arith.divsi %add3A_62, %jit3A : i32
    %sign3A = arith.constant 0 : i32
    %sign3A_63 = arith.cmpi sgt, %add3A_62, %sign3A : i32
    %sign3A_64 = arith.extui %sign3A_63 : i1 to i32
    %sign3A_65 = arith.constant 0 : i32
    %sign3A_66 = arith.cmpi slt, %add3A_62, %sign3A_65 : i32
    %sign3A_67 = arith.extui %sign3A_66 : i1 to i32
    %sign3A_68 = arith.subi %sign3A_64, %sign3A_67 : i32
    %sign3A_69 = arith.constant 0 : i32
    %sign3A_70 = arith.cmpi sgt, %jit3A, %sign3A_69 : i32
    %sign3A_71 = arith.extui %sign3A_70 : i1 to i32
    %sign3A_72 = arith.constant 0 : i32
    %sign3A_73 = arith.cmpi slt, %jit3A, %sign3A_72 : i32
    %sign3A_74 = arith.extui %sign3A_73 : i1 to i32
    %sign3A_75 = arith.subi %sign3A_71, %sign3A_74 : i32
    %ne3A = arith.cmpi ne, %sign3A_68, %sign3A_75 : i32
    %rem3A = arith.remsi %add3A_62, %jit3A : i32
    %ne3A_76 = arith.constant 0 : i32
    %ne3A_77 = arith.cmpi ne, %rem3A, %ne3A_76 : i32
    %and3A = arith.andi %ne3A, %ne3A_77 : i1
    %sub3A = arith.constant 1 : i32
    %sub3A_78 = arith.subi %div3A, %sub3A : i32
    %select_n3A = arith.select %and3A, %sub3A_78, %div3A : i32
    %while3A = arith.constant 0 : i32
    %while3A_79 = arith.constant 0 : i32
    %while3A_80 = arith.subi %select_n3A, %while3A_79 : i32
    %while3A_81 = arith.addi %while3A_79, %while3A_80 : i32
    %while3A_82 = arith.constant 1 : i32
    %while3A_83 = arith.divsi %while3A_80, %while3A_82 : i32
    %while3A_84 = arith.muli %while3A_83, %while3A_82 : i32
    %while3A_85 = arith.addi %while3A_79, %while3A_84 : i32
    %while3A_86 = arith.constant 1 : i32
    scf.for %while3A_112 = %while3A_79 to %while3A_85 step %while3A_86  : i32 {
      %mul3A_113 = arith.constant 4 : i32
      %mul3A_114 = arith.muli %while3A_112, %mul3A_113 : i32
      %add3A_115 = arith.constant 0 : i32
      %add3A_116 = arith.addi %mul3A_114, %add3A_115 : i32
      %lt3A_117 = arith.cmpi slt, %add3A_116, %add3A_7 : i32
      %convert_element_type3A_118 = arith.extui %lt3A_117 : i1 to i32
      %cond3A = arith.constant 0 : i32
      %cond3A_119 = arith.cmpi ne, %convert_element_type3A_118, %cond3A : i32
      scf.if %cond3A_119 {
        %ge3A_170 = arith.constant 2 : i32
        %ge3A_171 = arith.cmpi sge, %add3A_116, %ge3A_170 : i32
        %convert_element_type3A_172 = arith.extui %ge3A_171 : i1 to i32
        %cond3A_173 = arith.constant 0 : i32
        %cond3A_174 = arith.cmpi ne, %convert_element_type3A_172, %cond3A_173 : i32
        scf.if %cond3A_174 {
          %dma_wait3A_217 = arith.constant 0 : i32
          %dma_wait3A_218 = arith.constant 0 : i32
          %dma_wait3A_219 = arith.constant 0 : i32
          %dma_wait3A_220 = arith.constant 0 : i32
          %dma_wait3A_221 = tpu.memref_slice %arg9[%dma_wait3A_217, %dma_wait3A_219, %dma_wait3A_220] : memref<2x128x128xf32, #tpu.memory_space<vmem>> -> memref<1x128x128xf32, #tpu.memory_space<vmem>>
          %dma_wait3A_222 = tpu.memref_squeeze %dma_wait3A_221 : memref<1x128x128xf32, #tpu.memory_space<vmem>> -> memref<128x128xf32, #tpu.memory_space<vmem>>
          %dma_wait3A_223 = arith.constant 0 : i32
          %dma_wait3A_224 = tpu.memref_slice %arg8[%dma_wait3A_218, %dma_wait3A_223] : memref<4x128xi32, #tpu.memory_space<vmem>> -> memref<1x128xi32, #tpu.memory_space<vmem>>
          %dma_wait3A_225 = tpu.memref_squeeze %dma_wait3A_224 : memref<1x128xi32, #tpu.memory_space<vmem>> -> memref<128xi32, #tpu.memory_space<vmem>>
          %dma_wait3A_226 = arith.constant 0 : i32
          %dma_wait3A_227 = arith.constant 0 : i32
          %dma_wait3A_228 = tpu.memref_slice %arg18[%dma_wait3A_226, %dma_wait3A_227] : memref<10240x128xf32, #tpu.memory_space<vmem_shared>> -> memref<10240x128xf32, #tpu.memory_space<vmem_shared>>
          tpu.wait_indirect_dma semaphore(%arg12 : memref<!tpu.dma_semaphore, #tpu.memory_space<semaphore_mem>>) src(%dma_wait3A_222 : memref<128x128xf32, #tpu.memory_space<vmem>>) dst(%dma_wait3A_228 : memref<10240x128xf32, #tpu.memory_space<vmem_shared>>)
        } else {
        }
        %add3A_175 = arith.addi %add3A_4, %add3A_116 : i32
        %mul3A_176 = arith.constant 128 : i32
        %mul3A_177 = arith.muli %add3A_175, %mul3A_176 : i32
        %dma_wait3A_178 = arith.constant 0 : i32
        %dma_wait3A_179 = arith.constant 0 : i32
        %dma_wait3A_180 = tpu.memref_slice %arg7[%dma_wait3A_178, %dma_wait3A_179] : memref<4x128xi32, #tpu.memory_space<vmem>> -> memref<1x128xi32, #tpu.memory_space<vmem>>
        %dma_wait3A_181 = tpu.memref_squeeze %dma_wait3A_180 : memref<1x128xi32, #tpu.memory_space<vmem>> -> memref<128xi32, #tpu.memory_space<vmem>>
        %dma_wait3A_182 = tpu.memref_slice %arg3[%mul3A_177] : memref<320000xi32, #tpu.memory_space<hbm>> -> memref<128xi32, #tpu.memory_space<hbm>>
        %dma_wait3A_183 = arith.constant 0 : i32
        %dma_wait3A_184 = tpu.memref_slice %arg7[%dma_wait3A_178, %dma_wait3A_183] : memref<4x128xi32, #tpu.memory_space<vmem>> -> memref<1x128xi32, #tpu.memory_space<vmem>>
        %dma_wait3A_185 = tpu.memref_squeeze %dma_wait3A_184 : memref<1x128xi32, #tpu.memory_space<vmem>> -> memref<128xi32, #tpu.memory_space<vmem>>
        %dma_wait3A_186 = tpu.memref_slice %arg3[%mul3A_177] : memref<320000xi32, #tpu.memory_space<hbm>> -> memref<128xi32, #tpu.memory_space<hbm>>
        tpu.wait_dma2 semaphore(%arg14 : memref<!tpu.dma_semaphore, #tpu.memory_space<semaphore_mem>>) src(%dma_wait3A_186 : memref<128xi32, #tpu.memory_space<hbm>>) dst(%dma_wait3A_185 : memref<128xi32, #tpu.memory_space<vmem>>)
        %add3A_187 = arith.addi %add3A_4, %add3A_116 : i32
        %mul3A_188 = arith.constant 128 : i32
        %mul3A_189 = arith.muli %add3A_187, %mul3A_188 : i32
        %dma_wait3A_190 = arith.constant 0 : i32
        %dma_wait3A_191 = arith.constant 0 : i32
        %dma_wait3A_192 = tpu.memref_slice %arg8[%dma_wait3A_190, %dma_wait3A_191] : memref<4x128xi32, #tpu.memory_space<vmem>> -> memref<1x128xi32, #tpu.memory_space<vmem>>
        %dma_wait3A_193 = tpu.memref_squeeze %dma_wait3A_192 : memref<1x128xi32, #tpu.memory_space<vmem>> -> memref<128xi32, #tpu.memory_space<vmem>>
        %dma_wait3A_194 = tpu.memref_slice %arg4[%mul3A_189] : memref<320000xi32, #tpu.memory_space<hbm>> -> memref<128xi32, #tpu.memory_space<hbm>>
        %dma_wait3A_195 = arith.constant 0 : i32
        %dma_wait3A_196 = tpu.memref_slice %arg8[%dma_wait3A_190, %dma_wait3A_195] : memref<4x128xi32, #tpu.memory_space<vmem>> -> memref<1x128xi32, #tpu.memory_space<vmem>>
        %dma_wait3A_197 = tpu.memref_squeeze %dma_wait3A_196 : memref<1x128xi32, #tpu.memory_space<vmem>> -> memref<128xi32, #tpu.memory_space<vmem>>
        %dma_wait3A_198 = tpu.memref_slice %arg4[%mul3A_189] : memref<320000xi32, #tpu.memory_space<hbm>> -> memref<128xi32, #tpu.memory_space<hbm>>
        tpu.wait_dma2 semaphore(%arg14 : memref<!tpu.dma_semaphore, #tpu.memory_space<semaphore_mem>>) src(%dma_wait3A_198 : memref<128xi32, #tpu.memory_space<hbm>>) dst(%dma_wait3A_197 : memref<128xi32, #tpu.memory_space<vmem>>)
        %dma_start3A_199 = arith.constant 0 : i32
        %dma_start3A_200 = arith.constant 0 : i32
        %dma_start3A_201 = arith.constant 0 : i32
        %dma_start3A_202 = arith.constant 0 : i32
        %dma_start3A_203 = tpu.memref_slice %arg9[%dma_start3A_200, %dma_start3A_201, %dma_start3A_202] : memref<2x128x128xf32, #tpu.memory_space<vmem>> -> memref<1x128x128xf32, #tpu.memory_space<vmem>>
        %dma_start3A_204 = tpu.memref_squeeze %dma_start3A_203 : memref<1x128x128xf32, #tpu.memory_space<vmem>> -> memref<128x128xf32, #tpu.memory_space<vmem>>
        %dma_start3A_205 = arith.constant 0 : i32
        %dma_start3A_206 = tpu.memref_slice %arg7[%dma_start3A_199, %dma_start3A_205] : memref<4x128xi32, #tpu.memory_space<vmem>> -> memref<1x128xi32, #tpu.memory_space<vmem>>
        %dma_start3A_207 = tpu.memref_squeeze %dma_start3A_206 : memref<1x128xi32, #tpu.memory_space<vmem>> -> memref<128xi32, #tpu.memory_space<vmem>>
        %dma_start3A_208 = arith.constant 0 : i32
        %dma_start3A_209 = arith.constant 0 : i32
        %dma_start3A_210 = tpu.memref_slice %arg2[%dma_start3A_208, %dma_start3A_209] : memref<10000x128xf32, #tpu.memory_space<hbm>> -> memref<10000x128xf32, #tpu.memory_space<hbm>>
        tpu.enqueue_indirect_dma source(%dma_start3A_210 : memref<10000x128xf32, #tpu.memory_space<hbm>>) target(%dma_start3A_204 : memref<128x128xf32, #tpu.memory_space<vmem>>) offsets(%dma_start3A_207 : memref<128xi32, #tpu.memory_space<vmem>>) semaphore(%arg10 : memref<!tpu.dma_semaphore, #tpu.memory_space<semaphore_mem>>)
        %add3A_211 = arith.constant 2 : i32
        %add3A_212 = arith.addi %add3A_116, %add3A_211 : i32
        %lt3A_213 = arith.cmpi slt, %add3A_212, %add3A_7 : i32
        %convert_element_type3A_214 = arith.extui %lt3A_213 : i1 to i32
        %cond3A_215 = arith.constant 0 : i32
        %cond3A_216 = arith.cmpi ne, %convert_element_type3A_214, %cond3A_215 : i32
        scf.if %cond3A_216 {
          %add3A_217 = arith.constant 2 : i32
          %add3A_218 = arith.addi %add3A_116, %add3A_217 : i32
          %add3A_219 = arith.addi %add3A_4, %add3A_218 : i32
          %mul3A_220 = arith.constant 128 : i32
          %mul3A_221 = arith.muli %add3A_219, %mul3A_220 : i32
          %dma_start3A_222 = arith.constant 2 : i32
          %dma_start3A_223 = arith.constant 0 : i32
          %dma_start3A_224 = tpu.memref_slice %arg7[%dma_start3A_222, %dma_start3A_223] : memref<4x128xi32, #tpu.memory_space<vmem>> -> memref<1x128xi32, #tpu.memory_space<vmem>>
          %dma_start3A_225 = tpu.memref_squeeze %dma_start3A_224 : memref<1x128xi32, #tpu.memory_space<vmem>> -> memref<128xi32, #tpu.memory_space<vmem>>
          %dma_start3A_226 = tpu.memref_slice %arg3[%mul3A_221] : memref<320000xi32, #tpu.memory_space<hbm>> -> memref<128xi32, #tpu.memory_space<hbm>>
          %dma_start3A_227 = arith.constant 0 : i32
          %dma_start3A_228 = tpu.memref_slice %arg7[%dma_start3A_222, %dma_start3A_227] : memref<4x128xi32, #tpu.memory_space<vmem>> -> memref<1x128xi32, #tpu.memory_space<vmem>>
          %dma_start3A_229 = tpu.memref_squeeze %dma_start3A_228 : memref<1x128xi32, #tpu.memory_space<vmem>> -> memref<128xi32, #tpu.memory_space<vmem>>
          %dma_start3A_230 = tpu.memref_slice %arg3[%mul3A_221] : memref<320000xi32, #tpu.memory_space<hbm>> -> memref<128xi32, #tpu.memory_space<hbm>>
          tpu.enqueue_dma source(%dma_start3A_230 : memref<128xi32, #tpu.memory_space<hbm>>) target(%dma_start3A_229 : memref<128xi32, #tpu.memory_space<vmem>>) target_semaphore(%arg16 : memref<!tpu.dma_semaphore, #tpu.memory_space<semaphore_mem>>)
          %add3A_231 = arith.addi %add3A_4, %add3A_218 : i32
          %mul3A_232 = arith.constant 128 : i32
          %mul3A_233 = arith.muli %add3A_231, %mul3A_232 : i32
          %dma_start3A_234 = arith.constant 2 : i32
          %dma_start3A_235 = arith.constant 0 : i32
          %dma_start3A_236 = tpu.memref_slice %arg8[%dma_start3A_234, %dma_start3A_235] : memref<4x128xi32, #tpu.memory_space<vmem>> -> memref<1x128xi32, #tpu.memory_space<vmem>>
          %dma_start3A_237 = tpu.memref_squeeze %dma_start3A_236 : memref<1x128xi32, #tpu.memory_space<vmem>> -> memref<128xi32, #tpu.memory_space<vmem>>
          %dma_start3A_238 = tpu.memref_slice %arg4[%mul3A_233] : memref<320000xi32, #tpu.memory_space<hbm>> -> memref<128xi32, #tpu.memory_space<hbm>>
          %dma_start3A_239 = arith.constant 0 : i32
          %dma_start3A_240 = tpu.memref_slice %arg8[%dma_start3A_234, %dma_start3A_239] : memref<4x128xi32, #tpu.memory_space<vmem>> -> memref<1x128xi32, #tpu.memory_space<vmem>>
          %dma_start3A_241 = tpu.memref_squeeze %dma_start3A_240 : memref<1x128xi32, #tpu.memory_space<vmem>> -> memref<128xi32, #tpu.memory_space<vmem>>
          %dma_start3A_242 = tpu.memref_slice %arg4[%mul3A_233] : memref<320000xi32, #tpu.memory_space<hbm>> -> memref<128xi32, #tpu.memory_space<hbm>>
          tpu.enqueue_dma source(%dma_start3A_242 : memref<128xi32, #tpu.memory_space<hbm>>) target(%dma_start3A_241 : memref<128xi32, #tpu.memory_space<vmem>>) target_semaphore(%arg16 : memref<!tpu.dma_semaphore, #tpu.memory_space<semaphore_mem>>)
        } else {
        }
      } else {
      }
      %ge3A = arith.constant 1 : i32
      %ge3A_120 = arith.cmpi sge, %add3A_116, %ge3A : i32
      %le3A = arith.cmpi sle, %add3A_116, %add3A_7 : i32
      %and3A_121 = arith.andi %ge3A_120, %le3A : i1
      %convert_element_type3A_122 = arith.extui %and3A_121 : i1 to i32
      %cond3A_123 = arith.constant 0 : i32
      %cond3A_124 = arith.cmpi ne, %convert_element_type3A_122, %cond3A_123 : i32
      scf.if %cond3A_124 {
        %dma_wait3A_170 = arith.constant 3 : i32
        %dma_wait3A_171 = arith.constant 1 : i32
        %dma_wait3A_172 = arith.constant 0 : i32
        %dma_wait3A_173 = arith.constant 0 : i32
        %dma_wait3A_174 = tpu.memref_slice %arg9[%dma_wait3A_171, %dma_wait3A_172, %dma_wait3A_173] : memref<2x128x128xf32, #tpu.memory_space<vmem>> -> memref<1x128x128xf32, #tpu.memory_space<vmem>>
        %dma_wait3A_175 = tpu.memref_squeeze %dma_wait3A_174 : memref<1x128x128xf32, #tpu.memory_space<vmem>> -> memref<128x128xf32, #tpu.memory_space<vmem>>
        %dma_wait3A_176 = arith.constant 0 : i32
        %dma_wait3A_177 = tpu.memref_slice %arg7[%dma_wait3A_170, %dma_wait3A_176] : memref<4x128xi32, #tpu.memory_space<vmem>> -> memref<1x128xi32, #tpu.memory_space<vmem>>
        %dma_wait3A_178 = tpu.memref_squeeze %dma_wait3A_177 : memref<1x128xi32, #tpu.memory_space<vmem>> -> memref<128xi32, #tpu.memory_space<vmem>>
        %dma_wait3A_179 = arith.constant 0 : i32
        %dma_wait3A_180 = arith.constant 0 : i32
        %dma_wait3A_181 = tpu.memref_slice %arg2[%dma_wait3A_179, %dma_wait3A_180] : memref<10000x128xf32, #tpu.memory_space<hbm>> -> memref<10000x128xf32, #tpu.memory_space<hbm>>
        tpu.wait_indirect_dma semaphore(%arg11 : memref<!tpu.dma_semaphore, #tpu.memory_space<semaphore_mem>>) src(%dma_wait3A_181 : memref<10000x128xf32, #tpu.memory_space<hbm>>) dst(%dma_wait3A_175 : memref<128x128xf32, #tpu.memory_space<vmem>>)
        %dma_start3A_182 = arith.constant 1 : i32
        %dma_start3A_183 = arith.constant 3 : i32
        %dma_start3A_184 = arith.constant 0 : i32
        %dma_start3A_185 = arith.constant 0 : i32
        %dma_start3A_186 = tpu.memref_slice %arg9[%dma_start3A_182, %dma_start3A_184, %dma_start3A_185] : memref<2x128x128xf32, #tpu.memory_space<vmem>> -> memref<1x128x128xf32, #tpu.memory_space<vmem>>
        %dma_start3A_187 = tpu.memref_squeeze %dma_start3A_186 : memref<1x128x128xf32, #tpu.memory_space<vmem>> -> memref<128x128xf32, #tpu.memory_space<vmem>>
        %dma_start3A_188 = arith.constant 0 : i32
        %dma_start3A_189 = tpu.memref_slice %arg8[%dma_start3A_183, %dma_start3A_188] : memref<4x128xi32, #tpu.memory_space<vmem>> -> memref<1x128xi32, #tpu.memory_space<vmem>>
        %dma_start3A_190 = tpu.memref_squeeze %dma_start3A_189 : memref<1x128xi32, #tpu.memory_space<vmem>> -> memref<128xi32, #tpu.memory_space<vmem>>
        %dma_start3A_191 = arith.constant 0 : i32
        %dma_start3A_192 = arith.constant 0 : i32
        %dma_start3A_193 = tpu.memref_slice %arg18[%dma_start3A_191, %dma_start3A_192] : memref<10240x128xf32, #tpu.memory_space<vmem_shared>> -> memref<10240x128xf32, #tpu.memory_space<vmem_shared>>
        tpu.enqueue_indirect_dma source(%dma_start3A_187 : memref<128x128xf32, #tpu.memory_space<vmem>>) target(%dma_start3A_193 : memref<10240x128xf32, #tpu.memory_space<vmem_shared>>) offsets(%dma_start3A_190 : memref<128xi32, #tpu.memory_space<vmem>>) semaphore(%arg13 : memref<!tpu.dma_semaphore, #tpu.memory_space<semaphore_mem>>) {add = true}
      } else {
      }
      %mul3A_125 = arith.constant 4 : i32
      %mul3A_126 = arith.muli %while3A_112, %mul3A_125 : i32
      %add3A_127 = arith.constant 1 : i32
      %add3A_128 = arith.addi %mul3A_126, %add3A_127 : i32
      %lt3A_129 = arith.cmpi slt, %add3A_128, %add3A_7 : i32
      %convert_element_type3A_130 = arith.extui %lt3A_129 : i1 to i32
      %cond3A_131 = arith.constant 0 : i32
      %cond3A_132 = arith.cmpi ne, %convert_element_type3A_130, %cond3A_131 : i32
      scf.if %cond3A_132 {
        %ge3A_170 = arith.constant 2 : i32
        %ge3A_171 = arith.cmpi sge, %add3A_128, %ge3A_170 : i32
        %convert_element_type3A_172 = arith.extui %ge3A_171 : i1 to i32
        %cond3A_173 = arith.constant 0 : i32
        %cond3A_174 = arith.cmpi ne, %convert_element_type3A_172, %cond3A_173 : i32
        scf.if %cond3A_174 {
          %dma_wait3A_217 = arith.constant 1 : i32
          %dma_wait3A_218 = arith.constant 0 : i32
          %dma_wait3A_219 = arith.constant 0 : i32
          %dma_wait3A_220 = arith.constant 0 : i32
          %dma_wait3A_221 = tpu.memref_slice %arg9[%dma_wait3A_217, %dma_wait3A_219, %dma_wait3A_220] : memref<2x128x128xf32, #tpu.memory_space<vmem>> -> memref<1x128x128xf32, #tpu.memory_space<vmem>>
          %dma_wait3A_222 = tpu.memref_squeeze %dma_wait3A_221 : memref<1x128x128xf32, #tpu.memory_space<vmem>> -> memref<128x128xf32, #tpu.memory_space<vmem>>
          %dma_wait3A_223 = arith.constant 0 : i32
          %dma_wait3A_224 = tpu.memref_slice %arg8[%dma_wait3A_218, %dma_wait3A_223] : memref<4x128xi32, #tpu.memory_space<vmem>> -> memref<1x128xi32, #tpu.memory_space<vmem>>
          %dma_wait3A_225 = tpu.memref_squeeze %dma_wait3A_224 : memref<1x128xi32, #tpu.memory_space<vmem>> -> memref<128xi32, #tpu.memory_space<vmem>>
          %dma_wait3A_226 = arith.constant 0 : i32
          %dma_wait3A_227 = arith.constant 0 : i32
          %dma_wait3A_228 = tpu.memref_slice %arg18[%dma_wait3A_226, %dma_wait3A_227] : memref<10240x128xf32, #tpu.memory_space<vmem_shared>> -> memref<10240x128xf32, #tpu.memory_space<vmem_shared>>
          tpu.wait_indirect_dma semaphore(%arg13 : memref<!tpu.dma_semaphore, #tpu.memory_space<semaphore_mem>>) src(%dma_wait3A_222 : memref<128x128xf32, #tpu.memory_space<vmem>>) dst(%dma_wait3A_228 : memref<10240x128xf32, #tpu.memory_space<vmem_shared>>)
        } else {
        }
        %add3A_175 = arith.addi %add3A_4, %add3A_128 : i32
        %mul3A_176 = arith.constant 128 : i32
        %mul3A_177 = arith.muli %add3A_175, %mul3A_176 : i32
        %dma_wait3A_178 = arith.constant 1 : i32
        %dma_wait3A_179 = arith.constant 0 : i32
        %dma_wait3A_180 = tpu.memref_slice %arg7[%dma_wait3A_178, %dma_wait3A_179] : memref<4x128xi32, #tpu.memory_space<vmem>> -> memref<1x128xi32, #tpu.memory_space<vmem>>
        %dma_wait3A_181 = tpu.memref_squeeze %dma_wait3A_180 : memref<1x128xi32, #tpu.memory_space<vmem>> -> memref<128xi32, #tpu.memory_space<vmem>>
        %dma_wait3A_182 = tpu.memref_slice %arg3[%mul3A_177] : memref<320000xi32, #tpu.memory_space<hbm>> -> memref<128xi32, #tpu.memory_space<hbm>>
        %dma_wait3A_183 = arith.constant 0 : i32
        %dma_wait3A_184 = tpu.memref_slice %arg7[%dma_wait3A_178, %dma_wait3A_183] : memref<4x128xi32, #tpu.memory_space<vmem>> -> memref<1x128xi32, #tpu.memory_space<vmem>>
        %dma_wait3A_185 = tpu.memref_squeeze %dma_wait3A_184 : memref<1x128xi32, #tpu.memory_space<vmem>> -> memref<128xi32, #tpu.memory_space<vmem>>
        %dma_wait3A_186 = tpu.memref_slice %arg3[%mul3A_177] : memref<320000xi32, #tpu.memory_space<hbm>> -> memref<128xi32, #tpu.memory_space<hbm>>
        tpu.wait_dma2 semaphore(%arg15 : memref<!tpu.dma_semaphore, #tpu.memory_space<semaphore_mem>>) src(%dma_wait3A_186 : memref<128xi32, #tpu.memory_space<hbm>>) dst(%dma_wait3A_185 : memref<128xi32, #tpu.memory_space<vmem>>)
        %add3A_187 = arith.addi %add3A_4, %add3A_128 : i32
        %mul3A_188 = arith.constant 128 : i32
        %mul3A_189 = arith.muli %add3A_187, %mul3A_188 : i32
        %dma_wait3A_190 = arith.constant 1 : i32
        %dma_wait3A_191 = arith.constant 0 : i32
        %dma_wait3A_192 = tpu.memref_slice %arg8[%dma_wait3A_190, %dma_wait3A_191] : memref<4x128xi32, #tpu.memory_space<vmem>> -> memref<1x128xi32, #tpu.memory_space<vmem>>
        %dma_wait3A_193 = tpu.memref_squeeze %dma_wait3A_192 : memref<1x128xi32, #tpu.memory_space<vmem>> -> memref<128xi32, #tpu.memory_space<vmem>>
        %dma_wait3A_194 = tpu.memref_slice %arg4[%mul3A_189] : memref<320000xi32, #tpu.memory_space<hbm>> -> memref<128xi32, #tpu.memory_space<hbm>>
        %dma_wait3A_195 = arith.constant 0 : i32
        %dma_wait3A_196 = tpu.memref_slice %arg8[%dma_wait3A_190, %dma_wait3A_195] : memref<4x128xi32, #tpu.memory_space<vmem>> -> memref<1x128xi32, #tpu.memory_space<vmem>>
        %dma_wait3A_197 = tpu.memref_squeeze %dma_wait3A_196 : memref<1x128xi32, #tpu.memory_space<vmem>> -> memref<128xi32, #tpu.memory_space<vmem>>
        %dma_wait3A_198 = tpu.memref_slice %arg4[%mul3A_189] : memref<320000xi32, #tpu.memory_space<hbm>> -> memref<128xi32, #tpu.memory_space<hbm>>
        tpu.wait_dma2 semaphore(%arg15 : memref<!tpu.dma_semaphore, #tpu.memory_space<semaphore_mem>>) src(%dma_wait3A_198 : memref<128xi32, #tpu.memory_space<hbm>>) dst(%dma_wait3A_197 : memref<128xi32, #tpu.memory_space<vmem>>)
        %dma_start3A_199 = arith.constant 1 : i32
        %dma_start3A_200 = arith.constant 1 : i32
        %dma_start3A_201 = arith.constant 0 : i32
        %dma_start3A_202 = arith.constant 0 : i32
        %dma_start3A_203 = tpu.memref_slice %arg9[%dma_start3A_200, %dma_start3A_201, %dma_start3A_202] : memref<2x128x128xf32, #tpu.memory_space<vmem>> -> memref<1x128x128xf32, #tpu.memory_space<vmem>>
        %dma_start3A_204 = tpu.memref_squeeze %dma_start3A_203 : memref<1x128x128xf32, #tpu.memory_space<vmem>> -> memref<128x128xf32, #tpu.memory_space<vmem>>
        %dma_start3A_205 = arith.constant 0 : i32
        %dma_start3A_206 = tpu.memref_slice %arg7[%dma_start3A_199, %dma_start3A_205] : memref<4x128xi32, #tpu.memory_space<vmem>> -> memref<1x128xi32, #tpu.memory_space<vmem>>
        %dma_start3A_207 = tpu.memref_squeeze %dma_start3A_206 : memref<1x128xi32, #tpu.memory_space<vmem>> -> memref<128xi32, #tpu.memory_space<vmem>>
        %dma_start3A_208 = arith.constant 0 : i32
        %dma_start3A_209 = arith.constant 0 : i32
        %dma_start3A_210 = tpu.memref_slice %arg2[%dma_start3A_208, %dma_start3A_209] : memref<10000x128xf32, #tpu.memory_space<hbm>> -> memref<10000x128xf32, #tpu.memory_space<hbm>>
        tpu.enqueue_indirect_dma source(%dma_start3A_210 : memref<10000x128xf32, #tpu.memory_space<hbm>>) target(%dma_start3A_204 : memref<128x128xf32, #tpu.memory_space<vmem>>) offsets(%dma_start3A_207 : memref<128xi32, #tpu.memory_space<vmem>>) semaphore(%arg11 : memref<!tpu.dma_semaphore, #tpu.memory_space<semaphore_mem>>)
        %add3A_211 = arith.constant 2 : i32
        %add3A_212 = arith.addi %add3A_128, %add3A_211 : i32
        %lt3A_213 = arith.cmpi slt, %add3A_212, %add3A_7 : i32
        %convert_element_type3A_214 = arith.extui %lt3A_213 : i1 to i32
        %cond3A_215 = arith.constant 0 : i32
        %cond3A_216 = arith.cmpi ne, %convert_element_type3A_214, %cond3A_215 : i32
        scf.if %cond3A_216 {
          %add3A_217 = arith.constant 2 : i32
          %add3A_218 = arith.addi %add3A_128, %add3A_217 : i32
          %add3A_219 = arith.addi %add3A_4, %add3A_218 : i32
          %mul3A_220 = arith.constant 128 : i32
          %mul3A_221 = arith.muli %add3A_219, %mul3A_220 : i32
          %dma_start3A_222 = arith.constant 3 : i32
          %dma_start3A_223 = arith.constant 0 : i32
          %dma_start3A_224 = tpu.memref_slice %arg7[%dma_start3A_222, %dma_start3A_223] : memref<4x128xi32, #tpu.memory_space<vmem>> -> memref<1x128xi32, #tpu.memory_space<vmem>>
          %dma_start3A_225 = tpu.memref_squeeze %dma_start3A_224 : memref<1x128xi32, #tpu.memory_space<vmem>> -> memref<128xi32, #tpu.memory_space<vmem>>
          %dma_start3A_226 = tpu.memref_slice %arg3[%mul3A_221] : memref<320000xi32, #tpu.memory_space<hbm>> -> memref<128xi32, #tpu.memory_space<hbm>>
          %dma_start3A_227 = arith.constant 0 : i32
          %dma_start3A_228 = tpu.memref_slice %arg7[%dma_start3A_222, %dma_start3A_227] : memref<4x128xi32, #tpu.memory_space<vmem>> -> memref<1x128xi32, #tpu.memory_space<vmem>>
          %dma_start3A_229 = tpu.memref_squeeze %dma_start3A_228 : memref<1x128xi32, #tpu.memory_space<vmem>> -> memref<128xi32, #tpu.memory_space<vmem>>
          %dma_start3A_230 = tpu.memref_slice %arg3[%mul3A_221] : memref<320000xi32, #tpu.memory_space<hbm>> -> memref<128xi32, #tpu.memory_space<hbm>>
          tpu.enqueue_dma source(%dma_start3A_230 : memref<128xi32, #tpu.memory_space<hbm>>) target(%dma_start3A_229 : memref<128xi32, #tpu.memory_space<vmem>>) target_semaphore(%arg17 : memref<!tpu.dma_semaphore, #tpu.memory_space<semaphore_mem>>)
          %add3A_231 = arith.addi %add3A_4, %add3A_218 : i32
          %mul3A_232 = arith.constant 128 : i32
          %mul3A_233 = arith.muli %add3A_231, %mul3A_232 : i32
          %dma_start3A_234 = arith.constant 3 : i32
          %dma_start3A_235 = arith.constant 0 : i32
          %dma_start3A_236 = tpu.memref_slice %arg8[%dma_start3A_234, %dma_start3A_235] : memref<4x128xi32, #tpu.memory_space<vmem>> -> memref<1x128xi32, #tpu.memory_space<vmem>>
          %dma_start3A_237 = tpu.memref_squeeze %dma_start3A_236 : memref<1x128xi32, #tpu.memory_space<vmem>> -> memref<128xi32, #tpu.memory_space<vmem>>
          %dma_start3A_238 = tpu.memref_slice %arg4[%mul3A_233] : memref<320000xi32, #tpu.memory_space<hbm>> -> memref<128xi32, #tpu.memory_space<hbm>>
          %dma_start3A_239 = arith.constant 0 : i32
          %dma_start3A_240 = tpu.memref_slice %arg8[%dma_start3A_234, %dma_start3A_239] : memref<4x128xi32, #tpu.memory_space<vmem>> -> memref<1x128xi32, #tpu.memory_space<vmem>>
          %dma_start3A_241 = tpu.memref_squeeze %dma_start3A_240 : memref<1x128xi32, #tpu.memory_space<vmem>> -> memref<128xi32, #tpu.memory_space<vmem>>
          %dma_start3A_242 = tpu.memref_slice %arg4[%mul3A_233] : memref<320000xi32, #tpu.memory_space<hbm>> -> memref<128xi32, #tpu.memory_space<hbm>>
          tpu.enqueue_dma source(%dma_start3A_242 : memref<128xi32, #tpu.memory_space<hbm>>) target(%dma_start3A_241 : memref<128xi32, #tpu.memory_space<vmem>>) target_semaphore(%arg17 : memref<!tpu.dma_semaphore, #tpu.memory_space<semaphore_mem>>)
        } else {
        }
      } else {
      }
      %ge3A_133 = arith.constant 1 : i32
      %ge3A_134 = arith.cmpi sge, %add3A_128, %ge3A_133 : i32
      %le3A_135 = arith.cmpi sle, %add3A_128, %add3A_7 : i32
      %and3A_136 = arith.andi %ge3A_134, %le3A_135 : i1
      %convert_element_type3A_137 = arith.extui %and3A_136 : i1 to i32
      %cond3A_138 = arith.constant 0 : i32
      %cond3A_139 = arith.cmpi ne, %convert_element_type3A_137, %cond3A_138 : i32
      scf.if %cond3A_139 {
        %dma_wait3A_170 = arith.constant 0 : i32
        %dma_wait3A_171 = arith.constant 0 : i32
        %dma_wait3A_172 = arith.constant 0 : i32
        %dma_wait3A_173 = arith.constant 0 : i32
        %dma_wait3A_174 = tpu.memref_slice %arg9[%dma_wait3A_171, %dma_wait3A_172, %dma_wait3A_173] : memref<2x128x128xf32, #tpu.memory_space<vmem>> -> memref<1x128x128xf32, #tpu.memory_space<vmem>>
        %dma_wait3A_175 = tpu.memref_squeeze %dma_wait3A_174 : memref<1x128x128xf32, #tpu.memory_space<vmem>> -> memref<128x128xf32, #tpu.memory_space<vmem>>
        %dma_wait3A_176 = arith.constant 0 : i32
        %dma_wait3A_177 = tpu.memref_slice %arg7[%dma_wait3A_170, %dma_wait3A_176] : memref<4x128xi32, #tpu.memory_space<vmem>> -> memref<1x128xi32, #tpu.memory_space<vmem>>
        %dma_wait3A_178 = tpu.memref_squeeze %dma_wait3A_177 : memref<1x128xi32, #tpu.memory_space<vmem>> -> memref<128xi32, #tpu.memory_space<vmem>>
        %dma_wait3A_179 = arith.constant 0 : i32
        %dma_wait3A_180 = arith.constant 0 : i32
        %dma_wait3A_181 = tpu.memref_slice %arg2[%dma_wait3A_179, %dma_wait3A_180] : memref<10000x128xf32, #tpu.memory_space<hbm>> -> memref<10000x128xf32, #tpu.memory_space<hbm>>
        tpu.wait_indirect_dma semaphore(%arg10 : memref<!tpu.dma_semaphore, #tpu.memory_space<semaphore_mem>>) src(%dma_wait3A_181 : memref<10000x128xf32, #tpu.memory_space<hbm>>) dst(%dma_wait3A_175 : memref<128x128xf32, #tpu.memory_space<vmem>>)
        %dma_start3A_182 = arith.constant 0 : i32
        %dma_start3A_183 = arith.constant 0 : i32
        %dma_start3A_184 = arith.constant 0 : i32
        %dma_start3A_185 = arith.constant 0 : i32
        %dma_start3A_186 = tpu.memref_slice %arg9[%dma_start3A_182, %dma_start3A_184, %dma_start3A_185] : memref<2x128x128xf32, #tpu.memory_space<vmem>> -> memref<1x128x128xf32, #tpu.memory_space<vmem>>
        %dma_start3A_187 = tpu.memref_squeeze %dma_start3A_186 : memref<1x128x128xf32, #tpu.memory_space<vmem>> -> memref<128x128xf32, #tpu.memory_space<vmem>>
        %dma_start3A_188 = arith.constant 0 : i32
        %dma_start3A_189 = tpu.memref_slice %arg8[%dma_start3A_183, %dma_start3A_188] : memref<4x128xi32, #tpu.memory_space<vmem>> -> memref<1x128xi32, #tpu.memory_space<vmem>>
        %dma_start3A_190 = tpu.memref_squeeze %dma_start3A_189 : memref<1x128xi32, #tpu.memory_space<vmem>> -> memref<128xi32, #tpu.memory_space<vmem>>
        %dma_start3A_191 = arith.constant 0 : i32
        %dma_start3A_192 = arith.constant 0 : i32
        %dma_start3A_193 = tpu.memref_slice %arg18[%dma_start3A_191, %dma_start3A_192] : memref<10240x128xf32, #tpu.memory_space<vmem_shared>> -> memref<10240x128xf32, #tpu.memory_space<vmem_shared>>
        tpu.enqueue_indirect_dma source(%dma_start3A_187 : memref<128x128xf32, #tpu.memory_space<vmem>>) target(%dma_start3A_193 : memref<10240x128xf32, #tpu.memory_space<vmem_shared>>) offsets(%dma_start3A_190 : memref<128xi32, #tpu.memory_space<vmem>>) semaphore(%arg12 : memref<!tpu.dma_semaphore, #tpu.memory_space<semaphore_mem>>) {add = true}
      } else {
      }
      %mul3A_140 = arith.constant 4 : i32
      %mul3A_141 = arith.muli %while3A_112, %mul3A_140 : i32
      %add3A_142 = arith.constant 2 : i32
      %add3A_143 = arith.addi %mul3A_141, %add3A_142 : i32
      %lt3A_144 = arith.cmpi slt, %add3A_143, %add3A_7 : i32
      %convert_element_type3A_145 = arith.extui %lt3A_144 : i1 to i32
      %cond3A_146 = arith.constant 0 : i32
      %cond3A_147 = arith.cmpi ne, %convert_element_type3A_145, %cond3A_146 : i32
      scf.if %cond3A_147 {
        %ge3A_170 = arith.constant 2 : i32
        %ge3A_171 = arith.cmpi sge, %add3A_143, %ge3A_170 : i32
        %convert_element_type3A_172 = arith.extui %ge3A_171 : i1 to i32
        %cond3A_173 = arith.constant 0 : i32
        %cond3A_174 = arith.cmpi ne, %convert_element_type3A_172, %cond3A_173 : i32
        scf.if %cond3A_174 {
          %dma_wait3A_217 = arith.constant 0 : i32
          %dma_wait3A_218 = arith.constant 0 : i32
          %dma_wait3A_219 = arith.constant 0 : i32
          %dma_wait3A_220 = arith.constant 0 : i32
          %dma_wait3A_221 = tpu.memref_slice %arg9[%dma_wait3A_217, %dma_wait3A_219, %dma_wait3A_220] : memref<2x128x128xf32, #tpu.memory_space<vmem>> -> memref<1x128x128xf32, #tpu.memory_space<vmem>>
          %dma_wait3A_222 = tpu.memref_squeeze %dma_wait3A_221 : memref<1x128x128xf32, #tpu.memory_space<vmem>> -> memref<128x128xf32, #tpu.memory_space<vmem>>
          %dma_wait3A_223 = arith.constant 0 : i32
          %dma_wait3A_224 = tpu.memref_slice %arg8[%dma_wait3A_218, %dma_wait3A_223] : memref<4x128xi32, #tpu.memory_space<vmem>> -> memref<1x128xi32, #tpu.memory_space<vmem>>
          %dma_wait3A_225 = tpu.memref_squeeze %dma_wait3A_224 : memref<1x128xi32, #tpu.memory_space<vmem>> -> memref<128xi32, #tpu.memory_space<vmem>>
          %dma_wait3A_226 = arith.constant 0 : i32
          %dma_wait3A_227 = arith.constant 0 : i32
          %dma_wait3A_228 = tpu.memref_slice %arg18[%dma_wait3A_226, %dma_wait3A_227] : memref<10240x128xf32, #tpu.memory_space<vmem_shared>> -> memref<10240x128xf32, #tpu.memory_space<vmem_shared>>
          tpu.wait_indirect_dma semaphore(%arg12 : memref<!tpu.dma_semaphore, #tpu.memory_space<semaphore_mem>>) src(%dma_wait3A_222 : memref<128x128xf32, #tpu.memory_space<vmem>>) dst(%dma_wait3A_228 : memref<10240x128xf32, #tpu.memory_space<vmem_shared>>)
        } else {
        }
        %add3A_175 = arith.addi %add3A_4, %add3A_143 : i32
        %mul3A_176 = arith.constant 128 : i32
        %mul3A_177 = arith.muli %add3A_175, %mul3A_176 : i32
        %dma_wait3A_178 = arith.constant 2 : i32
        %dma_wait3A_179 = arith.constant 0 : i32
        %dma_wait3A_180 = tpu.memref_slice %arg7[%dma_wait3A_178, %dma_wait3A_179] : memref<4x128xi32, #tpu.memory_space<vmem>> -> memref<1x128xi32, #tpu.memory_space<vmem>>
        %dma_wait3A_181 = tpu.memref_squeeze %dma_wait3A_180 : memref<1x128xi32, #tpu.memory_space<vmem>> -> memref<128xi32, #tpu.memory_space<vmem>>
        %dma_wait3A_182 = tpu.memref_slice %arg3[%mul3A_177] : memref<320000xi32, #tpu.memory_space<hbm>> -> memref<128xi32, #tpu.memory_space<hbm>>
        %dma_wait3A_183 = arith.constant 0 : i32
        %dma_wait3A_184 = tpu.memref_slice %arg7[%dma_wait3A_178, %dma_wait3A_183] : memref<4x128xi32, #tpu.memory_space<vmem>> -> memref<1x128xi32, #tpu.memory_space<vmem>>
        %dma_wait3A_185 = tpu.memref_squeeze %dma_wait3A_184 : memref<1x128xi32, #tpu.memory_space<vmem>> -> memref<128xi32, #tpu.memory_space<vmem>>
        %dma_wait3A_186 = tpu.memref_slice %arg3[%mul3A_177] : memref<320000xi32, #tpu.memory_space<hbm>> -> memref<128xi32, #tpu.memory_space<hbm>>
        tpu.wait_dma2 semaphore(%arg16 : memref<!tpu.dma_semaphore, #tpu.memory_space<semaphore_mem>>) src(%dma_wait3A_186 : memref<128xi32, #tpu.memory_space<hbm>>) dst(%dma_wait3A_185 : memref<128xi32, #tpu.memory_space<vmem>>)
        %add3A_187 = arith.addi %add3A_4, %add3A_143 : i32
        %mul3A_188 = arith.constant 128 : i32
        %mul3A_189 = arith.muli %add3A_187, %mul3A_188 : i32
        %dma_wait3A_190 = arith.constant 2 : i32
        %dma_wait3A_191 = arith.constant 0 : i32
        %dma_wait3A_192 = tpu.memref_slice %arg8[%dma_wait3A_190, %dma_wait3A_191] : memref<4x128xi32, #tpu.memory_space<vmem>> -> memref<1x128xi32, #tpu.memory_space<vmem>>
        %dma_wait3A_193 = tpu.memref_squeeze %dma_wait3A_192 : memref<1x128xi32, #tpu.memory_space<vmem>> -> memref<128xi32, #tpu.memory_space<vmem>>
        %dma_wait3A_194 = tpu.memref_slice %arg4[%mul3A_189] : memref<320000xi32, #tpu.memory_space<hbm>> -> memref<128xi32, #tpu.memory_space<hbm>>
        %dma_wait3A_195 = arith.constant 0 : i32
        %dma_wait3A_196 = tpu.memref_slice %arg8[%dma_wait3A_190, %dma_wait3A_195] : memref<4x128xi32, #tpu.memory_space<vmem>> -> memref<1x128xi32, #tpu.memory_space<vmem>>
        %dma_wait3A_197 = tpu.memref_squeeze %dma_wait3A_196 : memref<1x128xi32, #tpu.memory_space<vmem>> -> memref<128xi32, #tpu.memory_space<vmem>>
        %dma_wait3A_198 = tpu.memref_slice %arg4[%mul3A_189] : memref<320000xi32, #tpu.memory_space<hbm>> -> memref<128xi32, #tpu.memory_space<hbm>>
        tpu.wait_dma2 semaphore(%arg16 : memref<!tpu.dma_semaphore, #tpu.memory_space<semaphore_mem>>) src(%dma_wait3A_198 : memref<128xi32, #tpu.memory_space<hbm>>) dst(%dma_wait3A_197 : memref<128xi32, #tpu.memory_space<vmem>>)
        %dma_start3A_199 = arith.constant 2 : i32
        %dma_start3A_200 = arith.constant 0 : i32
        %dma_start3A_201 = arith.constant 0 : i32
        %dma_start3A_202 = arith.constant 0 : i32
        %dma_start3A_203 = tpu.memref_slice %arg9[%dma_start3A_200, %dma_start3A_201, %dma_start3A_202] : memref<2x128x128xf32, #tpu.memory_space<vmem>> -> memref<1x128x128xf32, #tpu.memory_space<vmem>>
        %dma_start3A_204 = tpu.memref_squeeze %dma_start3A_203 : memref<1x128x128xf32, #tpu.memory_space<vmem>> -> memref<128x128xf32, #tpu.memory_space<vmem>>
        %dma_start3A_205 = arith.constant 0 : i32
        %dma_start3A_206 = tpu.memref_slice %arg7[%dma_start3A_199, %dma_start3A_205] : memref<4x128xi32, #tpu.memory_space<vmem>> -> memref<1x128xi32, #tpu.memory_space<vmem>>
        %dma_start3A_207 = tpu.memref_squeeze %dma_start3A_206 : memref<1x128xi32, #tpu.memory_space<vmem>> -> memref<128xi32, #tpu.memory_space<vmem>>
        %dma_start3A_208 = arith.constant 0 : i32
        %dma_start3A_209 = arith.constant 0 : i32
        %dma_start3A_210 = tpu.memref_slice %arg2[%dma_start3A_208, %dma_start3A_209] : memref<10000x128xf32, #tpu.memory_space<hbm>> -> memref<10000x128xf32, #tpu.memory_space<hbm>>
        tpu.enqueue_indirect_dma source(%dma_start3A_210 : memref<10000x128xf32, #tpu.memory_space<hbm>>) target(%dma_start3A_204 : memref<128x128xf32, #tpu.memory_space<vmem>>) offsets(%dma_start3A_207 : memref<128xi32, #tpu.memory_space<vmem>>) semaphore(%arg10 : memref<!tpu.dma_semaphore, #tpu.memory_space<semaphore_mem>>)
        %add3A_211 = arith.constant 2 : i32
        %add3A_212 = arith.addi %add3A_143, %add3A_211 : i32
        %lt3A_213 = arith.cmpi slt, %add3A_212, %add3A_7 : i32
        %convert_element_type3A_214 = arith.extui %lt3A_213 : i1 to i32
        %cond3A_215 = arith.constant 0 : i32
        %cond3A_216 = arith.cmpi ne, %convert_element_type3A_214, %cond3A_215 : i32
        scf.if %cond3A_216 {
          %add3A_217 = arith.constant 2 : i32
          %add3A_218 = arith.addi %add3A_143, %add3A_217 : i32
          %add3A_219 = arith.addi %add3A_4, %add3A_218 : i32
          %mul3A_220 = arith.constant 128 : i32
          %mul3A_221 = arith.muli %add3A_219, %mul3A_220 : i32
          %dma_start3A_222 = arith.constant 0 : i32
          %dma_start3A_223 = arith.constant 0 : i32
          %dma_start3A_224 = tpu.memref_slice %arg7[%dma_start3A_222, %dma_start3A_223] : memref<4x128xi32, #tpu.memory_space<vmem>> -> memref<1x128xi32, #tpu.memory_space<vmem>>
          %dma_start3A_225 = tpu.memref_squeeze %dma_start3A_224 : memref<1x128xi32, #tpu.memory_space<vmem>> -> memref<128xi32, #tpu.memory_space<vmem>>
          %dma_start3A_226 = tpu.memref_slice %arg3[%mul3A_221] : memref<320000xi32, #tpu.memory_space<hbm>> -> memref<128xi32, #tpu.memory_space<hbm>>
          %dma_start3A_227 = arith.constant 0 : i32
          %dma_start3A_228 = tpu.memref_slice %arg7[%dma_start3A_222, %dma_start3A_227] : memref<4x128xi32, #tpu.memory_space<vmem>> -> memref<1x128xi32, #tpu.memory_space<vmem>>
          %dma_start3A_229 = tpu.memref_squeeze %dma_start3A_228 : memref<1x128xi32, #tpu.memory_space<vmem>> -> memref<128xi32, #tpu.memory_space<vmem>>
          %dma_start3A_230 = tpu.memref_slice %arg3[%mul3A_221] : memref<320000xi32, #tpu.memory_space<hbm>> -> memref<128xi32, #tpu.memory_space<hbm>>
          tpu.enqueue_dma source(%dma_start3A_230 : memref<128xi32, #tpu.memory_space<hbm>>) target(%dma_start3A_229 : memref<128xi32, #tpu.memory_space<vmem>>) target_semaphore(%arg14 : memref<!tpu.dma_semaphore, #tpu.memory_space<semaphore_mem>>)
          %add3A_231 = arith.addi %add3A_4, %add3A_218 : i32
          %mul3A_232 = arith.constant 128 : i32
          %mul3A_233 = arith.muli %add3A_231, %mul3A_232 : i32
          %dma_start3A_234 = arith.constant 0 : i32
          %dma_start3A_235 = arith.constant 0 : i32
          %dma_start3A_236 = tpu.memref_slice %arg8[%dma_start3A_234, %dma_start3A_235] : memref<4x128xi32, #tpu.memory_space<vmem>> -> memref<1x128xi32, #tpu.memory_space<vmem>>
          %dma_start3A_237 = tpu.memref_squeeze %dma_start3A_236 : memref<1x128xi32, #tpu.memory_space<vmem>> -> memref<128xi32, #tpu.memory_space<vmem>>
          %dma_start3A_238 = tpu.memref_slice %arg4[%mul3A_233] : memref<320000xi32, #tpu.memory_space<hbm>> -> memref<128xi32, #tpu.memory_space<hbm>>
          %dma_start3A_239 = arith.constant 0 : i32
          %dma_start3A_240 = tpu.memref_slice %arg8[%dma_start3A_234, %dma_start3A_239] : memref<4x128xi32, #tpu.memory_space<vmem>> -> memref<1x128xi32, #tpu.memory_space<vmem>>
          %dma_start3A_241 = tpu.memref_squeeze %dma_start3A_240 : memref<1x128xi32, #tpu.memory_space<vmem>> -> memref<128xi32, #tpu.memory_space<vmem>>
          %dma_start3A_242 = tpu.memref_slice %arg4[%mul3A_233] : memref<320000xi32, #tpu.memory_space<hbm>> -> memref<128xi32, #tpu.memory_space<hbm>>
          tpu.enqueue_dma source(%dma_start3A_242 : memref<128xi32, #tpu.memory_space<hbm>>) target(%dma_start3A_241 : memref<128xi32, #tpu.memory_space<vmem>>) target_semaphore(%arg14 : memref<!tpu.dma_semaphore, #tpu.memory_space<semaphore_mem>>)
        } else {
        }
      } else {
      }
      %ge3A_148 = arith.constant 1 : i32
      %ge3A_149 = arith.cmpi sge, %add3A_143, %ge3A_148 : i32
      %le3A_150 = arith.cmpi sle, %add3A_143, %add3A_7 : i32
      %and3A_151 = arith.andi %ge3A_149, %le3A_150 : i1
      %convert_element_type3A_152 = arith.extui %and3A_151 : i1 to i32
      %cond3A_153 = arith.constant 0 : i32
      %cond3A_154 = arith.cmpi ne, %convert_element_type3A_152, %cond3A_153 : i32
      scf.if %cond3A_154 {
        %dma_wait3A_170 = arith.constant 1 : i32
        %dma_wait3A_171 = arith.constant 1 : i32
        %dma_wait3A_172 = arith.constant 0 : i32
        %dma_wait3A_173 = arith.constant 0 : i32
        %dma_wait3A_174 = tpu.memref_slice %arg9[%dma_wait3A_171, %dma_wait3A_172, %dma_wait3A_173] : memref<2x128x128xf32, #tpu.memory_space<vmem>> -> memref<1x128x128xf32, #tpu.memory_space<vmem>>
        %dma_wait3A_175 = tpu.memref_squeeze %dma_wait3A_174 : memref<1x128x128xf32, #tpu.memory_space<vmem>> -> memref<128x128xf32, #tpu.memory_space<vmem>>
        %dma_wait3A_176 = arith.constant 0 : i32
        %dma_wait3A_177 = tpu.memref_slice %arg7[%dma_wait3A_170, %dma_wait3A_176] : memref<4x128xi32, #tpu.memory_space<vmem>> -> memref<1x128xi32, #tpu.memory_space<vmem>>
        %dma_wait3A_178 = tpu.memref_squeeze %dma_wait3A_177 : memref<1x128xi32, #tpu.memory_space<vmem>> -> memref<128xi32, #tpu.memory_space<vmem>>
        %dma_wait3A_179 = arith.constant 0 : i32
        %dma_wait3A_180 = arith.constant 0 : i32
        %dma_wait3A_181 = tpu.memref_slice %arg2[%dma_wait3A_179, %dma_wait3A_180] : memref<10000x128xf32, #tpu.memory_space<hbm>> -> memref<10000x128xf32, #tpu.memory_space<hbm>>
        tpu.wait_indirect_dma semaphore(%arg11 : memref<!tpu.dma_semaphore, #tpu.memory_space<semaphore_mem>>) src(%dma_wait3A_181 : memref<10000x128xf32, #tpu.memory_space<hbm>>) dst(%dma_wait3A_175 : memref<128x128xf32, #tpu.memory_space<vmem>>)
        %dma_start3A_182 = arith.constant 1 : i32
        %dma_start3A_183 = arith.constant 1 : i32
        %dma_start3A_184 = arith.constant 0 : i32
        %dma_start3A_185 = arith.constant 0 : i32
        %dma_start3A_186 = tpu.memref_slice %arg9[%dma_start3A_182, %dma_start3A_184, %dma_start3A_185] : memref<2x128x128xf32, #tpu.memory_space<vmem>> -> memref<1x128x128xf32, #tpu.memory_space<vmem>>
        %dma_start3A_187 = tpu.memref_squeeze %dma_start3A_186 : memref<1x128x128xf32, #tpu.memory_space<vmem>> -> memref<128x128xf32, #tpu.memory_space<vmem>>
        %dma_start3A_188 = arith.constant 0 : i32
        %dma_start3A_189 = tpu.memref_slice %arg8[%dma_start3A_183, %dma_start3A_188] : memref<4x128xi32, #tpu.memory_space<vmem>> -> memref<1x128xi32, #tpu.memory_space<vmem>>
        %dma_start3A_190 = tpu.memref_squeeze %dma_start3A_189 : memref<1x128xi32, #tpu.memory_space<vmem>> -> memref<128xi32, #tpu.memory_space<vmem>>
        %dma_start3A_191 = arith.constant 0 : i32
        %dma_start3A_192 = arith.constant 0 : i32
        %dma_start3A_193 = tpu.memref_slice %arg18[%dma_start3A_191, %dma_start3A_192] : memref<10240x128xf32, #tpu.memory_space<vmem_shared>> -> memref<10240x128xf32, #tpu.memory_space<vmem_shared>>
        tpu.enqueue_indirect_dma source(%dma_start3A_187 : memref<128x128xf32, #tpu.memory_space<vmem>>) target(%dma_start3A_193 : memref<10240x128xf32, #tpu.memory_space<vmem_shared>>) offsets(%dma_start3A_190 : memref<128xi32, #tpu.memory_space<vmem>>) semaphore(%arg13 : memref<!tpu.dma_semaphore, #tpu.memory_space<semaphore_mem>>) {add = true}
      } else {
      }
      %mul3A_155 = arith.constant 4 : i32
      %mul3A_156 = arith.muli %while3A_112, %mul3A_155 : i32
      %add3A_157 = arith.constant 3 : i32
      %add3A_158 = arith.addi %mul3A_156, %add3A_157 : i32
      %lt3A_159 = arith.cmpi slt, %add3A_158, %add3A_7 : i32
      %convert_element_type3A_160 = arith.extui %lt3A_159 : i1 to i32
      %cond3A_161 = arith.constant 0 : i32
      %cond3A_162 = arith.cmpi ne, %convert_element_type3A_160, %cond3A_161 : i32
      scf.if %cond3A_162 {
        %ge3A_170 = arith.constant 2 : i32
        %ge3A_171 = arith.cmpi sge, %add3A_158, %ge3A_170 : i32
        %convert_element_type3A_172 = arith.extui %ge3A_171 : i1 to i32
        %cond3A_173 = arith.constant 0 : i32
        %cond3A_174 = arith.cmpi ne, %convert_element_type3A_172, %cond3A_173 : i32
        scf.if %cond3A_174 {
          %dma_wait3A_217 = arith.constant 1 : i32
          %dma_wait3A_218 = arith.constant 0 : i32
          %dma_wait3A_219 = arith.constant 0 : i32
          %dma_wait3A_220 = arith.constant 0 : i32
          %dma_wait3A_221 = tpu.memref_slice %arg9[%dma_wait3A_217, %dma_wait3A_219, %dma_wait3A_220] : memref<2x128x128xf32, #tpu.memory_space<vmem>> -> memref<1x128x128xf32, #tpu.memory_space<vmem>>
          %dma_wait3A_222 = tpu.memref_squeeze %dma_wait3A_221 : memref<1x128x128xf32, #tpu.memory_space<vmem>> -> memref<128x128xf32, #tpu.memory_space<vmem>>
          %dma_wait3A_223 = arith.constant 0 : i32
          %dma_wait3A_224 = tpu.memref_slice %arg8[%dma_wait3A_218, %dma_wait3A_223] : memref<4x128xi32, #tpu.memory_space<vmem>> -> memref<1x128xi32, #tpu.memory_space<vmem>>
          %dma_wait3A_225 = tpu.memref_squeeze %dma_wait3A_224 : memref<1x128xi32, #tpu.memory_space<vmem>> -> memref<128xi32, #tpu.memory_space<vmem>>
          %dma_wait3A_226 = arith.constant 0 : i32
          %dma_wait3A_227 = arith.constant 0 : i32
          %dma_wait3A_228 = tpu.memref_slice %arg18[%dma_wait3A_226, %dma_wait3A_227] : memref<10240x128xf32, #tpu.memory_space<vmem_shared>> -> memref<10240x128xf32, #tpu.memory_space<vmem_shared>>
          tpu.wait_indirect_dma semaphore(%arg13 : memref<!tpu.dma_semaphore, #tpu.memory_space<semaphore_mem>>) src(%dma_wait3A_222 : memref<128x128xf32, #tpu.memory_space<vmem>>) dst(%dma_wait3A_228 : memref<10240x128xf32, #tpu.memory_space<vmem_shared>>)
        } else {
        }
        %add3A_175 = arith.addi %add3A_4, %add3A_158 : i32
        %mul3A_176 = arith.constant 128 : i32
        %mul3A_177 = arith.muli %add3A_175, %mul3A_176 : i32
        %dma_wait3A_178 = arith.constant 3 : i32
        %dma_wait3A_179 = arith.constant 0 : i32
        %dma_wait3A_180 = tpu.memref_slice %arg7[%dma_wait3A_178, %dma_wait3A_179] : memref<4x128xi32, #tpu.memory_space<vmem>> -> memref<1x128xi32, #tpu.memory_space<vmem>>
        %dma_wait3A_181 = tpu.memref_squeeze %dma_wait3A_180 : memref<1x128xi32, #tpu.memory_space<vmem>> -> memref<128xi32, #tpu.memory_space<vmem>>
        %dma_wait3A_182 = tpu.memref_slice %arg3[%mul3A_177] : memref<320000xi32, #tpu.memory_space<hbm>> -> memref<128xi32, #tpu.memory_space<hbm>>
        %dma_wait3A_183 = arith.constant 0 : i32
        %dma_wait3A_184 = tpu.memref_slice %arg7[%dma_wait3A_178, %dma_wait3A_183] : memref<4x128xi32, #tpu.memory_space<vmem>> -> memref<1x128xi32, #tpu.memory_space<vmem>>
        %dma_wait3A_185 = tpu.memref_squeeze %dma_wait3A_184 : memref<1x128xi32, #tpu.memory_space<vmem>> -> memref<128xi32, #tpu.memory_space<vmem>>
        %dma_wait3A_186 = tpu.memref_slice %arg3[%mul3A_177] : memref<320000xi32, #tpu.memory_space<hbm>> -> memref<128xi32, #tpu.memory_space<hbm>>
        tpu.wait_dma2 semaphore(%arg17 : memref<!tpu.dma_semaphore, #tpu.memory_space<semaphore_mem>>) src(%dma_wait3A_186 : memref<128xi32, #tpu.memory_space<hbm>>) dst(%dma_wait3A_185 : memref<128xi32, #tpu.memory_space<vmem>>)
        %add3A_187 = arith.addi %add3A_4, %add3A_158 : i32
        %mul3A_188 = arith.constant 128 : i32
        %mul3A_189 = arith.muli %add3A_187, %mul3A_188 : i32
        %dma_wait3A_190 = arith.constant 3 : i32
        %dma_wait3A_191 = arith.constant 0 : i32
        %dma_wait3A_192 = tpu.memref_slice %arg8[%dma_wait3A_190, %dma_wait3A_191] : memref<4x128xi32, #tpu.memory_space<vmem>> -> memref<1x128xi32, #tpu.memory_space<vmem>>
        %dma_wait3A_193 = tpu.memref_squeeze %dma_wait3A_192 : memref<1x128xi32, #tpu.memory_space<vmem>> -> memref<128xi32, #tpu.memory_space<vmem>>
        %dma_wait3A_194 = tpu.memref_slice %arg4[%mul3A_189] : memref<320000xi32, #tpu.memory_space<hbm>> -> memref<128xi32, #tpu.memory_space<hbm>>
        %dma_wait3A_195 = arith.constant 0 : i32
        %dma_wait3A_196 = tpu.memref_slice %arg8[%dma_wait3A_190, %dma_wait3A_195] : memref<4x128xi32, #tpu.memory_space<vmem>> -> memref<1x128xi32, #tpu.memory_space<vmem>>
        %dma_wait3A_197 = tpu.memref_squeeze %dma_wait3A_196 : memref<1x128xi32, #tpu.memory_space<vmem>> -> memref<128xi32, #tpu.memory_space<vmem>>
        %dma_wait3A_198 = tpu.memref_slice %arg4[%mul3A_189] : memref<320000xi32, #tpu.memory_space<hbm>> -> memref<128xi32, #tpu.memory_space<hbm>>
        tpu.wait_dma2 semaphore(%arg17 : memref<!tpu.dma_semaphore, #tpu.memory_space<semaphore_mem>>) src(%dma_wait3A_198 : memref<128xi32, #tpu.memory_space<hbm>>) dst(%dma_wait3A_197 : memref<128xi32, #tpu.memory_space<vmem>>)
        %dma_start3A_199 = arith.constant 3 : i32
        %dma_start3A_200 = arith.constant 1 : i32
        %dma_start3A_201 = arith.constant 0 : i32
        %dma_start3A_202 = arith.constant 0 : i32
        %dma_start3A_203 = tpu.memref_slice %arg9[%dma_start3A_200, %dma_start3A_201, %dma_start3A_202] : memref<2x128x128xf32, #tpu.memory_space<vmem>> -> memref<1x128x128xf32, #tpu.memory_space<vmem>>
        %dma_start3A_204 = tpu.memref_squeeze %dma_start3A_203 : memref<1x128x128xf32, #tpu.memory_space<vmem>> -> memref<128x128xf32, #tpu.memory_space<vmem>>
        %dma_start3A_205 = arith.constant 0 : i32
        %dma_start3A_206 = tpu.memref_slice %arg7[%dma_start3A_199, %dma_start3A_205] : memref<4x128xi32, #tpu.memory_space<vmem>> -> memref<1x128xi32, #tpu.memory_space<vmem>>
        %dma_start3A_207 = tpu.memref_squeeze %dma_start3A_206 : memref<1x128xi32, #tpu.memory_space<vmem>> -> memref<128xi32, #tpu.memory_space<vmem>>
        %dma_start3A_208 = arith.constant 0 : i32
        %dma_start3A_209 = arith.constant 0 : i32
        %dma_start3A_210 = tpu.memref_slice %arg2[%dma_start3A_208, %dma_start3A_209] : memref<10000x128xf32, #tpu.memory_space<hbm>> -> memref<10000x128xf32, #tpu.memory_space<hbm>>
        tpu.enqueue_indirect_dma source(%dma_start3A_210 : memref<10000x128xf32, #tpu.memory_space<hbm>>) target(%dma_start3A_204 : memref<128x128xf32, #tpu.memory_space<vmem>>) offsets(%dma_start3A_207 : memref<128xi32, #tpu.memory_space<vmem>>) semaphore(%arg11 : memref<!tpu.dma_semaphore, #tpu.memory_space<semaphore_mem>>)
        %add3A_211 = arith.constant 2 : i32
        %add3A_212 = arith.addi %add3A_158, %add3A_211 : i32
        %lt3A_213 = arith.cmpi slt, %add3A_212, %add3A_7 : i32
        %convert_element_type3A_214 = arith.extui %lt3A_213 : i1 to i32
        %cond3A_215 = arith.constant 0 : i32
        %cond3A_216 = arith.cmpi ne, %convert_element_type3A_214, %cond3A_215 : i32
        scf.if %cond3A_216 {
          %add3A_217 = arith.constant 2 : i32
          %add3A_218 = arith.addi %add3A_158, %add3A_217 : i32
          %add3A_219 = arith.addi %add3A_4, %add3A_218 : i32
          %mul3A_220 = arith.constant 128 : i32
          %mul3A_221 = arith.muli %add3A_219, %mul3A_220 : i32
          %dma_start3A_222 = arith.constant 1 : i32
          %dma_start3A_223 = arith.constant 0 : i32
          %dma_start3A_224 = tpu.memref_slice %arg7[%dma_start3A_222, %dma_start3A_223] : memref<4x128xi32, #tpu.memory_space<vmem>> -> memref<1x128xi32, #tpu.memory_space<vmem>>
          %dma_start3A_225 = tpu.memref_squeeze %dma_start3A_224 : memref<1x128xi32, #tpu.memory_space<vmem>> -> memref<128xi32, #tpu.memory_space<vmem>>
          %dma_start3A_226 = tpu.memref_slice %arg3[%mul3A_221] : memref<320000xi32, #tpu.memory_space<hbm>> -> memref<128xi32, #tpu.memory_space<hbm>>
          %dma_start3A_227 = arith.constant 0 : i32
          %dma_start3A_228 = tpu.memref_slice %arg7[%dma_start3A_222, %dma_start3A_227] : memref<4x128xi32, #tpu.memory_space<vmem>> -> memref<1x128xi32, #tpu.memory_space<vmem>>
          %dma_start3A_229 = tpu.memref_squeeze %dma_start3A_228 : memref<1x128xi32, #tpu.memory_space<vmem>> -> memref<128xi32, #tpu.memory_space<vmem>>
          %dma_start3A_230 = tpu.memref_slice %arg3[%mul3A_221] : memref<320000xi32, #tpu.memory_space<hbm>> -> memref<128xi32, #tpu.memory_space<hbm>>
          tpu.enqueue_dma source(%dma_start3A_230 : memref<128xi32, #tpu.memory_space<hbm>>) target(%dma_start3A_229 : memref<128xi32, #tpu.memory_space<vmem>>) target_semaphore(%arg15 : memref<!tpu.dma_semaphore, #tpu.memory_space<semaphore_mem>>)
          %add3A_231 = arith.addi %add3A_4, %add3A_218 : i32
          %mul3A_232 = arith.constant 128 : i32
          %mul3A_233 = arith.muli %add3A_231, %mul3A_232 : i32
          %dma_start3A_234 = arith.constant 1 : i32
          %dma_start3A_235 = arith.constant 0 : i32
          %dma_start3A_236 = tpu.memref_slice %arg8[%dma_start3A_234, %dma_start3A_235] : memref<4x128xi32, #tpu.memory_space<vmem>> -> memref<1x128xi32, #tpu.memory_space<vmem>>
          %dma_start3A_237 = tpu.memref_squeeze %dma_start3A_236 : memref<1x128xi32, #tpu.memory_space<vmem>> -> memref<128xi32, #tpu.memory_space<vmem>>
          %dma_start3A_238 = tpu.memref_slice %arg4[%mul3A_233] : memref<320000xi32, #tpu.memory_space<hbm>> -> memref<128xi32, #tpu.memory_space<hbm>>
          %dma_start3A_239 = arith.constant 0 : i32
          %dma_start3A_240 = tpu.memref_slice %arg8[%dma_start3A_234, %dma_start3A_239] : memref<4x128xi32, #tpu.memory_space<vmem>> -> memref<1x128xi32, #tpu.memory_space<vmem>>
          %dma_start3A_241 = tpu.memref_squeeze %dma_start3A_240 : memref<1x128xi32, #tpu.memory_space<vmem>> -> memref<128xi32, #tpu.memory_space<vmem>>
          %dma_start3A_242 = tpu.memref_slice %arg4[%mul3A_233] : memref<320000xi32, #tpu.memory_space<hbm>> -> memref<128xi32, #tpu.memory_space<hbm>>
          tpu.enqueue_dma source(%dma_start3A_242 : memref<128xi32, #tpu.memory_space<hbm>>) target(%dma_start3A_241 : memref<128xi32, #tpu.memory_space<vmem>>) target_semaphore(%arg15 : memref<!tpu.dma_semaphore, #tpu.memory_space<semaphore_mem>>)
        } else {
        }
      } else {
      }
      %ge3A_163 = arith.constant 1 : i32
      %ge3A_164 = arith.cmpi sge, %add3A_158, %ge3A_163 : i32
      %le3A_165 = arith.cmpi sle, %add3A_158, %add3A_7 : i32
      %and3A_166 = arith.andi %ge3A_164, %le3A_165 : i1
      %convert_element_type3A_167 = arith.extui %and3A_166 : i1 to i32
      %cond3A_168 = arith.constant 0 : i32
      %cond3A_169 = arith.cmpi ne, %convert_element_type3A_167, %cond3A_168 : i32
      scf.if %cond3A_169 {
        %dma_wait3A_170 = arith.constant 2 : i32
        %dma_wait3A_171 = arith.constant 0 : i32
        %dma_wait3A_172 = arith.constant 0 : i32
        %dma_wait3A_173 = arith.constant 0 : i32
        %dma_wait3A_174 = tpu.memref_slice %arg9[%dma_wait3A_171, %dma_wait3A_172, %dma_wait3A_173] : memref<2x128x128xf32, #tpu.memory_space<vmem>> -> memref<1x128x128xf32, #tpu.memory_space<vmem>>
        %dma_wait3A_175 = tpu.memref_squeeze %dma_wait3A_174 : memref<1x128x128xf32, #tpu.memory_space<vmem>> -> memref<128x128xf32, #tpu.memory_space<vmem>>
        %dma_wait3A_176 = arith.constant 0 : i32
        %dma_wait3A_177 = tpu.memref_slice %arg7[%dma_wait3A_170, %dma_wait3A_176] : memref<4x128xi32, #tpu.memory_space<vmem>> -> memref<1x128xi32, #tpu.memory_space<vmem>>
        %dma_wait3A_178 = tpu.memref_squeeze %dma_wait3A_177 : memref<1x128xi32, #tpu.memory_space<vmem>> -> memref<128xi32, #tpu.memory_space<vmem>>
        %dma_wait3A_179 = arith.constant 0 : i32
        %dma_wait3A_180 = arith.constant 0 : i32
        %dma_wait3A_181 = tpu.memref_slice %arg2[%dma_wait3A_179, %dma_wait3A_180] : memref<10000x128xf32, #tpu.memory_space<hbm>> -> memref<10000x128xf32, #tpu.memory_space<hbm>>
        tpu.wait_indirect_dma semaphore(%arg10 : memref<!tpu.dma_semaphore, #tpu.memory_space<semaphore_mem>>) src(%dma_wait3A_181 : memref<10000x128xf32, #tpu.memory_space<hbm>>) dst(%dma_wait3A_175 : memref<128x128xf32, #tpu.memory_space<vmem>>)
        %dma_start3A_182 = arith.constant 0 : i32
        %dma_start3A_183 = arith.constant 2 : i32
        %dma_start3A_184 = arith.constant 0 : i32
        %dma_start3A_185 = arith.constant 0 : i32
        %dma_start3A_186 = tpu.memref_slice %arg9[%dma_start3A_182, %dma_start3A_184, %dma_start3A_185] : memref<2x128x128xf32, #tpu.memory_space<vmem>> -> memref<1x128x128xf32, #tpu.memory_space<vmem>>
        %dma_start3A_187 = tpu.memref_squeeze %dma_start3A_186 : memref<1x128x128xf32, #tpu.memory_space<vmem>> -> memref<128x128xf32, #tpu.memory_space<vmem>>
        %dma_start3A_188 = arith.constant 0 : i32
        %dma_start3A_189 = tpu.memref_slice %arg8[%dma_start3A_183, %dma_start3A_188] : memref<4x128xi32, #tpu.memory_space<vmem>> -> memref<1x128xi32, #tpu.memory_space<vmem>>
        %dma_start3A_190 = tpu.memref_squeeze %dma_start3A_189 : memref<1x128xi32, #tpu.memory_space<vmem>> -> memref<128xi32, #tpu.memory_space<vmem>>
        %dma_start3A_191 = arith.constant 0 : i32
        %dma_start3A_192 = arith.constant 0 : i32
        %dma_start3A_193 = tpu.memref_slice %arg18[%dma_start3A_191, %dma_start3A_192] : memref<10240x128xf32, #tpu.memory_space<vmem_shared>> -> memref<10240x128xf32, #tpu.memory_space<vmem_shared>>
        tpu.enqueue_indirect_dma source(%dma_start3A_187 : memref<128x128xf32, #tpu.memory_space<vmem>>) target(%dma_start3A_193 : memref<10240x128xf32, #tpu.memory_space<vmem_shared>>) offsets(%dma_start3A_190 : memref<128xi32, #tpu.memory_space<vmem>>) semaphore(%arg12 : memref<!tpu.dma_semaphore, #tpu.memory_space<semaphore_mem>>) {add = true}
      } else {
      }
    }
    %while3A_87 = arith.constant 1 : i32
    scf.for %while3A_112 = %while3A_85 to %while3A_81 step %while3A_87  : i32 {
      %mul3A_113 = arith.constant 4 : i32
      %mul3A_114 = arith.muli %while3A_112, %mul3A_113 : i32
      %add3A_115 = arith.constant 0 : i32
      %add3A_116 = arith.addi %mul3A_114, %add3A_115 : i32
      %lt3A_117 = arith.cmpi slt, %add3A_116, %add3A_7 : i32
      %convert_element_type3A_118 = arith.extui %lt3A_117 : i1 to i32
      %cond3A = arith.constant 0 : i32
      %cond3A_119 = arith.cmpi ne, %convert_element_type3A_118, %cond3A : i32
      scf.if %cond3A_119 {
        %ge3A_170 = arith.constant 2 : i32
        %ge3A_171 = arith.cmpi sge, %add3A_116, %ge3A_170 : i32
        %convert_element_type3A_172 = arith.extui %ge3A_171 : i1 to i32
        %cond3A_173 = arith.constant 0 : i32
        %cond3A_174 = arith.cmpi ne, %convert_element_type3A_172, %cond3A_173 : i32
        scf.if %cond3A_174 {
          %dma_wait3A_217 = arith.constant 0 : i32
          %dma_wait3A_218 = arith.constant 0 : i32
          %dma_wait3A_219 = arith.constant 0 : i32
          %dma_wait3A_220 = arith.constant 0 : i32
          %dma_wait3A_221 = tpu.memref_slice %arg9[%dma_wait3A_217, %dma_wait3A_219, %dma_wait3A_220] : memref<2x128x128xf32, #tpu.memory_space<vmem>> -> memref<1x128x128xf32, #tpu.memory_space<vmem>>
          %dma_wait3A_222 = tpu.memref_squeeze %dma_wait3A_221 : memref<1x128x128xf32, #tpu.memory_space<vmem>> -> memref<128x128xf32, #tpu.memory_space<vmem>>
          %dma_wait3A_223 = arith.constant 0 : i32
          %dma_wait3A_224 = tpu.memref_slice %arg8[%dma_wait3A_218, %dma_wait3A_223] : memref<4x128xi32, #tpu.memory_space<vmem>> -> memref<1x128xi32, #tpu.memory_space<vmem>>
          %dma_wait3A_225 = tpu.memref_squeeze %dma_wait3A_224 : memref<1x128xi32, #tpu.memory_space<vmem>> -> memref<128xi32, #tpu.memory_space<vmem>>
          %dma_wait3A_226 = arith.constant 0 : i32
          %dma_wait3A_227 = arith.constant 0 : i32
          %dma_wait3A_228 = tpu.memref_slice %arg18[%dma_wait3A_226, %dma_wait3A_227] : memref<10240x128xf32, #tpu.memory_space<vmem_shared>> -> memref<10240x128xf32, #tpu.memory_space<vmem_shared>>
          tpu.wait_indirect_dma semaphore(%arg12 : memref<!tpu.dma_semaphore, #tpu.memory_space<semaphore_mem>>) src(%dma_wait3A_222 : memref<128x128xf32, #tpu.memory_space<vmem>>) dst(%dma_wait3A_228 : memref<10240x128xf32, #tpu.memory_space<vmem_shared>>)
        } else {
        }
        %add3A_175 = arith.addi %add3A_4, %add3A_116 : i32
        %mul3A_176 = arith.constant 128 : i32
        %mul3A_177 = arith.muli %add3A_175, %mul3A_176 : i32
        %dma_wait3A_178 = arith.constant 0 : i32
        %dma_wait3A_179 = arith.constant 0 : i32
        %dma_wait3A_180 = tpu.memref_slice %arg7[%dma_wait3A_178, %dma_wait3A_179] : memref<4x128xi32, #tpu.memory_space<vmem>> -> memref<1x128xi32, #tpu.memory_space<vmem>>
        %dma_wait3A_181 = tpu.memref_squeeze %dma_wait3A_180 : memref<1x128xi32, #tpu.memory_space<vmem>> -> memref<128xi32, #tpu.memory_space<vmem>>
        %dma_wait3A_182 = tpu.memref_slice %arg3[%mul3A_177] : memref<320000xi32, #tpu.memory_space<hbm>> -> memref<128xi32, #tpu.memory_space<hbm>>
        %dma_wait3A_183 = arith.constant 0 : i32
        %dma_wait3A_184 = tpu.memref_slice %arg7[%dma_wait3A_178, %dma_wait3A_183] : memref<4x128xi32, #tpu.memory_space<vmem>> -> memref<1x128xi32, #tpu.memory_space<vmem>>
        %dma_wait3A_185 = tpu.memref_squeeze %dma_wait3A_184 : memref<1x128xi32, #tpu.memory_space<vmem>> -> memref<128xi32, #tpu.memory_space<vmem>>
        %dma_wait3A_186 = tpu.memref_slice %arg3[%mul3A_177] : memref<320000xi32, #tpu.memory_space<hbm>> -> memref<128xi32, #tpu.memory_space<hbm>>
        tpu.wait_dma2 semaphore(%arg14 : memref<!tpu.dma_semaphore, #tpu.memory_space<semaphore_mem>>) src(%dma_wait3A_186 : memref<128xi32, #tpu.memory_space<hbm>>) dst(%dma_wait3A_185 : memref<128xi32, #tpu.memory_space<vmem>>)
        %add3A_187 = arith.addi %add3A_4, %add3A_116 : i32
        %mul3A_188 = arith.constant 128 : i32
        %mul3A_189 = arith.muli %add3A_187, %mul3A_188 : i32
        %dma_wait3A_190 = arith.constant 0 : i32
        %dma_wait3A_191 = arith.constant 0 : i32
        %dma_wait3A_192 = tpu.memref_slice %arg8[%dma_wait3A_190, %dma_wait3A_191] : memref<4x128xi32, #tpu.memory_space<vmem>> -> memref<1x128xi32, #tpu.memory_space<vmem>>
        %dma_wait3A_193 = tpu.memref_squeeze %dma_wait3A_192 : memref<1x128xi32, #tpu.memory_space<vmem>> -> memref<128xi32, #tpu.memory_space<vmem>>
        %dma_wait3A_194 = tpu.memref_slice %arg4[%mul3A_189] : memref<320000xi32, #tpu.memory_space<hbm>> -> memref<128xi32, #tpu.memory_space<hbm>>
        %dma_wait3A_195 = arith.constant 0 : i32
        %dma_wait3A_196 = tpu.memref_slice %arg8[%dma_wait3A_190, %dma_wait3A_195] : memref<4x128xi32, #tpu.memory_space<vmem>> -> memref<1x128xi32, #tpu.memory_space<vmem>>
        %dma_wait3A_197 = tpu.memref_squeeze %dma_wait3A_196 : memref<1x128xi32, #tpu.memory_space<vmem>> -> memref<128xi32, #tpu.memory_space<vmem>>
        %dma_wait3A_198 = tpu.memref_slice %arg4[%mul3A_189] : memref<320000xi32, #tpu.memory_space<hbm>> -> memref<128xi32, #tpu.memory_space<hbm>>
        tpu.wait_dma2 semaphore(%arg14 : memref<!tpu.dma_semaphore, #tpu.memory_space<semaphore_mem>>) src(%dma_wait3A_198 : memref<128xi32, #tpu.memory_space<hbm>>) dst(%dma_wait3A_197 : memref<128xi32, #tpu.memory_space<vmem>>)
        %dma_start3A_199 = arith.constant 0 : i32
        %dma_start3A_200 = arith.constant 0 : i32
        %dma_start3A_201 = arith.constant 0 : i32
        %dma_start3A_202 = arith.constant 0 : i32
        %dma_start3A_203 = tpu.memref_slice %arg9[%dma_start3A_200, %dma_start3A_201, %dma_start3A_202] : memref<2x128x128xf32, #tpu.memory_space<vmem>> -> memref<1x128x128xf32, #tpu.memory_space<vmem>>
        %dma_start3A_204 = tpu.memref_squeeze %dma_start3A_203 : memref<1x128x128xf32, #tpu.memory_space<vmem>> -> memref<128x128xf32, #tpu.memory_space<vmem>>
        %dma_start3A_205 = arith.constant 0 : i32
        %dma_start3A_206 = tpu.memref_slice %arg7[%dma_start3A_199, %dma_start3A_205] : memref<4x128xi32, #tpu.memory_space<vmem>> -> memref<1x128xi32, #tpu.memory_space<vmem>>
        %dma_start3A_207 = tpu.memref_squeeze %dma_start3A_206 : memref<1x128xi32, #tpu.memory_space<vmem>> -> memref<128xi32, #tpu.memory_space<vmem>>
        %dma_start3A_208 = arith.constant 0 : i32
        %dma_start3A_209 = arith.constant 0 : i32
        %dma_start3A_210 = tpu.memref_slice %arg2[%dma_start3A_208, %dma_start3A_209] : memref<10000x128xf32, #tpu.memory_space<hbm>> -> memref<10000x128xf32, #tpu.memory_space<hbm>>
        tpu.enqueue_indirect_dma source(%dma_start3A_210 : memref<10000x128xf32, #tpu.memory_space<hbm>>) target(%dma_start3A_204 : memref<128x128xf32, #tpu.memory_space<vmem>>) offsets(%dma_start3A_207 : memref<128xi32, #tpu.memory_space<vmem>>) semaphore(%arg10 : memref<!tpu.dma_semaphore, #tpu.memory_space<semaphore_mem>>)
        %add3A_211 = arith.constant 2 : i32
        %add3A_212 = arith.addi %add3A_116, %add3A_211 : i32
        %lt3A_213 = arith.cmpi slt, %add3A_212, %add3A_7 : i32
        %convert_element_type3A_214 = arith.extui %lt3A_213 : i1 to i32
        %cond3A_215 = arith.constant 0 : i32
        %cond3A_216 = arith.cmpi ne, %convert_element_type3A_214, %cond3A_215 : i32
        scf.if %cond3A_216 {
          %add3A_217 = arith.constant 2 : i32
          %add3A_218 = arith.addi %add3A_116, %add3A_217 : i32
          %add3A_219 = arith.addi %add3A_4, %add3A_218 : i32
          %mul3A_220 = arith.constant 128 : i32
          %mul3A_221 = arith.muli %add3A_219, %mul3A_220 : i32
          %dma_start3A_222 = arith.constant 2 : i32
          %dma_start3A_223 = arith.constant 0 : i32
          %dma_start3A_224 = tpu.memref_slice %arg7[%dma_start3A_222, %dma_start3A_223] : memref<4x128xi32, #tpu.memory_space<vmem>> -> memref<1x128xi32, #tpu.memory_space<vmem>>
          %dma_start3A_225 = tpu.memref_squeeze %dma_start3A_224 : memref<1x128xi32, #tpu.memory_space<vmem>> -> memref<128xi32, #tpu.memory_space<vmem>>
          %dma_start3A_226 = tpu.memref_slice %arg3[%mul3A_221] : memref<320000xi32, #tpu.memory_space<hbm>> -> memref<128xi32, #tpu.memory_space<hbm>>
          %dma_start3A_227 = arith.constant 0 : i32
          %dma_start3A_228 = tpu.memref_slice %arg7[%dma_start3A_222, %dma_start3A_227] : memref<4x128xi32, #tpu.memory_space<vmem>> -> memref<1x128xi32, #tpu.memory_space<vmem>>
          %dma_start3A_229 = tpu.memref_squeeze %dma_start3A_228 : memref<1x128xi32, #tpu.memory_space<vmem>> -> memref<128xi32, #tpu.memory_space<vmem>>
          %dma_start3A_230 = tpu.memref_slice %arg3[%mul3A_221] : memref<320000xi32, #tpu.memory_space<hbm>> -> memref<128xi32, #tpu.memory_space<hbm>>
          tpu.enqueue_dma source(%dma_start3A_230 : memref<128xi32, #tpu.memory_space<hbm>>) target(%dma_start3A_229 : memref<128xi32, #tpu.memory_space<vmem>>) target_semaphore(%arg16 : memref<!tpu.dma_semaphore, #tpu.memory_space<semaphore_mem>>)
          %add3A_231 = arith.addi %add3A_4, %add3A_218 : i32
          %mul3A_232 = arith.constant 128 : i32
          %mul3A_233 = arith.muli %add3A_231, %mul3A_232 : i32
          %dma_start3A_234 = arith.constant 2 : i32
          %dma_start3A_235 = arith.constant 0 : i32
          %dma_start3A_236 = tpu.memref_slice %arg8[%dma_start3A_234, %dma_start3A_235] : memref<4x128xi32, #tpu.memory_space<vmem>> -> memref<1x128xi32, #tpu.memory_space<vmem>>
          %dma_start3A_237 = tpu.memref_squeeze %dma_start3A_236 : memref<1x128xi32, #tpu.memory_space<vmem>> -> memref<128xi32, #tpu.memory_space<vmem>>
          %dma_start3A_238 = tpu.memref_slice %arg4[%mul3A_233] : memref<320000xi32, #tpu.memory_space<hbm>> -> memref<128xi32, #tpu.memory_space<hbm>>
          %dma_start3A_239 = arith.constant 0 : i32
          %dma_start3A_240 = tpu.memref_slice %arg8[%dma_start3A_234, %dma_start3A_239] : memref<4x128xi32, #tpu.memory_space<vmem>> -> memref<1x128xi32, #tpu.memory_space<vmem>>
          %dma_start3A_241 = tpu.memref_squeeze %dma_start3A_240 : memref<1x128xi32, #tpu.memory_space<vmem>> -> memref<128xi32, #tpu.memory_space<vmem>>
          %dma_start3A_242 = tpu.memref_slice %arg4[%mul3A_233] : memref<320000xi32, #tpu.memory_space<hbm>> -> memref<128xi32, #tpu.memory_space<hbm>>
          tpu.enqueue_dma source(%dma_start3A_242 : memref<128xi32, #tpu.memory_space<hbm>>) target(%dma_start3A_241 : memref<128xi32, #tpu.memory_space<vmem>>) target_semaphore(%arg16 : memref<!tpu.dma_semaphore, #tpu.memory_space<semaphore_mem>>)
        } else {
        }
      } else {
      }
      %ge3A = arith.constant 1 : i32
      %ge3A_120 = arith.cmpi sge, %add3A_116, %ge3A : i32
      %le3A = arith.cmpi sle, %add3A_116, %add3A_7 : i32
      %and3A_121 = arith.andi %ge3A_120, %le3A : i1
      %convert_element_type3A_122 = arith.extui %and3A_121 : i1 to i32
      %cond3A_123 = arith.constant 0 : i32
      %cond3A_124 = arith.cmpi ne, %convert_element_type3A_122, %cond3A_123 : i32
      scf.if %cond3A_124 {
        %dma_wait3A_170 = arith.constant 3 : i32
        %dma_wait3A_171 = arith.constant 1 : i32
        %dma_wait3A_172 = arith.constant 0 : i32
        %dma_wait3A_173 = arith.constant 0 : i32
        %dma_wait3A_174 = tpu.memref_slice %arg9[%dma_wait3A_171, %dma_wait3A_172, %dma_wait3A_173] : memref<2x128x128xf32, #tpu.memory_space<vmem>> -> memref<1x128x128xf32, #tpu.memory_space<vmem>>
        %dma_wait3A_175 = tpu.memref_squeeze %dma_wait3A_174 : memref<1x128x128xf32, #tpu.memory_space<vmem>> -> memref<128x128xf32, #tpu.memory_space<vmem>>
        %dma_wait3A_176 = arith.constant 0 : i32
        %dma_wait3A_177 = tpu.memref_slice %arg7[%dma_wait3A_170, %dma_wait3A_176] : memref<4x128xi32, #tpu.memory_space<vmem>> -> memref<1x128xi32, #tpu.memory_space<vmem>>
        %dma_wait3A_178 = tpu.memref_squeeze %dma_wait3A_177 : memref<1x128xi32, #tpu.memory_space<vmem>> -> memref<128xi32, #tpu.memory_space<vmem>>
        %dma_wait3A_179 = arith.constant 0 : i32
        %dma_wait3A_180 = arith.constant 0 : i32
        %dma_wait3A_181 = tpu.memref_slice %arg2[%dma_wait3A_179, %dma_wait3A_180] : memref<10000x128xf32, #tpu.memory_space<hbm>> -> memref<10000x128xf32, #tpu.memory_space<hbm>>
        tpu.wait_indirect_dma semaphore(%arg11 : memref<!tpu.dma_semaphore, #tpu.memory_space<semaphore_mem>>) src(%dma_wait3A_181 : memref<10000x128xf32, #tpu.memory_space<hbm>>) dst(%dma_wait3A_175 : memref<128x128xf32, #tpu.memory_space<vmem>>)
        %dma_start3A_182 = arith.constant 1 : i32
        %dma_start3A_183 = arith.constant 3 : i32
        %dma_start3A_184 = arith.constant 0 : i32
        %dma_start3A_185 = arith.constant 0 : i32
        %dma_start3A_186 = tpu.memref_slice %arg9[%dma_start3A_182, %dma_start3A_184, %dma_start3A_185] : memref<2x128x128xf32, #tpu.memory_space<vmem>> -> memref<1x128x128xf32, #tpu.memory_space<vmem>>
        %dma_start3A_187 = tpu.memref_squeeze %dma_start3A_186 : memref<1x128x128xf32, #tpu.memory_space<vmem>> -> memref<128x128xf32, #tpu.memory_space<vmem>>
        %dma_start3A_188 = arith.constant 0 : i32
        %dma_start3A_189 = tpu.memref_slice %arg8[%dma_start3A_183, %dma_start3A_188] : memref<4x128xi32, #tpu.memory_space<vmem>> -> memref<1x128xi32, #tpu.memory_space<vmem>>
        %dma_start3A_190 = tpu.memref_squeeze %dma_start3A_189 : memref<1x128xi32, #tpu.memory_space<vmem>> -> memref<128xi32, #tpu.memory_space<vmem>>
        %dma_start3A_191 = arith.constant 0 : i32
        %dma_start3A_192 = arith.constant 0 : i32
        %dma_start3A_193 = tpu.memref_slice %arg18[%dma_start3A_191, %dma_start3A_192] : memref<10240x128xf32, #tpu.memory_space<vmem_shared>> -> memref<10240x128xf32, #tpu.memory_space<vmem_shared>>
        tpu.enqueue_indirect_dma source(%dma_start3A_187 : memref<128x128xf32, #tpu.memory_space<vmem>>) target(%dma_start3A_193 : memref<10240x128xf32, #tpu.memory_space<vmem_shared>>) offsets(%dma_start3A_190 : memref<128xi32, #tpu.memory_space<vmem>>) semaphore(%arg13 : memref<!tpu.dma_semaphore, #tpu.memory_space<semaphore_mem>>) {add = true}
      } else {
      }
      %mul3A_125 = arith.constant 4 : i32
      %mul3A_126 = arith.muli %while3A_112, %mul3A_125 : i32
      %add3A_127 = arith.constant 1 : i32
      %add3A_128 = arith.addi %mul3A_126, %add3A_127 : i32
      %lt3A_129 = arith.cmpi slt, %add3A_128, %add3A_7 : i32
      %convert_element_type3A_130 = arith.extui %lt3A_129 : i1 to i32
      %cond3A_131 = arith.constant 0 : i32
      %cond3A_132 = arith.cmpi ne, %convert_element_type3A_130, %cond3A_131 : i32
      scf.if %cond3A_132 {
        %ge3A_170 = arith.constant 2 : i32
        %ge3A_171 = arith.cmpi sge, %add3A_128, %ge3A_170 : i32
        %convert_element_type3A_172 = arith.extui %ge3A_171 : i1 to i32
        %cond3A_173 = arith.constant 0 : i32
        %cond3A_174 = arith.cmpi ne, %convert_element_type3A_172, %cond3A_173 : i32
        scf.if %cond3A_174 {
          %dma_wait3A_217 = arith.constant 1 : i32
          %dma_wait3A_218 = arith.constant 0 : i32
          %dma_wait3A_219 = arith.constant 0 : i32
          %dma_wait3A_220 = arith.constant 0 : i32
          %dma_wait3A_221 = tpu.memref_slice %arg9[%dma_wait3A_217, %dma_wait3A_219, %dma_wait3A_220] : memref<2x128x128xf32, #tpu.memory_space<vmem>> -> memref<1x128x128xf32, #tpu.memory_space<vmem>>
          %dma_wait3A_222 = tpu.memref_squeeze %dma_wait3A_221 : memref<1x128x128xf32, #tpu.memory_space<vmem>> -> memref<128x128xf32, #tpu.memory_space<vmem>>
          %dma_wait3A_223 = arith.constant 0 : i32
          %dma_wait3A_224 = tpu.memref_slice %arg8[%dma_wait3A_218, %dma_wait3A_223] : memref<4x128xi32, #tpu.memory_space<vmem>> -> memref<1x128xi32, #tpu.memory_space<vmem>>
          %dma_wait3A_225 = tpu.memref_squeeze %dma_wait3A_224 : memref<1x128xi32, #tpu.memory_space<vmem>> -> memref<128xi32, #tpu.memory_space<vmem>>
          %dma_wait3A_226 = arith.constant 0 : i32
          %dma_wait3A_227 = arith.constant 0 : i32
          %dma_wait3A_228 = tpu.memref_slice %arg18[%dma_wait3A_226, %dma_wait3A_227] : memref<10240x128xf32, #tpu.memory_space<vmem_shared>> -> memref<10240x128xf32, #tpu.memory_space<vmem_shared>>
          tpu.wait_indirect_dma semaphore(%arg13 : memref<!tpu.dma_semaphore, #tpu.memory_space<semaphore_mem>>) src(%dma_wait3A_222 : memref<128x128xf32, #tpu.memory_space<vmem>>) dst(%dma_wait3A_228 : memref<10240x128xf32, #tpu.memory_space<vmem_shared>>)
        } else {
        }
        %add3A_175 = arith.addi %add3A_4, %add3A_128 : i32
        %mul3A_176 = arith.constant 128 : i32
        %mul3A_177 = arith.muli %add3A_175, %mul3A_176 : i32
        %dma_wait3A_178 = arith.constant 1 : i32
        %dma_wait3A_179 = arith.constant 0 : i32
        %dma_wait3A_180 = tpu.memref_slice %arg7[%dma_wait3A_178, %dma_wait3A_179] : memref<4x128xi32, #tpu.memory_space<vmem>> -> memref<1x128xi32, #tpu.memory_space<vmem>>
        %dma_wait3A_181 = tpu.memref_squeeze %dma_wait3A_180 : memref<1x128xi32, #tpu.memory_space<vmem>> -> memref<128xi32, #tpu.memory_space<vmem>>
        %dma_wait3A_182 = tpu.memref_slice %arg3[%mul3A_177] : memref<320000xi32, #tpu.memory_space<hbm>> -> memref<128xi32, #tpu.memory_space<hbm>>
        %dma_wait3A_183 = arith.constant 0 : i32
        %dma_wait3A_184 = tpu.memref_slice %arg7[%dma_wait3A_178, %dma_wait3A_183] : memref<4x128xi32, #tpu.memory_space<vmem>> -> memref<1x128xi32, #tpu.memory_space<vmem>>
        %dma_wait3A_185 = tpu.memref_squeeze %dma_wait3A_184 : memref<1x128xi32, #tpu.memory_space<vmem>> -> memref<128xi32, #tpu.memory_space<vmem>>
        %dma_wait3A_186 = tpu.memref_slice %arg3[%mul3A_177] : memref<320000xi32, #tpu.memory_space<hbm>> -> memref<128xi32, #tpu.memory_space<hbm>>
        tpu.wait_dma2 semaphore(%arg15 : memref<!tpu.dma_semaphore, #tpu.memory_space<semaphore_mem>>) src(%dma_wait3A_186 : memref<128xi32, #tpu.memory_space<hbm>>) dst(%dma_wait3A_185 : memref<128xi32, #tpu.memory_space<vmem>>)
        %add3A_187 = arith.addi %add3A_4, %add3A_128 : i32
        %mul3A_188 = arith.constant 128 : i32
        %mul3A_189 = arith.muli %add3A_187, %mul3A_188 : i32
        %dma_wait3A_190 = arith.constant 1 : i32
        %dma_wait3A_191 = arith.constant 0 : i32
        %dma_wait3A_192 = tpu.memref_slice %arg8[%dma_wait3A_190, %dma_wait3A_191] : memref<4x128xi32, #tpu.memory_space<vmem>> -> memref<1x128xi32, #tpu.memory_space<vmem>>
        %dma_wait3A_193 = tpu.memref_squeeze %dma_wait3A_192 : memref<1x128xi32, #tpu.memory_space<vmem>> -> memref<128xi32, #tpu.memory_space<vmem>>
        %dma_wait3A_194 = tpu.memref_slice %arg4[%mul3A_189] : memref<320000xi32, #tpu.memory_space<hbm>> -> memref<128xi32, #tpu.memory_space<hbm>>
        %dma_wait3A_195 = arith.constant 0 : i32
        %dma_wait3A_196 = tpu.memref_slice %arg8[%dma_wait3A_190, %dma_wait3A_195] : memref<4x128xi32, #tpu.memory_space<vmem>> -> memref<1x128xi32, #tpu.memory_space<vmem>>
        %dma_wait3A_197 = tpu.memref_squeeze %dma_wait3A_196 : memref<1x128xi32, #tpu.memory_space<vmem>> -> memref<128xi32, #tpu.memory_space<vmem>>
        %dma_wait3A_198 = tpu.memref_slice %arg4[%mul3A_189] : memref<320000xi32, #tpu.memory_space<hbm>> -> memref<128xi32, #tpu.memory_space<hbm>>
        tpu.wait_dma2 semaphore(%arg15 : memref<!tpu.dma_semaphore, #tpu.memory_space<semaphore_mem>>) src(%dma_wait3A_198 : memref<128xi32, #tpu.memory_space<hbm>>) dst(%dma_wait3A_197 : memref<128xi32, #tpu.memory_space<vmem>>)
        %dma_start3A_199 = arith.constant 1 : i32
        %dma_start3A_200 = arith.constant 1 : i32
        %dma_start3A_201 = arith.constant 0 : i32
        %dma_start3A_202 = arith.constant 0 : i32
        %dma_start3A_203 = tpu.memref_slice %arg9[%dma_start3A_200, %dma_start3A_201, %dma_start3A_202] : memref<2x128x128xf32, #tpu.memory_space<vmem>> -> memref<1x128x128xf32, #tpu.memory_space<vmem>>
        %dma_start3A_204 = tpu.memref_squeeze %dma_start3A_203 : memref<1x128x128xf32, #tpu.memory_space<vmem>> -> memref<128x128xf32, #tpu.memory_space<vmem>>
        %dma_start3A_205 = arith.constant 0 : i32
        %dma_start3A_206 = tpu.memref_slice %arg7[%dma_start3A_199, %dma_start3A_205] : memref<4x128xi32, #tpu.memory_space<vmem>> -> memref<1x128xi32, #tpu.memory_space<vmem>>
        %dma_start3A_207 = tpu.memref_squeeze %dma_start3A_206 : memref<1x128xi32, #tpu.memory_space<vmem>> -> memref<128xi32, #tpu.memory_space<vmem>>
        %dma_start3A_208 = arith.constant 0 : i32
        %dma_start3A_209 = arith.constant 0 : i32
        %dma_start3A_210 = tpu.memref_slice %arg2[%dma_start3A_208, %dma_start3A_209] : memref<10000x128xf32, #tpu.memory_space<hbm>> -> memref<10000x128xf32, #tpu.memory_space<hbm>>
        tpu.enqueue_indirect_dma source(%dma_start3A_210 : memref<10000x128xf32, #tpu.memory_space<hbm>>) target(%dma_start3A_204 : memref<128x128xf32, #tpu.memory_space<vmem>>) offsets(%dma_start3A_207 : memref<128xi32, #tpu.memory_space<vmem>>) semaphore(%arg11 : memref<!tpu.dma_semaphore, #tpu.memory_space<semaphore_mem>>)
        %add3A_211 = arith.constant 2 : i32
        %add3A_212 = arith.addi %add3A_128, %add3A_211 : i32
        %lt3A_213 = arith.cmpi slt, %add3A_212, %add3A_7 : i32
        %convert_element_type3A_214 = arith.extui %lt3A_213 : i1 to i32
        %cond3A_215 = arith.constant 0 : i32
        %cond3A_216 = arith.cmpi ne, %convert_element_type3A_214, %cond3A_215 : i32
        scf.if %cond3A_216 {
          %add3A_217 = arith.constant 2 : i32
          %add3A_218 = arith.addi %add3A_128, %add3A_217 : i32
          %add3A_219 = arith.addi %add3A_4, %add3A_218 : i32
          %mul3A_220 = arith.constant 128 : i32
          %mul3A_221 = arith.muli %add3A_219, %mul3A_220 : i32
          %dma_start3A_222 = arith.constant 3 : i32
          %dma_start3A_223 = arith.constant 0 : i32
          %dma_start3A_224 = tpu.memref_slice %arg7[%dma_start3A_222, %dma_start3A_223] : memref<4x128xi32, #tpu.memory_space<vmem>> -> memref<1x128xi32, #tpu.memory_space<vmem>>
          %dma_start3A_225 = tpu.memref_squeeze %dma_start3A_224 : memref<1x128xi32, #tpu.memory_space<vmem>> -> memref<128xi32, #tpu.memory_space<vmem>>
          %dma_start3A_226 = tpu.memref_slice %arg3[%mul3A_221] : memref<320000xi32, #tpu.memory_space<hbm>> -> memref<128xi32, #tpu.memory_space<hbm>>
          %dma_start3A_227 = arith.constant 0 : i32
          %dma_start3A_228 = tpu.memref_slice %arg7[%dma_start3A_222, %dma_start3A_227] : memref<4x128xi32, #tpu.memory_space<vmem>> -> memref<1x128xi32, #tpu.memory_space<vmem>>
          %dma_start3A_229 = tpu.memref_squeeze %dma_start3A_228 : memref<1x128xi32, #tpu.memory_space<vmem>> -> memref<128xi32, #tpu.memory_space<vmem>>
          %dma_start3A_230 = tpu.memref_slice %arg3[%mul3A_221] : memref<320000xi32, #tpu.memory_space<hbm>> -> memref<128xi32, #tpu.memory_space<hbm>>
          tpu.enqueue_dma source(%dma_start3A_230 : memref<128xi32, #tpu.memory_space<hbm>>) target(%dma_start3A_229 : memref<128xi32, #tpu.memory_space<vmem>>) target_semaphore(%arg17 : memref<!tpu.dma_semaphore, #tpu.memory_space<semaphore_mem>>)
          %add3A_231 = arith.addi %add3A_4, %add3A_218 : i32
          %mul3A_232 = arith.constant 128 : i32
          %mul3A_233 = arith.muli %add3A_231, %mul3A_232 : i32
          %dma_start3A_234 = arith.constant 3 : i32
          %dma_start3A_235 = arith.constant 0 : i32
          %dma_start3A_236 = tpu.memref_slice %arg8[%dma_start3A_234, %dma_start3A_235] : memref<4x128xi32, #tpu.memory_space<vmem>> -> memref<1x128xi32, #tpu.memory_space<vmem>>
          %dma_start3A_237 = tpu.memref_squeeze %dma_start3A_236 : memref<1x128xi32, #tpu.memory_space<vmem>> -> memref<128xi32, #tpu.memory_space<vmem>>
          %dma_start3A_238 = tpu.memref_slice %arg4[%mul3A_233] : memref<320000xi32, #tpu.memory_space<hbm>> -> memref<128xi32, #tpu.memory_space<hbm>>
          %dma_start3A_239 = arith.constant 0 : i32
          %dma_start3A_240 = tpu.memref_slice %arg8[%dma_start3A_234, %dma_start3A_239] : memref<4x128xi32, #tpu.memory_space<vmem>> -> memref<1x128xi32, #tpu.memory_space<vmem>>
          %dma_start3A_241 = tpu.memref_squeeze %dma_start3A_240 : memref<1x128xi32, #tpu.memory_space<vmem>> -> memref<128xi32, #tpu.memory_space<vmem>>
          %dma_start3A_242 = tpu.memref_slice %arg4[%mul3A_233] : memref<320000xi32, #tpu.memory_space<hbm>> -> memref<128xi32, #tpu.memory_space<hbm>>
          tpu.enqueue_dma source(%dma_start3A_242 : memref<128xi32, #tpu.memory_space<hbm>>) target(%dma_start3A_241 : memref<128xi32, #tpu.memory_space<vmem>>) target_semaphore(%arg17 : memref<!tpu.dma_semaphore, #tpu.memory_space<semaphore_mem>>)
        } else {
        }
      } else {
      }
      %ge3A_133 = arith.constant 1 : i32
      %ge3A_134 = arith.cmpi sge, %add3A_128, %ge3A_133 : i32
      %le3A_135 = arith.cmpi sle, %add3A_128, %add3A_7 : i32
      %and3A_136 = arith.andi %ge3A_134, %le3A_135 : i1
      %convert_element_type3A_137 = arith.extui %and3A_136 : i1 to i32
      %cond3A_138 = arith.constant 0 : i32
      %cond3A_139 = arith.cmpi ne, %convert_element_type3A_137, %cond3A_138 : i32
      scf.if %cond3A_139 {
        %dma_wait3A_170 = arith.constant 0 : i32
        %dma_wait3A_171 = arith.constant 0 : i32
        %dma_wait3A_172 = arith.constant 0 : i32
        %dma_wait3A_173 = arith.constant 0 : i32
        %dma_wait3A_174 = tpu.memref_slice %arg9[%dma_wait3A_171, %dma_wait3A_172, %dma_wait3A_173] : memref<2x128x128xf32, #tpu.memory_space<vmem>> -> memref<1x128x128xf32, #tpu.memory_space<vmem>>
        %dma_wait3A_175 = tpu.memref_squeeze %dma_wait3A_174 : memref<1x128x128xf32, #tpu.memory_space<vmem>> -> memref<128x128xf32, #tpu.memory_space<vmem>>
        %dma_wait3A_176 = arith.constant 0 : i32
        %dma_wait3A_177 = tpu.memref_slice %arg7[%dma_wait3A_170, %dma_wait3A_176] : memref<4x128xi32, #tpu.memory_space<vmem>> -> memref<1x128xi32, #tpu.memory_space<vmem>>
        %dma_wait3A_178 = tpu.memref_squeeze %dma_wait3A_177 : memref<1x128xi32, #tpu.memory_space<vmem>> -> memref<128xi32, #tpu.memory_space<vmem>>
        %dma_wait3A_179 = arith.constant 0 : i32
        %dma_wait3A_180 = arith.constant 0 : i32
        %dma_wait3A_181 = tpu.memref_slice %arg2[%dma_wait3A_179, %dma_wait3A_180] : memref<10000x128xf32, #tpu.memory_space<hbm>> -> memref<10000x128xf32, #tpu.memory_space<hbm>>
        tpu.wait_indirect_dma semaphore(%arg10 : memref<!tpu.dma_semaphore, #tpu.memory_space<semaphore_mem>>) src(%dma_wait3A_181 : memref<10000x128xf32, #tpu.memory_space<hbm>>) dst(%dma_wait3A_175 : memref<128x128xf32, #tpu.memory_space<vmem>>)
        %dma_start3A_182 = arith.constant 0 : i32
        %dma_start3A_183 = arith.constant 0 : i32
        %dma_start3A_184 = arith.constant 0 : i32
        %dma_start3A_185 = arith.constant 0 : i32
        %dma_start3A_186 = tpu.memref_slice %arg9[%dma_start3A_182, %dma_start3A_184, %dma_start3A_185] : memref<2x128x128xf32, #tpu.memory_space<vmem>> -> memref<1x128x128xf32, #tpu.memory_space<vmem>>
        %dma_start3A_187 = tpu.memref_squeeze %dma_start3A_186 : memref<1x128x128xf32, #tpu.memory_space<vmem>> -> memref<128x128xf32, #tpu.memory_space<vmem>>
        %dma_start3A_188 = arith.constant 0 : i32
        %dma_start3A_189 = tpu.memref_slice %arg8[%dma_start3A_183, %dma_start3A_188] : memref<4x128xi32, #tpu.memory_space<vmem>> -> memref<1x128xi32, #tpu.memory_space<vmem>>
        %dma_start3A_190 = tpu.memref_squeeze %dma_start3A_189 : memref<1x128xi32, #tpu.memory_space<vmem>> -> memref<128xi32, #tpu.memory_space<vmem>>
        %dma_start3A_191 = arith.constant 0 : i32
        %dma_start3A_192 = arith.constant 0 : i32
        %dma_start3A_193 = tpu.memref_slice %arg18[%dma_start3A_191, %dma_start3A_192] : memref<10240x128xf32, #tpu.memory_space<vmem_shared>> -> memref<10240x128xf32, #tpu.memory_space<vmem_shared>>
        tpu.enqueue_indirect_dma source(%dma_start3A_187 : memref<128x128xf32, #tpu.memory_space<vmem>>) target(%dma_start3A_193 : memref<10240x128xf32, #tpu.memory_space<vmem_shared>>) offsets(%dma_start3A_190 : memref<128xi32, #tpu.memory_space<vmem>>) semaphore(%arg12 : memref<!tpu.dma_semaphore, #tpu.memory_space<semaphore_mem>>) {add = true}
      } else {
      }
      %mul3A_140 = arith.constant 4 : i32
      %mul3A_141 = arith.muli %while3A_112, %mul3A_140 : i32
      %add3A_142 = arith.constant 2 : i32
      %add3A_143 = arith.addi %mul3A_141, %add3A_142 : i32
      %lt3A_144 = arith.cmpi slt, %add3A_143, %add3A_7 : i32
      %convert_element_type3A_145 = arith.extui %lt3A_144 : i1 to i32
      %cond3A_146 = arith.constant 0 : i32
      %cond3A_147 = arith.cmpi ne, %convert_element_type3A_145, %cond3A_146 : i32
      scf.if %cond3A_147 {
        %ge3A_170 = arith.constant 2 : i32
        %ge3A_171 = arith.cmpi sge, %add3A_143, %ge3A_170 : i32
        %convert_element_type3A_172 = arith.extui %ge3A_171 : i1 to i32
        %cond3A_173 = arith.constant 0 : i32
        %cond3A_174 = arith.cmpi ne, %convert_element_type3A_172, %cond3A_173 : i32
        scf.if %cond3A_174 {
          %dma_wait3A_217 = arith.constant 0 : i32
          %dma_wait3A_218 = arith.constant 0 : i32
          %dma_wait3A_219 = arith.constant 0 : i32
          %dma_wait3A_220 = arith.constant 0 : i32
          %dma_wait3A_221 = tpu.memref_slice %arg9[%dma_wait3A_217, %dma_wait3A_219, %dma_wait3A_220] : memref<2x128x128xf32, #tpu.memory_space<vmem>> -> memref<1x128x128xf32, #tpu.memory_space<vmem>>
          %dma_wait3A_222 = tpu.memref_squeeze %dma_wait3A_221 : memref<1x128x128xf32, #tpu.memory_space<vmem>> -> memref<128x128xf32, #tpu.memory_space<vmem>>
          %dma_wait3A_223 = arith.constant 0 : i32
          %dma_wait3A_224 = tpu.memref_slice %arg8[%dma_wait3A_218, %dma_wait3A_223] : memref<4x128xi32, #tpu.memory_space<vmem>> -> memref<1x128xi32, #tpu.memory_space<vmem>>
          %dma_wait3A_225 = tpu.memref_squeeze %dma_wait3A_224 : memref<1x128xi32, #tpu.memory_space<vmem>> -> memref<128xi32, #tpu.memory_space<vmem>>
          %dma_wait3A_226 = arith.constant 0 : i32
          %dma_wait3A_227 = arith.constant 0 : i32
          %dma_wait3A_228 = tpu.memref_slice %arg18[%dma_wait3A_226, %dma_wait3A_227] : memref<10240x128xf32, #tpu.memory_space<vmem_shared>> -> memref<10240x128xf32, #tpu.memory_space<vmem_shared>>
          tpu.wait_indirect_dma semaphore(%arg12 : memref<!tpu.dma_semaphore, #tpu.memory_space<semaphore_mem>>) src(%dma_wait3A_222 : memref<128x128xf32, #tpu.memory_space<vmem>>) dst(%dma_wait3A_228 : memref<10240x128xf32, #tpu.memory_space<vmem_shared>>)
        } else {
        }
        %add3A_175 = arith.addi %add3A_4, %add3A_143 : i32
        %mul3A_176 = arith.constant 128 : i32
        %mul3A_177 = arith.muli %add3A_175, %mul3A_176 : i32
        %dma_wait3A_178 = arith.constant 2 : i32
        %dma_wait3A_179 = arith.constant 0 : i32
        %dma_wait3A_180 = tpu.memref_slice %arg7[%dma_wait3A_178, %dma_wait3A_179] : memref<4x128xi32, #tpu.memory_space<vmem>> -> memref<1x128xi32, #tpu.memory_space<vmem>>
        %dma_wait3A_181 = tpu.memref_squeeze %dma_wait3A_180 : memref<1x128xi32, #tpu.memory_space<vmem>> -> memref<128xi32, #tpu.memory_space<vmem>>
        %dma_wait3A_182 = tpu.memref_slice %arg3[%mul3A_177] : memref<320000xi32, #tpu.memory_space<hbm>> -> memref<128xi32, #tpu.memory_space<hbm>>
        %dma_wait3A_183 = arith.constant 0 : i32
        %dma_wait3A_184 = tpu.memref_slice %arg7[%dma_wait3A_178, %dma_wait3A_183] : memref<4x128xi32, #tpu.memory_space<vmem>> -> memref<1x128xi32, #tpu.memory_space<vmem>>
        %dma_wait3A_185 = tpu.memref_squeeze %dma_wait3A_184 : memref<1x128xi32, #tpu.memory_space<vmem>> -> memref<128xi32, #tpu.memory_space<vmem>>
        %dma_wait3A_186 = tpu.memref_slice %arg3[%mul3A_177] : memref<320000xi32, #tpu.memory_space<hbm>> -> memref<128xi32, #tpu.memory_space<hbm>>
        tpu.wait_dma2 semaphore(%arg16 : memref<!tpu.dma_semaphore, #tpu.memory_space<semaphore_mem>>) src(%dma_wait3A_186 : memref<128xi32, #tpu.memory_space<hbm>>) dst(%dma_wait3A_185 : memref<128xi32, #tpu.memory_space<vmem>>)
        %add3A_187 = arith.addi %add3A_4, %add3A_143 : i32
        %mul3A_188 = arith.constant 128 : i32
        %mul3A_189 = arith.muli %add3A_187, %mul3A_188 : i32
        %dma_wait3A_190 = arith.constant 2 : i32
        %dma_wait3A_191 = arith.constant 0 : i32
        %dma_wait3A_192 = tpu.memref_slice %arg8[%dma_wait3A_190, %dma_wait3A_191] : memref<4x128xi32, #tpu.memory_space<vmem>> -> memref<1x128xi32, #tpu.memory_space<vmem>>
        %dma_wait3A_193 = tpu.memref_squeeze %dma_wait3A_192 : memref<1x128xi32, #tpu.memory_space<vmem>> -> memref<128xi32, #tpu.memory_space<vmem>>
        %dma_wait3A_194 = tpu.memref_slice %arg4[%mul3A_189] : memref<320000xi32, #tpu.memory_space<hbm>> -> memref<128xi32, #tpu.memory_space<hbm>>
        %dma_wait3A_195 = arith.constant 0 : i32
        %dma_wait3A_196 = tpu.memref_slice %arg8[%dma_wait3A_190, %dma_wait3A_195] : memref<4x128xi32, #tpu.memory_space<vmem>> -> memref<1x128xi32, #tpu.memory_space<vmem>>
        %dma_wait3A_197 = tpu.memref_squeeze %dma_wait3A_196 : memref<1x128xi32, #tpu.memory_space<vmem>> -> memref<128xi32, #tpu.memory_space<vmem>>
        %dma_wait3A_198 = tpu.memref_slice %arg4[%mul3A_189] : memref<320000xi32, #tpu.memory_space<hbm>> -> memref<128xi32, #tpu.memory_space<hbm>>
        tpu.wait_dma2 semaphore(%arg16 : memref<!tpu.dma_semaphore, #tpu.memory_space<semaphore_mem>>) src(%dma_wait3A_198 : memref<128xi32, #tpu.memory_space<hbm>>) dst(%dma_wait3A_197 : memref<128xi32, #tpu.memory_space<vmem>>)
        %dma_start3A_199 = arith.constant 2 : i32
        %dma_start3A_200 = arith.constant 0 : i32
        %dma_start3A_201 = arith.constant 0 : i32
        %dma_start3A_202 = arith.constant 0 : i32
        %dma_start3A_203 = tpu.memref_slice %arg9[%dma_start3A_200, %dma_start3A_201, %dma_start3A_202] : memref<2x128x128xf32, #tpu.memory_space<vmem>> -> memref<1x128x128xf32, #tpu.memory_space<vmem>>
        %dma_start3A_204 = tpu.memref_squeeze %dma_start3A_203 : memref<1x128x128xf32, #tpu.memory_space<vmem>> -> memref<128x128xf32, #tpu.memory_space<vmem>>
        %dma_start3A_205 = arith.constant 0 : i32
        %dma_start3A_206 = tpu.memref_slice %arg7[%dma_start3A_199, %dma_start3A_205] : memref<4x128xi32, #tpu.memory_space<vmem>> -> memref<1x128xi32, #tpu.memory_space<vmem>>
        %dma_start3A_207 = tpu.memref_squeeze %dma_start3A_206 : memref<1x128xi32, #tpu.memory_space<vmem>> -> memref<128xi32, #tpu.memory_space<vmem>>
        %dma_start3A_208 = arith.constant 0 : i32
        %dma_start3A_209 = arith.constant 0 : i32
        %dma_start3A_210 = tpu.memref_slice %arg2[%dma_start3A_208, %dma_start3A_209] : memref<10000x128xf32, #tpu.memory_space<hbm>> -> memref<10000x128xf32, #tpu.memory_space<hbm>>
        tpu.enqueue_indirect_dma source(%dma_start3A_210 : memref<10000x128xf32, #tpu.memory_space<hbm>>) target(%dma_start3A_204 : memref<128x128xf32, #tpu.memory_space<vmem>>) offsets(%dma_start3A_207 : memref<128xi32, #tpu.memory_space<vmem>>) semaphore(%arg10 : memref<!tpu.dma_semaphore, #tpu.memory_space<semaphore_mem>>)
        %add3A_211 = arith.constant 2 : i32
        %add3A_212 = arith.addi %add3A_143, %add3A_211 : i32
        %lt3A_213 = arith.cmpi slt, %add3A_212, %add3A_7 : i32
        %convert_element_type3A_214 = arith.extui %lt3A_213 : i1 to i32
        %cond3A_215 = arith.constant 0 : i32
        %cond3A_216 = arith.cmpi ne, %convert_element_type3A_214, %cond3A_215 : i32
        scf.if %cond3A_216 {
          %add3A_217 = arith.constant 2 : i32
          %add3A_218 = arith.addi %add3A_143, %add3A_217 : i32
          %add3A_219 = arith.addi %add3A_4, %add3A_218 : i32
          %mul3A_220 = arith.constant 128 : i32
          %mul3A_221 = arith.muli %add3A_219, %mul3A_220 : i32
          %dma_start3A_222 = arith.constant 0 : i32
          %dma_start3A_223 = arith.constant 0 : i32
          %dma_start3A_224 = tpu.memref_slice %arg7[%dma_start3A_222, %dma_start3A_223] : memref<4x128xi32, #tpu.memory_space<vmem>> -> memref<1x128xi32, #tpu.memory_space<vmem>>
          %dma_start3A_225 = tpu.memref_squeeze %dma_start3A_224 : memref<1x128xi32, #tpu.memory_space<vmem>> -> memref<128xi32, #tpu.memory_space<vmem>>
          %dma_start3A_226 = tpu.memref_slice %arg3[%mul3A_221] : memref<320000xi32, #tpu.memory_space<hbm>> -> memref<128xi32, #tpu.memory_space<hbm>>
          %dma_start3A_227 = arith.constant 0 : i32
          %dma_start3A_228 = tpu.memref_slice %arg7[%dma_start3A_222, %dma_start3A_227] : memref<4x128xi32, #tpu.memory_space<vmem>> -> memref<1x128xi32, #tpu.memory_space<vmem>>
          %dma_start3A_229 = tpu.memref_squeeze %dma_start3A_228 : memref<1x128xi32, #tpu.memory_space<vmem>> -> memref<128xi32, #tpu.memory_space<vmem>>
          %dma_start3A_230 = tpu.memref_slice %arg3[%mul3A_221] : memref<320000xi32, #tpu.memory_space<hbm>> -> memref<128xi32, #tpu.memory_space<hbm>>
          tpu.enqueue_dma source(%dma_start3A_230 : memref<128xi32, #tpu.memory_space<hbm>>) target(%dma_start3A_229 : memref<128xi32, #tpu.memory_space<vmem>>) target_semaphore(%arg14 : memref<!tpu.dma_semaphore, #tpu.memory_space<semaphore_mem>>)
          %add3A_231 = arith.addi %add3A_4, %add3A_218 : i32
          %mul3A_232 = arith.constant 128 : i32
          %mul3A_233 = arith.muli %add3A_231, %mul3A_232 : i32
          %dma_start3A_234 = arith.constant 0 : i32
          %dma_start3A_235 = arith.constant 0 : i32
          %dma_start3A_236 = tpu.memref_slice %arg8[%dma_start3A_234, %dma_start3A_235] : memref<4x128xi32, #tpu.memory_space<vmem>> -> memref<1x128xi32, #tpu.memory_space<vmem>>
          %dma_start3A_237 = tpu.memref_squeeze %dma_start3A_236 : memref<1x128xi32, #tpu.memory_space<vmem>> -> memref<128xi32, #tpu.memory_space<vmem>>
          %dma_start3A_238 = tpu.memref_slice %arg4[%mul3A_233] : memref<320000xi32, #tpu.memory_space<hbm>> -> memref<128xi32, #tpu.memory_space<hbm>>
          %dma_start3A_239 = arith.constant 0 : i32
          %dma_start3A_240 = tpu.memref_slice %arg8[%dma_start3A_234, %dma_start3A_239] : memref<4x128xi32, #tpu.memory_space<vmem>> -> memref<1x128xi32, #tpu.memory_space<vmem>>
          %dma_start3A_241 = tpu.memref_squeeze %dma_start3A_240 : memref<1x128xi32, #tpu.memory_space<vmem>> -> memref<128xi32, #tpu.memory_space<vmem>>
          %dma_start3A_242 = tpu.memref_slice %arg4[%mul3A_233] : memref<320000xi32, #tpu.memory_space<hbm>> -> memref<128xi32, #tpu.memory_space<hbm>>
          tpu.enqueue_dma source(%dma_start3A_242 : memref<128xi32, #tpu.memory_space<hbm>>) target(%dma_start3A_241 : memref<128xi32, #tpu.memory_space<vmem>>) target_semaphore(%arg14 : memref<!tpu.dma_semaphore, #tpu.memory_space<semaphore_mem>>)
        } else {
        }
      } else {
      }
      %ge3A_148 = arith.constant 1 : i32
      %ge3A_149 = arith.cmpi sge, %add3A_143, %ge3A_148 : i32
      %le3A_150 = arith.cmpi sle, %add3A_143, %add3A_7 : i32
      %and3A_151 = arith.andi %ge3A_149, %le3A_150 : i1
      %convert_element_type3A_152 = arith.extui %and3A_151 : i1 to i32
      %cond3A_153 = arith.constant 0 : i32
      %cond3A_154 = arith.cmpi ne, %convert_element_type3A_152, %cond3A_153 : i32
      scf.if %cond3A_154 {
        %dma_wait3A_170 = arith.constant 1 : i32
        %dma_wait3A_171 = arith.constant 1 : i32
        %dma_wait3A_172 = arith.constant 0 : i32
        %dma_wait3A_173 = arith.constant 0 : i32
        %dma_wait3A_174 = tpu.memref_slice %arg9[%dma_wait3A_171, %dma_wait3A_172, %dma_wait3A_173] : memref<2x128x128xf32, #tpu.memory_space<vmem>> -> memref<1x128x128xf32, #tpu.memory_space<vmem>>
        %dma_wait3A_175 = tpu.memref_squeeze %dma_wait3A_174 : memref<1x128x128xf32, #tpu.memory_space<vmem>> -> memref<128x128xf32, #tpu.memory_space<vmem>>
        %dma_wait3A_176 = arith.constant 0 : i32
        %dma_wait3A_177 = tpu.memref_slice %arg7[%dma_wait3A_170, %dma_wait3A_176] : memref<4x128xi32, #tpu.memory_space<vmem>> -> memref<1x128xi32, #tpu.memory_space<vmem>>
        %dma_wait3A_178 = tpu.memref_squeeze %dma_wait3A_177 : memref<1x128xi32, #tpu.memory_space<vmem>> -> memref<128xi32, #tpu.memory_space<vmem>>
        %dma_wait3A_179 = arith.constant 0 : i32
        %dma_wait3A_180 = arith.constant 0 : i32
        %dma_wait3A_181 = tpu.memref_slice %arg2[%dma_wait3A_179, %dma_wait3A_180] : memref<10000x128xf32, #tpu.memory_space<hbm>> -> memref<10000x128xf32, #tpu.memory_space<hbm>>
        tpu.wait_indirect_dma semaphore(%arg11 : memref<!tpu.dma_semaphore, #tpu.memory_space<semaphore_mem>>) src(%dma_wait3A_181 : memref<10000x128xf32, #tpu.memory_space<hbm>>) dst(%dma_wait3A_175 : memref<128x128xf32, #tpu.memory_space<vmem>>)
        %dma_start3A_182 = arith.constant 1 : i32
        %dma_start3A_183 = arith.constant 1 : i32
        %dma_start3A_184 = arith.constant 0 : i32
        %dma_start3A_185 = arith.constant 0 : i32
        %dma_start3A_186 = tpu.memref_slice %arg9[%dma_start3A_182, %dma_start3A_184, %dma_start3A_185] : memref<2x128x128xf32, #tpu.memory_space<vmem>> -> memref<1x128x128xf32, #tpu.memory_space<vmem>>
        %dma_start3A_187 = tpu.memref_squeeze %dma_start3A_186 : memref<1x128x128xf32, #tpu.memory_space<vmem>> -> memref<128x128xf32, #tpu.memory_space<vmem>>
        %dma_start3A_188 = arith.constant 0 : i32
        %dma_start3A_189 = tpu.memref_slice %arg8[%dma_start3A_183, %dma_start3A_188] : memref<4x128xi32, #tpu.memory_space<vmem>> -> memref<1x128xi32, #tpu.memory_space<vmem>>
        %dma_start3A_190 = tpu.memref_squeeze %dma_start3A_189 : memref<1x128xi32, #tpu.memory_space<vmem>> -> memref<128xi32, #tpu.memory_space<vmem>>
        %dma_start3A_191 = arith.constant 0 : i32
        %dma_start3A_192 = arith.constant 0 : i32
        %dma_start3A_193 = tpu.memref_slice %arg18[%dma_start3A_191, %dma_start3A_192] : memref<10240x128xf32, #tpu.memory_space<vmem_shared>> -> memref<10240x128xf32, #tpu.memory_space<vmem_shared>>
        tpu.enqueue_indirect_dma source(%dma_start3A_187 : memref<128x128xf32, #tpu.memory_space<vmem>>) target(%dma_start3A_193 : memref<10240x128xf32, #tpu.memory_space<vmem_shared>>) offsets(%dma_start3A_190 : memref<128xi32, #tpu.memory_space<vmem>>) semaphore(%arg13 : memref<!tpu.dma_semaphore, #tpu.memory_space<semaphore_mem>>) {add = true}
      } else {
      }
      %mul3A_155 = arith.constant 4 : i32
      %mul3A_156 = arith.muli %while3A_112, %mul3A_155 : i32
      %add3A_157 = arith.constant 3 : i32
      %add3A_158 = arith.addi %mul3A_156, %add3A_157 : i32
      %lt3A_159 = arith.cmpi slt, %add3A_158, %add3A_7 : i32
      %convert_element_type3A_160 = arith.extui %lt3A_159 : i1 to i32
      %cond3A_161 = arith.constant 0 : i32
      %cond3A_162 = arith.cmpi ne, %convert_element_type3A_160, %cond3A_161 : i32
      scf.if %cond3A_162 {
        %ge3A_170 = arith.constant 2 : i32
        %ge3A_171 = arith.cmpi sge, %add3A_158, %ge3A_170 : i32
        %convert_element_type3A_172 = arith.extui %ge3A_171 : i1 to i32
        %cond3A_173 = arith.constant 0 : i32
        %cond3A_174 = arith.cmpi ne, %convert_element_type3A_172, %cond3A_173 : i32
        scf.if %cond3A_174 {
          %dma_wait3A_217 = arith.constant 1 : i32
          %dma_wait3A_218 = arith.constant 0 : i32
          %dma_wait3A_219 = arith.constant 0 : i32
          %dma_wait3A_220 = arith.constant 0 : i32
          %dma_wait3A_221 = tpu.memref_slice %arg9[%dma_wait3A_217, %dma_wait3A_219, %dma_wait3A_220] : memref<2x128x128xf32, #tpu.memory_space<vmem>> -> memref<1x128x128xf32, #tpu.memory_space<vmem>>
          %dma_wait3A_222 = tpu.memref_squeeze %dma_wait3A_221 : memref<1x128x128xf32, #tpu.memory_space<vmem>> -> memref<128x128xf32, #tpu.memory_space<vmem>>
          %dma_wait3A_223 = arith.constant 0 : i32
          %dma_wait3A_224 = tpu.memref_slice %arg8[%dma_wait3A_218, %dma_wait3A_223] : memref<4x128xi32, #tpu.memory_space<vmem>> -> memref<1x128xi32, #tpu.memory_space<vmem>>
          %dma_wait3A_225 = tpu.memref_squeeze %dma_wait3A_224 : memref<1x128xi32, #tpu.memory_space<vmem>> -> memref<128xi32, #tpu.memory_space<vmem>>
          %dma_wait3A_226 = arith.constant 0 : i32
          %dma_wait3A_227 = arith.constant 0 : i32
          %dma_wait3A_228 = tpu.memref_slice %arg18[%dma_wait3A_226, %dma_wait3A_227] : memref<10240x128xf32, #tpu.memory_space<vmem_shared>> -> memref<10240x128xf32, #tpu.memory_space<vmem_shared>>
          tpu.wait_indirect_dma semaphore(%arg13 : memref<!tpu.dma_semaphore, #tpu.memory_space<semaphore_mem>>) src(%dma_wait3A_222 : memref<128x128xf32, #tpu.memory_space<vmem>>) dst(%dma_wait3A_228 : memref<10240x128xf32, #tpu.memory_space<vmem_shared>>)
        } else {
        }
        %add3A_175 = arith.addi %add3A_4, %add3A_158 : i32
        %mul3A_176 = arith.constant 128 : i32
        %mul3A_177 = arith.muli %add3A_175, %mul3A_176 : i32
        %dma_wait3A_178 = arith.constant 3 : i32
        %dma_wait3A_179 = arith.constant 0 : i32
        %dma_wait3A_180 = tpu.memref_slice %arg7[%dma_wait3A_178, %dma_wait3A_179] : memref<4x128xi32, #tpu.memory_space<vmem>> -> memref<1x128xi32, #tpu.memory_space<vmem>>
        %dma_wait3A_181 = tpu.memref_squeeze %dma_wait3A_180 : memref<1x128xi32, #tpu.memory_space<vmem>> -> memref<128xi32, #tpu.memory_space<vmem>>
        %dma_wait3A_182 = tpu.memref_slice %arg3[%mul3A_177] : memref<320000xi32, #tpu.memory_space<hbm>> -> memref<128xi32, #tpu.memory_space<hbm>>
        %dma_wait3A_183 = arith.constant 0 : i32
        %dma_wait3A_184 = tpu.memref_slice %arg7[%dma_wait3A_178, %dma_wait3A_183] : memref<4x128xi32, #tpu.memory_space<vmem>> -> memref<1x128xi32, #tpu.memory_space<vmem>>
        %dma_wait3A_185 = tpu.memref_squeeze %dma_wait3A_184 : memref<1x128xi32, #tpu.memory_space<vmem>> -> memref<128xi32, #tpu.memory_space<vmem>>
        %dma_wait3A_186 = tpu.memref_slice %arg3[%mul3A_177] : memref<320000xi32, #tpu.memory_space<hbm>> -> memref<128xi32, #tpu.memory_space<hbm>>
        tpu.wait_dma2 semaphore(%arg17 : memref<!tpu.dma_semaphore, #tpu.memory_space<semaphore_mem>>) src(%dma_wait3A_186 : memref<128xi32, #tpu.memory_space<hbm>>) dst(%dma_wait3A_185 : memref<128xi32, #tpu.memory_space<vmem>>)
        %add3A_187 = arith.addi %add3A_4, %add3A_158 : i32
        %mul3A_188 = arith.constant 128 : i32
        %mul3A_189 = arith.muli %add3A_187, %mul3A_188 : i32
        %dma_wait3A_190 = arith.constant 3 : i32
        %dma_wait3A_191 = arith.constant 0 : i32
        %dma_wait3A_192 = tpu.memref_slice %arg8[%dma_wait3A_190, %dma_wait3A_191] : memref<4x128xi32, #tpu.memory_space<vmem>> -> memref<1x128xi32, #tpu.memory_space<vmem>>
        %dma_wait3A_193 = tpu.memref_squeeze %dma_wait3A_192 : memref<1x128xi32, #tpu.memory_space<vmem>> -> memref<128xi32, #tpu.memory_space<vmem>>
        %dma_wait3A_194 = tpu.memref_slice %arg4[%mul3A_189] : memref<320000xi32, #tpu.memory_space<hbm>> -> memref<128xi32, #tpu.memory_space<hbm>>
        %dma_wait3A_195 = arith.constant 0 : i32
        %dma_wait3A_196 = tpu.memref_slice %arg8[%dma_wait3A_190, %dma_wait3A_195] : memref<4x128xi32, #tpu.memory_space<vmem>> -> memref<1x128xi32, #tpu.memory_space<vmem>>
        %dma_wait3A_197 = tpu.memref_squeeze %dma_wait3A_196 : memref<1x128xi32, #tpu.memory_space<vmem>> -> memref<128xi32, #tpu.memory_space<vmem>>
        %dma_wait3A_198 = tpu.memref_slice %arg4[%mul3A_189] : memref<320000xi32, #tpu.memory_space<hbm>> -> memref<128xi32, #tpu.memory_space<hbm>>
        tpu.wait_dma2 semaphore(%arg17 : memref<!tpu.dma_semaphore, #tpu.memory_space<semaphore_mem>>) src(%dma_wait3A_198 : memref<128xi32, #tpu.memory_space<hbm>>) dst(%dma_wait3A_197 : memref<128xi32, #tpu.memory_space<vmem>>)
        %dma_start3A_199 = arith.constant 3 : i32
        %dma_start3A_200 = arith.constant 1 : i32
        %dma_start3A_201 = arith.constant 0 : i32
        %dma_start3A_202 = arith.constant 0 : i32
        %dma_start3A_203 = tpu.memref_slice %arg9[%dma_start3A_200, %dma_start3A_201, %dma_start3A_202] : memref<2x128x128xf32, #tpu.memory_space<vmem>> -> memref<1x128x128xf32, #tpu.memory_space<vmem>>
        %dma_start3A_204 = tpu.memref_squeeze %dma_start3A_203 : memref<1x128x128xf32, #tpu.memory_space<vmem>> -> memref<128x128xf32, #tpu.memory_space<vmem>>
        %dma_start3A_205 = arith.constant 0 : i32
        %dma_start3A_206 = tpu.memref_slice %arg7[%dma_start3A_199, %dma_start3A_205] : memref<4x128xi32, #tpu.memory_space<vmem>> -> memref<1x128xi32, #tpu.memory_space<vmem>>
        %dma_start3A_207 = tpu.memref_squeeze %dma_start3A_206 : memref<1x128xi32, #tpu.memory_space<vmem>> -> memref<128xi32, #tpu.memory_space<vmem>>
        %dma_start3A_208 = arith.constant 0 : i32
        %dma_start3A_209 = arith.constant 0 : i32
        %dma_start3A_210 = tpu.memref_slice %arg2[%dma_start3A_208, %dma_start3A_209] : memref<10000x128xf32, #tpu.memory_space<hbm>> -> memref<10000x128xf32, #tpu.memory_space<hbm>>
        tpu.enqueue_indirect_dma source(%dma_start3A_210 : memref<10000x128xf32, #tpu.memory_space<hbm>>) target(%dma_start3A_204 : memref<128x128xf32, #tpu.memory_space<vmem>>) offsets(%dma_start3A_207 : memref<128xi32, #tpu.memory_space<vmem>>) semaphore(%arg11 : memref<!tpu.dma_semaphore, #tpu.memory_space<semaphore_mem>>)
        %add3A_211 = arith.constant 2 : i32
        %add3A_212 = arith.addi %add3A_158, %add3A_211 : i32
        %lt3A_213 = arith.cmpi slt, %add3A_212, %add3A_7 : i32
        %convert_element_type3A_214 = arith.extui %lt3A_213 : i1 to i32
        %cond3A_215 = arith.constant 0 : i32
        %cond3A_216 = arith.cmpi ne, %convert_element_type3A_214, %cond3A_215 : i32
        scf.if %cond3A_216 {
          %add3A_217 = arith.constant 2 : i32
          %add3A_218 = arith.addi %add3A_158, %add3A_217 : i32
          %add3A_219 = arith.addi %add3A_4, %add3A_218 : i32
          %mul3A_220 = arith.constant 128 : i32
          %mul3A_221 = arith.muli %add3A_219, %mul3A_220 : i32
          %dma_start3A_222 = arith.constant 1 : i32
          %dma_start3A_223 = arith.constant 0 : i32
          %dma_start3A_224 = tpu.memref_slice %arg7[%dma_start3A_222, %dma_start3A_223] : memref<4x128xi32, #tpu.memory_space<vmem>> -> memref<1x128xi32, #tpu.memory_space<vmem>>
          %dma_start3A_225 = tpu.memref_squeeze %dma_start3A_224 : memref<1x128xi32, #tpu.memory_space<vmem>> -> memref<128xi32, #tpu.memory_space<vmem>>
          %dma_start3A_226 = tpu.memref_slice %arg3[%mul3A_221] : memref<320000xi32, #tpu.memory_space<hbm>> -> memref<128xi32, #tpu.memory_space<hbm>>
          %dma_start3A_227 = arith.constant 0 : i32
          %dma_start3A_228 = tpu.memref_slice %arg7[%dma_start3A_222, %dma_start3A_227] : memref<4x128xi32, #tpu.memory_space<vmem>> -> memref<1x128xi32, #tpu.memory_space<vmem>>
          %dma_start3A_229 = tpu.memref_squeeze %dma_start3A_228 : memref<1x128xi32, #tpu.memory_space<vmem>> -> memref<128xi32, #tpu.memory_space<vmem>>
          %dma_start3A_230 = tpu.memref_slice %arg3[%mul3A_221] : memref<320000xi32, #tpu.memory_space<hbm>> -> memref<128xi32, #tpu.memory_space<hbm>>
          tpu.enqueue_dma source(%dma_start3A_230 : memref<128xi32, #tpu.memory_space<hbm>>) target(%dma_start3A_229 : memref<128xi32, #tpu.memory_space<vmem>>) target_semaphore(%arg15 : memref<!tpu.dma_semaphore, #tpu.memory_space<semaphore_mem>>)
          %add3A_231 = arith.addi %add3A_4, %add3A_218 : i32
          %mul3A_232 = arith.constant 128 : i32
          %mul3A_233 = arith.muli %add3A_231, %mul3A_232 : i32
          %dma_start3A_234 = arith.constant 1 : i32
          %dma_start3A_235 = arith.constant 0 : i32
          %dma_start3A_236 = tpu.memref_slice %arg8[%dma_start3A_234, %dma_start3A_235] : memref<4x128xi32, #tpu.memory_space<vmem>> -> memref<1x128xi32, #tpu.memory_space<vmem>>
          %dma_start3A_237 = tpu.memref_squeeze %dma_start3A_236 : memref<1x128xi32, #tpu.memory_space<vmem>> -> memref<128xi32, #tpu.memory_space<vmem>>
          %dma_start3A_238 = tpu.memref_slice %arg4[%mul3A_233] : memref<320000xi32, #tpu.memory_space<hbm>> -> memref<128xi32, #tpu.memory_space<hbm>>
          %dma_start3A_239 = arith.constant 0 : i32
          %dma_start3A_240 = tpu.memref_slice %arg8[%dma_start3A_234, %dma_start3A_239] : memref<4x128xi32, #tpu.memory_space<vmem>> -> memref<1x128xi32, #tpu.memory_space<vmem>>
          %dma_start3A_241 = tpu.memref_squeeze %dma_start3A_240 : memref<1x128xi32, #tpu.memory_space<vmem>> -> memref<128xi32, #tpu.memory_space<vmem>>
          %dma_start3A_242 = tpu.memref_slice %arg4[%mul3A_233] : memref<320000xi32, #tpu.memory_space<hbm>> -> memref<128xi32, #tpu.memory_space<hbm>>
          tpu.enqueue_dma source(%dma_start3A_242 : memref<128xi32, #tpu.memory_space<hbm>>) target(%dma_start3A_241 : memref<128xi32, #tpu.memory_space<vmem>>) target_semaphore(%arg15 : memref<!tpu.dma_semaphore, #tpu.memory_space<semaphore_mem>>)
        } else {
        }
      } else {
      }
      %ge3A_163 = arith.constant 1 : i32
      %ge3A_164 = arith.cmpi sge, %add3A_158, %ge3A_163 : i32
      %le3A_165 = arith.cmpi sle, %add3A_158, %add3A_7 : i32
      %and3A_166 = arith.andi %ge3A_164, %le3A_165 : i1
      %convert_element_type3A_167 = arith.extui %and3A_166 : i1 to i32
      %cond3A_168 = arith.constant 0 : i32
      %cond3A_169 = arith.cmpi ne, %convert_element_type3A_167, %cond3A_168 : i32
      scf.if %cond3A_169 {
        %dma_wait3A_170 = arith.constant 2 : i32
        %dma_wait3A_171 = arith.constant 0 : i32
        %dma_wait3A_172 = arith.constant 0 : i32
        %dma_wait3A_173 = arith.constant 0 : i32
        %dma_wait3A_174 = tpu.memref_slice %arg9[%dma_wait3A_171, %dma_wait3A_172, %dma_wait3A_173] : memref<2x128x128xf32, #tpu.memory_space<vmem>> -> memref<1x128x128xf32, #tpu.memory_space<vmem>>
        %dma_wait3A_175 = tpu.memref_squeeze %dma_wait3A_174 : memref<1x128x128xf32, #tpu.memory_space<vmem>> -> memref<128x128xf32, #tpu.memory_space<vmem>>
        %dma_wait3A_176 = arith.constant 0 : i32
        %dma_wait3A_177 = tpu.memref_slice %arg7[%dma_wait3A_170, %dma_wait3A_176] : memref<4x128xi32, #tpu.memory_space<vmem>> -> memref<1x128xi32, #tpu.memory_space<vmem>>
        %dma_wait3A_178 = tpu.memref_squeeze %dma_wait3A_177 : memref<1x128xi32, #tpu.memory_space<vmem>> -> memref<128xi32, #tpu.memory_space<vmem>>
        %dma_wait3A_179 = arith.constant 0 : i32
        %dma_wait3A_180 = arith.constant 0 : i32
        %dma_wait3A_181 = tpu.memref_slice %arg2[%dma_wait3A_179, %dma_wait3A_180] : memref<10000x128xf32, #tpu.memory_space<hbm>> -> memref<10000x128xf32, #tpu.memory_space<hbm>>
        tpu.wait_indirect_dma semaphore(%arg10 : memref<!tpu.dma_semaphore, #tpu.memory_space<semaphore_mem>>) src(%dma_wait3A_181 : memref<10000x128xf32, #tpu.memory_space<hbm>>) dst(%dma_wait3A_175 : memref<128x128xf32, #tpu.memory_space<vmem>>)
        %dma_start3A_182 = arith.constant 0 : i32
        %dma_start3A_183 = arith.constant 2 : i32
        %dma_start3A_184 = arith.constant 0 : i32
        %dma_start3A_185 = arith.constant 0 : i32
        %dma_start3A_186 = tpu.memref_slice %arg9[%dma_start3A_182, %dma_start3A_184, %dma_start3A_185] : memref<2x128x128xf32, #tpu.memory_space<vmem>> -> memref<1x128x128xf32, #tpu.memory_space<vmem>>
        %dma_start3A_187 = tpu.memref_squeeze %dma_start3A_186 : memref<1x128x128xf32, #tpu.memory_space<vmem>> -> memref<128x128xf32, #tpu.memory_space<vmem>>
        %dma_start3A_188 = arith.constant 0 : i32
        %dma_start3A_189 = tpu.memref_slice %arg8[%dma_start3A_183, %dma_start3A_188] : memref<4x128xi32, #tpu.memory_space<vmem>> -> memref<1x128xi32, #tpu.memory_space<vmem>>
        %dma_start3A_190 = tpu.memref_squeeze %dma_start3A_189 : memref<1x128xi32, #tpu.memory_space<vmem>> -> memref<128xi32, #tpu.memory_space<vmem>>
        %dma_start3A_191 = arith.constant 0 : i32
        %dma_start3A_192 = arith.constant 0 : i32
        %dma_start3A_193 = tpu.memref_slice %arg18[%dma_start3A_191, %dma_start3A_192] : memref<10240x128xf32, #tpu.memory_space<vmem_shared>> -> memref<10240x128xf32, #tpu.memory_space<vmem_shared>>
        tpu.enqueue_indirect_dma source(%dma_start3A_187 : memref<128x128xf32, #tpu.memory_space<vmem>>) target(%dma_start3A_193 : memref<10240x128xf32, #tpu.memory_space<vmem_shared>>) offsets(%dma_start3A_190 : memref<128xi32, #tpu.memory_space<vmem>>) semaphore(%arg12 : memref<!tpu.dma_semaphore, #tpu.memory_space<semaphore_mem>>) {add = true}
      } else {
      }
    }
    %dma_wait3A = arith.constant 0 : i32
    %dma_wait3A_88 = arith.constant 0 : i32
    %dma_wait3A_89 = arith.constant 0 : i32
    %dma_wait3A_90 = arith.constant 0 : i32
    %dma_wait3A_91 = tpu.memref_slice %arg9[%dma_wait3A, %dma_wait3A_89, %dma_wait3A_90] : memref<2x128x128xf32, #tpu.memory_space<vmem>> -> memref<1x128x128xf32, #tpu.memory_space<vmem>>
    %dma_wait3A_92 = tpu.memref_squeeze %dma_wait3A_91 : memref<1x128x128xf32, #tpu.memory_space<vmem>> -> memref<128x128xf32, #tpu.memory_space<vmem>>
    %dma_wait3A_93 = arith.constant 0 : i32
    %dma_wait3A_94 = tpu.memref_slice %arg8[%dma_wait3A_88, %dma_wait3A_93] : memref<4x128xi32, #tpu.memory_space<vmem>> -> memref<1x128xi32, #tpu.memory_space<vmem>>
    %dma_wait3A_95 = tpu.memref_squeeze %dma_wait3A_94 : memref<1x128xi32, #tpu.memory_space<vmem>> -> memref<128xi32, #tpu.memory_space<vmem>>
    %dma_wait3A_96 = arith.constant 0 : i32
    %dma_wait3A_97 = arith.constant 0 : i32
    %dma_wait3A_98 = tpu.memref_slice %arg18[%dma_wait3A_96, %dma_wait3A_97] : memref<10240x128xf32, #tpu.memory_space<vmem_shared>> -> memref<10240x128xf32, #tpu.memory_space<vmem_shared>>
    tpu.wait_indirect_dma semaphore(%arg12 : memref<!tpu.dma_semaphore, #tpu.memory_space<semaphore_mem>>) src(%dma_wait3A_92 : memref<128x128xf32, #tpu.memory_space<vmem>>) dst(%dma_wait3A_98 : memref<10240x128xf32, #tpu.memory_space<vmem_shared>>)
    %dma_wait3A_99 = arith.constant 1 : i32
    %dma_wait3A_100 = arith.constant 0 : i32
    %dma_wait3A_101 = arith.constant 0 : i32
    %dma_wait3A_102 = arith.constant 0 : i32
    %dma_wait3A_103 = tpu.memref_slice %arg9[%dma_wait3A_99, %dma_wait3A_101, %dma_wait3A_102] : memref<2x128x128xf32, #tpu.memory_space<vmem>> -> memref<1x128x128xf32, #tpu.memory_space<vmem>>
    %dma_wait3A_104 = tpu.memref_squeeze %dma_wait3A_103 : memref<1x128x128xf32, #tpu.memory_space<vmem>> -> memref<128x128xf32, #tpu.memory_space<vmem>>
    %dma_wait3A_105 = arith.constant 0 : i32
    %dma_wait3A_106 = tpu.memref_slice %arg8[%dma_wait3A_100, %dma_wait3A_105] : memref<4x128xi32, #tpu.memory_space<vmem>> -> memref<1x128xi32, #tpu.memory_space<vmem>>
    %dma_wait3A_107 = tpu.memref_squeeze %dma_wait3A_106 : memref<1x128xi32, #tpu.memory_space<vmem>> -> memref<128xi32, #tpu.memory_space<vmem>>
    %dma_wait3A_108 = arith.constant 0 : i32
    %dma_wait3A_109 = arith.constant 0 : i32
    %dma_wait3A_110 = tpu.memref_slice %arg18[%dma_wait3A_108, %dma_wait3A_109] : memref<10240x128xf32, #tpu.memory_space<vmem_shared>> -> memref<10240x128xf32, #tpu.memory_space<vmem_shared>>
    tpu.wait_indirect_dma semaphore(%arg13 : memref<!tpu.dma_semaphore, #tpu.memory_space<semaphore_mem>>) src(%dma_wait3A_104 : memref<128x128xf32, #tpu.memory_space<vmem>>) dst(%dma_wait3A_110 : memref<10240x128xf32, #tpu.memory_space<vmem_shared>>)
    %barrier3A_111 = arith.constant 0 : index
    tpu.barrier barrier_id(%barrier3A_111)
    "tpu.region"() ({
      %run_scoped3A = tpu.sem_alloc : memref<!tpu.dma_semaphore, #tpu.memory_space<semaphore_mem>>
      %dma_start3A_112 = arith.constant 0 : i32
      %dma_start3A_113 = arith.constant 0 : i32
      %dma_start3A_114 = tpu.memref_slice %arg6[%arg0, %dma_start3A_112, %dma_start3A_113] : memref<2x10240x128xf32, #tpu.memory_space<hbm>> -> memref<1x10240x128xf32, #tpu.memory_space<hbm>>
      %dma_start3A_115 = tpu.memref_squeeze %dma_start3A_114 : memref<1x10240x128xf32, #tpu.memory_space<hbm>> -> memref<10240x128xf32, #tpu.memory_space<hbm>>
      %dma_start3A_116 = arith.constant 0 : i32
      %dma_start3A_117 = tpu.memref_slice %dma_start3A_115[%mul3A_9, %dma_start3A_116] : memref<10240x128xf32, #tpu.memory_space<hbm>> -> memref<640x128xf32, #tpu.memory_space<hbm>>
      %dma_start3A_118 = arith.constant 0 : i32
      %dma_start3A_119 = tpu.memref_slice %arg18[%mul3A_9, %dma_start3A_118] : memref<10240x128xf32, #tpu.memory_space<vmem_shared>> -> memref<640x128xf32, #tpu.memory_space<vmem_shared>>
      tpu.enqueue_dma source(%dma_start3A_119 : memref<640x128xf32, #tpu.memory_space<vmem_shared>>) target(%dma_start3A_117 : memref<640x128xf32, #tpu.memory_space<hbm>>) target_semaphore(%run_scoped3A : memref<!tpu.dma_semaphore, #tpu.memory_space<semaphore_mem>>)
      %dma_wait3A_120 = arith.constant 0 : i32
      %dma_wait3A_121 = arith.constant 0 : i32
      %dma_wait3A_122 = tpu.memref_slice %arg6[%arg0, %dma_wait3A_120, %dma_wait3A_121] : memref<2x10240x128xf32, #tpu.memory_space<hbm>> -> memref<1x10240x128xf32, #tpu.memory_space<hbm>>
      %dma_wait3A_123 = tpu.memref_squeeze %dma_wait3A_122 : memref<1x10240x128xf32, #tpu.memory_space<hbm>> -> memref<10240x128xf32, #tpu.memory_space<hbm>>
      %dma_wait3A_124 = arith.constant 0 : i32
      %dma_wait3A_125 = tpu.memref_slice %dma_wait3A_123[%mul3A_9, %dma_wait3A_124] : memref<10240x128xf32, #tpu.memory_space<hbm>> -> memref<640x128xf32, #tpu.memory_space<hbm>>
      %dma_wait3A_126 = arith.constant 0 : i32
      %dma_wait3A_127 = tpu.memref_slice %arg18[%mul3A_9, %dma_wait3A_126] : memref<10240x128xf32, #tpu.memory_space<vmem_shared>> -> memref<640x128xf32, #tpu.memory_space<vmem_shared>>
      tpu.wait_dma2 semaphore(%run_scoped3A : memref<!tpu.dma_semaphore, #tpu.memory_space<semaphore_mem>>) src(%dma_wait3A_127 : memref<640x128xf32, #tpu.memory_space<vmem_shared>>) dst(%dma_wait3A_125 : memref<640x128xf32, #tpu.memory_space<hbm>>)
      tpu.yield
    }) : () -> ()
    return
  }
}

#map = affine_map<(d0, d1) -> (0)>
module attributes {stable_mosaic.version = 14 : i64} {
  func.func @_deg_body(%arg0: i32, %arg1: i32, %arg2: memref<320000xi32, #tpu.memory_space<hbm>>, %arg3: memref<320000xi32, #tpu.memory_space<hbm>>, %arg4: memref<655360xf32, #tpu.memory_space<hbm>>, %arg5: memref<4x128xi32, #tpu.memory_space<vmem>>, %arg6: memref<4x128xi32, #tpu.memory_space<vmem>>, %arg7: memref<10240xf32, #tpu.memory_space<vmem>>, %arg8: memref<10240xf32, #tpu.memory_space<vmem>>, %arg9: memref<!tpu.dma_semaphore, #tpu.memory_space<semaphore_mem>>, %arg10: memref<!tpu.dma_semaphore, #tpu.memory_space<semaphore_mem>>, %arg11: memref<!tpu.dma_semaphore, #tpu.memory_space<semaphore_mem>>, %arg12: memref<!tpu.dma_semaphore, #tpu.memory_space<semaphore_mem>>) attributes {dimension_semantics = [#tpu.dimension_semantics<core_parallel>, #tpu.dimension_semantics<subcore_parallel>], iteration_bounds = array<i64: 2, 16>, scalar_prefetch = 0 : i64, scratch_operands = 8 : i64, tpu.core_type = #tpu.core_type<sc_vector_subcore>, window_params = [{transform_indices = #map}, {transform_indices = #map}, {transform_indices = #map}]} {
    %mul3A = arith.constant 16 : i32
    %mul3A_0 = arith.muli %arg0, %mul3A : i32
    %add3A = arith.addi %mul3A_0, %arg1 : i32
    %mul3A_1 = arith.constant 78 : i32
    %mul3A_2 = arith.muli %add3A, %mul3A_1 : i32
    %min3A = arith.constant 4 : i32
    %min3A_3 = arith.minsi %add3A, %min3A : i32
    %add3A_4 = arith.addi %mul3A_2, %min3A_3 : i32
    %lt3A = arith.constant 4 : i32
    %lt3A_5 = arith.cmpi slt, %add3A, %lt3A : i32
    %convert_element_type3A = arith.extui %lt3A_5 : i1 to i32
    %add3A_6 = arith.constant 78 : i32
    %add3A_7 = arith.addi %add3A_6, %convert_element_type3A : i32
    %mul3A_8 = arith.constant 16 : i32
    %mul3A_9 = arith.muli %arg0, %mul3A_8 : i32
    %add3A_10 = arith.addi %mul3A_9, %arg1 : i32
    %broadcast_in_dim3A = arith.constant 0.000000e+00 : f32
    %broadcast_in_dim3A_11 = vector.broadcast %broadcast_in_dim3A : f32 to vector<16xf32>
    %broadcast_in_dim3A_12 = arith.constant 1.000000e+00 : f32
    %broadcast_in_dim3A_13 = vector.broadcast %broadcast_in_dim3A_12 : f32 to vector<16xf32>
    %add3A_14 = arith.constant 0 : i32
    %add3A_15 = arith.addi %add3A_4, %add3A_14 : i32
    %mul3A_16 = arith.constant 128 : i32
    %mul3A_17 = arith.muli %add3A_15, %mul3A_16 : i32
    %dma_start3A = arith.constant 0 : i32
    %dma_start3A_18 = arith.constant 0 : i32
    %dma_start3A_19 = tpu.memref_slice %arg5[%dma_start3A, %dma_start3A_18] : memref<4x128xi32, #tpu.memory_space<vmem>> -> memref<1x128xi32, #tpu.memory_space<vmem>>
    %dma_start3A_20 = tpu.memref_squeeze %dma_start3A_19 : memref<1x128xi32, #tpu.memory_space<vmem>> -> memref<128xi32, #tpu.memory_space<vmem>>
    %dma_start3A_21 = tpu.memref_slice %arg2[%mul3A_17] : memref<320000xi32, #tpu.memory_space<hbm>> -> memref<128xi32, #tpu.memory_space<hbm>>
    %dma_start3A_22 = arith.constant 0 : i32
    %dma_start3A_23 = tpu.memref_slice %arg5[%dma_start3A, %dma_start3A_22] : memref<4x128xi32, #tpu.memory_space<vmem>> -> memref<1x128xi32, #tpu.memory_space<vmem>>
    %dma_start3A_24 = tpu.memref_squeeze %dma_start3A_23 : memref<1x128xi32, #tpu.memory_space<vmem>> -> memref<128xi32, #tpu.memory_space<vmem>>
    %dma_start3A_25 = tpu.memref_slice %arg2[%mul3A_17] : memref<320000xi32, #tpu.memory_space<hbm>> -> memref<128xi32, #tpu.memory_space<hbm>>
    tpu.enqueue_dma source(%dma_start3A_25 : memref<128xi32, #tpu.memory_space<hbm>>) target(%dma_start3A_24 : memref<128xi32, #tpu.memory_space<vmem>>) target_semaphore(%arg9 : memref<!tpu.dma_semaphore, #tpu.memory_space<semaphore_mem>>)
    %add3A_26 = arith.constant 0 : i32
    %add3A_27 = arith.addi %add3A_4, %add3A_26 : i32
    %mul3A_28 = arith.constant 128 : i32
    %mul3A_29 = arith.muli %add3A_27, %mul3A_28 : i32
    %dma_start3A_30 = arith.constant 0 : i32
    %dma_start3A_31 = arith.constant 0 : i32
    %dma_start3A_32 = tpu.memref_slice %arg6[%dma_start3A_30, %dma_start3A_31] : memref<4x128xi32, #tpu.memory_space<vmem>> -> memref<1x128xi32, #tpu.memory_space<vmem>>
    %dma_start3A_33 = tpu.memref_squeeze %dma_start3A_32 : memref<1x128xi32, #tpu.memory_space<vmem>> -> memref<128xi32, #tpu.memory_space<vmem>>
    %dma_start3A_34 = tpu.memref_slice %arg3[%mul3A_29] : memref<320000xi32, #tpu.memory_space<hbm>> -> memref<128xi32, #tpu.memory_space<hbm>>
    %dma_start3A_35 = arith.constant 0 : i32
    %dma_start3A_36 = tpu.memref_slice %arg6[%dma_start3A_30, %dma_start3A_35] : memref<4x128xi32, #tpu.memory_space<vmem>> -> memref<1x128xi32, #tpu.memory_space<vmem>>
    %dma_start3A_37 = tpu.memref_squeeze %dma_start3A_36 : memref<1x128xi32, #tpu.memory_space<vmem>> -> memref<128xi32, #tpu.memory_space<vmem>>
    %dma_start3A_38 = tpu.memref_slice %arg3[%mul3A_29] : memref<320000xi32, #tpu.memory_space<hbm>> -> memref<128xi32, #tpu.memory_space<hbm>>
    tpu.enqueue_dma source(%dma_start3A_38 : memref<128xi32, #tpu.memory_space<hbm>>) target(%dma_start3A_37 : memref<128xi32, #tpu.memory_space<vmem>>) target_semaphore(%arg9 : memref<!tpu.dma_semaphore, #tpu.memory_space<semaphore_mem>>)
    %add3A_39 = arith.constant 1 : i32
    %add3A_40 = arith.addi %add3A_4, %add3A_39 : i32
    %mul3A_41 = arith.constant 128 : i32
    %mul3A_42 = arith.muli %add3A_40, %mul3A_41 : i32
    %dma_start3A_43 = arith.constant 1 : i32
    %dma_start3A_44 = arith.constant 0 : i32
    %dma_start3A_45 = tpu.memref_slice %arg5[%dma_start3A_43, %dma_start3A_44] : memref<4x128xi32, #tpu.memory_space<vmem>> -> memref<1x128xi32, #tpu.memory_space<vmem>>
    %dma_start3A_46 = tpu.memref_squeeze %dma_start3A_45 : memref<1x128xi32, #tpu.memory_space<vmem>> -> memref<128xi32, #tpu.memory_space<vmem>>
    %dma_start3A_47 = tpu.memref_slice %arg2[%mul3A_42] : memref<320000xi32, #tpu.memory_space<hbm>> -> memref<128xi32, #tpu.memory_space<hbm>>
    %dma_start3A_48 = arith.constant 0 : i32
    %dma_start3A_49 = tpu.memref_slice %arg5[%dma_start3A_43, %dma_start3A_48] : memref<4x128xi32, #tpu.memory_space<vmem>> -> memref<1x128xi32, #tpu.memory_space<vmem>>
    %dma_start3A_50 = tpu.memref_squeeze %dma_start3A_49 : memref<1x128xi32, #tpu.memory_space<vmem>> -> memref<128xi32, #tpu.memory_space<vmem>>
    %dma_start3A_51 = tpu.memref_slice %arg2[%mul3A_42] : memref<320000xi32, #tpu.memory_space<hbm>> -> memref<128xi32, #tpu.memory_space<hbm>>
    tpu.enqueue_dma source(%dma_start3A_51 : memref<128xi32, #tpu.memory_space<hbm>>) target(%dma_start3A_50 : memref<128xi32, #tpu.memory_space<vmem>>) target_semaphore(%arg10 : memref<!tpu.dma_semaphore, #tpu.memory_space<semaphore_mem>>)
    %add3A_52 = arith.constant 1 : i32
    %add3A_53 = arith.addi %add3A_4, %add3A_52 : i32
    %mul3A_54 = arith.constant 128 : i32
    %mul3A_55 = arith.muli %add3A_53, %mul3A_54 : i32
    %dma_start3A_56 = arith.constant 1 : i32
    %dma_start3A_57 = arith.constant 0 : i32
    %dma_start3A_58 = tpu.memref_slice %arg6[%dma_start3A_56, %dma_start3A_57] : memref<4x128xi32, #tpu.memory_space<vmem>> -> memref<1x128xi32, #tpu.memory_space<vmem>>
    %dma_start3A_59 = tpu.memref_squeeze %dma_start3A_58 : memref<1x128xi32, #tpu.memory_space<vmem>> -> memref<128xi32, #tpu.memory_space<vmem>>
    %dma_start3A_60 = tpu.memref_slice %arg3[%mul3A_55] : memref<320000xi32, #tpu.memory_space<hbm>> -> memref<128xi32, #tpu.memory_space<hbm>>
    %dma_start3A_61 = arith.constant 0 : i32
    %dma_start3A_62 = tpu.memref_slice %arg6[%dma_start3A_56, %dma_start3A_61] : memref<4x128xi32, #tpu.memory_space<vmem>> -> memref<1x128xi32, #tpu.memory_space<vmem>>
    %dma_start3A_63 = tpu.memref_squeeze %dma_start3A_62 : memref<1x128xi32, #tpu.memory_space<vmem>> -> memref<128xi32, #tpu.memory_space<vmem>>
    %dma_start3A_64 = tpu.memref_slice %arg3[%mul3A_55] : memref<320000xi32, #tpu.memory_space<hbm>> -> memref<128xi32, #tpu.memory_space<hbm>>
    tpu.enqueue_dma source(%dma_start3A_64 : memref<128xi32, #tpu.memory_space<hbm>>) target(%dma_start3A_63 : memref<128xi32, #tpu.memory_space<vmem>>) target_semaphore(%arg10 : memref<!tpu.dma_semaphore, #tpu.memory_space<semaphore_mem>>)
    %scan3A = arith.constant 0 : i32
    %scan3A_65 = arith.constant 0 : i32
    %scan3A_66 = arith.constant 640 : i32
    %scan3A_67 = arith.addi %scan3A_65, %scan3A_66 : i32
    %scan3A_68 = arith.constant 1 : i32
    scf.for %scan3A_103 = %scan3A_65 to %scan3A_67 step %scan3A_68  : i32 {
      %mul3A_104 = arith.constant 16 : i32
      %mul3A_105 = arith.muli %scan3A_103, %mul3A_104 : i32
      %swap3A = arith.index_cast %mul3A_105 : i32 to index
      %swap3A_106 = tpu.vector_load %arg7[%swap3A] {strides = array<i32>} : memref<10240xf32, #tpu.memory_space<vmem>>, vector<16xf32>,
      tpu.vector_store %arg7[%swap3A], %broadcast_in_dim3A_11 {strides = array<i32>} : memref<10240xf32, #tpu.memory_space<vmem>>, vector<16xf32>,
      %mul3A_107 = arith.constant 16 : i32
      %mul3A_108 = arith.muli %scan3A_103, %mul3A_107 : i32
      %swap3A_109 = arith.index_cast %mul3A_108 : i32 to index
      %swap3A_110 = tpu.vector_load %arg8[%swap3A_109] {strides = array<i32>} : memref<10240xf32, #tpu.memory_space<vmem>>, vector<16xf32>,
      tpu.vector_store %arg8[%swap3A_109], %broadcast_in_dim3A_11 {strides = array<i32>} : memref<10240xf32, #tpu.memory_space<vmem>>, vector<16xf32>,
    }
    %scan3A_69 = arith.constant 640 : i32
    %add3A_70 = arith.constant 4 : i32
    %add3A_71 = arith.addi %add3A_7, %add3A_70 : i32
    %jit3A = arith.constant 4 : i32
    %div3A = arith.divsi %add3A_71, %jit3A : i32
    %sign3A = arith.constant 0 : i32
    %sign3A_72 = arith.cmpi sgt, %add3A_71, %sign3A : i32
    %sign3A_73 = arith.extui %sign3A_72 : i1 to i32
    %sign3A_74 = arith.constant 0 : i32
    %sign3A_75 = arith.cmpi slt, %add3A_71, %sign3A_74 : i32
    %sign3A_76 = arith.extui %sign3A_75 : i1 to i32
    %sign3A_77 = arith.subi %sign3A_73, %sign3A_76 : i32
    %sign3A_78 = arith.constant 0 : i32
    %sign3A_79 = arith.cmpi sgt, %jit3A, %sign3A_78 : i32
    %sign3A_80 = arith.extui %sign3A_79 : i1 to i32
    %sign3A_81 = arith.constant 0 : i32
    %sign3A_82 = arith.cmpi slt, %jit3A, %sign3A_81 : i32
    %sign3A_83 = arith.extui %sign3A_82 : i1 to i32
    %sign3A_84 = arith.subi %sign3A_80, %sign3A_83 : i32
    %ne3A = arith.cmpi ne, %sign3A_77, %sign3A_84 : i32
    %rem3A = arith.remsi %add3A_71, %jit3A : i32
    %ne3A_85 = arith.constant 0 : i32
    %ne3A_86 = arith.cmpi ne, %rem3A, %ne3A_85 : i32
    %and3A = arith.andi %ne3A, %ne3A_86 : i1
    %sub3A = arith.constant 1 : i32
    %sub3A_87 = arith.subi %div3A, %sub3A : i32
    %select_n3A = arith.select %and3A, %sub3A_87, %div3A : i32
    %while3A = arith.constant 0 : i32
    %while3A_88 = arith.constant 0 : i32
    %while3A_89 = arith.subi %select_n3A, %while3A_88 : i32
    %while3A_90 = arith.addi %while3A_88, %while3A_89 : i32
    %while3A_91 = arith.constant 1 : i32
    %while3A_92 = arith.divsi %while3A_89, %while3A_91 : i32
    %while3A_93 = arith.muli %while3A_92, %while3A_91 : i32
    %while3A_94 = arith.addi %while3A_88, %while3A_93 : i32
    %while3A_95 = arith.constant 1 : i32
    scf.for %while3A_103 = %while3A_88 to %while3A_94 step %while3A_95  : i32 {
      %mul3A_104 = arith.constant 4 : i32
      %mul3A_105 = arith.muli %while3A_103, %mul3A_104 : i32
      %add3A_106 = arith.constant 0 : i32
      %add3A_107 = arith.addi %mul3A_105, %add3A_106 : i32
      %lt3A_108 = arith.cmpi slt, %add3A_107, %add3A_7 : i32
      %convert_element_type3A_109 = arith.extui %lt3A_108 : i1 to i32
      %cond3A = arith.constant 0 : i32
      %cond3A_110 = arith.cmpi ne, %convert_element_type3A_109, %cond3A : i32
      scf.if %cond3A_110 {
        %add3A_135 = arith.addi %add3A_4, %add3A_107 : i32
        %mul3A_136 = arith.constant 128 : i32
        %mul3A_137 = arith.muli %add3A_135, %mul3A_136 : i32
        %dma_wait3A = arith.constant 0 : i32
        %dma_wait3A_138 = arith.constant 0 : i32
        %dma_wait3A_139 = tpu.memref_slice %arg5[%dma_wait3A, %dma_wait3A_138] : memref<4x128xi32, #tpu.memory_space<vmem>> -> memref<1x128xi32, #tpu.memory_space<vmem>>
        %dma_wait3A_140 = tpu.memref_squeeze %dma_wait3A_139 : memref<1x128xi32, #tpu.memory_space<vmem>> -> memref<128xi32, #tpu.memory_space<vmem>>
        %dma_wait3A_141 = tpu.memref_slice %arg2[%mul3A_137] : memref<320000xi32, #tpu.memory_space<hbm>> -> memref<128xi32, #tpu.memory_space<hbm>>
        %dma_wait3A_142 = arith.constant 0 : i32
        %dma_wait3A_143 = tpu.memref_slice %arg5[%dma_wait3A, %dma_wait3A_142] : memref<4x128xi32, #tpu.memory_space<vmem>> -> memref<1x128xi32, #tpu.memory_space<vmem>>
        %dma_wait3A_144 = tpu.memref_squeeze %dma_wait3A_143 : memref<1x128xi32, #tpu.memory_space<vmem>> -> memref<128xi32, #tpu.memory_space<vmem>>
        %dma_wait3A_145 = tpu.memref_slice %arg2[%mul3A_137] : memref<320000xi32, #tpu.memory_space<hbm>> -> memref<128xi32, #tpu.memory_space<hbm>>
        tpu.wait_dma2 semaphore(%arg9 : memref<!tpu.dma_semaphore, #tpu.memory_space<semaphore_mem>>) src(%dma_wait3A_145 : memref<128xi32, #tpu.memory_space<hbm>>) dst(%dma_wait3A_144 : memref<128xi32, #tpu.memory_space<vmem>>)
        %add3A_146 = arith.addi %add3A_4, %add3A_107 : i32
        %mul3A_147 = arith.constant 128 : i32
        %mul3A_148 = arith.muli %add3A_146, %mul3A_147 : i32
        %dma_wait3A_149 = arith.constant 0 : i32
        %dma_wait3A_150 = arith.constant 0 : i32
        %dma_wait3A_151 = tpu.memref_slice %arg6[%dma_wait3A_149, %dma_wait3A_150] : memref<4x128xi32, #tpu.memory_space<vmem>> -> memref<1x128xi32, #tpu.memory_space<vmem>>
        %dma_wait3A_152 = tpu.memref_squeeze %dma_wait3A_151 : memref<1x128xi32, #tpu.memory_space<vmem>> -> memref<128xi32, #tpu.memory_space<vmem>>
        %dma_wait3A_153 = tpu.memref_slice %arg3[%mul3A_148] : memref<320000xi32, #tpu.memory_space<hbm>> -> memref<128xi32, #tpu.memory_space<hbm>>
        %dma_wait3A_154 = arith.constant 0 : i32
        %dma_wait3A_155 = tpu.memref_slice %arg6[%dma_wait3A_149, %dma_wait3A_154] : memref<4x128xi32, #tpu.memory_space<vmem>> -> memref<1x128xi32, #tpu.memory_space<vmem>>
        %dma_wait3A_156 = tpu.memref_squeeze %dma_wait3A_155 : memref<1x128xi32, #tpu.memory_space<vmem>> -> memref<128xi32, #tpu.memory_space<vmem>>
        %dma_wait3A_157 = tpu.memref_slice %arg3[%mul3A_148] : memref<320000xi32, #tpu.memory_space<hbm>> -> memref<128xi32, #tpu.memory_space<hbm>>
        tpu.wait_dma2 semaphore(%arg9 : memref<!tpu.dma_semaphore, #tpu.memory_space<semaphore_mem>>) src(%dma_wait3A_157 : memref<128xi32, #tpu.memory_space<hbm>>) dst(%dma_wait3A_156 : memref<128xi32, #tpu.memory_space<vmem>>)
        %add3A_158 = arith.constant 2 : i32
        %add3A_159 = arith.addi %add3A_107, %add3A_158 : i32
        %lt3A_160 = arith.cmpi slt, %add3A_159, %add3A_7 : i32
        %convert_element_type3A_161 = arith.extui %lt3A_160 : i1 to i32
        %cond3A_162 = arith.constant 0 : i32
        %cond3A_163 = arith.cmpi ne, %convert_element_type3A_161, %cond3A_162 : i32
        scf.if %cond3A_163 {
          %add3A_227 = arith.constant 2 : i32
          %add3A_228 = arith.addi %add3A_107, %add3A_227 : i32
          %add3A_229 = arith.addi %add3A_4, %add3A_228 : i32
          %mul3A_230 = arith.constant 128 : i32
          %mul3A_231 = arith.muli %add3A_229, %mul3A_230 : i32
          %dma_start3A_232 = arith.constant 2 : i32
          %dma_start3A_233 = arith.constant 0 : i32
          %dma_start3A_234 = tpu.memref_slice %arg5[%dma_start3A_232, %dma_start3A_233] : memref<4x128xi32, #tpu.memory_space<vmem>> -> memref<1x128xi32, #tpu.memory_space<vmem>>
          %dma_start3A_235 = tpu.memref_squeeze %dma_start3A_234 : memref<1x128xi32, #tpu.memory_space<vmem>> -> memref<128xi32, #tpu.memory_space<vmem>>
          %dma_start3A_236 = tpu.memref_slice %arg2[%mul3A_231] : memref<320000xi32, #tpu.memory_space<hbm>> -> memref<128xi32, #tpu.memory_space<hbm>>
          %dma_start3A_237 = arith.constant 0 : i32
          %dma_start3A_238 = tpu.memref_slice %arg5[%dma_start3A_232, %dma_start3A_237] : memref<4x128xi32, #tpu.memory_space<vmem>> -> memref<1x128xi32, #tpu.memory_space<vmem>>
          %dma_start3A_239 = tpu.memref_squeeze %dma_start3A_238 : memref<1x128xi32, #tpu.memory_space<vmem>> -> memref<128xi32, #tpu.memory_space<vmem>>
          %dma_start3A_240 = tpu.memref_slice %arg2[%mul3A_231] : memref<320000xi32, #tpu.memory_space<hbm>> -> memref<128xi32, #tpu.memory_space<hbm>>
          tpu.enqueue_dma source(%dma_start3A_240 : memref<128xi32, #tpu.memory_space<hbm>>) target(%dma_start3A_239 : memref<128xi32, #tpu.memory_space<vmem>>) target_semaphore(%arg11 : memref<!tpu.dma_semaphore, #tpu.memory_space<semaphore_mem>>)
          %add3A_241 = arith.addi %add3A_4, %add3A_228 : i32
          %mul3A_242 = arith.constant 128 : i32
          %mul3A_243 = arith.muli %add3A_241, %mul3A_242 : i32
          %dma_start3A_244 = arith.constant 2 : i32
          %dma_start3A_245 = arith.constant 0 : i32
          %dma_start3A_246 = tpu.memref_slice %arg6[%dma_start3A_244, %dma_start3A_245] : memref<4x128xi32, #tpu.memory_space<vmem>> -> memref<1x128xi32, #tpu.memory_space<vmem>>
          %dma_start3A_247 = tpu.memref_squeeze %dma_start3A_246 : memref<1x128xi32, #tpu.memory_space<vmem>> -> memref<128xi32, #tpu.memory_space<vmem>>
          %dma_start3A_248 = tpu.memref_slice %arg3[%mul3A_243] : memref<320000xi32, #tpu.memory_space<hbm>> -> memref<128xi32, #tpu.memory_space<hbm>>
          %dma_start3A_249 = arith.constant 0 : i32
          %dma_start3A_250 = tpu.memref_slice %arg6[%dma_start3A_244, %dma_start3A_249] : memref<4x128xi32, #tpu.memory_space<vmem>> -> memref<1x128xi32, #tpu.memory_space<vmem>>
          %dma_start3A_251 = tpu.memref_squeeze %dma_start3A_250 : memref<1x128xi32, #tpu.memory_space<vmem>> -> memref<128xi32, #tpu.memory_space<vmem>>
          %dma_start3A_252 = tpu.memref_slice %arg3[%mul3A_243] : memref<320000xi32, #tpu.memory_space<hbm>> -> memref<128xi32, #tpu.memory_space<hbm>>
          tpu.enqueue_dma source(%dma_start3A_252 : memref<128xi32, #tpu.memory_space<hbm>>) target(%dma_start3A_251 : memref<128xi32, #tpu.memory_space<vmem>>) target_semaphore(%arg11 : memref<!tpu.dma_semaphore, #tpu.memory_space<semaphore_mem>>)
        } else {
        }
        %get3A = arith.constant 0 : i32
        %get3A_164 = arith.index_cast %get3A : i32 to index
        %get3A_165 = arith.constant 0 : index
        %get3A_166 = tpu.vector_load %arg5[%get3A_164, %get3A_165] {strides = array<i32>} : memref<4x128xi32, #tpu.memory_space<vmem>>, vector<16xi32>,
        %get3A_167 = arith.constant 0 : i32
        %get3A_168 = arith.index_cast %get3A_167 : i32 to index
        %get3A_169 = arith.constant 0 : index
        %get3A_170 = tpu.vector_load %arg6[%get3A_168, %get3A_169] {strides = array<i32>} : memref<4x128xi32, #tpu.memory_space<vmem>>, vector<16xi32>,
        tpu.vector_store_idx %arg7[%get3A_166], %broadcast_in_dim3A_13 {add = true} : memref<10240xf32, #tpu.memory_space<vmem>>[vector<16xi32>], vector<16xf32>,
        tpu.vector_store_idx %arg8[%get3A_170], %broadcast_in_dim3A_13 {add = true} : memref<10240xf32, #tpu.memory_space<vmem>>[vector<16xi32>], vector<16xf32>,
        %get3A_171 = arith.constant 0 : i32
        %get3A_172 = arith.index_cast %get3A_171 : i32 to index
        %get3A_173 = arith.constant 16 : index
        %get3A_174 = tpu.vector_load %arg5[%get3A_172, %get3A_173] {strides = array<i32>} : memref<4x128xi32, #tpu.memory_space<vmem>>, vector<16xi32>,
        %get3A_175 = arith.constant 0 : i32
        %get3A_176 = arith.index_cast %get3A_175 : i32 to index
        %get3A_177 = arith.constant 16 : index
        %get3A_178 = tpu.vector_load %arg6[%get3A_176, %get3A_177] {strides = array<i32>} : memref<4x128xi32, #tpu.memory_space<vmem>>, vector<16xi32>,
        tpu.vector_store_idx %arg7[%get3A_174], %broadcast_in_dim3A_13 {add = true} : memref<10240xf32, #tpu.memory_space<vmem>>[vector<16xi32>], vector<16xf32>,
        tpu.vector_store_idx %arg8[%get3A_178], %broadcast_in_dim3A_13 {add = true} : memref<10240xf32, #tpu.memory_space<vmem>>[vector<16xi32>], vector<16xf32>,
        %get3A_179 = arith.constant 0 : i32
        %get3A_180 = arith.index_cast %get3A_179 : i32 to index
        %get3A_181 = arith.constant 32 : index
        %get3A_182 = tpu.vector_load %arg5[%get3A_180, %get3A_181] {strides = array<i32>} : memref<4x128xi32, #tpu.memory_space<vmem>>, vector<16xi32>,
        %get3A_183 = arith.constant 0 : i32
        %get3A_184 = arith.index_cast %get3A_183 : i32 to index
        %get3A_185 = arith.constant 32 : index
        %get3A_186 = tpu.vector_load %arg6[%get3A_184, %get3A_185] {strides = array<i32>} : memref<4x128xi32, #tpu.memory_space<vmem>>, vector<16xi32>,
        tpu.vector_store_idx %arg7[%get3A_182], %broadcast_in_dim3A_13 {add = true} : memref<10240xf32, #tpu.memory_space<vmem>>[vector<16xi32>], vector<16xf32>,
        tpu.vector_store_idx %arg8[%get3A_186], %broadcast_in_dim3A_13 {add = true} : memref<10240xf32, #tpu.memory_space<vmem>>[vector<16xi32>], vector<16xf32>,
        %get3A_187 = arith.constant 0 : i32
        %get3A_188 = arith.index_cast %get3A_187 : i32 to index
        %get3A_189 = arith.constant 48 : index
        %get3A_190 = tpu.vector_load %arg5[%get3A_188, %get3A_189] {strides = array<i32>} : memref<4x128xi32, #tpu.memory_space<vmem>>, vector<16xi32>,
        %get3A_191 = arith.constant 0 : i32
        %get3A_192 = arith.index_cast %get3A_191 : i32 to index
        %get3A_193 = arith.constant 48 : index
        %get3A_194 = tpu.vector_load %arg6[%get3A_192, %get3A_193] {strides = array<i32>} : memref<4x128xi32, #tpu.memory_space<vmem>>, vector<16xi32>,
        tpu.vector_store_idx %arg7[%get3A_190], %broadcast_in_dim3A_13 {add = true} : memref<10240xf32, #tpu.memory_space<vmem>>[vector<16xi32>], vector<16xf32>,
        tpu.vector_store_idx %arg8[%get3A_194], %broadcast_in_dim3A_13 {add = true} : memref<10240xf32, #tpu.memory_space<vmem>>[vector<16xi32>], vector<16xf32>,
        %get3A_195 = arith.constant 0 : i32
        %get3A_196 = arith.index_cast %get3A_195 : i32 to index
        %get3A_197 = arith.constant 64 : index
        %get3A_198 = tpu.vector_load %arg5[%get3A_196, %get3A_197] {strides = array<i32>} : memref<4x128xi32, #tpu.memory_space<vmem>>, vector<16xi32>,
        %get3A_199 = arith.constant 0 : i32
        %get3A_200 = arith.index_cast %get3A_199 : i32 to index
        %get3A_201 = arith.constant 64 : index
        %get3A_202 = tpu.vector_load %arg6[%get3A_200, %get3A_201] {strides = array<i32>} : memref<4x128xi32, #tpu.memory_space<vmem>>, vector<16xi32>,
        tpu.vector_store_idx %arg7[%get3A_198], %broadcast_in_dim3A_13 {add = true} : memref<10240xf32, #tpu.memory_space<vmem>>[vector<16xi32>], vector<16xf32>,
        tpu.vector_store_idx %arg8[%get3A_202], %broadcast_in_dim3A_13 {add = true} : memref<10240xf32, #tpu.memory_space<vmem>>[vector<16xi32>], vector<16xf32>,
        %get3A_203 = arith.constant 0 : i32
        %get3A_204 = arith.index_cast %get3A_203 : i32 to index
        %get3A_205 = arith.constant 80 : index
        %get3A_206 = tpu.vector_load %arg5[%get3A_204, %get3A_205] {strides = array<i32>} : memref<4x128xi32, #tpu.memory_space<vmem>>, vector<16xi32>,
        %get3A_207 = arith.constant 0 : i32
        %get3A_208 = arith.index_cast %get3A_207 : i32 to index
        %get3A_209 = arith.constant 80 : index
        %get3A_210 = tpu.vector_load %arg6[%get3A_208, %get3A_209] {strides = array<i32>} : memref<4x128xi32, #tpu.memory_space<vmem>>, vector<16xi32>,
        tpu.vector_store_idx %arg7[%get3A_206], %broadcast_in_dim3A_13 {add = true} : memref<10240xf32, #tpu.memory_space<vmem>>[vector<16xi32>], vector<16xf32>,
        tpu.vector_store_idx %arg8[%get3A_210], %broadcast_in_dim3A_13 {add = true} : memref<10240xf32, #tpu.memory_space<vmem>>[vector<16xi32>], vector<16xf32>,
        %get3A_211 = arith.constant 0 : i32
        %get3A_212 = arith.index_cast %get3A_211 : i32 to index
        %get3A_213 = arith.constant 96 : index
        %get3A_214 = tpu.vector_load %arg5[%get3A_212, %get3A_213] {strides = array<i32>} : memref<4x128xi32, #tpu.memory_space<vmem>>, vector<16xi32>,
        %get3A_215 = arith.constant 0 : i32
        %get3A_216 = arith.index_cast %get3A_215 : i32 to index
        %get3A_217 = arith.constant 96 : index
        %get3A_218 = tpu.vector_load %arg6[%get3A_216, %get3A_217] {strides = array<i32>} : memref<4x128xi32, #tpu.memory_space<vmem>>, vector<16xi32>,
        tpu.vector_store_idx %arg7[%get3A_214], %broadcast_in_dim3A_13 {add = true} : memref<10240xf32, #tpu.memory_space<vmem>>[vector<16xi32>], vector<16xf32>,
        tpu.vector_store_idx %arg8[%get3A_218], %broadcast_in_dim3A_13 {add = true} : memref<10240xf32, #tpu.memory_space<vmem>>[vector<16xi32>], vector<16xf32>,
        %get3A_219 = arith.constant 0 : i32
        %get3A_220 = arith.index_cast %get3A_219 : i32 to index
        %get3A_221 = arith.constant 112 : index
        %get3A_222 = tpu.vector_load %arg5[%get3A_220, %get3A_221] {strides = array<i32>} : memref<4x128xi32, #tpu.memory_space<vmem>>, vector<16xi32>,
        %get3A_223 = arith.constant 0 : i32
        %get3A_224 = arith.index_cast %get3A_223 : i32 to index
        %get3A_225 = arith.constant 112 : index
        %get3A_226 = tpu.vector_load %arg6[%get3A_224, %get3A_225] {strides = array<i32>} : memref<4x128xi32, #tpu.memory_space<vmem>>, vector<16xi32>,
        tpu.vector_store_idx %arg7[%get3A_222], %broadcast_in_dim3A_13 {add = true} : memref<10240xf32, #tpu.memory_space<vmem>>[vector<16xi32>], vector<16xf32>,
        tpu.vector_store_idx %arg8[%get3A_226], %broadcast_in_dim3A_13 {add = true} : memref<10240xf32, #tpu.memory_space<vmem>>[vector<16xi32>], vector<16xf32>,
      } else {
      }
      %mul3A_111 = arith.constant 4 : i32
      %mul3A_112 = arith.muli %while3A_103, %mul3A_111 : i32
      %add3A_113 = arith.constant 1 : i32
      %add3A_114 = arith.addi %mul3A_112, %add3A_113 : i32
      %lt3A_115 = arith.cmpi slt, %add3A_114, %add3A_7 : i32
      %convert_element_type3A_116 = arith.extui %lt3A_115 : i1 to i32
      %cond3A_117 = arith.constant 0 : i32
      %cond3A_118 = arith.cmpi ne, %convert_element_type3A_116, %cond3A_117 : i32
      scf.if %cond3A_118 {
        %add3A_135 = arith.addi %add3A_4, %add3A_114 : i32
        %mul3A_136 = arith.constant 128 : i32
        %mul3A_137 = arith.muli %add3A_135, %mul3A_136 : i32
        %dma_wait3A = arith.constant 1 : i32
        %dma_wait3A_138 = arith.constant 0 : i32
        %dma_wait3A_139 = tpu.memref_slice %arg5[%dma_wait3A, %dma_wait3A_138] : memref<4x128xi32, #tpu.memory_space<vmem>> -> memref<1x128xi32, #tpu.memory_space<vmem>>
        %dma_wait3A_140 = tpu.memref_squeeze %dma_wait3A_139 : memref<1x128xi32, #tpu.memory_space<vmem>> -> memref<128xi32, #tpu.memory_space<vmem>>
        %dma_wait3A_141 = tpu.memref_slice %arg2[%mul3A_137] : memref<320000xi32, #tpu.memory_space<hbm>> -> memref<128xi32, #tpu.memory_space<hbm>>
        %dma_wait3A_142 = arith.constant 0 : i32
        %dma_wait3A_143 = tpu.memref_slice %arg5[%dma_wait3A, %dma_wait3A_142] : memref<4x128xi32, #tpu.memory_space<vmem>> -> memref<1x128xi32, #tpu.memory_space<vmem>>
        %dma_wait3A_144 = tpu.memref_squeeze %dma_wait3A_143 : memref<1x128xi32, #tpu.memory_space<vmem>> -> memref<128xi32, #tpu.memory_space<vmem>>
        %dma_wait3A_145 = tpu.memref_slice %arg2[%mul3A_137] : memref<320000xi32, #tpu.memory_space<hbm>> -> memref<128xi32, #tpu.memory_space<hbm>>
        tpu.wait_dma2 semaphore(%arg10 : memref<!tpu.dma_semaphore, #tpu.memory_space<semaphore_mem>>) src(%dma_wait3A_145 : memref<128xi32, #tpu.memory_space<hbm>>) dst(%dma_wait3A_144 : memref<128xi32, #tpu.memory_space<vmem>>)
        %add3A_146 = arith.addi %add3A_4, %add3A_114 : i32
        %mul3A_147 = arith.constant 128 : i32
        %mul3A_148 = arith.muli %add3A_146, %mul3A_147 : i32
        %dma_wait3A_149 = arith.constant 1 : i32
        %dma_wait3A_150 = arith.constant 0 : i32
        %dma_wait3A_151 = tpu.memref_slice %arg6[%dma_wait3A_149, %dma_wait3A_150] : memref<4x128xi32, #tpu.memory_space<vmem>> -> memref<1x128xi32, #tpu.memory_space<vmem>>
        %dma_wait3A_152 = tpu.memref_squeeze %dma_wait3A_151 : memref<1x128xi32, #tpu.memory_space<vmem>> -> memref<128xi32, #tpu.memory_space<vmem>>
        %dma_wait3A_153 = tpu.memref_slice %arg3[%mul3A_148] : memref<320000xi32, #tpu.memory_space<hbm>> -> memref<128xi32, #tpu.memory_space<hbm>>
        %dma_wait3A_154 = arith.constant 0 : i32
        %dma_wait3A_155 = tpu.memref_slice %arg6[%dma_wait3A_149, %dma_wait3A_154] : memref<4x128xi32, #tpu.memory_space<vmem>> -> memref<1x128xi32, #tpu.memory_space<vmem>>
        %dma_wait3A_156 = tpu.memref_squeeze %dma_wait3A_155 : memref<1x128xi32, #tpu.memory_space<vmem>> -> memref<128xi32, #tpu.memory_space<vmem>>
        %dma_wait3A_157 = tpu.memref_slice %arg3[%mul3A_148] : memref<320000xi32, #tpu.memory_space<hbm>> -> memref<128xi32, #tpu.memory_space<hbm>>
        tpu.wait_dma2 semaphore(%arg10 : memref<!tpu.dma_semaphore, #tpu.memory_space<semaphore_mem>>) src(%dma_wait3A_157 : memref<128xi32, #tpu.memory_space<hbm>>) dst(%dma_wait3A_156 : memref<128xi32, #tpu.memory_space<vmem>>)
        %add3A_158 = arith.constant 2 : i32
        %add3A_159 = arith.addi %add3A_114, %add3A_158 : i32
        %lt3A_160 = arith.cmpi slt, %add3A_159, %add3A_7 : i32
        %convert_element_type3A_161 = arith.extui %lt3A_160 : i1 to i32
        %cond3A_162 = arith.constant 0 : i32
        %cond3A_163 = arith.cmpi ne, %convert_element_type3A_161, %cond3A_162 : i32
        scf.if %cond3A_163 {
          %add3A_227 = arith.constant 2 : i32
          %add3A_228 = arith.addi %add3A_114, %add3A_227 : i32
          %add3A_229 = arith.addi %add3A_4, %add3A_228 : i32
          %mul3A_230 = arith.constant 128 : i32
          %mul3A_231 = arith.muli %add3A_229, %mul3A_230 : i32
          %dma_start3A_232 = arith.constant 3 : i32
          %dma_start3A_233 = arith.constant 0 : i32
          %dma_start3A_234 = tpu.memref_slice %arg5[%dma_start3A_232, %dma_start3A_233] : memref<4x128xi32, #tpu.memory_space<vmem>> -> memref<1x128xi32, #tpu.memory_space<vmem>>
          %dma_start3A_235 = tpu.memref_squeeze %dma_start3A_234 : memref<1x128xi32, #tpu.memory_space<vmem>> -> memref<128xi32, #tpu.memory_space<vmem>>
          %dma_start3A_236 = tpu.memref_slice %arg2[%mul3A_231] : memref<320000xi32, #tpu.memory_space<hbm>> -> memref<128xi32, #tpu.memory_space<hbm>>
          %dma_start3A_237 = arith.constant 0 : i32
          %dma_start3A_238 = tpu.memref_slice %arg5[%dma_start3A_232, %dma_start3A_237] : memref<4x128xi32, #tpu.memory_space<vmem>> -> memref<1x128xi32, #tpu.memory_space<vmem>>
          %dma_start3A_239 = tpu.memref_squeeze %dma_start3A_238 : memref<1x128xi32, #tpu.memory_space<vmem>> -> memref<128xi32, #tpu.memory_space<vmem>>
          %dma_start3A_240 = tpu.memref_slice %arg2[%mul3A_231] : memref<320000xi32, #tpu.memory_space<hbm>> -> memref<128xi32, #tpu.memory_space<hbm>>
          tpu.enqueue_dma source(%dma_start3A_240 : memref<128xi32, #tpu.memory_space<hbm>>) target(%dma_start3A_239 : memref<128xi32, #tpu.memory_space<vmem>>) target_semaphore(%arg12 : memref<!tpu.dma_semaphore, #tpu.memory_space<semaphore_mem>>)
          %add3A_241 = arith.addi %add3A_4, %add3A_228 : i32
          %mul3A_242 = arith.constant 128 : i32
          %mul3A_243 = arith.muli %add3A_241, %mul3A_242 : i32
          %dma_start3A_244 = arith.constant 3 : i32
          %dma_start3A_245 = arith.constant 0 : i32
          %dma_start3A_246 = tpu.memref_slice %arg6[%dma_start3A_244, %dma_start3A_245] : memref<4x128xi32, #tpu.memory_space<vmem>> -> memref<1x128xi32, #tpu.memory_space<vmem>>
          %dma_start3A_247 = tpu.memref_squeeze %dma_start3A_246 : memref<1x128xi32, #tpu.memory_space<vmem>> -> memref<128xi32, #tpu.memory_space<vmem>>
          %dma_start3A_248 = tpu.memref_slice %arg3[%mul3A_243] : memref<320000xi32, #tpu.memory_space<hbm>> -> memref<128xi32, #tpu.memory_space<hbm>>
          %dma_start3A_249 = arith.constant 0 : i32
          %dma_start3A_250 = tpu.memref_slice %arg6[%dma_start3A_244, %dma_start3A_249] : memref<4x128xi32, #tpu.memory_space<vmem>> -> memref<1x128xi32, #tpu.memory_space<vmem>>
          %dma_start3A_251 = tpu.memref_squeeze %dma_start3A_250 : memref<1x128xi32, #tpu.memory_space<vmem>> -> memref<128xi32, #tpu.memory_space<vmem>>
          %dma_start3A_252 = tpu.memref_slice %arg3[%mul3A_243] : memref<320000xi32, #tpu.memory_space<hbm>> -> memref<128xi32, #tpu.memory_space<hbm>>
          tpu.enqueue_dma source(%dma_start3A_252 : memref<128xi32, #tpu.memory_space<hbm>>) target(%dma_start3A_251 : memref<128xi32, #tpu.memory_space<vmem>>) target_semaphore(%arg12 : memref<!tpu.dma_semaphore, #tpu.memory_space<semaphore_mem>>)
        } else {
        }
        %get3A = arith.constant 1 : i32
        %get3A_164 = arith.index_cast %get3A : i32 to index
        %get3A_165 = arith.constant 0 : index
        %get3A_166 = tpu.vector_load %arg5[%get3A_164, %get3A_165] {strides = array<i32>} : memref<4x128xi32, #tpu.memory_space<vmem>>, vector<16xi32>,
        %get3A_167 = arith.constant 1 : i32
        %get3A_168 = arith.index_cast %get3A_167 : i32 to index
        %get3A_169 = arith.constant 0 : index
        %get3A_170 = tpu.vector_load %arg6[%get3A_168, %get3A_169] {strides = array<i32>} : memref<4x128xi32, #tpu.memory_space<vmem>>, vector<16xi32>,
        tpu.vector_store_idx %arg7[%get3A_166], %broadcast_in_dim3A_13 {add = true} : memref<10240xf32, #tpu.memory_space<vmem>>[vector<16xi32>], vector<16xf32>,
        tpu.vector_store_idx %arg8[%get3A_170], %broadcast_in_dim3A_13 {add = true} : memref<10240xf32, #tpu.memory_space<vmem>>[vector<16xi32>], vector<16xf32>,
        %get3A_171 = arith.constant 1 : i32
        %get3A_172 = arith.index_cast %get3A_171 : i32 to index
        %get3A_173 = arith.constant 16 : index
        %get3A_174 = tpu.vector_load %arg5[%get3A_172, %get3A_173] {strides = array<i32>} : memref<4x128xi32, #tpu.memory_space<vmem>>, vector<16xi32>,
        %get3A_175 = arith.constant 1 : i32
        %get3A_176 = arith.index_cast %get3A_175 : i32 to index
        %get3A_177 = arith.constant 16 : index
        %get3A_178 = tpu.vector_load %arg6[%get3A_176, %get3A_177] {strides = array<i32>} : memref<4x128xi32, #tpu.memory_space<vmem>>, vector<16xi32>,
        tpu.vector_store_idx %arg7[%get3A_174], %broadcast_in_dim3A_13 {add = true} : memref<10240xf32, #tpu.memory_space<vmem>>[vector<16xi32>], vector<16xf32>,
        tpu.vector_store_idx %arg8[%get3A_178], %broadcast_in_dim3A_13 {add = true} : memref<10240xf32, #tpu.memory_space<vmem>>[vector<16xi32>], vector<16xf32>,
        %get3A_179 = arith.constant 1 : i32
        %get3A_180 = arith.index_cast %get3A_179 : i32 to index
        %get3A_181 = arith.constant 32 : index
        %get3A_182 = tpu.vector_load %arg5[%get3A_180, %get3A_181] {strides = array<i32>} : memref<4x128xi32, #tpu.memory_space<vmem>>, vector<16xi32>,
        %get3A_183 = arith.constant 1 : i32
        %get3A_184 = arith.index_cast %get3A_183 : i32 to index
        %get3A_185 = arith.constant 32 : index
        %get3A_186 = tpu.vector_load %arg6[%get3A_184, %get3A_185] {strides = array<i32>} : memref<4x128xi32, #tpu.memory_space<vmem>>, vector<16xi32>,
        tpu.vector_store_idx %arg7[%get3A_182], %broadcast_in_dim3A_13 {add = true} : memref<10240xf32, #tpu.memory_space<vmem>>[vector<16xi32>], vector<16xf32>,
        tpu.vector_store_idx %arg8[%get3A_186], %broadcast_in_dim3A_13 {add = true} : memref<10240xf32, #tpu.memory_space<vmem>>[vector<16xi32>], vector<16xf32>,
        %get3A_187 = arith.constant 1 : i32
        %get3A_188 = arith.index_cast %get3A_187 : i32 to index
        %get3A_189 = arith.constant 48 : index
        %get3A_190 = tpu.vector_load %arg5[%get3A_188, %get3A_189] {strides = array<i32>} : memref<4x128xi32, #tpu.memory_space<vmem>>, vector<16xi32>,
        %get3A_191 = arith.constant 1 : i32
        %get3A_192 = arith.index_cast %get3A_191 : i32 to index
        %get3A_193 = arith.constant 48 : index
        %get3A_194 = tpu.vector_load %arg6[%get3A_192, %get3A_193] {strides = array<i32>} : memref<4x128xi32, #tpu.memory_space<vmem>>, vector<16xi32>,
        tpu.vector_store_idx %arg7[%get3A_190], %broadcast_in_dim3A_13 {add = true} : memref<10240xf32, #tpu.memory_space<vmem>>[vector<16xi32>], vector<16xf32>,
        tpu.vector_store_idx %arg8[%get3A_194], %broadcast_in_dim3A_13 {add = true} : memref<10240xf32, #tpu.memory_space<vmem>>[vector<16xi32>], vector<16xf32>,
        %get3A_195 = arith.constant 1 : i32
        %get3A_196 = arith.index_cast %get3A_195 : i32 to index
        %get3A_197 = arith.constant 64 : index
        %get3A_198 = tpu.vector_load %arg5[%get3A_196, %get3A_197] {strides = array<i32>} : memref<4x128xi32, #tpu.memory_space<vmem>>, vector<16xi32>,
        %get3A_199 = arith.constant 1 : i32
        %get3A_200 = arith.index_cast %get3A_199 : i32 to index
        %get3A_201 = arith.constant 64 : index
        %get3A_202 = tpu.vector_load %arg6[%get3A_200, %get3A_201] {strides = array<i32>} : memref<4x128xi32, #tpu.memory_space<vmem>>, vector<16xi32>,
        tpu.vector_store_idx %arg7[%get3A_198], %broadcast_in_dim3A_13 {add = true} : memref<10240xf32, #tpu.memory_space<vmem>>[vector<16xi32>], vector<16xf32>,
        tpu.vector_store_idx %arg8[%get3A_202], %broadcast_in_dim3A_13 {add = true} : memref<10240xf32, #tpu.memory_space<vmem>>[vector<16xi32>], vector<16xf32>,
        %get3A_203 = arith.constant 1 : i32
        %get3A_204 = arith.index_cast %get3A_203 : i32 to index
        %get3A_205 = arith.constant 80 : index
        %get3A_206 = tpu.vector_load %arg5[%get3A_204, %get3A_205] {strides = array<i32>} : memref<4x128xi32, #tpu.memory_space<vmem>>, vector<16xi32>,
        %get3A_207 = arith.constant 1 : i32
        %get3A_208 = arith.index_cast %get3A_207 : i32 to index
        %get3A_209 = arith.constant 80 : index
        %get3A_210 = tpu.vector_load %arg6[%get3A_208, %get3A_209] {strides = array<i32>} : memref<4x128xi32, #tpu.memory_space<vmem>>, vector<16xi32>,
        tpu.vector_store_idx %arg7[%get3A_206], %broadcast_in_dim3A_13 {add = true} : memref<10240xf32, #tpu.memory_space<vmem>>[vector<16xi32>], vector<16xf32>,
        tpu.vector_store_idx %arg8[%get3A_210], %broadcast_in_dim3A_13 {add = true} : memref<10240xf32, #tpu.memory_space<vmem>>[vector<16xi32>], vector<16xf32>,
        %get3A_211 = arith.constant 1 : i32
        %get3A_212 = arith.index_cast %get3A_211 : i32 to index
        %get3A_213 = arith.constant 96 : index
        %get3A_214 = tpu.vector_load %arg5[%get3A_212, %get3A_213] {strides = array<i32>} : memref<4x128xi32, #tpu.memory_space<vmem>>, vector<16xi32>,
        %get3A_215 = arith.constant 1 : i32
        %get3A_216 = arith.index_cast %get3A_215 : i32 to index
        %get3A_217 = arith.constant 96 : index
        %get3A_218 = tpu.vector_load %arg6[%get3A_216, %get3A_217] {strides = array<i32>} : memref<4x128xi32, #tpu.memory_space<vmem>>, vector<16xi32>,
        tpu.vector_store_idx %arg7[%get3A_214], %broadcast_in_dim3A_13 {add = true} : memref<10240xf32, #tpu.memory_space<vmem>>[vector<16xi32>], vector<16xf32>,
        tpu.vector_store_idx %arg8[%get3A_218], %broadcast_in_dim3A_13 {add = true} : memref<10240xf32, #tpu.memory_space<vmem>>[vector<16xi32>], vector<16xf32>,
        %get3A_219 = arith.constant 1 : i32
        %get3A_220 = arith.index_cast %get3A_219 : i32 to index
        %get3A_221 = arith.constant 112 : index
        %get3A_222 = tpu.vector_load %arg5[%get3A_220, %get3A_221] {strides = array<i32>} : memref<4x128xi32, #tpu.memory_space<vmem>>, vector<16xi32>,
        %get3A_223 = arith.constant 1 : i32
        %get3A_224 = arith.index_cast %get3A_223 : i32 to index
        %get3A_225 = arith.constant 112 : index
        %get3A_226 = tpu.vector_load %arg6[%get3A_224, %get3A_225] {strides = array<i32>} : memref<4x128xi32, #tpu.memory_space<vmem>>, vector<16xi32>,
        tpu.vector_store_idx %arg7[%get3A_222], %broadcast_in_dim3A_13 {add = true} : memref<10240xf32, #tpu.memory_space<vmem>>[vector<16xi32>], vector<16xf32>,
        tpu.vector_store_idx %arg8[%get3A_226], %broadcast_in_dim3A_13 {add = true} : memref<10240xf32, #tpu.memory_space<vmem>>[vector<16xi32>], vector<16xf32>,
      } else {
      }
      %mul3A_119 = arith.constant 4 : i32
      %mul3A_120 = arith.muli %while3A_103, %mul3A_119 : i32
      %add3A_121 = arith.constant 2 : i32
      %add3A_122 = arith.addi %mul3A_120, %add3A_121 : i32
      %lt3A_123 = arith.cmpi slt, %add3A_122, %add3A_7 : i32
      %convert_element_type3A_124 = arith.extui %lt3A_123 : i1 to i32
      %cond3A_125 = arith.constant 0 : i32
      %cond3A_126 = arith.cmpi ne, %convert_element_type3A_124, %cond3A_125 : i32
      scf.if %cond3A_126 {
        %add3A_135 = arith.addi %add3A_4, %add3A_122 : i32
        %mul3A_136 = arith.constant 128 : i32
        %mul3A_137 = arith.muli %add3A_135, %mul3A_136 : i32
        %dma_wait3A = arith.constant 2 : i32
        %dma_wait3A_138 = arith.constant 0 : i32
        %dma_wait3A_139 = tpu.memref_slice %arg5[%dma_wait3A, %dma_wait3A_138] : memref<4x128xi32, #tpu.memory_space<vmem>> -> memref<1x128xi32, #tpu.memory_space<vmem>>
        %dma_wait3A_140 = tpu.memref_squeeze %dma_wait3A_139 : memref<1x128xi32, #tpu.memory_space<vmem>> -> memref<128xi32, #tpu.memory_space<vmem>>
        %dma_wait3A_141 = tpu.memref_slice %arg2[%mul3A_137] : memref<320000xi32, #tpu.memory_space<hbm>> -> memref<128xi32, #tpu.memory_space<hbm>>
        %dma_wait3A_142 = arith.constant 0 : i32
        %dma_wait3A_143 = tpu.memref_slice %arg5[%dma_wait3A, %dma_wait3A_142] : memref<4x128xi32, #tpu.memory_space<vmem>> -> memref<1x128xi32, #tpu.memory_space<vmem>>
        %dma_wait3A_144 = tpu.memref_squeeze %dma_wait3A_143 : memref<1x128xi32, #tpu.memory_space<vmem>> -> memref<128xi32, #tpu.memory_space<vmem>>
        %dma_wait3A_145 = tpu.memref_slice %arg2[%mul3A_137] : memref<320000xi32, #tpu.memory_space<hbm>> -> memref<128xi32, #tpu.memory_space<hbm>>
        tpu.wait_dma2 semaphore(%arg11 : memref<!tpu.dma_semaphore, #tpu.memory_space<semaphore_mem>>) src(%dma_wait3A_145 : memref<128xi32, #tpu.memory_space<hbm>>) dst(%dma_wait3A_144 : memref<128xi32, #tpu.memory_space<vmem>>)
        %add3A_146 = arith.addi %add3A_4, %add3A_122 : i32
        %mul3A_147 = arith.constant 128 : i32
        %mul3A_148 = arith.muli %add3A_146, %mul3A_147 : i32
        %dma_wait3A_149 = arith.constant 2 : i32
        %dma_wait3A_150 = arith.constant 0 : i32
        %dma_wait3A_151 = tpu.memref_slice %arg6[%dma_wait3A_149, %dma_wait3A_150] : memref<4x128xi32, #tpu.memory_space<vmem>> -> memref<1x128xi32, #tpu.memory_space<vmem>>
        %dma_wait3A_152 = tpu.memref_squeeze %dma_wait3A_151 : memref<1x128xi32, #tpu.memory_space<vmem>> -> memref<128xi32, #tpu.memory_space<vmem>>
        %dma_wait3A_153 = tpu.memref_slice %arg3[%mul3A_148] : memref<320000xi32, #tpu.memory_space<hbm>> -> memref<128xi32, #tpu.memory_space<hbm>>
        %dma_wait3A_154 = arith.constant 0 : i32
        %dma_wait3A_155 = tpu.memref_slice %arg6[%dma_wait3A_149, %dma_wait3A_154] : memref<4x128xi32, #tpu.memory_space<vmem>> -> memref<1x128xi32, #tpu.memory_space<vmem>>
        %dma_wait3A_156 = tpu.memref_squeeze %dma_wait3A_155 : memref<1x128xi32, #tpu.memory_space<vmem>> -> memref<128xi32, #tpu.memory_space<vmem>>
        %dma_wait3A_157 = tpu.memref_slice %arg3[%mul3A_148] : memref<320000xi32, #tpu.memory_space<hbm>> -> memref<128xi32, #tpu.memory_space<hbm>>
        tpu.wait_dma2 semaphore(%arg11 : memref<!tpu.dma_semaphore, #tpu.memory_space<semaphore_mem>>) src(%dma_wait3A_157 : memref<128xi32, #tpu.memory_space<hbm>>) dst(%dma_wait3A_156 : memref<128xi32, #tpu.memory_space<vmem>>)
        %add3A_158 = arith.constant 2 : i32
        %add3A_159 = arith.addi %add3A_122, %add3A_158 : i32
        %lt3A_160 = arith.cmpi slt, %add3A_159, %add3A_7 : i32
        %convert_element_type3A_161 = arith.extui %lt3A_160 : i1 to i32
        %cond3A_162 = arith.constant 0 : i32
        %cond3A_163 = arith.cmpi ne, %convert_element_type3A_161, %cond3A_162 : i32
        scf.if %cond3A_163 {
          %add3A_227 = arith.constant 2 : i32
          %add3A_228 = arith.addi %add3A_122, %add3A_227 : i32
          %add3A_229 = arith.addi %add3A_4, %add3A_228 : i32
          %mul3A_230 = arith.constant 128 : i32
          %mul3A_231 = arith.muli %add3A_229, %mul3A_230 : i32
          %dma_start3A_232 = arith.constant 0 : i32
          %dma_start3A_233 = arith.constant 0 : i32
          %dma_start3A_234 = tpu.memref_slice %arg5[%dma_start3A_232, %dma_start3A_233] : memref<4x128xi32, #tpu.memory_space<vmem>> -> memref<1x128xi32, #tpu.memory_space<vmem>>
          %dma_start3A_235 = tpu.memref_squeeze %dma_start3A_234 : memref<1x128xi32, #tpu.memory_space<vmem>> -> memref<128xi32, #tpu.memory_space<vmem>>
          %dma_start3A_236 = tpu.memref_slice %arg2[%mul3A_231] : memref<320000xi32, #tpu.memory_space<hbm>> -> memref<128xi32, #tpu.memory_space<hbm>>
          %dma_start3A_237 = arith.constant 0 : i32
          %dma_start3A_238 = tpu.memref_slice %arg5[%dma_start3A_232, %dma_start3A_237] : memref<4x128xi32, #tpu.memory_space<vmem>> -> memref<1x128xi32, #tpu.memory_space<vmem>>
          %dma_start3A_239 = tpu.memref_squeeze %dma_start3A_238 : memref<1x128xi32, #tpu.memory_space<vmem>> -> memref<128xi32, #tpu.memory_space<vmem>>
          %dma_start3A_240 = tpu.memref_slice %arg2[%mul3A_231] : memref<320000xi32, #tpu.memory_space<hbm>> -> memref<128xi32, #tpu.memory_space<hbm>>
          tpu.enqueue_dma source(%dma_start3A_240 : memref<128xi32, #tpu.memory_space<hbm>>) target(%dma_start3A_239 : memref<128xi32, #tpu.memory_space<vmem>>) target_semaphore(%arg9 : memref<!tpu.dma_semaphore, #tpu.memory_space<semaphore_mem>>)
          %add3A_241 = arith.addi %add3A_4, %add3A_228 : i32
          %mul3A_242 = arith.constant 128 : i32
          %mul3A_243 = arith.muli %add3A_241, %mul3A_242 : i32
          %dma_start3A_244 = arith.constant 0 : i32
          %dma_start3A_245 = arith.constant 0 : i32
          %dma_start3A_246 = tpu.memref_slice %arg6[%dma_start3A_244, %dma_start3A_245] : memref<4x128xi32, #tpu.memory_space<vmem>> -> memref<1x128xi32, #tpu.memory_space<vmem>>
          %dma_start3A_247 = tpu.memref_squeeze %dma_start3A_246 : memref<1x128xi32, #tpu.memory_space<vmem>> -> memref<128xi32, #tpu.memory_space<vmem>>
          %dma_start3A_248 = tpu.memref_slice %arg3[%mul3A_243] : memref<320000xi32, #tpu.memory_space<hbm>> -> memref<128xi32, #tpu.memory_space<hbm>>
          %dma_start3A_249 = arith.constant 0 : i32
          %dma_start3A_250 = tpu.memref_slice %arg6[%dma_start3A_244, %dma_start3A_249] : memref<4x128xi32, #tpu.memory_space<vmem>> -> memref<1x128xi32, #tpu.memory_space<vmem>>
          %dma_start3A_251 = tpu.memref_squeeze %dma_start3A_250 : memref<1x128xi32, #tpu.memory_space<vmem>> -> memref<128xi32, #tpu.memory_space<vmem>>
          %dma_start3A_252 = tpu.memref_slice %arg3[%mul3A_243] : memref<320000xi32, #tpu.memory_space<hbm>> -> memref<128xi32, #tpu.memory_space<hbm>>
          tpu.enqueue_dma source(%dma_start3A_252 : memref<128xi32, #tpu.memory_space<hbm>>) target(%dma_start3A_251 : memref<128xi32, #tpu.memory_space<vmem>>) target_semaphore(%arg9 : memref<!tpu.dma_semaphore, #tpu.memory_space<semaphore_mem>>)
        } else {
        }
        %get3A = arith.constant 2 : i32
        %get3A_164 = arith.index_cast %get3A : i32 to index
        %get3A_165 = arith.constant 0 : index
        %get3A_166 = tpu.vector_load %arg5[%get3A_164, %get3A_165] {strides = array<i32>} : memref<4x128xi32, #tpu.memory_space<vmem>>, vector<16xi32>,
        %get3A_167 = arith.constant 2 : i32
        %get3A_168 = arith.index_cast %get3A_167 : i32 to index
        %get3A_169 = arith.constant 0 : index
        %get3A_170 = tpu.vector_load %arg6[%get3A_168, %get3A_169] {strides = array<i32>} : memref<4x128xi32, #tpu.memory_space<vmem>>, vector<16xi32>,
        tpu.vector_store_idx %arg7[%get3A_166], %broadcast_in_dim3A_13 {add = true} : memref<10240xf32, #tpu.memory_space<vmem>>[vector<16xi32>], vector<16xf32>,
        tpu.vector_store_idx %arg8[%get3A_170], %broadcast_in_dim3A_13 {add = true} : memref<10240xf32, #tpu.memory_space<vmem>>[vector<16xi32>], vector<16xf32>,
        %get3A_171 = arith.constant 2 : i32
        %get3A_172 = arith.index_cast %get3A_171 : i32 to index
        %get3A_173 = arith.constant 16 : index
        %get3A_174 = tpu.vector_load %arg5[%get3A_172, %get3A_173] {strides = array<i32>} : memref<4x128xi32, #tpu.memory_space<vmem>>, vector<16xi32>,
        %get3A_175 = arith.constant 2 : i32
        %get3A_176 = arith.index_cast %get3A_175 : i32 to index
        %get3A_177 = arith.constant 16 : index
        %get3A_178 = tpu.vector_load %arg6[%get3A_176, %get3A_177] {strides = array<i32>} : memref<4x128xi32, #tpu.memory_space<vmem>>, vector<16xi32>,
        tpu.vector_store_idx %arg7[%get3A_174], %broadcast_in_dim3A_13 {add = true} : memref<10240xf32, #tpu.memory_space<vmem>>[vector<16xi32>], vector<16xf32>,
        tpu.vector_store_idx %arg8[%get3A_178], %broadcast_in_dim3A_13 {add = true} : memref<10240xf32, #tpu.memory_space<vmem>>[vector<16xi32>], vector<16xf32>,
        %get3A_179 = arith.constant 2 : i32
        %get3A_180 = arith.index_cast %get3A_179 : i32 to index
        %get3A_181 = arith.constant 32 : index
        %get3A_182 = tpu.vector_load %arg5[%get3A_180, %get3A_181] {strides = array<i32>} : memref<4x128xi32, #tpu.memory_space<vmem>>, vector<16xi32>,
        %get3A_183 = arith.constant 2 : i32
        %get3A_184 = arith.index_cast %get3A_183 : i32 to index
        %get3A_185 = arith.constant 32 : index
        %get3A_186 = tpu.vector_load %arg6[%get3A_184, %get3A_185] {strides = array<i32>} : memref<4x128xi32, #tpu.memory_space<vmem>>, vector<16xi32>,
        tpu.vector_store_idx %arg7[%get3A_182], %broadcast_in_dim3A_13 {add = true} : memref<10240xf32, #tpu.memory_space<vmem>>[vector<16xi32>], vector<16xf32>,
        tpu.vector_store_idx %arg8[%get3A_186], %broadcast_in_dim3A_13 {add = true} : memref<10240xf32, #tpu.memory_space<vmem>>[vector<16xi32>], vector<16xf32>,
        %get3A_187 = arith.constant 2 : i32
        %get3A_188 = arith.index_cast %get3A_187 : i32 to index
        %get3A_189 = arith.constant 48 : index
        %get3A_190 = tpu.vector_load %arg5[%get3A_188, %get3A_189] {strides = array<i32>} : memref<4x128xi32, #tpu.memory_space<vmem>>, vector<16xi32>,
        %get3A_191 = arith.constant 2 : i32
        %get3A_192 = arith.index_cast %get3A_191 : i32 to index
        %get3A_193 = arith.constant 48 : index
        %get3A_194 = tpu.vector_load %arg6[%get3A_192, %get3A_193] {strides = array<i32>} : memref<4x128xi32, #tpu.memory_space<vmem>>, vector<16xi32>,
        tpu.vector_store_idx %arg7[%get3A_190], %broadcast_in_dim3A_13 {add = true} : memref<10240xf32, #tpu.memory_space<vmem>>[vector<16xi32>], vector<16xf32>,
        tpu.vector_store_idx %arg8[%get3A_194], %broadcast_in_dim3A_13 {add = true} : memref<10240xf32, #tpu.memory_space<vmem>>[vector<16xi32>], vector<16xf32>,
        %get3A_195 = arith.constant 2 : i32
        %get3A_196 = arith.index_cast %get3A_195 : i32 to index
        %get3A_197 = arith.constant 64 : index
        %get3A_198 = tpu.vector_load %arg5[%get3A_196, %get3A_197] {strides = array<i32>} : memref<4x128xi32, #tpu.memory_space<vmem>>, vector<16xi32>,
        %get3A_199 = arith.constant 2 : i32
        %get3A_200 = arith.index_cast %get3A_199 : i32 to index
        %get3A_201 = arith.constant 64 : index
        %get3A_202 = tpu.vector_load %arg6[%get3A_200, %get3A_201] {strides = array<i32>} : memref<4x128xi32, #tpu.memory_space<vmem>>, vector<16xi32>,
        tpu.vector_store_idx %arg7[%get3A_198], %broadcast_in_dim3A_13 {add = true} : memref<10240xf32, #tpu.memory_space<vmem>>[vector<16xi32>], vector<16xf32>,
        tpu.vector_store_idx %arg8[%get3A_202], %broadcast_in_dim3A_13 {add = true} : memref<10240xf32, #tpu.memory_space<vmem>>[vector<16xi32>], vector<16xf32>,
        %get3A_203 = arith.constant 2 : i32
        %get3A_204 = arith.index_cast %get3A_203 : i32 to index
        %get3A_205 = arith.constant 80 : index
        %get3A_206 = tpu.vector_load %arg5[%get3A_204, %get3A_205] {strides = array<i32>} : memref<4x128xi32, #tpu.memory_space<vmem>>, vector<16xi32>,
        %get3A_207 = arith.constant 2 : i32
        %get3A_208 = arith.index_cast %get3A_207 : i32 to index
        %get3A_209 = arith.constant 80 : index
        %get3A_210 = tpu.vector_load %arg6[%get3A_208, %get3A_209] {strides = array<i32>} : memref<4x128xi32, #tpu.memory_space<vmem>>, vector<16xi32>,
        tpu.vector_store_idx %arg7[%get3A_206], %broadcast_in_dim3A_13 {add = true} : memref<10240xf32, #tpu.memory_space<vmem>>[vector<16xi32>], vector<16xf32>,
        tpu.vector_store_idx %arg8[%get3A_210], %broadcast_in_dim3A_13 {add = true} : memref<10240xf32, #tpu.memory_space<vmem>>[vector<16xi32>], vector<16xf32>,
        %get3A_211 = arith.constant 2 : i32
        %get3A_212 = arith.index_cast %get3A_211 : i32 to index
        %get3A_213 = arith.constant 96 : index
        %get3A_214 = tpu.vector_load %arg5[%get3A_212, %get3A_213] {strides = array<i32>} : memref<4x128xi32, #tpu.memory_space<vmem>>, vector<16xi32>,
        %get3A_215 = arith.constant 2 : i32
        %get3A_216 = arith.index_cast %get3A_215 : i32 to index
        %get3A_217 = arith.constant 96 : index
        %get3A_218 = tpu.vector_load %arg6[%get3A_216, %get3A_217] {strides = array<i32>} : memref<4x128xi32, #tpu.memory_space<vmem>>, vector<16xi32>,
        tpu.vector_store_idx %arg7[%get3A_214], %broadcast_in_dim3A_13 {add = true} : memref<10240xf32, #tpu.memory_space<vmem>>[vector<16xi32>], vector<16xf32>,
        tpu.vector_store_idx %arg8[%get3A_218], %broadcast_in_dim3A_13 {add = true} : memref<10240xf32, #tpu.memory_space<vmem>>[vector<16xi32>], vector<16xf32>,
        %get3A_219 = arith.constant 2 : i32
        %get3A_220 = arith.index_cast %get3A_219 : i32 to index
        %get3A_221 = arith.constant 112 : index
        %get3A_222 = tpu.vector_load %arg5[%get3A_220, %get3A_221] {strides = array<i32>} : memref<4x128xi32, #tpu.memory_space<vmem>>, vector<16xi32>,
        %get3A_223 = arith.constant 2 : i32
        %get3A_224 = arith.index_cast %get3A_223 : i32 to index
        %get3A_225 = arith.constant 112 : index
        %get3A_226 = tpu.vector_load %arg6[%get3A_224, %get3A_225] {strides = array<i32>} : memref<4x128xi32, #tpu.memory_space<vmem>>, vector<16xi32>,
        tpu.vector_store_idx %arg7[%get3A_222], %broadcast_in_dim3A_13 {add = true} : memref<10240xf32, #tpu.memory_space<vmem>>[vector<16xi32>], vector<16xf32>,
        tpu.vector_store_idx %arg8[%get3A_226], %broadcast_in_dim3A_13 {add = true} : memref<10240xf32, #tpu.memory_space<vmem>>[vector<16xi32>], vector<16xf32>,
      } else {
      }
      %mul3A_127 = arith.constant 4 : i32
      %mul3A_128 = arith.muli %while3A_103, %mul3A_127 : i32
      %add3A_129 = arith.constant 3 : i32
      %add3A_130 = arith.addi %mul3A_128, %add3A_129 : i32
      %lt3A_131 = arith.cmpi slt, %add3A_130, %add3A_7 : i32
      %convert_element_type3A_132 = arith.extui %lt3A_131 : i1 to i32
      %cond3A_133 = arith.constant 0 : i32
      %cond3A_134 = arith.cmpi ne, %convert_element_type3A_132, %cond3A_133 : i32
      scf.if %cond3A_134 {
        %add3A_135 = arith.addi %add3A_4, %add3A_130 : i32
        %mul3A_136 = arith.constant 128 : i32
        %mul3A_137 = arith.muli %add3A_135, %mul3A_136 : i32
        %dma_wait3A = arith.constant 3 : i32
        %dma_wait3A_138 = arith.constant 0 : i32
        %dma_wait3A_139 = tpu.memref_slice %arg5[%dma_wait3A, %dma_wait3A_138] : memref<4x128xi32, #tpu.memory_space<vmem>> -> memref<1x128xi32, #tpu.memory_space<vmem>>
        %dma_wait3A_140 = tpu.memref_squeeze %dma_wait3A_139 : memref<1x128xi32, #tpu.memory_space<vmem>> -> memref<128xi32, #tpu.memory_space<vmem>>
        %dma_wait3A_141 = tpu.memref_slice %arg2[%mul3A_137] : memref<320000xi32, #tpu.memory_space<hbm>> -> memref<128xi32, #tpu.memory_space<hbm>>
        %dma_wait3A_142 = arith.constant 0 : i32
        %dma_wait3A_143 = tpu.memref_slice %arg5[%dma_wait3A, %dma_wait3A_142] : memref<4x128xi32, #tpu.memory_space<vmem>> -> memref<1x128xi32, #tpu.memory_space<vmem>>
        %dma_wait3A_144 = tpu.memref_squeeze %dma_wait3A_143 : memref<1x128xi32, #tpu.memory_space<vmem>> -> memref<128xi32, #tpu.memory_space<vmem>>
        %dma_wait3A_145 = tpu.memref_slice %arg2[%mul3A_137] : memref<320000xi32, #tpu.memory_space<hbm>> -> memref<128xi32, #tpu.memory_space<hbm>>
        tpu.wait_dma2 semaphore(%arg12 : memref<!tpu.dma_semaphore, #tpu.memory_space<semaphore_mem>>) src(%dma_wait3A_145 : memref<128xi32, #tpu.memory_space<hbm>>) dst(%dma_wait3A_144 : memref<128xi32, #tpu.memory_space<vmem>>)
        %add3A_146 = arith.addi %add3A_4, %add3A_130 : i32
        %mul3A_147 = arith.constant 128 : i32
        %mul3A_148 = arith.muli %add3A_146, %mul3A_147 : i32
        %dma_wait3A_149 = arith.constant 3 : i32
        %dma_wait3A_150 = arith.constant 0 : i32
        %dma_wait3A_151 = tpu.memref_slice %arg6[%dma_wait3A_149, %dma_wait3A_150] : memref<4x128xi32, #tpu.memory_space<vmem>> -> memref<1x128xi32, #tpu.memory_space<vmem>>
        %dma_wait3A_152 = tpu.memref_squeeze %dma_wait3A_151 : memref<1x128xi32, #tpu.memory_space<vmem>> -> memref<128xi32, #tpu.memory_space<vmem>>
        %dma_wait3A_153 = tpu.memref_slice %arg3[%mul3A_148] : memref<320000xi32, #tpu.memory_space<hbm>> -> memref<128xi32, #tpu.memory_space<hbm>>
        %dma_wait3A_154 = arith.constant 0 : i32
        %dma_wait3A_155 = tpu.memref_slice %arg6[%dma_wait3A_149, %dma_wait3A_154] : memref<4x128xi32, #tpu.memory_space<vmem>> -> memref<1x128xi32, #tpu.memory_space<vmem>>
        %dma_wait3A_156 = tpu.memref_squeeze %dma_wait3A_155 : memref<1x128xi32, #tpu.memory_space<vmem>> -> memref<128xi32, #tpu.memory_space<vmem>>
        %dma_wait3A_157 = tpu.memref_slice %arg3[%mul3A_148] : memref<320000xi32, #tpu.memory_space<hbm>> -> memref<128xi32, #tpu.memory_space<hbm>>
        tpu.wait_dma2 semaphore(%arg12 : memref<!tpu.dma_semaphore, #tpu.memory_space<semaphore_mem>>) src(%dma_wait3A_157 : memref<128xi32, #tpu.memory_space<hbm>>) dst(%dma_wait3A_156 : memref<128xi32, #tpu.memory_space<vmem>>)
        %add3A_158 = arith.constant 2 : i32
        %add3A_159 = arith.addi %add3A_130, %add3A_158 : i32
        %lt3A_160 = arith.cmpi slt, %add3A_159, %add3A_7 : i32
        %convert_element_type3A_161 = arith.extui %lt3A_160 : i1 to i32
        %cond3A_162 = arith.constant 0 : i32
        %cond3A_163 = arith.cmpi ne, %convert_element_type3A_161, %cond3A_162 : i32
        scf.if %cond3A_163 {
          %add3A_227 = arith.constant 2 : i32
          %add3A_228 = arith.addi %add3A_130, %add3A_227 : i32
          %add3A_229 = arith.addi %add3A_4, %add3A_228 : i32
          %mul3A_230 = arith.constant 128 : i32
          %mul3A_231 = arith.muli %add3A_229, %mul3A_230 : i32
          %dma_start3A_232 = arith.constant 1 : i32
          %dma_start3A_233 = arith.constant 0 : i32
          %dma_start3A_234 = tpu.memref_slice %arg5[%dma_start3A_232, %dma_start3A_233] : memref<4x128xi32, #tpu.memory_space<vmem>> -> memref<1x128xi32, #tpu.memory_space<vmem>>
          %dma_start3A_235 = tpu.memref_squeeze %dma_start3A_234 : memref<1x128xi32, #tpu.memory_space<vmem>> -> memref<128xi32, #tpu.memory_space<vmem>>
          %dma_start3A_236 = tpu.memref_slice %arg2[%mul3A_231] : memref<320000xi32, #tpu.memory_space<hbm>> -> memref<128xi32, #tpu.memory_space<hbm>>
          %dma_start3A_237 = arith.constant 0 : i32
          %dma_start3A_238 = tpu.memref_slice %arg5[%dma_start3A_232, %dma_start3A_237] : memref<4x128xi32, #tpu.memory_space<vmem>> -> memref<1x128xi32, #tpu.memory_space<vmem>>
          %dma_start3A_239 = tpu.memref_squeeze %dma_start3A_238 : memref<1x128xi32, #tpu.memory_space<vmem>> -> memref<128xi32, #tpu.memory_space<vmem>>
          %dma_start3A_240 = tpu.memref_slice %arg2[%mul3A_231] : memref<320000xi32, #tpu.memory_space<hbm>> -> memref<128xi32, #tpu.memory_space<hbm>>
          tpu.enqueue_dma source(%dma_start3A_240 : memref<128xi32, #tpu.memory_space<hbm>>) target(%dma_start3A_239 : memref<128xi32, #tpu.memory_space<vmem>>) target_semaphore(%arg10 : memref<!tpu.dma_semaphore, #tpu.memory_space<semaphore_mem>>)
          %add3A_241 = arith.addi %add3A_4, %add3A_228 : i32
          %mul3A_242 = arith.constant 128 : i32
          %mul3A_243 = arith.muli %add3A_241, %mul3A_242 : i32
          %dma_start3A_244 = arith.constant 1 : i32
          %dma_start3A_245 = arith.constant 0 : i32
          %dma_start3A_246 = tpu.memref_slice %arg6[%dma_start3A_244, %dma_start3A_245] : memref<4x128xi32, #tpu.memory_space<vmem>> -> memref<1x128xi32, #tpu.memory_space<vmem>>
          %dma_start3A_247 = tpu.memref_squeeze %dma_start3A_246 : memref<1x128xi32, #tpu.memory_space<vmem>> -> memref<128xi32, #tpu.memory_space<vmem>>
          %dma_start3A_248 = tpu.memref_slice %arg3[%mul3A_243] : memref<320000xi32, #tpu.memory_space<hbm>> -> memref<128xi32, #tpu.memory_space<hbm>>
          %dma_start3A_249 = arith.constant 0 : i32
          %dma_start3A_250 = tpu.memref_slice %arg6[%dma_start3A_244, %dma_start3A_249] : memref<4x128xi32, #tpu.memory_space<vmem>> -> memref<1x128xi32, #tpu.memory_space<vmem>>
          %dma_start3A_251 = tpu.memref_squeeze %dma_start3A_250 : memref<1x128xi32, #tpu.memory_space<vmem>> -> memref<128xi32, #tpu.memory_space<vmem>>
          %dma_start3A_252 = tpu.memref_slice %arg3[%mul3A_243] : memref<320000xi32, #tpu.memory_space<hbm>> -> memref<128xi32, #tpu.memory_space<hbm>>
          tpu.enqueue_dma source(%dma_start3A_252 : memref<128xi32, #tpu.memory_space<hbm>>) target(%dma_start3A_251 : memref<128xi32, #tpu.memory_space<vmem>>) target_semaphore(%arg10 : memref<!tpu.dma_semaphore, #tpu.memory_space<semaphore_mem>>)
        } else {
        }
        %get3A = arith.constant 3 : i32
        %get3A_164 = arith.index_cast %get3A : i32 to index
        %get3A_165 = arith.constant 0 : index
        %get3A_166 = tpu.vector_load %arg5[%get3A_164, %get3A_165] {strides = array<i32>} : memref<4x128xi32, #tpu.memory_space<vmem>>, vector<16xi32>,
        %get3A_167 = arith.constant 3 : i32
        %get3A_168 = arith.index_cast %get3A_167 : i32 to index
        %get3A_169 = arith.constant 0 : index
        %get3A_170 = tpu.vector_load %arg6[%get3A_168, %get3A_169] {strides = array<i32>} : memref<4x128xi32, #tpu.memory_space<vmem>>, vector<16xi32>,
        tpu.vector_store_idx %arg7[%get3A_166], %broadcast_in_dim3A_13 {add = true} : memref<10240xf32, #tpu.memory_space<vmem>>[vector<16xi32>], vector<16xf32>,
        tpu.vector_store_idx %arg8[%get3A_170], %broadcast_in_dim3A_13 {add = true} : memref<10240xf32, #tpu.memory_space<vmem>>[vector<16xi32>], vector<16xf32>,
        %get3A_171 = arith.constant 3 : i32
        %get3A_172 = arith.index_cast %get3A_171 : i32 to index
        %get3A_173 = arith.constant 16 : index
        %get3A_174 = tpu.vector_load %arg5[%get3A_172, %get3A_173] {strides = array<i32>} : memref<4x128xi32, #tpu.memory_space<vmem>>, vector<16xi32>,
        %get3A_175 = arith.constant 3 : i32
        %get3A_176 = arith.index_cast %get3A_175 : i32 to index
        %get3A_177 = arith.constant 16 : index
        %get3A_178 = tpu.vector_load %arg6[%get3A_176, %get3A_177] {strides = array<i32>} : memref<4x128xi32, #tpu.memory_space<vmem>>, vector<16xi32>,
        tpu.vector_store_idx %arg7[%get3A_174], %broadcast_in_dim3A_13 {add = true} : memref<10240xf32, #tpu.memory_space<vmem>>[vector<16xi32>], vector<16xf32>,
        tpu.vector_store_idx %arg8[%get3A_178], %broadcast_in_dim3A_13 {add = true} : memref<10240xf32, #tpu.memory_space<vmem>>[vector<16xi32>], vector<16xf32>,
        %get3A_179 = arith.constant 3 : i32
        %get3A_180 = arith.index_cast %get3A_179 : i32 to index
        %get3A_181 = arith.constant 32 : index
        %get3A_182 = tpu.vector_load %arg5[%get3A_180, %get3A_181] {strides = array<i32>} : memref<4x128xi32, #tpu.memory_space<vmem>>, vector<16xi32>,
        %get3A_183 = arith.constant 3 : i32
        %get3A_184 = arith.index_cast %get3A_183 : i32 to index
        %get3A_185 = arith.constant 32 : index
        %get3A_186 = tpu.vector_load %arg6[%get3A_184, %get3A_185] {strides = array<i32>} : memref<4x128xi32, #tpu.memory_space<vmem>>, vector<16xi32>,
        tpu.vector_store_idx %arg7[%get3A_182], %broadcast_in_dim3A_13 {add = true} : memref<10240xf32, #tpu.memory_space<vmem>>[vector<16xi32>], vector<16xf32>,
        tpu.vector_store_idx %arg8[%get3A_186], %broadcast_in_dim3A_13 {add = true} : memref<10240xf32, #tpu.memory_space<vmem>>[vector<16xi32>], vector<16xf32>,
        %get3A_187 = arith.constant 3 : i32
        %get3A_188 = arith.index_cast %get3A_187 : i32 to index
        %get3A_189 = arith.constant 48 : index
        %get3A_190 = tpu.vector_load %arg5[%get3A_188, %get3A_189] {strides = array<i32>} : memref<4x128xi32, #tpu.memory_space<vmem>>, vector<16xi32>,
        %get3A_191 = arith.constant 3 : i32
        %get3A_192 = arith.index_cast %get3A_191 : i32 to index
        %get3A_193 = arith.constant 48 : index
        %get3A_194 = tpu.vector_load %arg6[%get3A_192, %get3A_193] {strides = array<i32>} : memref<4x128xi32, #tpu.memory_space<vmem>>, vector<16xi32>,
        tpu.vector_store_idx %arg7[%get3A_190], %broadcast_in_dim3A_13 {add = true} : memref<10240xf32, #tpu.memory_space<vmem>>[vector<16xi32>], vector<16xf32>,
        tpu.vector_store_idx %arg8[%get3A_194], %broadcast_in_dim3A_13 {add = true} : memref<10240xf32, #tpu.memory_space<vmem>>[vector<16xi32>], vector<16xf32>,
        %get3A_195 = arith.constant 3 : i32
        %get3A_196 = arith.index_cast %get3A_195 : i32 to index
        %get3A_197 = arith.constant 64 : index
        %get3A_198 = tpu.vector_load %arg5[%get3A_196, %get3A_197] {strides = array<i32>} : memref<4x128xi32, #tpu.memory_space<vmem>>, vector<16xi32>,
        %get3A_199 = arith.constant 3 : i32
        %get3A_200 = arith.index_cast %get3A_199 : i32 to index
        %get3A_201 = arith.constant 64 : index
        %get3A_202 = tpu.vector_load %arg6[%get3A_200, %get3A_201] {strides = array<i32>} : memref<4x128xi32, #tpu.memory_space<vmem>>, vector<16xi32>,
        tpu.vector_store_idx %arg7[%get3A_198], %broadcast_in_dim3A_13 {add = true} : memref<10240xf32, #tpu.memory_space<vmem>>[vector<16xi32>], vector<16xf32>,
        tpu.vector_store_idx %arg8[%get3A_202], %broadcast_in_dim3A_13 {add = true} : memref<10240xf32, #tpu.memory_space<vmem>>[vector<16xi32>], vector<16xf32>,
        %get3A_203 = arith.constant 3 : i32
        %get3A_204 = arith.index_cast %get3A_203 : i32 to index
        %get3A_205 = arith.constant 80 : index
        %get3A_206 = tpu.vector_load %arg5[%get3A_204, %get3A_205] {strides = array<i32>} : memref<4x128xi32, #tpu.memory_space<vmem>>, vector<16xi32>,
        %get3A_207 = arith.constant 3 : i32
        %get3A_208 = arith.index_cast %get3A_207 : i32 to index
        %get3A_209 = arith.constant 80 : index
        %get3A_210 = tpu.vector_load %arg6[%get3A_208, %get3A_209] {strides = array<i32>} : memref<4x128xi32, #tpu.memory_space<vmem>>, vector<16xi32>,
        tpu.vector_store_idx %arg7[%get3A_206], %broadcast_in_dim3A_13 {add = true} : memref<10240xf32, #tpu.memory_space<vmem>>[vector<16xi32>], vector<16xf32>,
        tpu.vector_store_idx %arg8[%get3A_210], %broadcast_in_dim3A_13 {add = true} : memref<10240xf32, #tpu.memory_space<vmem>>[vector<16xi32>], vector<16xf32>,
        %get3A_211 = arith.constant 3 : i32
        %get3A_212 = arith.index_cast %get3A_211 : i32 to index
        %get3A_213 = arith.constant 96 : index
        %get3A_214 = tpu.vector_load %arg5[%get3A_212, %get3A_213] {strides = array<i32>} : memref<4x128xi32, #tpu.memory_space<vmem>>, vector<16xi32>,
        %get3A_215 = arith.constant 3 : i32
        %get3A_216 = arith.index_cast %get3A_215 : i32 to index
        %get3A_217 = arith.constant 96 : index
        %get3A_218 = tpu.vector_load %arg6[%get3A_216, %get3A_217] {strides = array<i32>} : memref<4x128xi32, #tpu.memory_space<vmem>>, vector<16xi32>,
        tpu.vector_store_idx %arg7[%get3A_214], %broadcast_in_dim3A_13 {add = true} : memref<10240xf32, #tpu.memory_space<vmem>>[vector<16xi32>], vector<16xf32>,
        tpu.vector_store_idx %arg8[%get3A_218], %broadcast_in_dim3A_13 {add = true} : memref<10240xf32, #tpu.memory_space<vmem>>[vector<16xi32>], vector<16xf32>,
        %get3A_219 = arith.constant 3 : i32
        %get3A_220 = arith.index_cast %get3A_219 : i32 to index
        %get3A_221 = arith.constant 112 : index
        %get3A_222 = tpu.vector_load %arg5[%get3A_220, %get3A_221] {strides = array<i32>} : memref<4x128xi32, #tpu.memory_space<vmem>>, vector<16xi32>,
        %get3A_223 = arith.constant 3 : i32
        %get3A_224 = arith.index_cast %get3A_223 : i32 to index
        %get3A_225 = arith.constant 112 : index
        %get3A_226 = tpu.vector_load %arg6[%get3A_224, %get3A_225] {strides = array<i32>} : memref<4x128xi32, #tpu.memory_space<vmem>>, vector<16xi32>,
        tpu.vector_store_idx %arg7[%get3A_222], %broadcast_in_dim3A_13 {add = true} : memref<10240xf32, #tpu.memory_space<vmem>>[vector<16xi32>], vector<16xf32>,
        tpu.vector_store_idx %arg8[%get3A_226], %broadcast_in_dim3A_13 {add = true} : memref<10240xf32, #tpu.memory_space<vmem>>[vector<16xi32>], vector<16xf32>,
      } else {
      }
    }
    %while3A_96 = arith.constant 1 : i32
    scf.for %while3A_103 = %while3A_94 to %while3A_90 step %while3A_96  : i32 {
      %mul3A_104 = arith.constant 4 : i32
      %mul3A_105 = arith.muli %while3A_103, %mul3A_104 : i32
      %add3A_106 = arith.constant 0 : i32
      %add3A_107 = arith.addi %mul3A_105, %add3A_106 : i32
      %lt3A_108 = arith.cmpi slt, %add3A_107, %add3A_7 : i32
      %convert_element_type3A_109 = arith.extui %lt3A_108 : i1 to i32
      %cond3A = arith.constant 0 : i32
      %cond3A_110 = arith.cmpi ne, %convert_element_type3A_109, %cond3A : i32
      scf.if %cond3A_110 {
        %add3A_135 = arith.addi %add3A_4, %add3A_107 : i32
        %mul3A_136 = arith.constant 128 : i32
        %mul3A_137 = arith.muli %add3A_135, %mul3A_136 : i32
        %dma_wait3A = arith.constant 0 : i32
        %dma_wait3A_138 = arith.constant 0 : i32
        %dma_wait3A_139 = tpu.memref_slice %arg5[%dma_wait3A, %dma_wait3A_138] : memref<4x128xi32, #tpu.memory_space<vmem>> -> memref<1x128xi32, #tpu.memory_space<vmem>>
        %dma_wait3A_140 = tpu.memref_squeeze %dma_wait3A_139 : memref<1x128xi32, #tpu.memory_space<vmem>> -> memref<128xi32, #tpu.memory_space<vmem>>
        %dma_wait3A_141 = tpu.memref_slice %arg2[%mul3A_137] : memref<320000xi32, #tpu.memory_space<hbm>> -> memref<128xi32, #tpu.memory_space<hbm>>
        %dma_wait3A_142 = arith.constant 0 : i32
        %dma_wait3A_143 = tpu.memref_slice %arg5[%dma_wait3A, %dma_wait3A_142] : memref<4x128xi32, #tpu.memory_space<vmem>> -> memref<1x128xi32, #tpu.memory_space<vmem>>
        %dma_wait3A_144 = tpu.memref_squeeze %dma_wait3A_143 : memref<1x128xi32, #tpu.memory_space<vmem>> -> memref<128xi32, #tpu.memory_space<vmem>>
        %dma_wait3A_145 = tpu.memref_slice %arg2[%mul3A_137] : memref<320000xi32, #tpu.memory_space<hbm>> -> memref<128xi32, #tpu.memory_space<hbm>>
        tpu.wait_dma2 semaphore(%arg9 : memref<!tpu.dma_semaphore, #tpu.memory_space<semaphore_mem>>) src(%dma_wait3A_145 : memref<128xi32, #tpu.memory_space<hbm>>) dst(%dma_wait3A_144 : memref<128xi32, #tpu.memory_space<vmem>>)
        %add3A_146 = arith.addi %add3A_4, %add3A_107 : i32
        %mul3A_147 = arith.constant 128 : i32
        %mul3A_148 = arith.muli %add3A_146, %mul3A_147 : i32
        %dma_wait3A_149 = arith.constant 0 : i32
        %dma_wait3A_150 = arith.constant 0 : i32
        %dma_wait3A_151 = tpu.memref_slice %arg6[%dma_wait3A_149, %dma_wait3A_150] : memref<4x128xi32, #tpu.memory_space<vmem>> -> memref<1x128xi32, #tpu.memory_space<vmem>>
        %dma_wait3A_152 = tpu.memref_squeeze %dma_wait3A_151 : memref<1x128xi32, #tpu.memory_space<vmem>> -> memref<128xi32, #tpu.memory_space<vmem>>
        %dma_wait3A_153 = tpu.memref_slice %arg3[%mul3A_148] : memref<320000xi32, #tpu.memory_space<hbm>> -> memref<128xi32, #tpu.memory_space<hbm>>
        %dma_wait3A_154 = arith.constant 0 : i32
        %dma_wait3A_155 = tpu.memref_slice %arg6[%dma_wait3A_149, %dma_wait3A_154] : memref<4x128xi32, #tpu.memory_space<vmem>> -> memref<1x128xi32, #tpu.memory_space<vmem>>
        %dma_wait3A_156 = tpu.memref_squeeze %dma_wait3A_155 : memref<1x128xi32, #tpu.memory_space<vmem>> -> memref<128xi32, #tpu.memory_space<vmem>>
        %dma_wait3A_157 = tpu.memref_slice %arg3[%mul3A_148] : memref<320000xi32, #tpu.memory_space<hbm>> -> memref<128xi32, #tpu.memory_space<hbm>>
        tpu.wait_dma2 semaphore(%arg9 : memref<!tpu.dma_semaphore, #tpu.memory_space<semaphore_mem>>) src(%dma_wait3A_157 : memref<128xi32, #tpu.memory_space<hbm>>) dst(%dma_wait3A_156 : memref<128xi32, #tpu.memory_space<vmem>>)
        %add3A_158 = arith.constant 2 : i32
        %add3A_159 = arith.addi %add3A_107, %add3A_158 : i32
        %lt3A_160 = arith.cmpi slt, %add3A_159, %add3A_7 : i32
        %convert_element_type3A_161 = arith.extui %lt3A_160 : i1 to i32
        %cond3A_162 = arith.constant 0 : i32
        %cond3A_163 = arith.cmpi ne, %convert_element_type3A_161, %cond3A_162 : i32
        scf.if %cond3A_163 {
          %add3A_227 = arith.constant 2 : i32
          %add3A_228 = arith.addi %add3A_107, %add3A_227 : i32
          %add3A_229 = arith.addi %add3A_4, %add3A_228 : i32
          %mul3A_230 = arith.constant 128 : i32
          %mul3A_231 = arith.muli %add3A_229, %mul3A_230 : i32
          %dma_start3A_232 = arith.constant 2 : i32
          %dma_start3A_233 = arith.constant 0 : i32
          %dma_start3A_234 = tpu.memref_slice %arg5[%dma_start3A_232, %dma_start3A_233] : memref<4x128xi32, #tpu.memory_space<vmem>> -> memref<1x128xi32, #tpu.memory_space<vmem>>
          %dma_start3A_235 = tpu.memref_squeeze %dma_start3A_234 : memref<1x128xi32, #tpu.memory_space<vmem>> -> memref<128xi32, #tpu.memory_space<vmem>>
          %dma_start3A_236 = tpu.memref_slice %arg2[%mul3A_231] : memref<320000xi32, #tpu.memory_space<hbm>> -> memref<128xi32, #tpu.memory_space<hbm>>
          %dma_start3A_237 = arith.constant 0 : i32
          %dma_start3A_238 = tpu.memref_slice %arg5[%dma_start3A_232, %dma_start3A_237] : memref<4x128xi32, #tpu.memory_space<vmem>> -> memref<1x128xi32, #tpu.memory_space<vmem>>
          %dma_start3A_239 = tpu.memref_squeeze %dma_start3A_238 : memref<1x128xi32, #tpu.memory_space<vmem>> -> memref<128xi32, #tpu.memory_space<vmem>>
          %dma_start3A_240 = tpu.memref_slice %arg2[%mul3A_231] : memref<320000xi32, #tpu.memory_space<hbm>> -> memref<128xi32, #tpu.memory_space<hbm>>
          tpu.enqueue_dma source(%dma_start3A_240 : memref<128xi32, #tpu.memory_space<hbm>>) target(%dma_start3A_239 : memref<128xi32, #tpu.memory_space<vmem>>) target_semaphore(%arg11 : memref<!tpu.dma_semaphore, #tpu.memory_space<semaphore_mem>>)
          %add3A_241 = arith.addi %add3A_4, %add3A_228 : i32
          %mul3A_242 = arith.constant 128 : i32
          %mul3A_243 = arith.muli %add3A_241, %mul3A_242 : i32
          %dma_start3A_244 = arith.constant 2 : i32
          %dma_start3A_245 = arith.constant 0 : i32
          %dma_start3A_246 = tpu.memref_slice %arg6[%dma_start3A_244, %dma_start3A_245] : memref<4x128xi32, #tpu.memory_space<vmem>> -> memref<1x128xi32, #tpu.memory_space<vmem>>
          %dma_start3A_247 = tpu.memref_squeeze %dma_start3A_246 : memref<1x128xi32, #tpu.memory_space<vmem>> -> memref<128xi32, #tpu.memory_space<vmem>>
          %dma_start3A_248 = tpu.memref_slice %arg3[%mul3A_243] : memref<320000xi32, #tpu.memory_space<hbm>> -> memref<128xi32, #tpu.memory_space<hbm>>
          %dma_start3A_249 = arith.constant 0 : i32
          %dma_start3A_250 = tpu.memref_slice %arg6[%dma_start3A_244, %dma_start3A_249] : memref<4x128xi32, #tpu.memory_space<vmem>> -> memref<1x128xi32, #tpu.memory_space<vmem>>
          %dma_start3A_251 = tpu.memref_squeeze %dma_start3A_250 : memref<1x128xi32, #tpu.memory_space<vmem>> -> memref<128xi32, #tpu.memory_space<vmem>>
          %dma_start3A_252 = tpu.memref_slice %arg3[%mul3A_243] : memref<320000xi32, #tpu.memory_space<hbm>> -> memref<128xi32, #tpu.memory_space<hbm>>
          tpu.enqueue_dma source(%dma_start3A_252 : memref<128xi32, #tpu.memory_space<hbm>>) target(%dma_start3A_251 : memref<128xi32, #tpu.memory_space<vmem>>) target_semaphore(%arg11 : memref<!tpu.dma_semaphore, #tpu.memory_space<semaphore_mem>>)
        } else {
        }
        %get3A = arith.constant 0 : i32
        %get3A_164 = arith.index_cast %get3A : i32 to index
        %get3A_165 = arith.constant 0 : index
        %get3A_166 = tpu.vector_load %arg5[%get3A_164, %get3A_165] {strides = array<i32>} : memref<4x128xi32, #tpu.memory_space<vmem>>, vector<16xi32>,
        %get3A_167 = arith.constant 0 : i32
        %get3A_168 = arith.index_cast %get3A_167 : i32 to index
        %get3A_169 = arith.constant 0 : index
        %get3A_170 = tpu.vector_load %arg6[%get3A_168, %get3A_169] {strides = array<i32>} : memref<4x128xi32, #tpu.memory_space<vmem>>, vector<16xi32>,
        tpu.vector_store_idx %arg7[%get3A_166], %broadcast_in_dim3A_13 {add = true} : memref<10240xf32, #tpu.memory_space<vmem>>[vector<16xi32>], vector<16xf32>,
        tpu.vector_store_idx %arg8[%get3A_170], %broadcast_in_dim3A_13 {add = true} : memref<10240xf32, #tpu.memory_space<vmem>>[vector<16xi32>], vector<16xf32>,
        %get3A_171 = arith.constant 0 : i32
        %get3A_172 = arith.index_cast %get3A_171 : i32 to index
        %get3A_173 = arith.constant 16 : index
        %get3A_174 = tpu.vector_load %arg5[%get3A_172, %get3A_173] {strides = array<i32>} : memref<4x128xi32, #tpu.memory_space<vmem>>, vector<16xi32>,
        %get3A_175 = arith.constant 0 : i32
        %get3A_176 = arith.index_cast %get3A_175 : i32 to index
        %get3A_177 = arith.constant 16 : index
        %get3A_178 = tpu.vector_load %arg6[%get3A_176, %get3A_177] {strides = array<i32>} : memref<4x128xi32, #tpu.memory_space<vmem>>, vector<16xi32>,
        tpu.vector_store_idx %arg7[%get3A_174], %broadcast_in_dim3A_13 {add = true} : memref<10240xf32, #tpu.memory_space<vmem>>[vector<16xi32>], vector<16xf32>,
        tpu.vector_store_idx %arg8[%get3A_178], %broadcast_in_dim3A_13 {add = true} : memref<10240xf32, #tpu.memory_space<vmem>>[vector<16xi32>], vector<16xf32>,
        %get3A_179 = arith.constant 0 : i32
        %get3A_180 = arith.index_cast %get3A_179 : i32 to index
        %get3A_181 = arith.constant 32 : index
        %get3A_182 = tpu.vector_load %arg5[%get3A_180, %get3A_181] {strides = array<i32>} : memref<4x128xi32, #tpu.memory_space<vmem>>, vector<16xi32>,
        %get3A_183 = arith.constant 0 : i32
        %get3A_184 = arith.index_cast %get3A_183 : i32 to index
        %get3A_185 = arith.constant 32 : index
        %get3A_186 = tpu.vector_load %arg6[%get3A_184, %get3A_185] {strides = array<i32>} : memref<4x128xi32, #tpu.memory_space<vmem>>, vector<16xi32>,
        tpu.vector_store_idx %arg7[%get3A_182], %broadcast_in_dim3A_13 {add = true} : memref<10240xf32, #tpu.memory_space<vmem>>[vector<16xi32>], vector<16xf32>,
        tpu.vector_store_idx %arg8[%get3A_186], %broadcast_in_dim3A_13 {add = true} : memref<10240xf32, #tpu.memory_space<vmem>>[vector<16xi32>], vector<16xf32>,
        %get3A_187 = arith.constant 0 : i32
        %get3A_188 = arith.index_cast %get3A_187 : i32 to index
        %get3A_189 = arith.constant 48 : index
        %get3A_190 = tpu.vector_load %arg5[%get3A_188, %get3A_189] {strides = array<i32>} : memref<4x128xi32, #tpu.memory_space<vmem>>, vector<16xi32>,
        %get3A_191 = arith.constant 0 : i32
        %get3A_192 = arith.index_cast %get3A_191 : i32 to index
        %get3A_193 = arith.constant 48 : index
        %get3A_194 = tpu.vector_load %arg6[%get3A_192, %get3A_193] {strides = array<i32>} : memref<4x128xi32, #tpu.memory_space<vmem>>, vector<16xi32>,
        tpu.vector_store_idx %arg7[%get3A_190], %broadcast_in_dim3A_13 {add = true} : memref<10240xf32, #tpu.memory_space<vmem>>[vector<16xi32>], vector<16xf32>,
        tpu.vector_store_idx %arg8[%get3A_194], %broadcast_in_dim3A_13 {add = true} : memref<10240xf32, #tpu.memory_space<vmem>>[vector<16xi32>], vector<16xf32>,
        %get3A_195 = arith.constant 0 : i32
        %get3A_196 = arith.index_cast %get3A_195 : i32 to index
        %get3A_197 = arith.constant 64 : index
        %get3A_198 = tpu.vector_load %arg5[%get3A_196, %get3A_197] {strides = array<i32>} : memref<4x128xi32, #tpu.memory_space<vmem>>, vector<16xi32>,
        %get3A_199 = arith.constant 0 : i32
        %get3A_200 = arith.index_cast %get3A_199 : i32 to index
        %get3A_201 = arith.constant 64 : index
        %get3A_202 = tpu.vector_load %arg6[%get3A_200, %get3A_201] {strides = array<i32>} : memref<4x128xi32, #tpu.memory_space<vmem>>, vector<16xi32>,
        tpu.vector_store_idx %arg7[%get3A_198], %broadcast_in_dim3A_13 {add = true} : memref<10240xf32, #tpu.memory_space<vmem>>[vector<16xi32>], vector<16xf32>,
        tpu.vector_store_idx %arg8[%get3A_202], %broadcast_in_dim3A_13 {add = true} : memref<10240xf32, #tpu.memory_space<vmem>>[vector<16xi32>], vector<16xf32>,
        %get3A_203 = arith.constant 0 : i32
        %get3A_204 = arith.index_cast %get3A_203 : i32 to index
        %get3A_205 = arith.constant 80 : index
        %get3A_206 = tpu.vector_load %arg5[%get3A_204, %get3A_205] {strides = array<i32>} : memref<4x128xi32, #tpu.memory_space<vmem>>, vector<16xi32>,
        %get3A_207 = arith.constant 0 : i32
        %get3A_208 = arith.index_cast %get3A_207 : i32 to index
        %get3A_209 = arith.constant 80 : index
        %get3A_210 = tpu.vector_load %arg6[%get3A_208, %get3A_209] {strides = array<i32>} : memref<4x128xi32, #tpu.memory_space<vmem>>, vector<16xi32>,
        tpu.vector_store_idx %arg7[%get3A_206], %broadcast_in_dim3A_13 {add = true} : memref<10240xf32, #tpu.memory_space<vmem>>[vector<16xi32>], vector<16xf32>,
        tpu.vector_store_idx %arg8[%get3A_210], %broadcast_in_dim3A_13 {add = true} : memref<10240xf32, #tpu.memory_space<vmem>>[vector<16xi32>], vector<16xf32>,
        %get3A_211 = arith.constant 0 : i32
        %get3A_212 = arith.index_cast %get3A_211 : i32 to index
        %get3A_213 = arith.constant 96 : index
        %get3A_214 = tpu.vector_load %arg5[%get3A_212, %get3A_213] {strides = array<i32>} : memref<4x128xi32, #tpu.memory_space<vmem>>, vector<16xi32>,
        %get3A_215 = arith.constant 0 : i32
        %get3A_216 = arith.index_cast %get3A_215 : i32 to index
        %get3A_217 = arith.constant 96 : index
        %get3A_218 = tpu.vector_load %arg6[%get3A_216, %get3A_217] {strides = array<i32>} : memref<4x128xi32, #tpu.memory_space<vmem>>, vector<16xi32>,
        tpu.vector_store_idx %arg7[%get3A_214], %broadcast_in_dim3A_13 {add = true} : memref<10240xf32, #tpu.memory_space<vmem>>[vector<16xi32>], vector<16xf32>,
        tpu.vector_store_idx %arg8[%get3A_218], %broadcast_in_dim3A_13 {add = true} : memref<10240xf32, #tpu.memory_space<vmem>>[vector<16xi32>], vector<16xf32>,
        %get3A_219 = arith.constant 0 : i32
        %get3A_220 = arith.index_cast %get3A_219 : i32 to index
        %get3A_221 = arith.constant 112 : index
        %get3A_222 = tpu.vector_load %arg5[%get3A_220, %get3A_221] {strides = array<i32>} : memref<4x128xi32, #tpu.memory_space<vmem>>, vector<16xi32>,
        %get3A_223 = arith.constant 0 : i32
        %get3A_224 = arith.index_cast %get3A_223 : i32 to index
        %get3A_225 = arith.constant 112 : index
        %get3A_226 = tpu.vector_load %arg6[%get3A_224, %get3A_225] {strides = array<i32>} : memref<4x128xi32, #tpu.memory_space<vmem>>, vector<16xi32>,
        tpu.vector_store_idx %arg7[%get3A_222], %broadcast_in_dim3A_13 {add = true} : memref<10240xf32, #tpu.memory_space<vmem>>[vector<16xi32>], vector<16xf32>,
        tpu.vector_store_idx %arg8[%get3A_226], %broadcast_in_dim3A_13 {add = true} : memref<10240xf32, #tpu.memory_space<vmem>>[vector<16xi32>], vector<16xf32>,
      } else {
      }
      %mul3A_111 = arith.constant 4 : i32
      %mul3A_112 = arith.muli %while3A_103, %mul3A_111 : i32
      %add3A_113 = arith.constant 1 : i32
      %add3A_114 = arith.addi %mul3A_112, %add3A_113 : i32
      %lt3A_115 = arith.cmpi slt, %add3A_114, %add3A_7 : i32
      %convert_element_type3A_116 = arith.extui %lt3A_115 : i1 to i32
      %cond3A_117 = arith.constant 0 : i32
      %cond3A_118 = arith.cmpi ne, %convert_element_type3A_116, %cond3A_117 : i32
      scf.if %cond3A_118 {
        %add3A_135 = arith.addi %add3A_4, %add3A_114 : i32
        %mul3A_136 = arith.constant 128 : i32
        %mul3A_137 = arith.muli %add3A_135, %mul3A_136 : i32
        %dma_wait3A = arith.constant 1 : i32
        %dma_wait3A_138 = arith.constant 0 : i32
        %dma_wait3A_139 = tpu.memref_slice %arg5[%dma_wait3A, %dma_wait3A_138] : memref<4x128xi32, #tpu.memory_space<vmem>> -> memref<1x128xi32, #tpu.memory_space<vmem>>
        %dma_wait3A_140 = tpu.memref_squeeze %dma_wait3A_139 : memref<1x128xi32, #tpu.memory_space<vmem>> -> memref<128xi32, #tpu.memory_space<vmem>>
        %dma_wait3A_141 = tpu.memref_slice %arg2[%mul3A_137] : memref<320000xi32, #tpu.memory_space<hbm>> -> memref<128xi32, #tpu.memory_space<hbm>>
        %dma_wait3A_142 = arith.constant 0 : i32
        %dma_wait3A_143 = tpu.memref_slice %arg5[%dma_wait3A, %dma_wait3A_142] : memref<4x128xi32, #tpu.memory_space<vmem>> -> memref<1x128xi32, #tpu.memory_space<vmem>>
        %dma_wait3A_144 = tpu.memref_squeeze %dma_wait3A_143 : memref<1x128xi32, #tpu.memory_space<vmem>> -> memref<128xi32, #tpu.memory_space<vmem>>
        %dma_wait3A_145 = tpu.memref_slice %arg2[%mul3A_137] : memref<320000xi32, #tpu.memory_space<hbm>> -> memref<128xi32, #tpu.memory_space<hbm>>
        tpu.wait_dma2 semaphore(%arg10 : memref<!tpu.dma_semaphore, #tpu.memory_space<semaphore_mem>>) src(%dma_wait3A_145 : memref<128xi32, #tpu.memory_space<hbm>>) dst(%dma_wait3A_144 : memref<128xi32, #tpu.memory_space<vmem>>)
        %add3A_146 = arith.addi %add3A_4, %add3A_114 : i32
        %mul3A_147 = arith.constant 128 : i32
        %mul3A_148 = arith.muli %add3A_146, %mul3A_147 : i32
        %dma_wait3A_149 = arith.constant 1 : i32
        %dma_wait3A_150 = arith.constant 0 : i32
        %dma_wait3A_151 = tpu.memref_slice %arg6[%dma_wait3A_149, %dma_wait3A_150] : memref<4x128xi32, #tpu.memory_space<vmem>> -> memref<1x128xi32, #tpu.memory_space<vmem>>
        %dma_wait3A_152 = tpu.memref_squeeze %dma_wait3A_151 : memref<1x128xi32, #tpu.memory_space<vmem>> -> memref<128xi32, #tpu.memory_space<vmem>>
        %dma_wait3A_153 = tpu.memref_slice %arg3[%mul3A_148] : memref<320000xi32, #tpu.memory_space<hbm>> -> memref<128xi32, #tpu.memory_space<hbm>>
        %dma_wait3A_154 = arith.constant 0 : i32
        %dma_wait3A_155 = tpu.memref_slice %arg6[%dma_wait3A_149, %dma_wait3A_154] : memref<4x128xi32, #tpu.memory_space<vmem>> -> memref<1x128xi32, #tpu.memory_space<vmem>>
        %dma_wait3A_156 = tpu.memref_squeeze %dma_wait3A_155 : memref<1x128xi32, #tpu.memory_space<vmem>> -> memref<128xi32, #tpu.memory_space<vmem>>
        %dma_wait3A_157 = tpu.memref_slice %arg3[%mul3A_148] : memref<320000xi32, #tpu.memory_space<hbm>> -> memref<128xi32, #tpu.memory_space<hbm>>
        tpu.wait_dma2 semaphore(%arg10 : memref<!tpu.dma_semaphore, #tpu.memory_space<semaphore_mem>>) src(%dma_wait3A_157 : memref<128xi32, #tpu.memory_space<hbm>>) dst(%dma_wait3A_156 : memref<128xi32, #tpu.memory_space<vmem>>)
        %add3A_158 = arith.constant 2 : i32
        %add3A_159 = arith.addi %add3A_114, %add3A_158 : i32
        %lt3A_160 = arith.cmpi slt, %add3A_159, %add3A_7 : i32
        %convert_element_type3A_161 = arith.extui %lt3A_160 : i1 to i32
        %cond3A_162 = arith.constant 0 : i32
        %cond3A_163 = arith.cmpi ne, %convert_element_type3A_161, %cond3A_162 : i32
        scf.if %cond3A_163 {
          %add3A_227 = arith.constant 2 : i32
          %add3A_228 = arith.addi %add3A_114, %add3A_227 : i32
          %add3A_229 = arith.addi %add3A_4, %add3A_228 : i32
          %mul3A_230 = arith.constant 128 : i32
          %mul3A_231 = arith.muli %add3A_229, %mul3A_230 : i32
          %dma_start3A_232 = arith.constant 3 : i32
          %dma_start3A_233 = arith.constant 0 : i32
          %dma_start3A_234 = tpu.memref_slice %arg5[%dma_start3A_232, %dma_start3A_233] : memref<4x128xi32, #tpu.memory_space<vmem>> -> memref<1x128xi32, #tpu.memory_space<vmem>>
          %dma_start3A_235 = tpu.memref_squeeze %dma_start3A_234 : memref<1x128xi32, #tpu.memory_space<vmem>> -> memref<128xi32, #tpu.memory_space<vmem>>
          %dma_start3A_236 = tpu.memref_slice %arg2[%mul3A_231] : memref<320000xi32, #tpu.memory_space<hbm>> -> memref<128xi32, #tpu.memory_space<hbm>>
          %dma_start3A_237 = arith.constant 0 : i32
          %dma_start3A_238 = tpu.memref_slice %arg5[%dma_start3A_232, %dma_start3A_237] : memref<4x128xi32, #tpu.memory_space<vmem>> -> memref<1x128xi32, #tpu.memory_space<vmem>>
          %dma_start3A_239 = tpu.memref_squeeze %dma_start3A_238 : memref<1x128xi32, #tpu.memory_space<vmem>> -> memref<128xi32, #tpu.memory_space<vmem>>
          %dma_start3A_240 = tpu.memref_slice %arg2[%mul3A_231] : memref<320000xi32, #tpu.memory_space<hbm>> -> memref<128xi32, #tpu.memory_space<hbm>>
          tpu.enqueue_dma source(%dma_start3A_240 : memref<128xi32, #tpu.memory_space<hbm>>) target(%dma_start3A_239 : memref<128xi32, #tpu.memory_space<vmem>>) target_semaphore(%arg12 : memref<!tpu.dma_semaphore, #tpu.memory_space<semaphore_mem>>)
          %add3A_241 = arith.addi %add3A_4, %add3A_228 : i32
          %mul3A_242 = arith.constant 128 : i32
          %mul3A_243 = arith.muli %add3A_241, %mul3A_242 : i32
          %dma_start3A_244 = arith.constant 3 : i32
          %dma_start3A_245 = arith.constant 0 : i32
          %dma_start3A_246 = tpu.memref_slice %arg6[%dma_start3A_244, %dma_start3A_245] : memref<4x128xi32, #tpu.memory_space<vmem>> -> memref<1x128xi32, #tpu.memory_space<vmem>>
          %dma_start3A_247 = tpu.memref_squeeze %dma_start3A_246 : memref<1x128xi32, #tpu.memory_space<vmem>> -> memref<128xi32, #tpu.memory_space<vmem>>
          %dma_start3A_248 = tpu.memref_slice %arg3[%mul3A_243] : memref<320000xi32, #tpu.memory_space<hbm>> -> memref<128xi32, #tpu.memory_space<hbm>>
          %dma_start3A_249 = arith.constant 0 : i32
          %dma_start3A_250 = tpu.memref_slice %arg6[%dma_start3A_244, %dma_start3A_249] : memref<4x128xi32, #tpu.memory_space<vmem>> -> memref<1x128xi32, #tpu.memory_space<vmem>>
          %dma_start3A_251 = tpu.memref_squeeze %dma_start3A_250 : memref<1x128xi32, #tpu.memory_space<vmem>> -> memref<128xi32, #tpu.memory_space<vmem>>
          %dma_start3A_252 = tpu.memref_slice %arg3[%mul3A_243] : memref<320000xi32, #tpu.memory_space<hbm>> -> memref<128xi32, #tpu.memory_space<hbm>>
          tpu.enqueue_dma source(%dma_start3A_252 : memref<128xi32, #tpu.memory_space<hbm>>) target(%dma_start3A_251 : memref<128xi32, #tpu.memory_space<vmem>>) target_semaphore(%arg12 : memref<!tpu.dma_semaphore, #tpu.memory_space<semaphore_mem>>)
        } else {
        }
        %get3A = arith.constant 1 : i32
        %get3A_164 = arith.index_cast %get3A : i32 to index
        %get3A_165 = arith.constant 0 : index
        %get3A_166 = tpu.vector_load %arg5[%get3A_164, %get3A_165] {strides = array<i32>} : memref<4x128xi32, #tpu.memory_space<vmem>>, vector<16xi32>,
        %get3A_167 = arith.constant 1 : i32
        %get3A_168 = arith.index_cast %get3A_167 : i32 to index
        %get3A_169 = arith.constant 0 : index
        %get3A_170 = tpu.vector_load %arg6[%get3A_168, %get3A_169] {strides = array<i32>} : memref<4x128xi32, #tpu.memory_space<vmem>>, vector<16xi32>,
        tpu.vector_store_idx %arg7[%get3A_166], %broadcast_in_dim3A_13 {add = true} : memref<10240xf32, #tpu.memory_space<vmem>>[vector<16xi32>], vector<16xf32>,
        tpu.vector_store_idx %arg8[%get3A_170], %broadcast_in_dim3A_13 {add = true} : memref<10240xf32, #tpu.memory_space<vmem>>[vector<16xi32>], vector<16xf32>,
        %get3A_171 = arith.constant 1 : i32
        %get3A_172 = arith.index_cast %get3A_171 : i32 to index
        %get3A_173 = arith.constant 16 : index
        %get3A_174 = tpu.vector_load %arg5[%get3A_172, %get3A_173] {strides = array<i32>} : memref<4x128xi32, #tpu.memory_space<vmem>>, vector<16xi32>,
        %get3A_175 = arith.constant 1 : i32
        %get3A_176 = arith.index_cast %get3A_175 : i32 to index
        %get3A_177 = arith.constant 16 : index
        %get3A_178 = tpu.vector_load %arg6[%get3A_176, %get3A_177] {strides = array<i32>} : memref<4x128xi32, #tpu.memory_space<vmem>>, vector<16xi32>,
        tpu.vector_store_idx %arg7[%get3A_174], %broadcast_in_dim3A_13 {add = true} : memref<10240xf32, #tpu.memory_space<vmem>>[vector<16xi32>], vector<16xf32>,
        tpu.vector_store_idx %arg8[%get3A_178], %broadcast_in_dim3A_13 {add = true} : memref<10240xf32, #tpu.memory_space<vmem>>[vector<16xi32>], vector<16xf32>,
        %get3A_179 = arith.constant 1 : i32
        %get3A_180 = arith.index_cast %get3A_179 : i32 to index
        %get3A_181 = arith.constant 32 : index
        %get3A_182 = tpu.vector_load %arg5[%get3A_180, %get3A_181] {strides = array<i32>} : memref<4x128xi32, #tpu.memory_space<vmem>>, vector<16xi32>,
        %get3A_183 = arith.constant 1 : i32
        %get3A_184 = arith.index_cast %get3A_183 : i32 to index
        %get3A_185 = arith.constant 32 : index
        %get3A_186 = tpu.vector_load %arg6[%get3A_184, %get3A_185] {strides = array<i32>} : memref<4x128xi32, #tpu.memory_space<vmem>>, vector<16xi32>,
        tpu.vector_store_idx %arg7[%get3A_182], %broadcast_in_dim3A_13 {add = true} : memref<10240xf32, #tpu.memory_space<vmem>>[vector<16xi32>], vector<16xf32>,
        tpu.vector_store_idx %arg8[%get3A_186], %broadcast_in_dim3A_13 {add = true} : memref<10240xf32, #tpu.memory_space<vmem>>[vector<16xi32>], vector<16xf32>,
        %get3A_187 = arith.constant 1 : i32
        %get3A_188 = arith.index_cast %get3A_187 : i32 to index
        %get3A_189 = arith.constant 48 : index
        %get3A_190 = tpu.vector_load %arg5[%get3A_188, %get3A_189] {strides = array<i32>} : memref<4x128xi32, #tpu.memory_space<vmem>>, vector<16xi32>,
        %get3A_191 = arith.constant 1 : i32
        %get3A_192 = arith.index_cast %get3A_191 : i32 to index
        %get3A_193 = arith.constant 48 : index
        %get3A_194 = tpu.vector_load %arg6[%get3A_192, %get3A_193] {strides = array<i32>} : memref<4x128xi32, #tpu.memory_space<vmem>>, vector<16xi32>,
        tpu.vector_store_idx %arg7[%get3A_190], %broadcast_in_dim3A_13 {add = true} : memref<10240xf32, #tpu.memory_space<vmem>>[vector<16xi32>], vector<16xf32>,
        tpu.vector_store_idx %arg8[%get3A_194], %broadcast_in_dim3A_13 {add = true} : memref<10240xf32, #tpu.memory_space<vmem>>[vector<16xi32>], vector<16xf32>,
        %get3A_195 = arith.constant 1 : i32
        %get3A_196 = arith.index_cast %get3A_195 : i32 to index
        %get3A_197 = arith.constant 64 : index
        %get3A_198 = tpu.vector_load %arg5[%get3A_196, %get3A_197] {strides = array<i32>} : memref<4x128xi32, #tpu.memory_space<vmem>>, vector<16xi32>,
        %get3A_199 = arith.constant 1 : i32
        %get3A_200 = arith.index_cast %get3A_199 : i32 to index
        %get3A_201 = arith.constant 64 : index
        %get3A_202 = tpu.vector_load %arg6[%get3A_200, %get3A_201] {strides = array<i32>} : memref<4x128xi32, #tpu.memory_space<vmem>>, vector<16xi32>,
        tpu.vector_store_idx %arg7[%get3A_198], %broadcast_in_dim3A_13 {add = true} : memref<10240xf32, #tpu.memory_space<vmem>>[vector<16xi32>], vector<16xf32>,
        tpu.vector_store_idx %arg8[%get3A_202], %broadcast_in_dim3A_13 {add = true} : memref<10240xf32, #tpu.memory_space<vmem>>[vector<16xi32>], vector<16xf32>,
        %get3A_203 = arith.constant 1 : i32
        %get3A_204 = arith.index_cast %get3A_203 : i32 to index
        %get3A_205 = arith.constant 80 : index
        %get3A_206 = tpu.vector_load %arg5[%get3A_204, %get3A_205] {strides = array<i32>} : memref<4x128xi32, #tpu.memory_space<vmem>>, vector<16xi32>,
        %get3A_207 = arith.constant 1 : i32
        %get3A_208 = arith.index_cast %get3A_207 : i32 to index
        %get3A_209 = arith.constant 80 : index
        %get3A_210 = tpu.vector_load %arg6[%get3A_208, %get3A_209] {strides = array<i32>} : memref<4x128xi32, #tpu.memory_space<vmem>>, vector<16xi32>,
        tpu.vector_store_idx %arg7[%get3A_206], %broadcast_in_dim3A_13 {add = true} : memref<10240xf32, #tpu.memory_space<vmem>>[vector<16xi32>], vector<16xf32>,
        tpu.vector_store_idx %arg8[%get3A_210], %broadcast_in_dim3A_13 {add = true} : memref<10240xf32, #tpu.memory_space<vmem>>[vector<16xi32>], vector<16xf32>,
        %get3A_211 = arith.constant 1 : i32
        %get3A_212 = arith.index_cast %get3A_211 : i32 to index
        %get3A_213 = arith.constant 96 : index
        %get3A_214 = tpu.vector_load %arg5[%get3A_212, %get3A_213] {strides = array<i32>} : memref<4x128xi32, #tpu.memory_space<vmem>>, vector<16xi32>,
        %get3A_215 = arith.constant 1 : i32
        %get3A_216 = arith.index_cast %get3A_215 : i32 to index
        %get3A_217 = arith.constant 96 : index
        %get3A_218 = tpu.vector_load %arg6[%get3A_216, %get3A_217] {strides = array<i32>} : memref<4x128xi32, #tpu.memory_space<vmem>>, vector<16xi32>,
        tpu.vector_store_idx %arg7[%get3A_214], %broadcast_in_dim3A_13 {add = true} : memref<10240xf32, #tpu.memory_space<vmem>>[vector<16xi32>], vector<16xf32>,
        tpu.vector_store_idx %arg8[%get3A_218], %broadcast_in_dim3A_13 {add = true} : memref<10240xf32, #tpu.memory_space<vmem>>[vector<16xi32>], vector<16xf32>,
        %get3A_219 = arith.constant 1 : i32
        %get3A_220 = arith.index_cast %get3A_219 : i32 to index
        %get3A_221 = arith.constant 112 : index
        %get3A_222 = tpu.vector_load %arg5[%get3A_220, %get3A_221] {strides = array<i32>} : memref<4x128xi32, #tpu.memory_space<vmem>>, vector<16xi32>,
        %get3A_223 = arith.constant 1 : i32
        %get3A_224 = arith.index_cast %get3A_223 : i32 to index
        %get3A_225 = arith.constant 112 : index
        %get3A_226 = tpu.vector_load %arg6[%get3A_224, %get3A_225] {strides = array<i32>} : memref<4x128xi32, #tpu.memory_space<vmem>>, vector<16xi32>,
        tpu.vector_store_idx %arg7[%get3A_222], %broadcast_in_dim3A_13 {add = true} : memref<10240xf32, #tpu.memory_space<vmem>>[vector<16xi32>], vector<16xf32>,
        tpu.vector_store_idx %arg8[%get3A_226], %broadcast_in_dim3A_13 {add = true} : memref<10240xf32, #tpu.memory_space<vmem>>[vector<16xi32>], vector<16xf32>,
      } else {
      }
      %mul3A_119 = arith.constant 4 : i32
      %mul3A_120 = arith.muli %while3A_103, %mul3A_119 : i32
      %add3A_121 = arith.constant 2 : i32
      %add3A_122 = arith.addi %mul3A_120, %add3A_121 : i32
      %lt3A_123 = arith.cmpi slt, %add3A_122, %add3A_7 : i32
      %convert_element_type3A_124 = arith.extui %lt3A_123 : i1 to i32
      %cond3A_125 = arith.constant 0 : i32
      %cond3A_126 = arith.cmpi ne, %convert_element_type3A_124, %cond3A_125 : i32
      scf.if %cond3A_126 {
        %add3A_135 = arith.addi %add3A_4, %add3A_122 : i32
        %mul3A_136 = arith.constant 128 : i32
        %mul3A_137 = arith.muli %add3A_135, %mul3A_136 : i32
        %dma_wait3A = arith.constant 2 : i32
        %dma_wait3A_138 = arith.constant 0 : i32
        %dma_wait3A_139 = tpu.memref_slice %arg5[%dma_wait3A, %dma_wait3A_138] : memref<4x128xi32, #tpu.memory_space<vmem>> -> memref<1x128xi32, #tpu.memory_space<vmem>>
        %dma_wait3A_140 = tpu.memref_squeeze %dma_wait3A_139 : memref<1x128xi32, #tpu.memory_space<vmem>> -> memref<128xi32, #tpu.memory_space<vmem>>
        %dma_wait3A_141 = tpu.memref_slice %arg2[%mul3A_137] : memref<320000xi32, #tpu.memory_space<hbm>> -> memref<128xi32, #tpu.memory_space<hbm>>
        %dma_wait3A_142 = arith.constant 0 : i32
        %dma_wait3A_143 = tpu.memref_slice %arg5[%dma_wait3A, %dma_wait3A_142] : memref<4x128xi32, #tpu.memory_space<vmem>> -> memref<1x128xi32, #tpu.memory_space<vmem>>
        %dma_wait3A_144 = tpu.memref_squeeze %dma_wait3A_143 : memref<1x128xi32, #tpu.memory_space<vmem>> -> memref<128xi32, #tpu.memory_space<vmem>>
        %dma_wait3A_145 = tpu.memref_slice %arg2[%mul3A_137] : memref<320000xi32, #tpu.memory_space<hbm>> -> memref<128xi32, #tpu.memory_space<hbm>>
        tpu.wait_dma2 semaphore(%arg11 : memref<!tpu.dma_semaphore, #tpu.memory_space<semaphore_mem>>) src(%dma_wait3A_145 : memref<128xi32, #tpu.memory_space<hbm>>) dst(%dma_wait3A_144 : memref<128xi32, #tpu.memory_space<vmem>>)
        %add3A_146 = arith.addi %add3A_4, %add3A_122 : i32
        %mul3A_147 = arith.constant 128 : i32
        %mul3A_148 = arith.muli %add3A_146, %mul3A_147 : i32
        %dma_wait3A_149 = arith.constant 2 : i32
        %dma_wait3A_150 = arith.constant 0 : i32
        %dma_wait3A_151 = tpu.memref_slice %arg6[%dma_wait3A_149, %dma_wait3A_150] : memref<4x128xi32, #tpu.memory_space<vmem>> -> memref<1x128xi32, #tpu.memory_space<vmem>>
        %dma_wait3A_152 = tpu.memref_squeeze %dma_wait3A_151 : memref<1x128xi32, #tpu.memory_space<vmem>> -> memref<128xi32, #tpu.memory_space<vmem>>
        %dma_wait3A_153 = tpu.memref_slice %arg3[%mul3A_148] : memref<320000xi32, #tpu.memory_space<hbm>> -> memref<128xi32, #tpu.memory_space<hbm>>
        %dma_wait3A_154 = arith.constant 0 : i32
        %dma_wait3A_155 = tpu.memref_slice %arg6[%dma_wait3A_149, %dma_wait3A_154] : memref<4x128xi32, #tpu.memory_space<vmem>> -> memref<1x128xi32, #tpu.memory_space<vmem>>
        %dma_wait3A_156 = tpu.memref_squeeze %dma_wait3A_155 : memref<1x128xi32, #tpu.memory_space<vmem>> -> memref<128xi32, #tpu.memory_space<vmem>>
        %dma_wait3A_157 = tpu.memref_slice %arg3[%mul3A_148] : memref<320000xi32, #tpu.memory_space<hbm>> -> memref<128xi32, #tpu.memory_space<hbm>>
        tpu.wait_dma2 semaphore(%arg11 : memref<!tpu.dma_semaphore, #tpu.memory_space<semaphore_mem>>) src(%dma_wait3A_157 : memref<128xi32, #tpu.memory_space<hbm>>) dst(%dma_wait3A_156 : memref<128xi32, #tpu.memory_space<vmem>>)
        %add3A_158 = arith.constant 2 : i32
        %add3A_159 = arith.addi %add3A_122, %add3A_158 : i32
        %lt3A_160 = arith.cmpi slt, %add3A_159, %add3A_7 : i32
        %convert_element_type3A_161 = arith.extui %lt3A_160 : i1 to i32
        %cond3A_162 = arith.constant 0 : i32
        %cond3A_163 = arith.cmpi ne, %convert_element_type3A_161, %cond3A_162 : i32
        scf.if %cond3A_163 {
          %add3A_227 = arith.constant 2 : i32
          %add3A_228 = arith.addi %add3A_122, %add3A_227 : i32
          %add3A_229 = arith.addi %add3A_4, %add3A_228 : i32
          %mul3A_230 = arith.constant 128 : i32
          %mul3A_231 = arith.muli %add3A_229, %mul3A_230 : i32
          %dma_start3A_232 = arith.constant 0 : i32
          %dma_start3A_233 = arith.constant 0 : i32
          %dma_start3A_234 = tpu.memref_slice %arg5[%dma_start3A_232, %dma_start3A_233] : memref<4x128xi32, #tpu.memory_space<vmem>> -> memref<1x128xi32, #tpu.memory_space<vmem>>
          %dma_start3A_235 = tpu.memref_squeeze %dma_start3A_234 : memref<1x128xi32, #tpu.memory_space<vmem>> -> memref<128xi32, #tpu.memory_space<vmem>>
          %dma_start3A_236 = tpu.memref_slice %arg2[%mul3A_231] : memref<320000xi32, #tpu.memory_space<hbm>> -> memref<128xi32, #tpu.memory_space<hbm>>
          %dma_start3A_237 = arith.constant 0 : i32
          %dma_start3A_238 = tpu.memref_slice %arg5[%dma_start3A_232, %dma_start3A_237] : memref<4x128xi32, #tpu.memory_space<vmem>> -> memref<1x128xi32, #tpu.memory_space<vmem>>
          %dma_start3A_239 = tpu.memref_squeeze %dma_start3A_238 : memref<1x128xi32, #tpu.memory_space<vmem>> -> memref<128xi32, #tpu.memory_space<vmem>>
          %dma_start3A_240 = tpu.memref_slice %arg2[%mul3A_231] : memref<320000xi32, #tpu.memory_space<hbm>> -> memref<128xi32, #tpu.memory_space<hbm>>
          tpu.enqueue_dma source(%dma_start3A_240 : memref<128xi32, #tpu.memory_space<hbm>>) target(%dma_start3A_239 : memref<128xi32, #tpu.memory_space<vmem>>) target_semaphore(%arg9 : memref<!tpu.dma_semaphore, #tpu.memory_space<semaphore_mem>>)
          %add3A_241 = arith.addi %add3A_4, %add3A_228 : i32
          %mul3A_242 = arith.constant 128 : i32
          %mul3A_243 = arith.muli %add3A_241, %mul3A_242 : i32
          %dma_start3A_244 = arith.constant 0 : i32
          %dma_start3A_245 = arith.constant 0 : i32
          %dma_start3A_246 = tpu.memref_slice %arg6[%dma_start3A_244, %dma_start3A_245] : memref<4x128xi32, #tpu.memory_space<vmem>> -> memref<1x128xi32, #tpu.memory_space<vmem>>
          %dma_start3A_247 = tpu.memref_squeeze %dma_start3A_246 : memref<1x128xi32, #tpu.memory_space<vmem>> -> memref<128xi32, #tpu.memory_space<vmem>>
          %dma_start3A_248 = tpu.memref_slice %arg3[%mul3A_243] : memref<320000xi32, #tpu.memory_space<hbm>> -> memref<128xi32, #tpu.memory_space<hbm>>
          %dma_start3A_249 = arith.constant 0 : i32
          %dma_start3A_250 = tpu.memref_slice %arg6[%dma_start3A_244, %dma_start3A_249] : memref<4x128xi32, #tpu.memory_space<vmem>> -> memref<1x128xi32, #tpu.memory_space<vmem>>
          %dma_start3A_251 = tpu.memref_squeeze %dma_start3A_250 : memref<1x128xi32, #tpu.memory_space<vmem>> -> memref<128xi32, #tpu.memory_space<vmem>>
          %dma_start3A_252 = tpu.memref_slice %arg3[%mul3A_243] : memref<320000xi32, #tpu.memory_space<hbm>> -> memref<128xi32, #tpu.memory_space<hbm>>
          tpu.enqueue_dma source(%dma_start3A_252 : memref<128xi32, #tpu.memory_space<hbm>>) target(%dma_start3A_251 : memref<128xi32, #tpu.memory_space<vmem>>) target_semaphore(%arg9 : memref<!tpu.dma_semaphore, #tpu.memory_space<semaphore_mem>>)
        } else {
        }
        %get3A = arith.constant 2 : i32
        %get3A_164 = arith.index_cast %get3A : i32 to index
        %get3A_165 = arith.constant 0 : index
        %get3A_166 = tpu.vector_load %arg5[%get3A_164, %get3A_165] {strides = array<i32>} : memref<4x128xi32, #tpu.memory_space<vmem>>, vector<16xi32>,
        %get3A_167 = arith.constant 2 : i32
        %get3A_168 = arith.index_cast %get3A_167 : i32 to index
        %get3A_169 = arith.constant 0 : index
        %get3A_170 = tpu.vector_load %arg6[%get3A_168, %get3A_169] {strides = array<i32>} : memref<4x128xi32, #tpu.memory_space<vmem>>, vector<16xi32>,
        tpu.vector_store_idx %arg7[%get3A_166], %broadcast_in_dim3A_13 {add = true} : memref<10240xf32, #tpu.memory_space<vmem>>[vector<16xi32>], vector<16xf32>,
        tpu.vector_store_idx %arg8[%get3A_170], %broadcast_in_dim3A_13 {add = true} : memref<10240xf32, #tpu.memory_space<vmem>>[vector<16xi32>], vector<16xf32>,
        %get3A_171 = arith.constant 2 : i32
        %get3A_172 = arith.index_cast %get3A_171 : i32 to index
        %get3A_173 = arith.constant 16 : index
        %get3A_174 = tpu.vector_load %arg5[%get3A_172, %get3A_173] {strides = array<i32>} : memref<4x128xi32, #tpu.memory_space<vmem>>, vector<16xi32>,
        %get3A_175 = arith.constant 2 : i32
        %get3A_176 = arith.index_cast %get3A_175 : i32 to index
        %get3A_177 = arith.constant 16 : index
        %get3A_178 = tpu.vector_load %arg6[%get3A_176, %get3A_177] {strides = array<i32>} : memref<4x128xi32, #tpu.memory_space<vmem>>, vector<16xi32>,
        tpu.vector_store_idx %arg7[%get3A_174], %broadcast_in_dim3A_13 {add = true} : memref<10240xf32, #tpu.memory_space<vmem>>[vector<16xi32>], vector<16xf32>,
        tpu.vector_store_idx %arg8[%get3A_178], %broadcast_in_dim3A_13 {add = true} : memref<10240xf32, #tpu.memory_space<vmem>>[vector<16xi32>], vector<16xf32>,
        %get3A_179 = arith.constant 2 : i32
        %get3A_180 = arith.index_cast %get3A_179 : i32 to index
        %get3A_181 = arith.constant 32 : index
        %get3A_182 = tpu.vector_load %arg5[%get3A_180, %get3A_181] {strides = array<i32>} : memref<4x128xi32, #tpu.memory_space<vmem>>, vector<16xi32>,
        %get3A_183 = arith.constant 2 : i32
        %get3A_184 = arith.index_cast %get3A_183 : i32 to index
        %get3A_185 = arith.constant 32 : index
        %get3A_186 = tpu.vector_load %arg6[%get3A_184, %get3A_185] {strides = array<i32>} : memref<4x128xi32, #tpu.memory_space<vmem>>, vector<16xi32>,
        tpu.vector_store_idx %arg7[%get3A_182], %broadcast_in_dim3A_13 {add = true} : memref<10240xf32, #tpu.memory_space<vmem>>[vector<16xi32>], vector<16xf32>,
        tpu.vector_store_idx %arg8[%get3A_186], %broadcast_in_dim3A_13 {add = true} : memref<10240xf32, #tpu.memory_space<vmem>>[vector<16xi32>], vector<16xf32>,
        %get3A_187 = arith.constant 2 : i32
        %get3A_188 = arith.index_cast %get3A_187 : i32 to index
        %get3A_189 = arith.constant 48 : index
        %get3A_190 = tpu.vector_load %arg5[%get3A_188, %get3A_189] {strides = array<i32>} : memref<4x128xi32, #tpu.memory_space<vmem>>, vector<16xi32>,
        %get3A_191 = arith.constant 2 : i32
        %get3A_192 = arith.index_cast %get3A_191 : i32 to index
        %get3A_193 = arith.constant 48 : index
        %get3A_194 = tpu.vector_load %arg6[%get3A_192, %get3A_193] {strides = array<i32>} : memref<4x128xi32, #tpu.memory_space<vmem>>, vector<16xi32>,
        tpu.vector_store_idx %arg7[%get3A_190], %broadcast_in_dim3A_13 {add = true} : memref<10240xf32, #tpu.memory_space<vmem>>[vector<16xi32>], vector<16xf32>,
        tpu.vector_store_idx %arg8[%get3A_194], %broadcast_in_dim3A_13 {add = true} : memref<10240xf32, #tpu.memory_space<vmem>>[vector<16xi32>], vector<16xf32>,
        %get3A_195 = arith.constant 2 : i32
        %get3A_196 = arith.index_cast %get3A_195 : i32 to index
        %get3A_197 = arith.constant 64 : index
        %get3A_198 = tpu.vector_load %arg5[%get3A_196, %get3A_197] {strides = array<i32>} : memref<4x128xi32, #tpu.memory_space<vmem>>, vector<16xi32>,
        %get3A_199 = arith.constant 2 : i32
        %get3A_200 = arith.index_cast %get3A_199 : i32 to index
        %get3A_201 = arith.constant 64 : index
        %get3A_202 = tpu.vector_load %arg6[%get3A_200, %get3A_201] {strides = array<i32>} : memref<4x128xi32, #tpu.memory_space<vmem>>, vector<16xi32>,
        tpu.vector_store_idx %arg7[%get3A_198], %broadcast_in_dim3A_13 {add = true} : memref<10240xf32, #tpu.memory_space<vmem>>[vector<16xi32>], vector<16xf32>,
        tpu.vector_store_idx %arg8[%get3A_202], %broadcast_in_dim3A_13 {add = true} : memref<10240xf32, #tpu.memory_space<vmem>>[vector<16xi32>], vector<16xf32>,
        %get3A_203 = arith.constant 2 : i32
        %get3A_204 = arith.index_cast %get3A_203 : i32 to index
        %get3A_205 = arith.constant 80 : index
        %get3A_206 = tpu.vector_load %arg5[%get3A_204, %get3A_205] {strides = array<i32>} : memref<4x128xi32, #tpu.memory_space<vmem>>, vector<16xi32>,
        %get3A_207 = arith.constant 2 : i32
        %get3A_208 = arith.index_cast %get3A_207 : i32 to index
        %get3A_209 = arith.constant 80 : index
        %get3A_210 = tpu.vector_load %arg6[%get3A_208, %get3A_209] {strides = array<i32>} : memref<4x128xi32, #tpu.memory_space<vmem>>, vector<16xi32>,
        tpu.vector_store_idx %arg7[%get3A_206], %broadcast_in_dim3A_13 {add = true} : memref<10240xf32, #tpu.memory_space<vmem>>[vector<16xi32>], vector<16xf32>,
        tpu.vector_store_idx %arg8[%get3A_210], %broadcast_in_dim3A_13 {add = true} : memref<10240xf32, #tpu.memory_space<vmem>>[vector<16xi32>], vector<16xf32>,
        %get3A_211 = arith.constant 2 : i32
        %get3A_212 = arith.index_cast %get3A_211 : i32 to index
        %get3A_213 = arith.constant 96 : index
        %get3A_214 = tpu.vector_load %arg5[%get3A_212, %get3A_213] {strides = array<i32>} : memref<4x128xi32, #tpu.memory_space<vmem>>, vector<16xi32>,
        %get3A_215 = arith.constant 2 : i32
        %get3A_216 = arith.index_cast %get3A_215 : i32 to index
        %get3A_217 = arith.constant 96 : index
        %get3A_218 = tpu.vector_load %arg6[%get3A_216, %get3A_217] {strides = array<i32>} : memref<4x128xi32, #tpu.memory_space<vmem>>, vector<16xi32>,
        tpu.vector_store_idx %arg7[%get3A_214], %broadcast_in_dim3A_13 {add = true} : memref<10240xf32, #tpu.memory_space<vmem>>[vector<16xi32>], vector<16xf32>,
        tpu.vector_store_idx %arg8[%get3A_218], %broadcast_in_dim3A_13 {add = true} : memref<10240xf32, #tpu.memory_space<vmem>>[vector<16xi32>], vector<16xf32>,
        %get3A_219 = arith.constant 2 : i32
        %get3A_220 = arith.index_cast %get3A_219 : i32 to index
        %get3A_221 = arith.constant 112 : index
        %get3A_222 = tpu.vector_load %arg5[%get3A_220, %get3A_221] {strides = array<i32>} : memref<4x128xi32, #tpu.memory_space<vmem>>, vector<16xi32>,
        %get3A_223 = arith.constant 2 : i32
        %get3A_224 = arith.index_cast %get3A_223 : i32 to index
        %get3A_225 = arith.constant 112 : index
        %get3A_226 = tpu.vector_load %arg6[%get3A_224, %get3A_225] {strides = array<i32>} : memref<4x128xi32, #tpu.memory_space<vmem>>, vector<16xi32>,
        tpu.vector_store_idx %arg7[%get3A_222], %broadcast_in_dim3A_13 {add = true} : memref<10240xf32, #tpu.memory_space<vmem>>[vector<16xi32>], vector<16xf32>,
        tpu.vector_store_idx %arg8[%get3A_226], %broadcast_in_dim3A_13 {add = true} : memref<10240xf32, #tpu.memory_space<vmem>>[vector<16xi32>], vector<16xf32>,
      } else {
      }
      %mul3A_127 = arith.constant 4 : i32
      %mul3A_128 = arith.muli %while3A_103, %mul3A_127 : i32
      %add3A_129 = arith.constant 3 : i32
      %add3A_130 = arith.addi %mul3A_128, %add3A_129 : i32
      %lt3A_131 = arith.cmpi slt, %add3A_130, %add3A_7 : i32
      %convert_element_type3A_132 = arith.extui %lt3A_131 : i1 to i32
      %cond3A_133 = arith.constant 0 : i32
      %cond3A_134 = arith.cmpi ne, %convert_element_type3A_132, %cond3A_133 : i32
      scf.if %cond3A_134 {
        %add3A_135 = arith.addi %add3A_4, %add3A_130 : i32
        %mul3A_136 = arith.constant 128 : i32
        %mul3A_137 = arith.muli %add3A_135, %mul3A_136 : i32
        %dma_wait3A = arith.constant 3 : i32
        %dma_wait3A_138 = arith.constant 0 : i32
        %dma_wait3A_139 = tpu.memref_slice %arg5[%dma_wait3A, %dma_wait3A_138] : memref<4x128xi32, #tpu.memory_space<vmem>> -> memref<1x128xi32, #tpu.memory_space<vmem>>
        %dma_wait3A_140 = tpu.memref_squeeze %dma_wait3A_139 : memref<1x128xi32, #tpu.memory_space<vmem>> -> memref<128xi32, #tpu.memory_space<vmem>>
        %dma_wait3A_141 = tpu.memref_slice %arg2[%mul3A_137] : memref<320000xi32, #tpu.memory_space<hbm>> -> memref<128xi32, #tpu.memory_space<hbm>>
        %dma_wait3A_142 = arith.constant 0 : i32
        %dma_wait3A_143 = tpu.memref_slice %arg5[%dma_wait3A, %dma_wait3A_142] : memref<4x128xi32, #tpu.memory_space<vmem>> -> memref<1x128xi32, #tpu.memory_space<vmem>>
        %dma_wait3A_144 = tpu.memref_squeeze %dma_wait3A_143 : memref<1x128xi32, #tpu.memory_space<vmem>> -> memref<128xi32, #tpu.memory_space<vmem>>
        %dma_wait3A_145 = tpu.memref_slice %arg2[%mul3A_137] : memref<320000xi32, #tpu.memory_space<hbm>> -> memref<128xi32, #tpu.memory_space<hbm>>
        tpu.wait_dma2 semaphore(%arg12 : memref<!tpu.dma_semaphore, #tpu.memory_space<semaphore_mem>>) src(%dma_wait3A_145 : memref<128xi32, #tpu.memory_space<hbm>>) dst(%dma_wait3A_144 : memref<128xi32, #tpu.memory_space<vmem>>)
        %add3A_146 = arith.addi %add3A_4, %add3A_130 : i32
        %mul3A_147 = arith.constant 128 : i32
        %mul3A_148 = arith.muli %add3A_146, %mul3A_147 : i32
        %dma_wait3A_149 = arith.constant 3 : i32
        %dma_wait3A_150 = arith.constant 0 : i32
        %dma_wait3A_151 = tpu.memref_slice %arg6[%dma_wait3A_149, %dma_wait3A_150] : memref<4x128xi32, #tpu.memory_space<vmem>> -> memref<1x128xi32, #tpu.memory_space<vmem>>
        %dma_wait3A_152 = tpu.memref_squeeze %dma_wait3A_151 : memref<1x128xi32, #tpu.memory_space<vmem>> -> memref<128xi32, #tpu.memory_space<vmem>>
        %dma_wait3A_153 = tpu.memref_slice %arg3[%mul3A_148] : memref<320000xi32, #tpu.memory_space<hbm>> -> memref<128xi32, #tpu.memory_space<hbm>>
        %dma_wait3A_154 = arith.constant 0 : i32
        %dma_wait3A_155 = tpu.memref_slice %arg6[%dma_wait3A_149, %dma_wait3A_154] : memref<4x128xi32, #tpu.memory_space<vmem>> -> memref<1x128xi32, #tpu.memory_space<vmem>>
        %dma_wait3A_156 = tpu.memref_squeeze %dma_wait3A_155 : memref<1x128xi32, #tpu.memory_space<vmem>> -> memref<128xi32, #tpu.memory_space<vmem>>
        %dma_wait3A_157 = tpu.memref_slice %arg3[%mul3A_148] : memref<320000xi32, #tpu.memory_space<hbm>> -> memref<128xi32, #tpu.memory_space<hbm>>
        tpu.wait_dma2 semaphore(%arg12 : memref<!tpu.dma_semaphore, #tpu.memory_space<semaphore_mem>>) src(%dma_wait3A_157 : memref<128xi32, #tpu.memory_space<hbm>>) dst(%dma_wait3A_156 : memref<128xi32, #tpu.memory_space<vmem>>)
        %add3A_158 = arith.constant 2 : i32
        %add3A_159 = arith.addi %add3A_130, %add3A_158 : i32
        %lt3A_160 = arith.cmpi slt, %add3A_159, %add3A_7 : i32
        %convert_element_type3A_161 = arith.extui %lt3A_160 : i1 to i32
        %cond3A_162 = arith.constant 0 : i32
        %cond3A_163 = arith.cmpi ne, %convert_element_type3A_161, %cond3A_162 : i32
        scf.if %cond3A_163 {
          %add3A_227 = arith.constant 2 : i32
          %add3A_228 = arith.addi %add3A_130, %add3A_227 : i32
          %add3A_229 = arith.addi %add3A_4, %add3A_228 : i32
          %mul3A_230 = arith.constant 128 : i32
          %mul3A_231 = arith.muli %add3A_229, %mul3A_230 : i32
          %dma_start3A_232 = arith.constant 1 : i32
          %dma_start3A_233 = arith.constant 0 : i32
          %dma_start3A_234 = tpu.memref_slice %arg5[%dma_start3A_232, %dma_start3A_233] : memref<4x128xi32, #tpu.memory_space<vmem>> -> memref<1x128xi32, #tpu.memory_space<vmem>>
          %dma_start3A_235 = tpu.memref_squeeze %dma_start3A_234 : memref<1x128xi32, #tpu.memory_space<vmem>> -> memref<128xi32, #tpu.memory_space<vmem>>
          %dma_start3A_236 = tpu.memref_slice %arg2[%mul3A_231] : memref<320000xi32, #tpu.memory_space<hbm>> -> memref<128xi32, #tpu.memory_space<hbm>>
          %dma_start3A_237 = arith.constant 0 : i32
          %dma_start3A_238 = tpu.memref_slice %arg5[%dma_start3A_232, %dma_start3A_237] : memref<4x128xi32, #tpu.memory_space<vmem>> -> memref<1x128xi32, #tpu.memory_space<vmem>>
          %dma_start3A_239 = tpu.memref_squeeze %dma_start3A_238 : memref<1x128xi32, #tpu.memory_space<vmem>> -> memref<128xi32, #tpu.memory_space<vmem>>
          %dma_start3A_240 = tpu.memref_slice %arg2[%mul3A_231] : memref<320000xi32, #tpu.memory_space<hbm>> -> memref<128xi32, #tpu.memory_space<hbm>>
          tpu.enqueue_dma source(%dma_start3A_240 : memref<128xi32, #tpu.memory_space<hbm>>) target(%dma_start3A_239 : memref<128xi32, #tpu.memory_space<vmem>>) target_semaphore(%arg10 : memref<!tpu.dma_semaphore, #tpu.memory_space<semaphore_mem>>)
          %add3A_241 = arith.addi %add3A_4, %add3A_228 : i32
          %mul3A_242 = arith.constant 128 : i32
          %mul3A_243 = arith.muli %add3A_241, %mul3A_242 : i32
          %dma_start3A_244 = arith.constant 1 : i32
          %dma_start3A_245 = arith.constant 0 : i32
          %dma_start3A_246 = tpu.memref_slice %arg6[%dma_start3A_244, %dma_start3A_245] : memref<4x128xi32, #tpu.memory_space<vmem>> -> memref<1x128xi32, #tpu.memory_space<vmem>>
          %dma_start3A_247 = tpu.memref_squeeze %dma_start3A_246 : memref<1x128xi32, #tpu.memory_space<vmem>> -> memref<128xi32, #tpu.memory_space<vmem>>
          %dma_start3A_248 = tpu.memref_slice %arg3[%mul3A_243] : memref<320000xi32, #tpu.memory_space<hbm>> -> memref<128xi32, #tpu.memory_space<hbm>>
          %dma_start3A_249 = arith.constant 0 : i32
          %dma_start3A_250 = tpu.memref_slice %arg6[%dma_start3A_244, %dma_start3A_249] : memref<4x128xi32, #tpu.memory_space<vmem>> -> memref<1x128xi32, #tpu.memory_space<vmem>>
          %dma_start3A_251 = tpu.memref_squeeze %dma_start3A_250 : memref<1x128xi32, #tpu.memory_space<vmem>> -> memref<128xi32, #tpu.memory_space<vmem>>
          %dma_start3A_252 = tpu.memref_slice %arg3[%mul3A_243] : memref<320000xi32, #tpu.memory_space<hbm>> -> memref<128xi32, #tpu.memory_space<hbm>>
          tpu.enqueue_dma source(%dma_start3A_252 : memref<128xi32, #tpu.memory_space<hbm>>) target(%dma_start3A_251 : memref<128xi32, #tpu.memory_space<vmem>>) target_semaphore(%arg10 : memref<!tpu.dma_semaphore, #tpu.memory_space<semaphore_mem>>)
        } else {
        }
        %get3A = arith.constant 3 : i32
        %get3A_164 = arith.index_cast %get3A : i32 to index
        %get3A_165 = arith.constant 0 : index
        %get3A_166 = tpu.vector_load %arg5[%get3A_164, %get3A_165] {strides = array<i32>} : memref<4x128xi32, #tpu.memory_space<vmem>>, vector<16xi32>,
        %get3A_167 = arith.constant 3 : i32
        %get3A_168 = arith.index_cast %get3A_167 : i32 to index
        %get3A_169 = arith.constant 0 : index
        %get3A_170 = tpu.vector_load %arg6[%get3A_168, %get3A_169] {strides = array<i32>} : memref<4x128xi32, #tpu.memory_space<vmem>>, vector<16xi32>,
        tpu.vector_store_idx %arg7[%get3A_166], %broadcast_in_dim3A_13 {add = true} : memref<10240xf32, #tpu.memory_space<vmem>>[vector<16xi32>], vector<16xf32>,
        tpu.vector_store_idx %arg8[%get3A_170], %broadcast_in_dim3A_13 {add = true} : memref<10240xf32, #tpu.memory_space<vmem>>[vector<16xi32>], vector<16xf32>,
        %get3A_171 = arith.constant 3 : i32
        %get3A_172 = arith.index_cast %get3A_171 : i32 to index
        %get3A_173 = arith.constant 16 : index
        %get3A_174 = tpu.vector_load %arg5[%get3A_172, %get3A_173] {strides = array<i32>} : memref<4x128xi32, #tpu.memory_space<vmem>>, vector<16xi32>,
        %get3A_175 = arith.constant 3 : i32
        %get3A_176 = arith.index_cast %get3A_175 : i32 to index
        %get3A_177 = arith.constant 16 : index
        %get3A_178 = tpu.vector_load %arg6[%get3A_176, %get3A_177] {strides = array<i32>} : memref<4x128xi32, #tpu.memory_space<vmem>>, vector<16xi32>,
        tpu.vector_store_idx %arg7[%get3A_174], %broadcast_in_dim3A_13 {add = true} : memref<10240xf32, #tpu.memory_space<vmem>>[vector<16xi32>], vector<16xf32>,
        tpu.vector_store_idx %arg8[%get3A_178], %broadcast_in_dim3A_13 {add = true} : memref<10240xf32, #tpu.memory_space<vmem>>[vector<16xi32>], vector<16xf32>,
        %get3A_179 = arith.constant 3 : i32
        %get3A_180 = arith.index_cast %get3A_179 : i32 to index
        %get3A_181 = arith.constant 32 : index
        %get3A_182 = tpu.vector_load %arg5[%get3A_180, %get3A_181] {strides = array<i32>} : memref<4x128xi32, #tpu.memory_space<vmem>>, vector<16xi32>,
        %get3A_183 = arith.constant 3 : i32
        %get3A_184 = arith.index_cast %get3A_183 : i32 to index
        %get3A_185 = arith.constant 32 : index
        %get3A_186 = tpu.vector_load %arg6[%get3A_184, %get3A_185] {strides = array<i32>} : memref<4x128xi32, #tpu.memory_space<vmem>>, vector<16xi32>,
        tpu.vector_store_idx %arg7[%get3A_182], %broadcast_in_dim3A_13 {add = true} : memref<10240xf32, #tpu.memory_space<vmem>>[vector<16xi32>], vector<16xf32>,
        tpu.vector_store_idx %arg8[%get3A_186], %broadcast_in_dim3A_13 {add = true} : memref<10240xf32, #tpu.memory_space<vmem>>[vector<16xi32>], vector<16xf32>,
        %get3A_187 = arith.constant 3 : i32
        %get3A_188 = arith.index_cast %get3A_187 : i32 to index
        %get3A_189 = arith.constant 48 : index
        %get3A_190 = tpu.vector_load %arg5[%get3A_188, %get3A_189] {strides = array<i32>} : memref<4x128xi32, #tpu.memory_space<vmem>>, vector<16xi32>,
        %get3A_191 = arith.constant 3 : i32
        %get3A_192 = arith.index_cast %get3A_191 : i32 to index
        %get3A_193 = arith.constant 48 : index
        %get3A_194 = tpu.vector_load %arg6[%get3A_192, %get3A_193] {strides = array<i32>} : memref<4x128xi32, #tpu.memory_space<vmem>>, vector<16xi32>,
        tpu.vector_store_idx %arg7[%get3A_190], %broadcast_in_dim3A_13 {add = true} : memref<10240xf32, #tpu.memory_space<vmem>>[vector<16xi32>], vector<16xf32>,
        tpu.vector_store_idx %arg8[%get3A_194], %broadcast_in_dim3A_13 {add = true} : memref<10240xf32, #tpu.memory_space<vmem>>[vector<16xi32>], vector<16xf32>,
        %get3A_195 = arith.constant 3 : i32
        %get3A_196 = arith.index_cast %get3A_195 : i32 to index
        %get3A_197 = arith.constant 64 : index
        %get3A_198 = tpu.vector_load %arg5[%get3A_196, %get3A_197] {strides = array<i32>} : memref<4x128xi32, #tpu.memory_space<vmem>>, vector<16xi32>,
        %get3A_199 = arith.constant 3 : i32
        %get3A_200 = arith.index_cast %get3A_199 : i32 to index
        %get3A_201 = arith.constant 64 : index
        %get3A_202 = tpu.vector_load %arg6[%get3A_200, %get3A_201] {strides = array<i32>} : memref<4x128xi32, #tpu.memory_space<vmem>>, vector<16xi32>,
        tpu.vector_store_idx %arg7[%get3A_198], %broadcast_in_dim3A_13 {add = true} : memref<10240xf32, #tpu.memory_space<vmem>>[vector<16xi32>], vector<16xf32>,
        tpu.vector_store_idx %arg8[%get3A_202], %broadcast_in_dim3A_13 {add = true} : memref<10240xf32, #tpu.memory_space<vmem>>[vector<16xi32>], vector<16xf32>,
        %get3A_203 = arith.constant 3 : i32
        %get3A_204 = arith.index_cast %get3A_203 : i32 to index
        %get3A_205 = arith.constant 80 : index
        %get3A_206 = tpu.vector_load %arg5[%get3A_204, %get3A_205] {strides = array<i32>} : memref<4x128xi32, #tpu.memory_space<vmem>>, vector<16xi32>,
        %get3A_207 = arith.constant 3 : i32
        %get3A_208 = arith.index_cast %get3A_207 : i32 to index
        %get3A_209 = arith.constant 80 : index
        %get3A_210 = tpu.vector_load %arg6[%get3A_208, %get3A_209] {strides = array<i32>} : memref<4x128xi32, #tpu.memory_space<vmem>>, vector<16xi32>,
        tpu.vector_store_idx %arg7[%get3A_206], %broadcast_in_dim3A_13 {add = true} : memref<10240xf32, #tpu.memory_space<vmem>>[vector<16xi32>], vector<16xf32>,
        tpu.vector_store_idx %arg8[%get3A_210], %broadcast_in_dim3A_13 {add = true} : memref<10240xf32, #tpu.memory_space<vmem>>[vector<16xi32>], vector<16xf32>,
        %get3A_211 = arith.constant 3 : i32
        %get3A_212 = arith.index_cast %get3A_211 : i32 to index
        %get3A_213 = arith.constant 96 : index
        %get3A_214 = tpu.vector_load %arg5[%get3A_212, %get3A_213] {strides = array<i32>} : memref<4x128xi32, #tpu.memory_space<vmem>>, vector<16xi32>,
        %get3A_215 = arith.constant 3 : i32
        %get3A_216 = arith.index_cast %get3A_215 : i32 to index
        %get3A_217 = arith.constant 96 : index
        %get3A_218 = tpu.vector_load %arg6[%get3A_216, %get3A_217] {strides = array<i32>} : memref<4x128xi32, #tpu.memory_space<vmem>>, vector<16xi32>,
        tpu.vector_store_idx %arg7[%get3A_214], %broadcast_in_dim3A_13 {add = true} : memref<10240xf32, #tpu.memory_space<vmem>>[vector<16xi32>], vector<16xf32>,
        tpu.vector_store_idx %arg8[%get3A_218], %broadcast_in_dim3A_13 {add = true} : memref<10240xf32, #tpu.memory_space<vmem>>[vector<16xi32>], vector<16xf32>,
        %get3A_219 = arith.constant 3 : i32
        %get3A_220 = arith.index_cast %get3A_219 : i32 to index
        %get3A_221 = arith.constant 112 : index
        %get3A_222 = tpu.vector_load %arg5[%get3A_220, %get3A_221] {strides = array<i32>} : memref<4x128xi32, #tpu.memory_space<vmem>>, vector<16xi32>,
        %get3A_223 = arith.constant 3 : i32
        %get3A_224 = arith.index_cast %get3A_223 : i32 to index
        %get3A_225 = arith.constant 112 : index
        %get3A_226 = tpu.vector_load %arg6[%get3A_224, %get3A_225] {strides = array<i32>} : memref<4x128xi32, #tpu.memory_space<vmem>>, vector<16xi32>,
        tpu.vector_store_idx %arg7[%get3A_222], %broadcast_in_dim3A_13 {add = true} : memref<10240xf32, #tpu.memory_space<vmem>>[vector<16xi32>], vector<16xf32>,
        tpu.vector_store_idx %arg8[%get3A_226], %broadcast_in_dim3A_13 {add = true} : memref<10240xf32, #tpu.memory_space<vmem>>[vector<16xi32>], vector<16xf32>,
      } else {
      }
    }
    %mul3A_97 = arith.constant 10240 : i32
    %mul3A_98 = arith.muli %add3A_10, %mul3A_97 : i32
    "tpu.region"() ({
      %run_scoped3A = tpu.sem_alloc : memref<!tpu.dma_semaphore, #tpu.memory_space<semaphore_mem>>
      %dma_start3A_103 = tpu.memref_slice %arg4[%mul3A_98] : memref<655360xf32, #tpu.memory_space<hbm>> -> memref<10240xf32, #tpu.memory_space<hbm>>
      %dma_start3A_104 = tpu.memref_slice %arg4[%mul3A_98] : memref<655360xf32, #tpu.memory_space<hbm>> -> memref<10240xf32, #tpu.memory_space<hbm>>
      tpu.enqueue_dma source(%arg7 : memref<10240xf32, #tpu.memory_space<vmem>>) target(%dma_start3A_104 : memref<10240xf32, #tpu.memory_space<hbm>>) target_semaphore(%run_scoped3A : memref<!tpu.dma_semaphore, #tpu.memory_space<semaphore_mem>>)
      %dma_wait3A = tpu.memref_slice %arg4[%mul3A_98] : memref<655360xf32, #tpu.memory_space<hbm>> -> memref<10240xf32, #tpu.memory_space<hbm>>
      %dma_wait3A_105 = tpu.memref_slice %arg4[%mul3A_98] : memref<655360xf32, #tpu.memory_space<hbm>> -> memref<10240xf32, #tpu.memory_space<hbm>>
      tpu.wait_dma2 semaphore(%run_scoped3A : memref<!tpu.dma_semaphore, #tpu.memory_space<semaphore_mem>>) src(%arg7 : memref<10240xf32, #tpu.memory_space<vmem>>) dst(%dma_wait3A_105 : memref<10240xf32, #tpu.memory_space<hbm>>)
      tpu.yield
    }) : () -> ()
    %add3A_99 = arith.constant 32 : i32
    %add3A_100 = arith.addi %add3A_99, %add3A_10 : i32
    %mul3A_101 = arith.constant 10240 : i32
    %mul3A_102 = arith.muli %add3A_100, %mul3A_101 : i32
    "tpu.region"() ({
      %run_scoped3A = tpu.sem_alloc : memref<!tpu.dma_semaphore, #tpu.memory_space<semaphore_mem>>
      %dma_start3A_103 = tpu.memref_slice %arg4[%mul3A_102] : memref<655360xf32, #tpu.memory_space<hbm>> -> memref<10240xf32, #tpu.memory_space<hbm>>
      %dma_start3A_104 = tpu.memref_slice %arg4[%mul3A_102] : memref<655360xf32, #tpu.memory_space<hbm>> -> memref<10240xf32, #tpu.memory_space<hbm>>
      tpu.enqueue_dma source(%arg8 : memref<10240xf32, #tpu.memory_space<vmem>>) target(%dma_start3A_104 : memref<10240xf32, #tpu.memory_space<hbm>>) target_semaphore(%run_scoped3A : memref<!tpu.dma_semaphore, #tpu.memory_space<semaphore_mem>>)
      %dma_wait3A = tpu.memref_slice %arg4[%mul3A_102] : memref<655360xf32, #tpu.memory_space<hbm>> -> memref<10240xf32, #tpu.memory_space<hbm>>
      %dma_wait3A_105 = tpu.memref_slice %arg4[%mul3A_102] : memref<655360xf32, #tpu.memory_space<hbm>> -> memref<10240xf32, #tpu.memory_space<hbm>>
      tpu.wait_dma2 semaphore(%run_scoped3A : memref<!tpu.dma_semaphore, #tpu.memory_space<semaphore_mem>>) src(%arg8 : memref<10240xf32, #tpu.memory_space<vmem>>) dst(%dma_wait3A_105 : memref<10240xf32, #tpu.memory_space<hbm>>)
      tpu.yield
    }) : () -> ()
    return
  }
}

#map = affine_map<(d0, d1) -> (0, 0)>
#map1 = affine_map<(d0, d1) -> (0)>
#map2 = affine_map<(d0, d1) -> (0, 0, 0)>
module attributes {stable_mosaic.version = 14 : i64} {
  func.func @_agg_body(%arg0: i32, %arg1: i32, %arg2: memref<10000x128xf32, #tpu.memory_space<hbm>>, %arg3: memref<320000xi32, #tpu.memory_space<hbm>>, %arg4: memref<320000xi32, #tpu.memory_space<hbm>>, %arg5: memref<10240x128xf32, #tpu.memory_space<hbm>>, %arg6: memref<2x10240x128xf32, #tpu.memory_space<hbm>>, %arg7: memref<4x128xi32, #tpu.memory_space<vmem>>, %arg8: memref<4x128xi32, #tpu.memory_space<vmem>>, %arg9: memref<2x128x128xf32, #tpu.memory_space<vmem>>, %arg10: memref<!tpu.dma_semaphore, #tpu.memory_space<semaphore_mem>>, %arg11: memref<!tpu.dma_semaphore, #tpu.memory_space<semaphore_mem>>, %arg12: memref<!tpu.dma_semaphore, #tpu.memory_space<semaphore_mem>>, %arg13: memref<!tpu.dma_semaphore, #tpu.memory_space<semaphore_mem>>, %arg14: memref<!tpu.dma_semaphore, #tpu.memory_space<semaphore_mem>>, %arg15: memref<!tpu.dma_semaphore, #tpu.memory_space<semaphore_mem>>, %arg16: memref<!tpu.dma_semaphore, #tpu.memory_space<semaphore_mem>>, %arg17: memref<!tpu.dma_semaphore, #tpu.memory_space<semaphore_mem>>, %arg18: memref<10240x128xf32, #tpu.memory_space<vmem_shared>>) attributes {dimension_semantics = [#tpu.dimension_semantics<core_parallel>, #tpu.dimension_semantics<subcore_parallel>], iteration_bounds = array<i64: 2, 16>, scalar_prefetch = 0 : i64, scratch_operands = 12 : i64, tpu.core_type = #tpu.core_type<sc_vector_subcore>, window_params = [{transform_indices = #map}, {transform_indices = #map1}, {transform_indices = #map1}, {transform_indices = #map}, {transform_indices = #map2}]} {
    %mul3A = arith.constant 16 : i32
    %mul3A_0 = arith.muli %arg0, %mul3A : i32
    %add3A = arith.addi %mul3A_0, %arg1 : i32
    %mul3A_1 = arith.constant 78 : i32
    %mul3A_2 = arith.muli %add3A, %mul3A_1 : i32
    %min3A = arith.constant 4 : i32
    %min3A_3 = arith.minsi %add3A, %min3A : i32
    %add3A_4 = arith.addi %mul3A_2, %min3A_3 : i32
    %lt3A = arith.constant 4 : i32
    %lt3A_5 = arith.cmpi slt, %add3A, %lt3A : i32
    %convert_element_type3A = arith.extui %lt3A_5 : i1 to i32
    %add3A_6 = arith.constant 78 : i32
    %add3A_7 = arith.addi %add3A_6, %convert_element_type3A : i32
    %mul3A_8 = arith.constant 640 : i32
    %mul3A_9 = arith.muli %arg1, %mul3A_8 : i32
    "tpu.region"() ({
      %run_scoped3A = tpu.sem_alloc : memref<!tpu.dma_semaphore, #tpu.memory_space<semaphore_mem>>
      %dma_start3A_112 = arith.constant 0 : i32
      %dma_start3A_113 = tpu.memref_slice %arg18[%mul3A_9, %dma_start3A_112] : memref<10240x128xf32, #tpu.memory_space<vmem_shared>> -> memref<640x128xf32, #tpu.memory_space<vmem_shared>>
      %dma_start3A_114 = arith.constant 0 : i32
      %dma_start3A_115 = tpu.memref_slice %arg5[%mul3A_9, %dma_start3A_114] : memref<10240x128xf32, #tpu.memory_space<hbm>> -> memref<640x128xf32, #tpu.memory_space<hbm>>
      tpu.enqueue_dma source(%dma_start3A_115 : memref<640x128xf32, #tpu.memory_space<hbm>>) target(%dma_start3A_113 : memref<640x128xf32, #tpu.memory_space<vmem_shared>>) target_semaphore(%run_scoped3A : memref<!tpu.dma_semaphore, #tpu.memory_space<semaphore_mem>>)
      %dma_wait3A_116 = arith.constant 0 : i32
      %dma_wait3A_117 = tpu.memref_slice %arg18[%mul3A_9, %dma_wait3A_116] : memref<10240x128xf32, #tpu.memory_space<vmem_shared>> -> memref<640x128xf32, #tpu.memory_space<vmem_shared>>
      %dma_wait3A_118 = arith.constant 0 : i32
      %dma_wait3A_119 = tpu.memref_slice %arg5[%mul3A_9, %dma_wait3A_118] : memref<10240x128xf32, #tpu.memory_space<hbm>> -> memref<640x128xf32, #tpu.memory_space<hbm>>
      tpu.wait_dma2 semaphore(%run_scoped3A : memref<!tpu.dma_semaphore, #tpu.memory_space<semaphore_mem>>) src(%dma_wait3A_119 : memref<640x128xf32, #tpu.memory_space<hbm>>) dst(%dma_wait3A_117 : memref<640x128xf32, #tpu.memory_space<vmem_shared>>)
      tpu.yield
    }) : () -> ()
    %add3A_10 = arith.constant 0 : i32
    %add3A_11 = arith.addi %add3A_4, %add3A_10 : i32
    %mul3A_12 = arith.constant 128 : i32
    %mul3A_13 = arith.muli %add3A_11, %mul3A_12 : i32
    %dma_start3A = arith.constant 0 : i32
    %dma_start3A_14 = arith.constant 0 : i32
    %dma_start3A_15 = tpu.memref_slice %arg7[%dma_start3A, %dma_start3A_14] : memref<4x128xi32, #tpu.memory_space<vmem>> -> memref<1x128xi32, #tpu.memory_space<vmem>>
    %dma_start3A_16 = tpu.memref_squeeze %dma_start3A_15 : memref<1x128xi32, #tpu.memory_space<vmem>> -> memref<128xi32, #tpu.memory_space<vmem>>
    %dma_start3A_17 = tpu.memref_slice %arg3[%mul3A_13] : memref<320000xi32, #tpu.memory_space<hbm>> -> memref<128xi32, #tpu.memory_space<hbm>>
    %dma_start3A_18 = arith.constant 0 : i32
    %dma_start3A_19 = tpu.memref_slice %arg7[%dma_start3A, %dma_start3A_18] : memref<4x128xi32, #tpu.memory_space<vmem>> -> memref<1x128xi32, #tpu.memory_space<vmem>>
    %dma_start3A_20 = tpu.memref_squeeze %dma_start3A_19 : memref<1x128xi32, #tpu.memory_space<vmem>> -> memref<128xi32, #tpu.memory_space<vmem>>
    %dma_start3A_21 = tpu.memref_slice %arg3[%mul3A_13] : memref<320000xi32, #tpu.memory_space<hbm>> -> memref<128xi32, #tpu.memory_space<hbm>>
    tpu.enqueue_dma source(%dma_start3A_21 : memref<128xi32, #tpu.memory_space<hbm>>) target(%dma_start3A_20 : memref<128xi32, #tpu.memory_space<vmem>>) target_semaphore(%arg14 : memref<!tpu.dma_semaphore, #tpu.memory_space<semaphore_mem>>)
    %add3A_22 = arith.constant 0 : i32
    %add3A_23 = arith.addi %add3A_4, %add3A_22 : i32
    %mul3A_24 = arith.constant 128 : i32
    %mul3A_25 = arith.muli %add3A_23, %mul3A_24 : i32
    %dma_start3A_26 = arith.constant 0 : i32
    %dma_start3A_27 = arith.constant 0 : i32
    %dma_start3A_28 = tpu.memref_slice %arg8[%dma_start3A_26, %dma_start3A_27] : memref<4x128xi32, #tpu.memory_space<vmem>> -> memref<1x128xi32, #tpu.memory_space<vmem>>
    %dma_start3A_29 = tpu.memref_squeeze %dma_start3A_28 : memref<1x128xi32, #tpu.memory_space<vmem>> -> memref<128xi32, #tpu.memory_space<vmem>>
    %dma_start3A_30 = tpu.memref_slice %arg4[%mul3A_25] : memref<320000xi32, #tpu.memory_space<hbm>> -> memref<128xi32, #tpu.memory_space<hbm>>
    %dma_start3A_31 = arith.constant 0 : i32
    %dma_start3A_32 = tpu.memref_slice %arg8[%dma_start3A_26, %dma_start3A_31] : memref<4x128xi32, #tpu.memory_space<vmem>> -> memref<1x128xi32, #tpu.memory_space<vmem>>
    %dma_start3A_33 = tpu.memref_squeeze %dma_start3A_32 : memref<1x128xi32, #tpu.memory_space<vmem>> -> memref<128xi32, #tpu.memory_space<vmem>>
    %dma_start3A_34 = tpu.memref_slice %arg4[%mul3A_25] : memref<320000xi32, #tpu.memory_space<hbm>> -> memref<128xi32, #tpu.memory_space<hbm>>
    tpu.enqueue_dma source(%dma_start3A_34 : memref<128xi32, #tpu.memory_space<hbm>>) target(%dma_start3A_33 : memref<128xi32, #tpu.memory_space<vmem>>) target_semaphore(%arg14 : memref<!tpu.dma_semaphore, #tpu.memory_space<semaphore_mem>>)
    %add3A_35 = arith.constant 1 : i32
    %add3A_36 = arith.addi %add3A_4, %add3A_35 : i32
    %mul3A_37 = arith.constant 128 : i32
    %mul3A_38 = arith.muli %add3A_36, %mul3A_37 : i32
    %dma_start3A_39 = arith.constant 1 : i32
    %dma_start3A_40 = arith.constant 0 : i32
    %dma_start3A_41 = tpu.memref_slice %arg7[%dma_start3A_39, %dma_start3A_40] : memref<4x128xi32, #tpu.memory_space<vmem>> -> memref<1x128xi32, #tpu.memory_space<vmem>>
    %dma_start3A_42 = tpu.memref_squeeze %dma_start3A_41 : memref<1x128xi32, #tpu.memory_space<vmem>> -> memref<128xi32, #tpu.memory_space<vmem>>
    %dma_start3A_43 = tpu.memref_slice %arg3[%mul3A_38] : memref<320000xi32, #tpu.memory_space<hbm>> -> memref<128xi32, #tpu.memory_space<hbm>>
    %dma_start3A_44 = arith.constant 0 : i32
    %dma_start3A_45 = tpu.memref_slice %arg7[%dma_start3A_39, %dma_start3A_44] : memref<4x128xi32, #tpu.memory_space<vmem>> -> memref<1x128xi32, #tpu.memory_space<vmem>>
    %dma_start3A_46 = tpu.memref_squeeze %dma_start3A_45 : memref<1x128xi32, #tpu.memory_space<vmem>> -> memref<128xi32, #tpu.memory_space<vmem>>
    %dma_start3A_47 = tpu.memref_slice %arg3[%mul3A_38] : memref<320000xi32, #tpu.memory_space<hbm>> -> memref<128xi32, #tpu.memory_space<hbm>>
    tpu.enqueue_dma source(%dma_start3A_47 : memref<128xi32, #tpu.memory_space<hbm>>) target(%dma_start3A_46 : memref<128xi32, #tpu.memory_space<vmem>>) target_semaphore(%arg15 : memref<!tpu.dma_semaphore, #tpu.memory_space<semaphore_mem>>)
    %add3A_48 = arith.constant 1 : i32
    %add3A_49 = arith.addi %add3A_4, %add3A_48 : i32
    %mul3A_50 = arith.constant 128 : i32
    %mul3A_51 = arith.muli %add3A_49, %mul3A_50 : i32
    %dma_start3A_52 = arith.constant 1 : i32
    %dma_start3A_53 = arith.constant 0 : i32
    %dma_start3A_54 = tpu.memref_slice %arg8[%dma_start3A_52, %dma_start3A_53] : memref<4x128xi32, #tpu.memory_space<vmem>> -> memref<1x128xi32, #tpu.memory_space<vmem>>
    %dma_start3A_55 = tpu.memref_squeeze %dma_start3A_54 : memref<1x128xi32, #tpu.memory_space<vmem>> -> memref<128xi32, #tpu.memory_space<vmem>>
    %dma_start3A_56 = tpu.memref_slice %arg4[%mul3A_51] : memref<320000xi32, #tpu.memory_space<hbm>> -> memref<128xi32, #tpu.memory_space<hbm>>
    %dma_start3A_57 = arith.constant 0 : i32
    %dma_start3A_58 = tpu.memref_slice %arg8[%dma_start3A_52, %dma_start3A_57] : memref<4x128xi32, #tpu.memory_space<vmem>> -> memref<1x128xi32, #tpu.memory_space<vmem>>
    %dma_start3A_59 = tpu.memref_squeeze %dma_start3A_58 : memref<1x128xi32, #tpu.memory_space<vmem>> -> memref<128xi32, #tpu.memory_space<vmem>>
    %dma_start3A_60 = tpu.memref_slice %arg4[%mul3A_51] : memref<320000xi32, #tpu.memory_space<hbm>> -> memref<128xi32, #tpu.memory_space<hbm>>
    tpu.enqueue_dma source(%dma_start3A_60 : memref<128xi32, #tpu.memory_space<hbm>>) target(%dma_start3A_59 : memref<128xi32, #tpu.memory_space<vmem>>) target_semaphore(%arg15 : memref<!tpu.dma_semaphore, #tpu.memory_space<semaphore_mem>>)
    %barrier3A = arith.constant 0 : index
    tpu.barrier barrier_id(%barrier3A)
    %add3A_61 = arith.constant 4 : i32
    %add3A_62 = arith.addi %add3A_7, %add3A_61 : i32
    %jit3A = arith.constant 4 : i32
    %div3A = arith.divsi %add3A_62, %jit3A : i32
    %sign3A = arith.constant 0 : i32
    %sign3A_63 = arith.cmpi sgt, %add3A_62, %sign3A : i32
    %sign3A_64 = arith.extui %sign3A_63 : i1 to i32
    %sign3A_65 = arith.constant 0 : i32
    %sign3A_66 = arith.cmpi slt, %add3A_62, %sign3A_65 : i32
    %sign3A_67 = arith.extui %sign3A_66 : i1 to i32
    %sign3A_68 = arith.subi %sign3A_64, %sign3A_67 : i32
    %sign3A_69 = arith.constant 0 : i32
    %sign3A_70 = arith.cmpi sgt, %jit3A, %sign3A_69 : i32
    %sign3A_71 = arith.extui %sign3A_70 : i1 to i32
    %sign3A_72 = arith.constant 0 : i32
    %sign3A_73 = arith.cmpi slt, %jit3A, %sign3A_72 : i32
    %sign3A_74 = arith.extui %sign3A_73 : i1 to i32
    %sign3A_75 = arith.subi %sign3A_71, %sign3A_74 : i32
    %ne3A = arith.cmpi ne, %sign3A_68, %sign3A_75 : i32
    %rem3A = arith.remsi %add3A_62, %jit3A : i32
    %ne3A_76 = arith.constant 0 : i32
    %ne3A_77 = arith.cmpi ne, %rem3A, %ne3A_76 : i32
    %and3A = arith.andi %ne3A, %ne3A_77 : i1
    %sub3A = arith.constant 1 : i32
    %sub3A_78 = arith.subi %div3A, %sub3A : i32
    %select_n3A = arith.select %and3A, %sub3A_78, %div3A : i32
    %while3A = arith.constant 0 : i32
    %while3A_79 = arith.constant 0 : i32
    %while3A_80 = arith.subi %select_n3A, %while3A_79 : i32
    %while3A_81 = arith.addi %while3A_79, %while3A_80 : i32
    %while3A_82 = arith.constant 1 : i32
    %while3A_83 = arith.divsi %while3A_80, %while3A_82 : i32
    %while3A_84 = arith.muli %while3A_83, %while3A_82 : i32
    %while3A_85 = arith.addi %while3A_79, %while3A_84 : i32
    %while3A_86 = arith.constant 1 : i32
    scf.for %while3A_112 = %while3A_79 to %while3A_85 step %while3A_86  : i32 {
      %mul3A_113 = arith.constant 4 : i32
      %mul3A_114 = arith.muli %while3A_112, %mul3A_113 : i32
      %add3A_115 = arith.constant 0 : i32
      %add3A_116 = arith.addi %mul3A_114, %add3A_115 : i32
      %lt3A_117 = arith.cmpi slt, %add3A_116, %add3A_7 : i32
      %convert_element_type3A_118 = arith.extui %lt3A_117 : i1 to i32
      %cond3A = arith.constant 0 : i32
      %cond3A_119 = arith.cmpi ne, %convert_element_type3A_118, %cond3A : i32
      scf.if %cond3A_119 {
        %ge3A_170 = arith.constant 2 : i32
        %ge3A_171 = arith.cmpi sge, %add3A_116, %ge3A_170 : i32
        %convert_element_type3A_172 = arith.extui %ge3A_171 : i1 to i32
        %cond3A_173 = arith.constant 0 : i32
        %cond3A_174 = arith.cmpi ne, %convert_element_type3A_172, %cond3A_173 : i32
        scf.if %cond3A_174 {
          %dma_wait3A_217 = arith.constant 0 : i32
          %dma_wait3A_218 = arith.constant 0 : i32
          %dma_wait3A_219 = arith.constant 0 : i32
          %dma_wait3A_220 = arith.constant 0 : i32
          %dma_wait3A_221 = tpu.memref_slice %arg9[%dma_wait3A_217, %dma_wait3A_219, %dma_wait3A_220] : memref<2x128x128xf32, #tpu.memory_space<vmem>> -> memref<1x128x128xf32, #tpu.memory_space<vmem>>
          %dma_wait3A_222 = tpu.memref_squeeze %dma_wait3A_221 : memref<1x128x128xf32, #tpu.memory_space<vmem>> -> memref<128x128xf32, #tpu.memory_space<vmem>>
          %dma_wait3A_223 = arith.constant 0 : i32
          %dma_wait3A_224 = tpu.memref_slice %arg8[%dma_wait3A_218, %dma_wait3A_223] : memref<4x128xi32, #tpu.memory_space<vmem>> -> memref<1x128xi32, #tpu.memory_space<vmem>>
          %dma_wait3A_225 = tpu.memref_squeeze %dma_wait3A_224 : memref<1x128xi32, #tpu.memory_space<vmem>> -> memref<128xi32, #tpu.memory_space<vmem>>
          %dma_wait3A_226 = arith.constant 0 : i32
          %dma_wait3A_227 = arith.constant 0 : i32
          %dma_wait3A_228 = tpu.memref_slice %arg18[%dma_wait3A_226, %dma_wait3A_227] : memref<10240x128xf32, #tpu.memory_space<vmem_shared>> -> memref<10240x128xf32, #tpu.memory_space<vmem_shared>>
          tpu.wait_indirect_dma semaphore(%arg12 : memref<!tpu.dma_semaphore, #tpu.memory_space<semaphore_mem>>) src(%dma_wait3A_222 : memref<128x128xf32, #tpu.memory_space<vmem>>) dst(%dma_wait3A_228 : memref<10240x128xf32, #tpu.memory_space<vmem_shared>>)
        } else {
        }
        %add3A_175 = arith.addi %add3A_4, %add3A_116 : i32
        %mul3A_176 = arith.constant 128 : i32
        %mul3A_177 = arith.muli %add3A_175, %mul3A_176 : i32
        %dma_wait3A_178 = arith.constant 0 : i32
        %dma_wait3A_179 = arith.constant 0 : i32
        %dma_wait3A_180 = tpu.memref_slice %arg7[%dma_wait3A_178, %dma_wait3A_179] : memref<4x128xi32, #tpu.memory_space<vmem>> -> memref<1x128xi32, #tpu.memory_space<vmem>>
        %dma_wait3A_181 = tpu.memref_squeeze %dma_wait3A_180 : memref<1x128xi32, #tpu.memory_space<vmem>> -> memref<128xi32, #tpu.memory_space<vmem>>
        %dma_wait3A_182 = tpu.memref_slice %arg3[%mul3A_177] : memref<320000xi32, #tpu.memory_space<hbm>> -> memref<128xi32, #tpu.memory_space<hbm>>
        %dma_wait3A_183 = arith.constant 0 : i32
        %dma_wait3A_184 = tpu.memref_slice %arg7[%dma_wait3A_178, %dma_wait3A_183] : memref<4x128xi32, #tpu.memory_space<vmem>> -> memref<1x128xi32, #tpu.memory_space<vmem>>
        %dma_wait3A_185 = tpu.memref_squeeze %dma_wait3A_184 : memref<1x128xi32, #tpu.memory_space<vmem>> -> memref<128xi32, #tpu.memory_space<vmem>>
        %dma_wait3A_186 = tpu.memref_slice %arg3[%mul3A_177] : memref<320000xi32, #tpu.memory_space<hbm>> -> memref<128xi32, #tpu.memory_space<hbm>>
        tpu.wait_dma2 semaphore(%arg14 : memref<!tpu.dma_semaphore, #tpu.memory_space<semaphore_mem>>) src(%dma_wait3A_186 : memref<128xi32, #tpu.memory_space<hbm>>) dst(%dma_wait3A_185 : memref<128xi32, #tpu.memory_space<vmem>>)
        %add3A_187 = arith.addi %add3A_4, %add3A_116 : i32
        %mul3A_188 = arith.constant 128 : i32
        %mul3A_189 = arith.muli %add3A_187, %mul3A_188 : i32
        %dma_wait3A_190 = arith.constant 0 : i32
        %dma_wait3A_191 = arith.constant 0 : i32
        %dma_wait3A_192 = tpu.memref_slice %arg8[%dma_wait3A_190, %dma_wait3A_191] : memref<4x128xi32, #tpu.memory_space<vmem>> -> memref<1x128xi32, #tpu.memory_space<vmem>>
        %dma_wait3A_193 = tpu.memref_squeeze %dma_wait3A_192 : memref<1x128xi32, #tpu.memory_space<vmem>> -> memref<128xi32, #tpu.memory_space<vmem>>
        %dma_wait3A_194 = tpu.memref_slice %arg4[%mul3A_189] : memref<320000xi32, #tpu.memory_space<hbm>> -> memref<128xi32, #tpu.memory_space<hbm>>
        %dma_wait3A_195 = arith.constant 0 : i32
        %dma_wait3A_196 = tpu.memref_slice %arg8[%dma_wait3A_190, %dma_wait3A_195] : memref<4x128xi32, #tpu.memory_space<vmem>> -> memref<1x128xi32, #tpu.memory_space<vmem>>
        %dma_wait3A_197 = tpu.memref_squeeze %dma_wait3A_196 : memref<1x128xi32, #tpu.memory_space<vmem>> -> memref<128xi32, #tpu.memory_space<vmem>>
        %dma_wait3A_198 = tpu.memref_slice %arg4[%mul3A_189] : memref<320000xi32, #tpu.memory_space<hbm>> -> memref<128xi32, #tpu.memory_space<hbm>>
        tpu.wait_dma2 semaphore(%arg14 : memref<!tpu.dma_semaphore, #tpu.memory_space<semaphore_mem>>) src(%dma_wait3A_198 : memref<128xi32, #tpu.memory_space<hbm>>) dst(%dma_wait3A_197 : memref<128xi32, #tpu.memory_space<vmem>>)
        %dma_start3A_199 = arith.constant 0 : i32
        %dma_start3A_200 = arith.constant 0 : i32
        %dma_start3A_201 = arith.constant 0 : i32
        %dma_start3A_202 = arith.constant 0 : i32
        %dma_start3A_203 = tpu.memref_slice %arg9[%dma_start3A_200, %dma_start3A_201, %dma_start3A_202] : memref<2x128x128xf32, #tpu.memory_space<vmem>> -> memref<1x128x128xf32, #tpu.memory_space<vmem>>
        %dma_start3A_204 = tpu.memref_squeeze %dma_start3A_203 : memref<1x128x128xf32, #tpu.memory_space<vmem>> -> memref<128x128xf32, #tpu.memory_space<vmem>>
        %dma_start3A_205 = arith.constant 0 : i32
        %dma_start3A_206 = tpu.memref_slice %arg7[%dma_start3A_199, %dma_start3A_205] : memref<4x128xi32, #tpu.memory_space<vmem>> -> memref<1x128xi32, #tpu.memory_space<vmem>>
        %dma_start3A_207 = tpu.memref_squeeze %dma_start3A_206 : memref<1x128xi32, #tpu.memory_space<vmem>> -> memref<128xi32, #tpu.memory_space<vmem>>
        %dma_start3A_208 = arith.constant 0 : i32
        %dma_start3A_209 = arith.constant 0 : i32
        %dma_start3A_210 = tpu.memref_slice %arg2[%dma_start3A_208, %dma_start3A_209] : memref<10000x128xf32, #tpu.memory_space<hbm>> -> memref<10000x128xf32, #tpu.memory_space<hbm>>
        tpu.enqueue_indirect_dma source(%dma_start3A_210 : memref<10000x128xf32, #tpu.memory_space<hbm>>) target(%dma_start3A_204 : memref<128x128xf32, #tpu.memory_space<vmem>>) offsets(%dma_start3A_207 : memref<128xi32, #tpu.memory_space<vmem>>) semaphore(%arg10 : memref<!tpu.dma_semaphore, #tpu.memory_space<semaphore_mem>>)
        %add3A_211 = arith.constant 2 : i32
        %add3A_212 = arith.addi %add3A_116, %add3A_211 : i32
        %lt3A_213 = arith.cmpi slt, %add3A_212, %add3A_7 : i32
        %convert_element_type3A_214 = arith.extui %lt3A_213 : i1 to i32
        %cond3A_215 = arith.constant 0 : i32
        %cond3A_216 = arith.cmpi ne, %convert_element_type3A_214, %cond3A_215 : i32
        scf.if %cond3A_216 {
          %add3A_217 = arith.constant 2 : i32
          %add3A_218 = arith.addi %add3A_116, %add3A_217 : i32
          %add3A_219 = arith.addi %add3A_4, %add3A_218 : i32
          %mul3A_220 = arith.constant 128 : i32
          %mul3A_221 = arith.muli %add3A_219, %mul3A_220 : i32
          %dma_start3A_222 = arith.constant 2 : i32
          %dma_start3A_223 = arith.constant 0 : i32
          %dma_start3A_224 = tpu.memref_slice %arg7[%dma_start3A_222, %dma_start3A_223] : memref<4x128xi32, #tpu.memory_space<vmem>> -> memref<1x128xi32, #tpu.memory_space<vmem>>
          %dma_start3A_225 = tpu.memref_squeeze %dma_start3A_224 : memref<1x128xi32, #tpu.memory_space<vmem>> -> memref<128xi32, #tpu.memory_space<vmem>>
          %dma_start3A_226 = tpu.memref_slice %arg3[%mul3A_221] : memref<320000xi32, #tpu.memory_space<hbm>> -> memref<128xi32, #tpu.memory_space<hbm>>
          %dma_start3A_227 = arith.constant 0 : i32
          %dma_start3A_228 = tpu.memref_slice %arg7[%dma_start3A_222, %dma_start3A_227] : memref<4x128xi32, #tpu.memory_space<vmem>> -> memref<1x128xi32, #tpu.memory_space<vmem>>
          %dma_start3A_229 = tpu.memref_squeeze %dma_start3A_228 : memref<1x128xi32, #tpu.memory_space<vmem>> -> memref<128xi32, #tpu.memory_space<vmem>>
          %dma_start3A_230 = tpu.memref_slice %arg3[%mul3A_221] : memref<320000xi32, #tpu.memory_space<hbm>> -> memref<128xi32, #tpu.memory_space<hbm>>
          tpu.enqueue_dma source(%dma_start3A_230 : memref<128xi32, #tpu.memory_space<hbm>>) target(%dma_start3A_229 : memref<128xi32, #tpu.memory_space<vmem>>) target_semaphore(%arg16 : memref<!tpu.dma_semaphore, #tpu.memory_space<semaphore_mem>>)
          %add3A_231 = arith.addi %add3A_4, %add3A_218 : i32
          %mul3A_232 = arith.constant 128 : i32
          %mul3A_233 = arith.muli %add3A_231, %mul3A_232 : i32
          %dma_start3A_234 = arith.constant 2 : i32
          %dma_start3A_235 = arith.constant 0 : i32
          %dma_start3A_236 = tpu.memref_slice %arg8[%dma_start3A_234, %dma_start3A_235] : memref<4x128xi32, #tpu.memory_space<vmem>> -> memref<1x128xi32, #tpu.memory_space<vmem>>
          %dma_start3A_237 = tpu.memref_squeeze %dma_start3A_236 : memref<1x128xi32, #tpu.memory_space<vmem>> -> memref<128xi32, #tpu.memory_space<vmem>>
          %dma_start3A_238 = tpu.memref_slice %arg4[%mul3A_233] : memref<320000xi32, #tpu.memory_space<hbm>> -> memref<128xi32, #tpu.memory_space<hbm>>
          %dma_start3A_239 = arith.constant 0 : i32
          %dma_start3A_240 = tpu.memref_slice %arg8[%dma_start3A_234, %dma_start3A_239] : memref<4x128xi32, #tpu.memory_space<vmem>> -> memref<1x128xi32, #tpu.memory_space<vmem>>
          %dma_start3A_241 = tpu.memref_squeeze %dma_start3A_240 : memref<1x128xi32, #tpu.memory_space<vmem>> -> memref<128xi32, #tpu.memory_space<vmem>>
          %dma_start3A_242 = tpu.memref_slice %arg4[%mul3A_233] : memref<320000xi32, #tpu.memory_space<hbm>> -> memref<128xi32, #tpu.memory_space<hbm>>
          tpu.enqueue_dma source(%dma_start3A_242 : memref<128xi32, #tpu.memory_space<hbm>>) target(%dma_start3A_241 : memref<128xi32, #tpu.memory_space<vmem>>) target_semaphore(%arg16 : memref<!tpu.dma_semaphore, #tpu.memory_space<semaphore_mem>>)
        } else {
        }
      } else {
      }
      %ge3A = arith.constant 1 : i32
      %ge3A_120 = arith.cmpi sge, %add3A_116, %ge3A : i32
      %le3A = arith.cmpi sle, %add3A_116, %add3A_7 : i32
      %and3A_121 = arith.andi %ge3A_120, %le3A : i1
      %convert_element_type3A_122 = arith.extui %and3A_121 : i1 to i32
      %cond3A_123 = arith.constant 0 : i32
      %cond3A_124 = arith.cmpi ne, %convert_element_type3A_122, %cond3A_123 : i32
      scf.if %cond3A_124 {
        %dma_wait3A_170 = arith.constant 3 : i32
        %dma_wait3A_171 = arith.constant 1 : i32
        %dma_wait3A_172 = arith.constant 0 : i32
        %dma_wait3A_173 = arith.constant 0 : i32
        %dma_wait3A_174 = tpu.memref_slice %arg9[%dma_wait3A_171, %dma_wait3A_172, %dma_wait3A_173] : memref<2x128x128xf32, #tpu.memory_space<vmem>> -> memref<1x128x128xf32, #tpu.memory_space<vmem>>
        %dma_wait3A_175 = tpu.memref_squeeze %dma_wait3A_174 : memref<1x128x128xf32, #tpu.memory_space<vmem>> -> memref<128x128xf32, #tpu.memory_space<vmem>>
        %dma_wait3A_176 = arith.constant 0 : i32
        %dma_wait3A_177 = tpu.memref_slice %arg7[%dma_wait3A_170, %dma_wait3A_176] : memref<4x128xi32, #tpu.memory_space<vmem>> -> memref<1x128xi32, #tpu.memory_space<vmem>>
        %dma_wait3A_178 = tpu.memref_squeeze %dma_wait3A_177 : memref<1x128xi32, #tpu.memory_space<vmem>> -> memref<128xi32, #tpu.memory_space<vmem>>
        %dma_wait3A_179 = arith.constant 0 : i32
        %dma_wait3A_180 = arith.constant 0 : i32
        %dma_wait3A_181 = tpu.memref_slice %arg2[%dma_wait3A_179, %dma_wait3A_180] : memref<10000x128xf32, #tpu.memory_space<hbm>> -> memref<10000x128xf32, #tpu.memory_space<hbm>>
        tpu.wait_indirect_dma semaphore(%arg11 : memref<!tpu.dma_semaphore, #tpu.memory_space<semaphore_mem>>) src(%dma_wait3A_181 : memref<10000x128xf32, #tpu.memory_space<hbm>>) dst(%dma_wait3A_175 : memref<128x128xf32, #tpu.memory_space<vmem>>)
        %dma_start3A_182 = arith.constant 1 : i32
        %dma_start3A_183 = arith.constant 3 : i32
        %dma_start3A_184 = arith.constant 0 : i32
        %dma_start3A_185 = arith.constant 0 : i32
        %dma_start3A_186 = tpu.memref_slice %arg9[%dma_start3A_182, %dma_start3A_184, %dma_start3A_185] : memref<2x128x128xf32, #tpu.memory_space<vmem>> -> memref<1x128x128xf32, #tpu.memory_space<vmem>>
        %dma_start3A_187 = tpu.memref_squeeze %dma_start3A_186 : memref<1x128x128xf32, #tpu.memory_space<vmem>> -> memref<128x128xf32, #tpu.memory_space<vmem>>
        %dma_start3A_188 = arith.constant 0 : i32
        %dma_start3A_189 = tpu.memref_slice %arg8[%dma_start3A_183, %dma_start3A_188] : memref<4x128xi32, #tpu.memory_space<vmem>> -> memref<1x128xi32, #tpu.memory_space<vmem>>
        %dma_start3A_190 = tpu.memref_squeeze %dma_start3A_189 : memref<1x128xi32, #tpu.memory_space<vmem>> -> memref<128xi32, #tpu.memory_space<vmem>>
        %dma_start3A_191 = arith.constant 0 : i32
        %dma_start3A_192 = arith.constant 0 : i32
        %dma_start3A_193 = tpu.memref_slice %arg18[%dma_start3A_191, %dma_start3A_192] : memref<10240x128xf32, #tpu.memory_space<vmem_shared>> -> memref<10240x128xf32, #tpu.memory_space<vmem_shared>>
        tpu.enqueue_indirect_dma source(%dma_start3A_187 : memref<128x128xf32, #tpu.memory_space<vmem>>) target(%dma_start3A_193 : memref<10240x128xf32, #tpu.memory_space<vmem_shared>>) offsets(%dma_start3A_190 : memref<128xi32, #tpu.memory_space<vmem>>) semaphore(%arg13 : memref<!tpu.dma_semaphore, #tpu.memory_space<semaphore_mem>>) {add = true}
      } else {
      }
      %mul3A_125 = arith.constant 4 : i32
      %mul3A_126 = arith.muli %while3A_112, %mul3A_125 : i32
      %add3A_127 = arith.constant 1 : i32
      %add3A_128 = arith.addi %mul3A_126, %add3A_127 : i32
      %lt3A_129 = arith.cmpi slt, %add3A_128, %add3A_7 : i32
      %convert_element_type3A_130 = arith.extui %lt3A_129 : i1 to i32
      %cond3A_131 = arith.constant 0 : i32
      %cond3A_132 = arith.cmpi ne, %convert_element_type3A_130, %cond3A_131 : i32
      scf.if %cond3A_132 {
        %ge3A_170 = arith.constant 2 : i32
        %ge3A_171 = arith.cmpi sge, %add3A_128, %ge3A_170 : i32
        %convert_element_type3A_172 = arith.extui %ge3A_171 : i1 to i32
        %cond3A_173 = arith.constant 0 : i32
        %cond3A_174 = arith.cmpi ne, %convert_element_type3A_172, %cond3A_173 : i32
        scf.if %cond3A_174 {
          %dma_wait3A_217 = arith.constant 1 : i32
          %dma_wait3A_218 = arith.constant 0 : i32
          %dma_wait3A_219 = arith.constant 0 : i32
          %dma_wait3A_220 = arith.constant 0 : i32
          %dma_wait3A_221 = tpu.memref_slice %arg9[%dma_wait3A_217, %dma_wait3A_219, %dma_wait3A_220] : memref<2x128x128xf32, #tpu.memory_space<vmem>> -> memref<1x128x128xf32, #tpu.memory_space<vmem>>
          %dma_wait3A_222 = tpu.memref_squeeze %dma_wait3A_221 : memref<1x128x128xf32, #tpu.memory_space<vmem>> -> memref<128x128xf32, #tpu.memory_space<vmem>>
          %dma_wait3A_223 = arith.constant 0 : i32
          %dma_wait3A_224 = tpu.memref_slice %arg8[%dma_wait3A_218, %dma_wait3A_223] : memref<4x128xi32, #tpu.memory_space<vmem>> -> memref<1x128xi32, #tpu.memory_space<vmem>>
          %dma_wait3A_225 = tpu.memref_squeeze %dma_wait3A_224 : memref<1x128xi32, #tpu.memory_space<vmem>> -> memref<128xi32, #tpu.memory_space<vmem>>
          %dma_wait3A_226 = arith.constant 0 : i32
          %dma_wait3A_227 = arith.constant 0 : i32
          %dma_wait3A_228 = tpu.memref_slice %arg18[%dma_wait3A_226, %dma_wait3A_227] : memref<10240x128xf32, #tpu.memory_space<vmem_shared>> -> memref<10240x128xf32, #tpu.memory_space<vmem_shared>>
          tpu.wait_indirect_dma semaphore(%arg13 : memref<!tpu.dma_semaphore, #tpu.memory_space<semaphore_mem>>) src(%dma_wait3A_222 : memref<128x128xf32, #tpu.memory_space<vmem>>) dst(%dma_wait3A_228 : memref<10240x128xf32, #tpu.memory_space<vmem_shared>>)
        } else {
        }
        %add3A_175 = arith.addi %add3A_4, %add3A_128 : i32
        %mul3A_176 = arith.constant 128 : i32
        %mul3A_177 = arith.muli %add3A_175, %mul3A_176 : i32
        %dma_wait3A_178 = arith.constant 1 : i32
        %dma_wait3A_179 = arith.constant 0 : i32
        %dma_wait3A_180 = tpu.memref_slice %arg7[%dma_wait3A_178, %dma_wait3A_179] : memref<4x128xi32, #tpu.memory_space<vmem>> -> memref<1x128xi32, #tpu.memory_space<vmem>>
        %dma_wait3A_181 = tpu.memref_squeeze %dma_wait3A_180 : memref<1x128xi32, #tpu.memory_space<vmem>> -> memref<128xi32, #tpu.memory_space<vmem>>
        %dma_wait3A_182 = tpu.memref_slice %arg3[%mul3A_177] : memref<320000xi32, #tpu.memory_space<hbm>> -> memref<128xi32, #tpu.memory_space<hbm>>
        %dma_wait3A_183 = arith.constant 0 : i32
        %dma_wait3A_184 = tpu.memref_slice %arg7[%dma_wait3A_178, %dma_wait3A_183] : memref<4x128xi32, #tpu.memory_space<vmem>> -> memref<1x128xi32, #tpu.memory_space<vmem>>
        %dma_wait3A_185 = tpu.memref_squeeze %dma_wait3A_184 : memref<1x128xi32, #tpu.memory_space<vmem>> -> memref<128xi32, #tpu.memory_space<vmem>>
        %dma_wait3A_186 = tpu.memref_slice %arg3[%mul3A_177] : memref<320000xi32, #tpu.memory_space<hbm>> -> memref<128xi32, #tpu.memory_space<hbm>>
        tpu.wait_dma2 semaphore(%arg15 : memref<!tpu.dma_semaphore, #tpu.memory_space<semaphore_mem>>) src(%dma_wait3A_186 : memref<128xi32, #tpu.memory_space<hbm>>) dst(%dma_wait3A_185 : memref<128xi32, #tpu.memory_space<vmem>>)
        %add3A_187 = arith.addi %add3A_4, %add3A_128 : i32
        %mul3A_188 = arith.constant 128 : i32
        %mul3A_189 = arith.muli %add3A_187, %mul3A_188 : i32
        %dma_wait3A_190 = arith.constant 1 : i32
        %dma_wait3A_191 = arith.constant 0 : i32
        %dma_wait3A_192 = tpu.memref_slice %arg8[%dma_wait3A_190, %dma_wait3A_191] : memref<4x128xi32, #tpu.memory_space<vmem>> -> memref<1x128xi32, #tpu.memory_space<vmem>>
        %dma_wait3A_193 = tpu.memref_squeeze %dma_wait3A_192 : memref<1x128xi32, #tpu.memory_space<vmem>> -> memref<128xi32, #tpu.memory_space<vmem>>
        %dma_wait3A_194 = tpu.memref_slice %arg4[%mul3A_189] : memref<320000xi32, #tpu.memory_space<hbm>> -> memref<128xi32, #tpu.memory_space<hbm>>
        %dma_wait3A_195 = arith.constant 0 : i32
        %dma_wait3A_196 = tpu.memref_slice %arg8[%dma_wait3A_190, %dma_wait3A_195] : memref<4x128xi32, #tpu.memory_space<vmem>> -> memref<1x128xi32, #tpu.memory_space<vmem>>
        %dma_wait3A_197 = tpu.memref_squeeze %dma_wait3A_196 : memref<1x128xi32, #tpu.memory_space<vmem>> -> memref<128xi32, #tpu.memory_space<vmem>>
        %dma_wait3A_198 = tpu.memref_slice %arg4[%mul3A_189] : memref<320000xi32, #tpu.memory_space<hbm>> -> memref<128xi32, #tpu.memory_space<hbm>>
        tpu.wait_dma2 semaphore(%arg15 : memref<!tpu.dma_semaphore, #tpu.memory_space<semaphore_mem>>) src(%dma_wait3A_198 : memref<128xi32, #tpu.memory_space<hbm>>) dst(%dma_wait3A_197 : memref<128xi32, #tpu.memory_space<vmem>>)
        %dma_start3A_199 = arith.constant 1 : i32
        %dma_start3A_200 = arith.constant 1 : i32
        %dma_start3A_201 = arith.constant 0 : i32
        %dma_start3A_202 = arith.constant 0 : i32
        %dma_start3A_203 = tpu.memref_slice %arg9[%dma_start3A_200, %dma_start3A_201, %dma_start3A_202] : memref<2x128x128xf32, #tpu.memory_space<vmem>> -> memref<1x128x128xf32, #tpu.memory_space<vmem>>
        %dma_start3A_204 = tpu.memref_squeeze %dma_start3A_203 : memref<1x128x128xf32, #tpu.memory_space<vmem>> -> memref<128x128xf32, #tpu.memory_space<vmem>>
        %dma_start3A_205 = arith.constant 0 : i32
        %dma_start3A_206 = tpu.memref_slice %arg7[%dma_start3A_199, %dma_start3A_205] : memref<4x128xi32, #tpu.memory_space<vmem>> -> memref<1x128xi32, #tpu.memory_space<vmem>>
        %dma_start3A_207 = tpu.memref_squeeze %dma_start3A_206 : memref<1x128xi32, #tpu.memory_space<vmem>> -> memref<128xi32, #tpu.memory_space<vmem>>
        %dma_start3A_208 = arith.constant 0 : i32
        %dma_start3A_209 = arith.constant 0 : i32
        %dma_start3A_210 = tpu.memref_slice %arg2[%dma_start3A_208, %dma_start3A_209] : memref<10000x128xf32, #tpu.memory_space<hbm>> -> memref<10000x128xf32, #tpu.memory_space<hbm>>
        tpu.enqueue_indirect_dma source(%dma_start3A_210 : memref<10000x128xf32, #tpu.memory_space<hbm>>) target(%dma_start3A_204 : memref<128x128xf32, #tpu.memory_space<vmem>>) offsets(%dma_start3A_207 : memref<128xi32, #tpu.memory_space<vmem>>) semaphore(%arg11 : memref<!tpu.dma_semaphore, #tpu.memory_space<semaphore_mem>>)
        %add3A_211 = arith.constant 2 : i32
        %add3A_212 = arith.addi %add3A_128, %add3A_211 : i32
        %lt3A_213 = arith.cmpi slt, %add3A_212, %add3A_7 : i32
        %convert_element_type3A_214 = arith.extui %lt3A_213 : i1 to i32
        %cond3A_215 = arith.constant 0 : i32
        %cond3A_216 = arith.cmpi ne, %convert_element_type3A_214, %cond3A_215 : i32
        scf.if %cond3A_216 {
          %add3A_217 = arith.constant 2 : i32
          %add3A_218 = arith.addi %add3A_128, %add3A_217 : i32
          %add3A_219 = arith.addi %add3A_4, %add3A_218 : i32
          %mul3A_220 = arith.constant 128 : i32
          %mul3A_221 = arith.muli %add3A_219, %mul3A_220 : i32
          %dma_start3A_222 = arith.constant 3 : i32
          %dma_start3A_223 = arith.constant 0 : i32
          %dma_start3A_224 = tpu.memref_slice %arg7[%dma_start3A_222, %dma_start3A_223] : memref<4x128xi32, #tpu.memory_space<vmem>> -> memref<1x128xi32, #tpu.memory_space<vmem>>
          %dma_start3A_225 = tpu.memref_squeeze %dma_start3A_224 : memref<1x128xi32, #tpu.memory_space<vmem>> -> memref<128xi32, #tpu.memory_space<vmem>>
          %dma_start3A_226 = tpu.memref_slice %arg3[%mul3A_221] : memref<320000xi32, #tpu.memory_space<hbm>> -> memref<128xi32, #tpu.memory_space<hbm>>
          %dma_start3A_227 = arith.constant 0 : i32
          %dma_start3A_228 = tpu.memref_slice %arg7[%dma_start3A_222, %dma_start3A_227] : memref<4x128xi32, #tpu.memory_space<vmem>> -> memref<1x128xi32, #tpu.memory_space<vmem>>
          %dma_start3A_229 = tpu.memref_squeeze %dma_start3A_228 : memref<1x128xi32, #tpu.memory_space<vmem>> -> memref<128xi32, #tpu.memory_space<vmem>>
          %dma_start3A_230 = tpu.memref_slice %arg3[%mul3A_221] : memref<320000xi32, #tpu.memory_space<hbm>> -> memref<128xi32, #tpu.memory_space<hbm>>
          tpu.enqueue_dma source(%dma_start3A_230 : memref<128xi32, #tpu.memory_space<hbm>>) target(%dma_start3A_229 : memref<128xi32, #tpu.memory_space<vmem>>) target_semaphore(%arg17 : memref<!tpu.dma_semaphore, #tpu.memory_space<semaphore_mem>>)
          %add3A_231 = arith.addi %add3A_4, %add3A_218 : i32
          %mul3A_232 = arith.constant 128 : i32
          %mul3A_233 = arith.muli %add3A_231, %mul3A_232 : i32
          %dma_start3A_234 = arith.constant 3 : i32
          %dma_start3A_235 = arith.constant 0 : i32
          %dma_start3A_236 = tpu.memref_slice %arg8[%dma_start3A_234, %dma_start3A_235] : memref<4x128xi32, #tpu.memory_space<vmem>> -> memref<1x128xi32, #tpu.memory_space<vmem>>
          %dma_start3A_237 = tpu.memref_squeeze %dma_start3A_236 : memref<1x128xi32, #tpu.memory_space<vmem>> -> memref<128xi32, #tpu.memory_space<vmem>>
          %dma_start3A_238 = tpu.memref_slice %arg4[%mul3A_233] : memref<320000xi32, #tpu.memory_space<hbm>> -> memref<128xi32, #tpu.memory_space<hbm>>
          %dma_start3A_239 = arith.constant 0 : i32
          %dma_start3A_240 = tpu.memref_slice %arg8[%dma_start3A_234, %dma_start3A_239] : memref<4x128xi32, #tpu.memory_space<vmem>> -> memref<1x128xi32, #tpu.memory_space<vmem>>
          %dma_start3A_241 = tpu.memref_squeeze %dma_start3A_240 : memref<1x128xi32, #tpu.memory_space<vmem>> -> memref<128xi32, #tpu.memory_space<vmem>>
          %dma_start3A_242 = tpu.memref_slice %arg4[%mul3A_233] : memref<320000xi32, #tpu.memory_space<hbm>> -> memref<128xi32, #tpu.memory_space<hbm>>
          tpu.enqueue_dma source(%dma_start3A_242 : memref<128xi32, #tpu.memory_space<hbm>>) target(%dma_start3A_241 : memref<128xi32, #tpu.memory_space<vmem>>) target_semaphore(%arg17 : memref<!tpu.dma_semaphore, #tpu.memory_space<semaphore_mem>>)
        } else {
        }
      } else {
      }
      %ge3A_133 = arith.constant 1 : i32
      %ge3A_134 = arith.cmpi sge, %add3A_128, %ge3A_133 : i32
      %le3A_135 = arith.cmpi sle, %add3A_128, %add3A_7 : i32
      %and3A_136 = arith.andi %ge3A_134, %le3A_135 : i1
      %convert_element_type3A_137 = arith.extui %and3A_136 : i1 to i32
      %cond3A_138 = arith.constant 0 : i32
      %cond3A_139 = arith.cmpi ne, %convert_element_type3A_137, %cond3A_138 : i32
      scf.if %cond3A_139 {
        %dma_wait3A_170 = arith.constant 0 : i32
        %dma_wait3A_171 = arith.constant 0 : i32
        %dma_wait3A_172 = arith.constant 0 : i32
        %dma_wait3A_173 = arith.constant 0 : i32
        %dma_wait3A_174 = tpu.memref_slice %arg9[%dma_wait3A_171, %dma_wait3A_172, %dma_wait3A_173] : memref<2x128x128xf32, #tpu.memory_space<vmem>> -> memref<1x128x128xf32, #tpu.memory_space<vmem>>
        %dma_wait3A_175 = tpu.memref_squeeze %dma_wait3A_174 : memref<1x128x128xf32, #tpu.memory_space<vmem>> -> memref<128x128xf32, #tpu.memory_space<vmem>>
        %dma_wait3A_176 = arith.constant 0 : i32
        %dma_wait3A_177 = tpu.memref_slice %arg7[%dma_wait3A_170, %dma_wait3A_176] : memref<4x128xi32, #tpu.memory_space<vmem>> -> memref<1x128xi32, #tpu.memory_space<vmem>>
        %dma_wait3A_178 = tpu.memref_squeeze %dma_wait3A_177 : memref<1x128xi32, #tpu.memory_space<vmem>> -> memref<128xi32, #tpu.memory_space<vmem>>
        %dma_wait3A_179 = arith.constant 0 : i32
        %dma_wait3A_180 = arith.constant 0 : i32
        %dma_wait3A_181 = tpu.memref_slice %arg2[%dma_wait3A_179, %dma_wait3A_180] : memref<10000x128xf32, #tpu.memory_space<hbm>> -> memref<10000x128xf32, #tpu.memory_space<hbm>>
        tpu.wait_indirect_dma semaphore(%arg10 : memref<!tpu.dma_semaphore, #tpu.memory_space<semaphore_mem>>) src(%dma_wait3A_181 : memref<10000x128xf32, #tpu.memory_space<hbm>>) dst(%dma_wait3A_175 : memref<128x128xf32, #tpu.memory_space<vmem>>)
        %dma_start3A_182 = arith.constant 0 : i32
        %dma_start3A_183 = arith.constant 0 : i32
        %dma_start3A_184 = arith.constant 0 : i32
        %dma_start3A_185 = arith.constant 0 : i32
        %dma_start3A_186 = tpu.memref_slice %arg9[%dma_start3A_182, %dma_start3A_184, %dma_start3A_185] : memref<2x128x128xf32, #tpu.memory_space<vmem>> -> memref<1x128x128xf32, #tpu.memory_space<vmem>>
        %dma_start3A_187 = tpu.memref_squeeze %dma_start3A_186 : memref<1x128x128xf32, #tpu.memory_space<vmem>> -> memref<128x128xf32, #tpu.memory_space<vmem>>
        %dma_start3A_188 = arith.constant 0 : i32
        %dma_start3A_189 = tpu.memref_slice %arg8[%dma_start3A_183, %dma_start3A_188] : memref<4x128xi32, #tpu.memory_space<vmem>> -> memref<1x128xi32, #tpu.memory_space<vmem>>
        %dma_start3A_190 = tpu.memref_squeeze %dma_start3A_189 : memref<1x128xi32, #tpu.memory_space<vmem>> -> memref<128xi32, #tpu.memory_space<vmem>>
        %dma_start3A_191 = arith.constant 0 : i32
        %dma_start3A_192 = arith.constant 0 : i32
        %dma_start3A_193 = tpu.memref_slice %arg18[%dma_start3A_191, %dma_start3A_192] : memref<10240x128xf32, #tpu.memory_space<vmem_shared>> -> memref<10240x128xf32, #tpu.memory_space<vmem_shared>>
        tpu.enqueue_indirect_dma source(%dma_start3A_187 : memref<128x128xf32, #tpu.memory_space<vmem>>) target(%dma_start3A_193 : memref<10240x128xf32, #tpu.memory_space<vmem_shared>>) offsets(%dma_start3A_190 : memref<128xi32, #tpu.memory_space<vmem>>) semaphore(%arg12 : memref<!tpu.dma_semaphore, #tpu.memory_space<semaphore_mem>>) {add = true}
      } else {
      }
      %mul3A_140 = arith.constant 4 : i32
      %mul3A_141 = arith.muli %while3A_112, %mul3A_140 : i32
      %add3A_142 = arith.constant 2 : i32
      %add3A_143 = arith.addi %mul3A_141, %add3A_142 : i32
      %lt3A_144 = arith.cmpi slt, %add3A_143, %add3A_7 : i32
      %convert_element_type3A_145 = arith.extui %lt3A_144 : i1 to i32
      %cond3A_146 = arith.constant 0 : i32
      %cond3A_147 = arith.cmpi ne, %convert_element_type3A_145, %cond3A_146 : i32
      scf.if %cond3A_147 {
        %ge3A_170 = arith.constant 2 : i32
        %ge3A_171 = arith.cmpi sge, %add3A_143, %ge3A_170 : i32
        %convert_element_type3A_172 = arith.extui %ge3A_171 : i1 to i32
        %cond3A_173 = arith.constant 0 : i32
        %cond3A_174 = arith.cmpi ne, %convert_element_type3A_172, %cond3A_173 : i32
        scf.if %cond3A_174 {
          %dma_wait3A_217 = arith.constant 0 : i32
          %dma_wait3A_218 = arith.constant 0 : i32
          %dma_wait3A_219 = arith.constant 0 : i32
          %dma_wait3A_220 = arith.constant 0 : i32
          %dma_wait3A_221 = tpu.memref_slice %arg9[%dma_wait3A_217, %dma_wait3A_219, %dma_wait3A_220] : memref<2x128x128xf32, #tpu.memory_space<vmem>> -> memref<1x128x128xf32, #tpu.memory_space<vmem>>
          %dma_wait3A_222 = tpu.memref_squeeze %dma_wait3A_221 : memref<1x128x128xf32, #tpu.memory_space<vmem>> -> memref<128x128xf32, #tpu.memory_space<vmem>>
          %dma_wait3A_223 = arith.constant 0 : i32
          %dma_wait3A_224 = tpu.memref_slice %arg8[%dma_wait3A_218, %dma_wait3A_223] : memref<4x128xi32, #tpu.memory_space<vmem>> -> memref<1x128xi32, #tpu.memory_space<vmem>>
          %dma_wait3A_225 = tpu.memref_squeeze %dma_wait3A_224 : memref<1x128xi32, #tpu.memory_space<vmem>> -> memref<128xi32, #tpu.memory_space<vmem>>
          %dma_wait3A_226 = arith.constant 0 : i32
          %dma_wait3A_227 = arith.constant 0 : i32
          %dma_wait3A_228 = tpu.memref_slice %arg18[%dma_wait3A_226, %dma_wait3A_227] : memref<10240x128xf32, #tpu.memory_space<vmem_shared>> -> memref<10240x128xf32, #tpu.memory_space<vmem_shared>>
          tpu.wait_indirect_dma semaphore(%arg12 : memref<!tpu.dma_semaphore, #tpu.memory_space<semaphore_mem>>) src(%dma_wait3A_222 : memref<128x128xf32, #tpu.memory_space<vmem>>) dst(%dma_wait3A_228 : memref<10240x128xf32, #tpu.memory_space<vmem_shared>>)
        } else {
        }
        %add3A_175 = arith.addi %add3A_4, %add3A_143 : i32
        %mul3A_176 = arith.constant 128 : i32
        %mul3A_177 = arith.muli %add3A_175, %mul3A_176 : i32
        %dma_wait3A_178 = arith.constant 2 : i32
        %dma_wait3A_179 = arith.constant 0 : i32
        %dma_wait3A_180 = tpu.memref_slice %arg7[%dma_wait3A_178, %dma_wait3A_179] : memref<4x128xi32, #tpu.memory_space<vmem>> -> memref<1x128xi32, #tpu.memory_space<vmem>>
        %dma_wait3A_181 = tpu.memref_squeeze %dma_wait3A_180 : memref<1x128xi32, #tpu.memory_space<vmem>> -> memref<128xi32, #tpu.memory_space<vmem>>
        %dma_wait3A_182 = tpu.memref_slice %arg3[%mul3A_177] : memref<320000xi32, #tpu.memory_space<hbm>> -> memref<128xi32, #tpu.memory_space<hbm>>
        %dma_wait3A_183 = arith.constant 0 : i32
        %dma_wait3A_184 = tpu.memref_slice %arg7[%dma_wait3A_178, %dma_wait3A_183] : memref<4x128xi32, #tpu.memory_space<vmem>> -> memref<1x128xi32, #tpu.memory_space<vmem>>
        %dma_wait3A_185 = tpu.memref_squeeze %dma_wait3A_184 : memref<1x128xi32, #tpu.memory_space<vmem>> -> memref<128xi32, #tpu.memory_space<vmem>>
        %dma_wait3A_186 = tpu.memref_slice %arg3[%mul3A_177] : memref<320000xi32, #tpu.memory_space<hbm>> -> memref<128xi32, #tpu.memory_space<hbm>>
        tpu.wait_dma2 semaphore(%arg16 : memref<!tpu.dma_semaphore, #tpu.memory_space<semaphore_mem>>) src(%dma_wait3A_186 : memref<128xi32, #tpu.memory_space<hbm>>) dst(%dma_wait3A_185 : memref<128xi32, #tpu.memory_space<vmem>>)
        %add3A_187 = arith.addi %add3A_4, %add3A_143 : i32
        %mul3A_188 = arith.constant 128 : i32
        %mul3A_189 = arith.muli %add3A_187, %mul3A_188 : i32
        %dma_wait3A_190 = arith.constant 2 : i32
        %dma_wait3A_191 = arith.constant 0 : i32
        %dma_wait3A_192 = tpu.memref_slice %arg8[%dma_wait3A_190, %dma_wait3A_191] : memref<4x128xi32, #tpu.memory_space<vmem>> -> memref<1x128xi32, #tpu.memory_space<vmem>>
        %dma_wait3A_193 = tpu.memref_squeeze %dma_wait3A_192 : memref<1x128xi32, #tpu.memory_space<vmem>> -> memref<128xi32, #tpu.memory_space<vmem>>
        %dma_wait3A_194 = tpu.memref_slice %arg4[%mul3A_189] : memref<320000xi32, #tpu.memory_space<hbm>> -> memref<128xi32, #tpu.memory_space<hbm>>
        %dma_wait3A_195 = arith.constant 0 : i32
        %dma_wait3A_196 = tpu.memref_slice %arg8[%dma_wait3A_190, %dma_wait3A_195] : memref<4x128xi32, #tpu.memory_space<vmem>> -> memref<1x128xi32, #tpu.memory_space<vmem>>
        %dma_wait3A_197 = tpu.memref_squeeze %dma_wait3A_196 : memref<1x128xi32, #tpu.memory_space<vmem>> -> memref<128xi32, #tpu.memory_space<vmem>>
        %dma_wait3A_198 = tpu.memref_slice %arg4[%mul3A_189] : memref<320000xi32, #tpu.memory_space<hbm>> -> memref<128xi32, #tpu.memory_space<hbm>>
        tpu.wait_dma2 semaphore(%arg16 : memref<!tpu.dma_semaphore, #tpu.memory_space<semaphore_mem>>) src(%dma_wait3A_198 : memref<128xi32, #tpu.memory_space<hbm>>) dst(%dma_wait3A_197 : memref<128xi32, #tpu.memory_space<vmem>>)
        %dma_start3A_199 = arith.constant 2 : i32
        %dma_start3A_200 = arith.constant 0 : i32
        %dma_start3A_201 = arith.constant 0 : i32
        %dma_start3A_202 = arith.constant 0 : i32
        %dma_start3A_203 = tpu.memref_slice %arg9[%dma_start3A_200, %dma_start3A_201, %dma_start3A_202] : memref<2x128x128xf32, #tpu.memory_space<vmem>> -> memref<1x128x128xf32, #tpu.memory_space<vmem>>
        %dma_start3A_204 = tpu.memref_squeeze %dma_start3A_203 : memref<1x128x128xf32, #tpu.memory_space<vmem>> -> memref<128x128xf32, #tpu.memory_space<vmem>>
        %dma_start3A_205 = arith.constant 0 : i32
        %dma_start3A_206 = tpu.memref_slice %arg7[%dma_start3A_199, %dma_start3A_205] : memref<4x128xi32, #tpu.memory_space<vmem>> -> memref<1x128xi32, #tpu.memory_space<vmem>>
        %dma_start3A_207 = tpu.memref_squeeze %dma_start3A_206 : memref<1x128xi32, #tpu.memory_space<vmem>> -> memref<128xi32, #tpu.memory_space<vmem>>
        %dma_start3A_208 = arith.constant 0 : i32
        %dma_start3A_209 = arith.constant 0 : i32
        %dma_start3A_210 = tpu.memref_slice %arg2[%dma_start3A_208, %dma_start3A_209] : memref<10000x128xf32, #tpu.memory_space<hbm>> -> memref<10000x128xf32, #tpu.memory_space<hbm>>
        tpu.enqueue_indirect_dma source(%dma_start3A_210 : memref<10000x128xf32, #tpu.memory_space<hbm>>) target(%dma_start3A_204 : memref<128x128xf32, #tpu.memory_space<vmem>>) offsets(%dma_start3A_207 : memref<128xi32, #tpu.memory_space<vmem>>) semaphore(%arg10 : memref<!tpu.dma_semaphore, #tpu.memory_space<semaphore_mem>>)
        %add3A_211 = arith.constant 2 : i32
        %add3A_212 = arith.addi %add3A_143, %add3A_211 : i32
        %lt3A_213 = arith.cmpi slt, %add3A_212, %add3A_7 : i32
        %convert_element_type3A_214 = arith.extui %lt3A_213 : i1 to i32
        %cond3A_215 = arith.constant 0 : i32
        %cond3A_216 = arith.cmpi ne, %convert_element_type3A_214, %cond3A_215 : i32
        scf.if %cond3A_216 {
          %add3A_217 = arith.constant 2 : i32
          %add3A_218 = arith.addi %add3A_143, %add3A_217 : i32
          %add3A_219 = arith.addi %add3A_4, %add3A_218 : i32
          %mul3A_220 = arith.constant 128 : i32
          %mul3A_221 = arith.muli %add3A_219, %mul3A_220 : i32
          %dma_start3A_222 = arith.constant 0 : i32
          %dma_start3A_223 = arith.constant 0 : i32
          %dma_start3A_224 = tpu.memref_slice %arg7[%dma_start3A_222, %dma_start3A_223] : memref<4x128xi32, #tpu.memory_space<vmem>> -> memref<1x128xi32, #tpu.memory_space<vmem>>
          %dma_start3A_225 = tpu.memref_squeeze %dma_start3A_224 : memref<1x128xi32, #tpu.memory_space<vmem>> -> memref<128xi32, #tpu.memory_space<vmem>>
          %dma_start3A_226 = tpu.memref_slice %arg3[%mul3A_221] : memref<320000xi32, #tpu.memory_space<hbm>> -> memref<128xi32, #tpu.memory_space<hbm>>
          %dma_start3A_227 = arith.constant 0 : i32
          %dma_start3A_228 = tpu.memref_slice %arg7[%dma_start3A_222, %dma_start3A_227] : memref<4x128xi32, #tpu.memory_space<vmem>> -> memref<1x128xi32, #tpu.memory_space<vmem>>
          %dma_start3A_229 = tpu.memref_squeeze %dma_start3A_228 : memref<1x128xi32, #tpu.memory_space<vmem>> -> memref<128xi32, #tpu.memory_space<vmem>>
          %dma_start3A_230 = tpu.memref_slice %arg3[%mul3A_221] : memref<320000xi32, #tpu.memory_space<hbm>> -> memref<128xi32, #tpu.memory_space<hbm>>
          tpu.enqueue_dma source(%dma_start3A_230 : memref<128xi32, #tpu.memory_space<hbm>>) target(%dma_start3A_229 : memref<128xi32, #tpu.memory_space<vmem>>) target_semaphore(%arg14 : memref<!tpu.dma_semaphore, #tpu.memory_space<semaphore_mem>>)
          %add3A_231 = arith.addi %add3A_4, %add3A_218 : i32
          %mul3A_232 = arith.constant 128 : i32
          %mul3A_233 = arith.muli %add3A_231, %mul3A_232 : i32
          %dma_start3A_234 = arith.constant 0 : i32
          %dma_start3A_235 = arith.constant 0 : i32
          %dma_start3A_236 = tpu.memref_slice %arg8[%dma_start3A_234, %dma_start3A_235] : memref<4x128xi32, #tpu.memory_space<vmem>> -> memref<1x128xi32, #tpu.memory_space<vmem>>
          %dma_start3A_237 = tpu.memref_squeeze %dma_start3A_236 : memref<1x128xi32, #tpu.memory_space<vmem>> -> memref<128xi32, #tpu.memory_space<vmem>>
          %dma_start3A_238 = tpu.memref_slice %arg4[%mul3A_233] : memref<320000xi32, #tpu.memory_space<hbm>> -> memref<128xi32, #tpu.memory_space<hbm>>
          %dma_start3A_239 = arith.constant 0 : i32
          %dma_start3A_240 = tpu.memref_slice %arg8[%dma_start3A_234, %dma_start3A_239] : memref<4x128xi32, #tpu.memory_space<vmem>> -> memref<1x128xi32, #tpu.memory_space<vmem>>
          %dma_start3A_241 = tpu.memref_squeeze %dma_start3A_240 : memref<1x128xi32, #tpu.memory_space<vmem>> -> memref<128xi32, #tpu.memory_space<vmem>>
          %dma_start3A_242 = tpu.memref_slice %arg4[%mul3A_233] : memref<320000xi32, #tpu.memory_space<hbm>> -> memref<128xi32, #tpu.memory_space<hbm>>
          tpu.enqueue_dma source(%dma_start3A_242 : memref<128xi32, #tpu.memory_space<hbm>>) target(%dma_start3A_241 : memref<128xi32, #tpu.memory_space<vmem>>) target_semaphore(%arg14 : memref<!tpu.dma_semaphore, #tpu.memory_space<semaphore_mem>>)
        } else {
        }
      } else {
      }
      %ge3A_148 = arith.constant 1 : i32
      %ge3A_149 = arith.cmpi sge, %add3A_143, %ge3A_148 : i32
      %le3A_150 = arith.cmpi sle, %add3A_143, %add3A_7 : i32
      %and3A_151 = arith.andi %ge3A_149, %le3A_150 : i1
      %convert_element_type3A_152 = arith.extui %and3A_151 : i1 to i32
      %cond3A_153 = arith.constant 0 : i32
      %cond3A_154 = arith.cmpi ne, %convert_element_type3A_152, %cond3A_153 : i32
      scf.if %cond3A_154 {
        %dma_wait3A_170 = arith.constant 1 : i32
        %dma_wait3A_171 = arith.constant 1 : i32
        %dma_wait3A_172 = arith.constant 0 : i32
        %dma_wait3A_173 = arith.constant 0 : i32
        %dma_wait3A_174 = tpu.memref_slice %arg9[%dma_wait3A_171, %dma_wait3A_172, %dma_wait3A_173] : memref<2x128x128xf32, #tpu.memory_space<vmem>> -> memref<1x128x128xf32, #tpu.memory_space<vmem>>
        %dma_wait3A_175 = tpu.memref_squeeze %dma_wait3A_174 : memref<1x128x128xf32, #tpu.memory_space<vmem>> -> memref<128x128xf32, #tpu.memory_space<vmem>>
        %dma_wait3A_176 = arith.constant 0 : i32
        %dma_wait3A_177 = tpu.memref_slice %arg7[%dma_wait3A_170, %dma_wait3A_176] : memref<4x128xi32, #tpu.memory_space<vmem>> -> memref<1x128xi32, #tpu.memory_space<vmem>>
        %dma_wait3A_178 = tpu.memref_squeeze %dma_wait3A_177 : memref<1x128xi32, #tpu.memory_space<vmem>> -> memref<128xi32, #tpu.memory_space<vmem>>
        %dma_wait3A_179 = arith.constant 0 : i32
        %dma_wait3A_180 = arith.constant 0 : i32
        %dma_wait3A_181 = tpu.memref_slice %arg2[%dma_wait3A_179, %dma_wait3A_180] : memref<10000x128xf32, #tpu.memory_space<hbm>> -> memref<10000x128xf32, #tpu.memory_space<hbm>>
        tpu.wait_indirect_dma semaphore(%arg11 : memref<!tpu.dma_semaphore, #tpu.memory_space<semaphore_mem>>) src(%dma_wait3A_181 : memref<10000x128xf32, #tpu.memory_space<hbm>>) dst(%dma_wait3A_175 : memref<128x128xf32, #tpu.memory_space<vmem>>)
        %dma_start3A_182 = arith.constant 1 : i32
        %dma_start3A_183 = arith.constant 1 : i32
        %dma_start3A_184 = arith.constant 0 : i32
        %dma_start3A_185 = arith.constant 0 : i32
        %dma_start3A_186 = tpu.memref_slice %arg9[%dma_start3A_182, %dma_start3A_184, %dma_start3A_185] : memref<2x128x128xf32, #tpu.memory_space<vmem>> -> memref<1x128x128xf32, #tpu.memory_space<vmem>>
        %dma_start3A_187 = tpu.memref_squeeze %dma_start3A_186 : memref<1x128x128xf32, #tpu.memory_space<vmem>> -> memref<128x128xf32, #tpu.memory_space<vmem>>
        %dma_start3A_188 = arith.constant 0 : i32
        %dma_start3A_189 = tpu.memref_slice %arg8[%dma_start3A_183, %dma_start3A_188] : memref<4x128xi32, #tpu.memory_space<vmem>> -> memref<1x128xi32, #tpu.memory_space<vmem>>
        %dma_start3A_190 = tpu.memref_squeeze %dma_start3A_189 : memref<1x128xi32, #tpu.memory_space<vmem>> -> memref<128xi32, #tpu.memory_space<vmem>>
        %dma_start3A_191 = arith.constant 0 : i32
        %dma_start3A_192 = arith.constant 0 : i32
        %dma_start3A_193 = tpu.memref_slice %arg18[%dma_start3A_191, %dma_start3A_192] : memref<10240x128xf32, #tpu.memory_space<vmem_shared>> -> memref<10240x128xf32, #tpu.memory_space<vmem_shared>>
        tpu.enqueue_indirect_dma source(%dma_start3A_187 : memref<128x128xf32, #tpu.memory_space<vmem>>) target(%dma_start3A_193 : memref<10240x128xf32, #tpu.memory_space<vmem_shared>>) offsets(%dma_start3A_190 : memref<128xi32, #tpu.memory_space<vmem>>) semaphore(%arg13 : memref<!tpu.dma_semaphore, #tpu.memory_space<semaphore_mem>>) {add = true}
      } else {
      }
      %mul3A_155 = arith.constant 4 : i32
      %mul3A_156 = arith.muli %while3A_112, %mul3A_155 : i32
      %add3A_157 = arith.constant 3 : i32
      %add3A_158 = arith.addi %mul3A_156, %add3A_157 : i32
      %lt3A_159 = arith.cmpi slt, %add3A_158, %add3A_7 : i32
      %convert_element_type3A_160 = arith.extui %lt3A_159 : i1 to i32
      %cond3A_161 = arith.constant 0 : i32
      %cond3A_162 = arith.cmpi ne, %convert_element_type3A_160, %cond3A_161 : i32
      scf.if %cond3A_162 {
        %ge3A_170 = arith.constant 2 : i32
        %ge3A_171 = arith.cmpi sge, %add3A_158, %ge3A_170 : i32
        %convert_element_type3A_172 = arith.extui %ge3A_171 : i1 to i32
        %cond3A_173 = arith.constant 0 : i32
        %cond3A_174 = arith.cmpi ne, %convert_element_type3A_172, %cond3A_173 : i32
        scf.if %cond3A_174 {
          %dma_wait3A_217 = arith.constant 1 : i32
          %dma_wait3A_218 = arith.constant 0 : i32
          %dma_wait3A_219 = arith.constant 0 : i32
          %dma_wait3A_220 = arith.constant 0 : i32
          %dma_wait3A_221 = tpu.memref_slice %arg9[%dma_wait3A_217, %dma_wait3A_219, %dma_wait3A_220] : memref<2x128x128xf32, #tpu.memory_space<vmem>> -> memref<1x128x128xf32, #tpu.memory_space<vmem>>
          %dma_wait3A_222 = tpu.memref_squeeze %dma_wait3A_221 : memref<1x128x128xf32, #tpu.memory_space<vmem>> -> memref<128x128xf32, #tpu.memory_space<vmem>>
          %dma_wait3A_223 = arith.constant 0 : i32
          %dma_wait3A_224 = tpu.memref_slice %arg8[%dma_wait3A_218, %dma_wait3A_223] : memref<4x128xi32, #tpu.memory_space<vmem>> -> memref<1x128xi32, #tpu.memory_space<vmem>>
          %dma_wait3A_225 = tpu.memref_squeeze %dma_wait3A_224 : memref<1x128xi32, #tpu.memory_space<vmem>> -> memref<128xi32, #tpu.memory_space<vmem>>
          %dma_wait3A_226 = arith.constant 0 : i32
          %dma_wait3A_227 = arith.constant 0 : i32
          %dma_wait3A_228 = tpu.memref_slice %arg18[%dma_wait3A_226, %dma_wait3A_227] : memref<10240x128xf32, #tpu.memory_space<vmem_shared>> -> memref<10240x128xf32, #tpu.memory_space<vmem_shared>>
          tpu.wait_indirect_dma semaphore(%arg13 : memref<!tpu.dma_semaphore, #tpu.memory_space<semaphore_mem>>) src(%dma_wait3A_222 : memref<128x128xf32, #tpu.memory_space<vmem>>) dst(%dma_wait3A_228 : memref<10240x128xf32, #tpu.memory_space<vmem_shared>>)
        } else {
        }
        %add3A_175 = arith.addi %add3A_4, %add3A_158 : i32
        %mul3A_176 = arith.constant 128 : i32
        %mul3A_177 = arith.muli %add3A_175, %mul3A_176 : i32
        %dma_wait3A_178 = arith.constant 3 : i32
        %dma_wait3A_179 = arith.constant 0 : i32
        %dma_wait3A_180 = tpu.memref_slice %arg7[%dma_wait3A_178, %dma_wait3A_179] : memref<4x128xi32, #tpu.memory_space<vmem>> -> memref<1x128xi32, #tpu.memory_space<vmem>>
        %dma_wait3A_181 = tpu.memref_squeeze %dma_wait3A_180 : memref<1x128xi32, #tpu.memory_space<vmem>> -> memref<128xi32, #tpu.memory_space<vmem>>
        %dma_wait3A_182 = tpu.memref_slice %arg3[%mul3A_177] : memref<320000xi32, #tpu.memory_space<hbm>> -> memref<128xi32, #tpu.memory_space<hbm>>
        %dma_wait3A_183 = arith.constant 0 : i32
        %dma_wait3A_184 = tpu.memref_slice %arg7[%dma_wait3A_178, %dma_wait3A_183] : memref<4x128xi32, #tpu.memory_space<vmem>> -> memref<1x128xi32, #tpu.memory_space<vmem>>
        %dma_wait3A_185 = tpu.memref_squeeze %dma_wait3A_184 : memref<1x128xi32, #tpu.memory_space<vmem>> -> memref<128xi32, #tpu.memory_space<vmem>>
        %dma_wait3A_186 = tpu.memref_slice %arg3[%mul3A_177] : memref<320000xi32, #tpu.memory_space<hbm>> -> memref<128xi32, #tpu.memory_space<hbm>>
        tpu.wait_dma2 semaphore(%arg17 : memref<!tpu.dma_semaphore, #tpu.memory_space<semaphore_mem>>) src(%dma_wait3A_186 : memref<128xi32, #tpu.memory_space<hbm>>) dst(%dma_wait3A_185 : memref<128xi32, #tpu.memory_space<vmem>>)
        %add3A_187 = arith.addi %add3A_4, %add3A_158 : i32
        %mul3A_188 = arith.constant 128 : i32
        %mul3A_189 = arith.muli %add3A_187, %mul3A_188 : i32
        %dma_wait3A_190 = arith.constant 3 : i32
        %dma_wait3A_191 = arith.constant 0 : i32
        %dma_wait3A_192 = tpu.memref_slice %arg8[%dma_wait3A_190, %dma_wait3A_191] : memref<4x128xi32, #tpu.memory_space<vmem>> -> memref<1x128xi32, #tpu.memory_space<vmem>>
        %dma_wait3A_193 = tpu.memref_squeeze %dma_wait3A_192 : memref<1x128xi32, #tpu.memory_space<vmem>> -> memref<128xi32, #tpu.memory_space<vmem>>
        %dma_wait3A_194 = tpu.memref_slice %arg4[%mul3A_189] : memref<320000xi32, #tpu.memory_space<hbm>> -> memref<128xi32, #tpu.memory_space<hbm>>
        %dma_wait3A_195 = arith.constant 0 : i32
        %dma_wait3A_196 = tpu.memref_slice %arg8[%dma_wait3A_190, %dma_wait3A_195] : memref<4x128xi32, #tpu.memory_space<vmem>> -> memref<1x128xi32, #tpu.memory_space<vmem>>
        %dma_wait3A_197 = tpu.memref_squeeze %dma_wait3A_196 : memref<1x128xi32, #tpu.memory_space<vmem>> -> memref<128xi32, #tpu.memory_space<vmem>>
        %dma_wait3A_198 = tpu.memref_slice %arg4[%mul3A_189] : memref<320000xi32, #tpu.memory_space<hbm>> -> memref<128xi32, #tpu.memory_space<hbm>>
        tpu.wait_dma2 semaphore(%arg17 : memref<!tpu.dma_semaphore, #tpu.memory_space<semaphore_mem>>) src(%dma_wait3A_198 : memref<128xi32, #tpu.memory_space<hbm>>) dst(%dma_wait3A_197 : memref<128xi32, #tpu.memory_space<vmem>>)
        %dma_start3A_199 = arith.constant 3 : i32
        %dma_start3A_200 = arith.constant 1 : i32
        %dma_start3A_201 = arith.constant 0 : i32
        %dma_start3A_202 = arith.constant 0 : i32
        %dma_start3A_203 = tpu.memref_slice %arg9[%dma_start3A_200, %dma_start3A_201, %dma_start3A_202] : memref<2x128x128xf32, #tpu.memory_space<vmem>> -> memref<1x128x128xf32, #tpu.memory_space<vmem>>
        %dma_start3A_204 = tpu.memref_squeeze %dma_start3A_203 : memref<1x128x128xf32, #tpu.memory_space<vmem>> -> memref<128x128xf32, #tpu.memory_space<vmem>>
        %dma_start3A_205 = arith.constant 0 : i32
        %dma_start3A_206 = tpu.memref_slice %arg7[%dma_start3A_199, %dma_start3A_205] : memref<4x128xi32, #tpu.memory_space<vmem>> -> memref<1x128xi32, #tpu.memory_space<vmem>>
        %dma_start3A_207 = tpu.memref_squeeze %dma_start3A_206 : memref<1x128xi32, #tpu.memory_space<vmem>> -> memref<128xi32, #tpu.memory_space<vmem>>
        %dma_start3A_208 = arith.constant 0 : i32
        %dma_start3A_209 = arith.constant 0 : i32
        %dma_start3A_210 = tpu.memref_slice %arg2[%dma_start3A_208, %dma_start3A_209] : memref<10000x128xf32, #tpu.memory_space<hbm>> -> memref<10000x128xf32, #tpu.memory_space<hbm>>
        tpu.enqueue_indirect_dma source(%dma_start3A_210 : memref<10000x128xf32, #tpu.memory_space<hbm>>) target(%dma_start3A_204 : memref<128x128xf32, #tpu.memory_space<vmem>>) offsets(%dma_start3A_207 : memref<128xi32, #tpu.memory_space<vmem>>) semaphore(%arg11 : memref<!tpu.dma_semaphore, #tpu.memory_space<semaphore_mem>>)
        %add3A_211 = arith.constant 2 : i32
        %add3A_212 = arith.addi %add3A_158, %add3A_211 : i32
        %lt3A_213 = arith.cmpi slt, %add3A_212, %add3A_7 : i32
        %convert_element_type3A_214 = arith.extui %lt3A_213 : i1 to i32
        %cond3A_215 = arith.constant 0 : i32
        %cond3A_216 = arith.cmpi ne, %convert_element_type3A_214, %cond3A_215 : i32
        scf.if %cond3A_216 {
          %add3A_217 = arith.constant 2 : i32
          %add3A_218 = arith.addi %add3A_158, %add3A_217 : i32
          %add3A_219 = arith.addi %add3A_4, %add3A_218 : i32
          %mul3A_220 = arith.constant 128 : i32
          %mul3A_221 = arith.muli %add3A_219, %mul3A_220 : i32
          %dma_start3A_222 = arith.constant 1 : i32
          %dma_start3A_223 = arith.constant 0 : i32
          %dma_start3A_224 = tpu.memref_slice %arg7[%dma_start3A_222, %dma_start3A_223] : memref<4x128xi32, #tpu.memory_space<vmem>> -> memref<1x128xi32, #tpu.memory_space<vmem>>
          %dma_start3A_225 = tpu.memref_squeeze %dma_start3A_224 : memref<1x128xi32, #tpu.memory_space<vmem>> -> memref<128xi32, #tpu.memory_space<vmem>>
          %dma_start3A_226 = tpu.memref_slice %arg3[%mul3A_221] : memref<320000xi32, #tpu.memory_space<hbm>> -> memref<128xi32, #tpu.memory_space<hbm>>
          %dma_start3A_227 = arith.constant 0 : i32
          %dma_start3A_228 = tpu.memref_slice %arg7[%dma_start3A_222, %dma_start3A_227] : memref<4x128xi32, #tpu.memory_space<vmem>> -> memref<1x128xi32, #tpu.memory_space<vmem>>
          %dma_start3A_229 = tpu.memref_squeeze %dma_start3A_228 : memref<1x128xi32, #tpu.memory_space<vmem>> -> memref<128xi32, #tpu.memory_space<vmem>>
          %dma_start3A_230 = tpu.memref_slice %arg3[%mul3A_221] : memref<320000xi32, #tpu.memory_space<hbm>> -> memref<128xi32, #tpu.memory_space<hbm>>
          tpu.enqueue_dma source(%dma_start3A_230 : memref<128xi32, #tpu.memory_space<hbm>>) target(%dma_start3A_229 : memref<128xi32, #tpu.memory_space<vmem>>) target_semaphore(%arg15 : memref<!tpu.dma_semaphore, #tpu.memory_space<semaphore_mem>>)
          %add3A_231 = arith.addi %add3A_4, %add3A_218 : i32
          %mul3A_232 = arith.constant 128 : i32
          %mul3A_233 = arith.muli %add3A_231, %mul3A_232 : i32
          %dma_start3A_234 = arith.constant 1 : i32
          %dma_start3A_235 = arith.constant 0 : i32
          %dma_start3A_236 = tpu.memref_slice %arg8[%dma_start3A_234, %dma_start3A_235] : memref<4x128xi32, #tpu.memory_space<vmem>> -> memref<1x128xi32, #tpu.memory_space<vmem>>
          %dma_start3A_237 = tpu.memref_squeeze %dma_start3A_236 : memref<1x128xi32, #tpu.memory_space<vmem>> -> memref<128xi32, #tpu.memory_space<vmem>>
          %dma_start3A_238 = tpu.memref_slice %arg4[%mul3A_233] : memref<320000xi32, #tpu.memory_space<hbm>> -> memref<128xi32, #tpu.memory_space<hbm>>
          %dma_start3A_239 = arith.constant 0 : i32
          %dma_start3A_240 = tpu.memref_slice %arg8[%dma_start3A_234, %dma_start3A_239] : memref<4x128xi32, #tpu.memory_space<vmem>> -> memref<1x128xi32, #tpu.memory_space<vmem>>
          %dma_start3A_241 = tpu.memref_squeeze %dma_start3A_240 : memref<1x128xi32, #tpu.memory_space<vmem>> -> memref<128xi32, #tpu.memory_space<vmem>>
          %dma_start3A_242 = tpu.memref_slice %arg4[%mul3A_233] : memref<320000xi32, #tpu.memory_space<hbm>> -> memref<128xi32, #tpu.memory_space<hbm>>
          tpu.enqueue_dma source(%dma_start3A_242 : memref<128xi32, #tpu.memory_space<hbm>>) target(%dma_start3A_241 : memref<128xi32, #tpu.memory_space<vmem>>) target_semaphore(%arg15 : memref<!tpu.dma_semaphore, #tpu.memory_space<semaphore_mem>>)
        } else {
        }
      } else {
      }
      %ge3A_163 = arith.constant 1 : i32
      %ge3A_164 = arith.cmpi sge, %add3A_158, %ge3A_163 : i32
      %le3A_165 = arith.cmpi sle, %add3A_158, %add3A_7 : i32
      %and3A_166 = arith.andi %ge3A_164, %le3A_165 : i1
      %convert_element_type3A_167 = arith.extui %and3A_166 : i1 to i32
      %cond3A_168 = arith.constant 0 : i32
      %cond3A_169 = arith.cmpi ne, %convert_element_type3A_167, %cond3A_168 : i32
      scf.if %cond3A_169 {
        %dma_wait3A_170 = arith.constant 2 : i32
        %dma_wait3A_171 = arith.constant 0 : i32
        %dma_wait3A_172 = arith.constant 0 : i32
        %dma_wait3A_173 = arith.constant 0 : i32
        %dma_wait3A_174 = tpu.memref_slice %arg9[%dma_wait3A_171, %dma_wait3A_172, %dma_wait3A_173] : memref<2x128x128xf32, #tpu.memory_space<vmem>> -> memref<1x128x128xf32, #tpu.memory_space<vmem>>
        %dma_wait3A_175 = tpu.memref_squeeze %dma_wait3A_174 : memref<1x128x128xf32, #tpu.memory_space<vmem>> -> memref<128x128xf32, #tpu.memory_space<vmem>>
        %dma_wait3A_176 = arith.constant 0 : i32
        %dma_wait3A_177 = tpu.memref_slice %arg7[%dma_wait3A_170, %dma_wait3A_176] : memref<4x128xi32, #tpu.memory_space<vmem>> -> memref<1x128xi32, #tpu.memory_space<vmem>>
        %dma_wait3A_178 = tpu.memref_squeeze %dma_wait3A_177 : memref<1x128xi32, #tpu.memory_space<vmem>> -> memref<128xi32, #tpu.memory_space<vmem>>
        %dma_wait3A_179 = arith.constant 0 : i32
        %dma_wait3A_180 = arith.constant 0 : i32
        %dma_wait3A_181 = tpu.memref_slice %arg2[%dma_wait3A_179, %dma_wait3A_180] : memref<10000x128xf32, #tpu.memory_space<hbm>> -> memref<10000x128xf32, #tpu.memory_space<hbm>>
        tpu.wait_indirect_dma semaphore(%arg10 : memref<!tpu.dma_semaphore, #tpu.memory_space<semaphore_mem>>) src(%dma_wait3A_181 : memref<10000x128xf32, #tpu.memory_space<hbm>>) dst(%dma_wait3A_175 : memref<128x128xf32, #tpu.memory_space<vmem>>)
        %dma_start3A_182 = arith.constant 0 : i32
        %dma_start3A_183 = arith.constant 2 : i32
        %dma_start3A_184 = arith.constant 0 : i32
        %dma_start3A_185 = arith.constant 0 : i32
        %dma_start3A_186 = tpu.memref_slice %arg9[%dma_start3A_182, %dma_start3A_184, %dma_start3A_185] : memref<2x128x128xf32, #tpu.memory_space<vmem>> -> memref<1x128x128xf32, #tpu.memory_space<vmem>>
        %dma_start3A_187 = tpu.memref_squeeze %dma_start3A_186 : memref<1x128x128xf32, #tpu.memory_space<vmem>> -> memref<128x128xf32, #tpu.memory_space<vmem>>
        %dma_start3A_188 = arith.constant 0 : i32
        %dma_start3A_189 = tpu.memref_slice %arg8[%dma_start3A_183, %dma_start3A_188] : memref<4x128xi32, #tpu.memory_space<vmem>> -> memref<1x128xi32, #tpu.memory_space<vmem>>
        %dma_start3A_190 = tpu.memref_squeeze %dma_start3A_189 : memref<1x128xi32, #tpu.memory_space<vmem>> -> memref<128xi32, #tpu.memory_space<vmem>>
        %dma_start3A_191 = arith.constant 0 : i32
        %dma_start3A_192 = arith.constant 0 : i32
        %dma_start3A_193 = tpu.memref_slice %arg18[%dma_start3A_191, %dma_start3A_192] : memref<10240x128xf32, #tpu.memory_space<vmem_shared>> -> memref<10240x128xf32, #tpu.memory_space<vmem_shared>>
        tpu.enqueue_indirect_dma source(%dma_start3A_187 : memref<128x128xf32, #tpu.memory_space<vmem>>) target(%dma_start3A_193 : memref<10240x128xf32, #tpu.memory_space<vmem_shared>>) offsets(%dma_start3A_190 : memref<128xi32, #tpu.memory_space<vmem>>) semaphore(%arg12 : memref<!tpu.dma_semaphore, #tpu.memory_space<semaphore_mem>>) {add = true}
      } else {
      }
    }
    %while3A_87 = arith.constant 1 : i32
    scf.for %while3A_112 = %while3A_85 to %while3A_81 step %while3A_87  : i32 {
      %mul3A_113 = arith.constant 4 : i32
      %mul3A_114 = arith.muli %while3A_112, %mul3A_113 : i32
      %add3A_115 = arith.constant 0 : i32
      %add3A_116 = arith.addi %mul3A_114, %add3A_115 : i32
      %lt3A_117 = arith.cmpi slt, %add3A_116, %add3A_7 : i32
      %convert_element_type3A_118 = arith.extui %lt3A_117 : i1 to i32
      %cond3A = arith.constant 0 : i32
      %cond3A_119 = arith.cmpi ne, %convert_element_type3A_118, %cond3A : i32
      scf.if %cond3A_119 {
        %ge3A_170 = arith.constant 2 : i32
        %ge3A_171 = arith.cmpi sge, %add3A_116, %ge3A_170 : i32
        %convert_element_type3A_172 = arith.extui %ge3A_171 : i1 to i32
        %cond3A_173 = arith.constant 0 : i32
        %cond3A_174 = arith.cmpi ne, %convert_element_type3A_172, %cond3A_173 : i32
        scf.if %cond3A_174 {
          %dma_wait3A_217 = arith.constant 0 : i32
          %dma_wait3A_218 = arith.constant 0 : i32
          %dma_wait3A_219 = arith.constant 0 : i32
          %dma_wait3A_220 = arith.constant 0 : i32
          %dma_wait3A_221 = tpu.memref_slice %arg9[%dma_wait3A_217, %dma_wait3A_219, %dma_wait3A_220] : memref<2x128x128xf32, #tpu.memory_space<vmem>> -> memref<1x128x128xf32, #tpu.memory_space<vmem>>
          %dma_wait3A_222 = tpu.memref_squeeze %dma_wait3A_221 : memref<1x128x128xf32, #tpu.memory_space<vmem>> -> memref<128x128xf32, #tpu.memory_space<vmem>>
          %dma_wait3A_223 = arith.constant 0 : i32
          %dma_wait3A_224 = tpu.memref_slice %arg8[%dma_wait3A_218, %dma_wait3A_223] : memref<4x128xi32, #tpu.memory_space<vmem>> -> memref<1x128xi32, #tpu.memory_space<vmem>>
          %dma_wait3A_225 = tpu.memref_squeeze %dma_wait3A_224 : memref<1x128xi32, #tpu.memory_space<vmem>> -> memref<128xi32, #tpu.memory_space<vmem>>
          %dma_wait3A_226 = arith.constant 0 : i32
          %dma_wait3A_227 = arith.constant 0 : i32
          %dma_wait3A_228 = tpu.memref_slice %arg18[%dma_wait3A_226, %dma_wait3A_227] : memref<10240x128xf32, #tpu.memory_space<vmem_shared>> -> memref<10240x128xf32, #tpu.memory_space<vmem_shared>>
          tpu.wait_indirect_dma semaphore(%arg12 : memref<!tpu.dma_semaphore, #tpu.memory_space<semaphore_mem>>) src(%dma_wait3A_222 : memref<128x128xf32, #tpu.memory_space<vmem>>) dst(%dma_wait3A_228 : memref<10240x128xf32, #tpu.memory_space<vmem_shared>>)
        } else {
        }
        %add3A_175 = arith.addi %add3A_4, %add3A_116 : i32
        %mul3A_176 = arith.constant 128 : i32
        %mul3A_177 = arith.muli %add3A_175, %mul3A_176 : i32
        %dma_wait3A_178 = arith.constant 0 : i32
        %dma_wait3A_179 = arith.constant 0 : i32
        %dma_wait3A_180 = tpu.memref_slice %arg7[%dma_wait3A_178, %dma_wait3A_179] : memref<4x128xi32, #tpu.memory_space<vmem>> -> memref<1x128xi32, #tpu.memory_space<vmem>>
        %dma_wait3A_181 = tpu.memref_squeeze %dma_wait3A_180 : memref<1x128xi32, #tpu.memory_space<vmem>> -> memref<128xi32, #tpu.memory_space<vmem>>
        %dma_wait3A_182 = tpu.memref_slice %arg3[%mul3A_177] : memref<320000xi32, #tpu.memory_space<hbm>> -> memref<128xi32, #tpu.memory_space<hbm>>
        %dma_wait3A_183 = arith.constant 0 : i32
        %dma_wait3A_184 = tpu.memref_slice %arg7[%dma_wait3A_178, %dma_wait3A_183] : memref<4x128xi32, #tpu.memory_space<vmem>> -> memref<1x128xi32, #tpu.memory_space<vmem>>
        %dma_wait3A_185 = tpu.memref_squeeze %dma_wait3A_184 : memref<1x128xi32, #tpu.memory_space<vmem>> -> memref<128xi32, #tpu.memory_space<vmem>>
        %dma_wait3A_186 = tpu.memref_slice %arg3[%mul3A_177] : memref<320000xi32, #tpu.memory_space<hbm>> -> memref<128xi32, #tpu.memory_space<hbm>>
        tpu.wait_dma2 semaphore(%arg14 : memref<!tpu.dma_semaphore, #tpu.memory_space<semaphore_mem>>) src(%dma_wait3A_186 : memref<128xi32, #tpu.memory_space<hbm>>) dst(%dma_wait3A_185 : memref<128xi32, #tpu.memory_space<vmem>>)
        %add3A_187 = arith.addi %add3A_4, %add3A_116 : i32
        %mul3A_188 = arith.constant 128 : i32
        %mul3A_189 = arith.muli %add3A_187, %mul3A_188 : i32
        %dma_wait3A_190 = arith.constant 0 : i32
        %dma_wait3A_191 = arith.constant 0 : i32
        %dma_wait3A_192 = tpu.memref_slice %arg8[%dma_wait3A_190, %dma_wait3A_191] : memref<4x128xi32, #tpu.memory_space<vmem>> -> memref<1x128xi32, #tpu.memory_space<vmem>>
        %dma_wait3A_193 = tpu.memref_squeeze %dma_wait3A_192 : memref<1x128xi32, #tpu.memory_space<vmem>> -> memref<128xi32, #tpu.memory_space<vmem>>
        %dma_wait3A_194 = tpu.memref_slice %arg4[%mul3A_189] : memref<320000xi32, #tpu.memory_space<hbm>> -> memref<128xi32, #tpu.memory_space<hbm>>
        %dma_wait3A_195 = arith.constant 0 : i32
        %dma_wait3A_196 = tpu.memref_slice %arg8[%dma_wait3A_190, %dma_wait3A_195] : memref<4x128xi32, #tpu.memory_space<vmem>> -> memref<1x128xi32, #tpu.memory_space<vmem>>
        %dma_wait3A_197 = tpu.memref_squeeze %dma_wait3A_196 : memref<1x128xi32, #tpu.memory_space<vmem>> -> memref<128xi32, #tpu.memory_space<vmem>>
        %dma_wait3A_198 = tpu.memref_slice %arg4[%mul3A_189] : memref<320000xi32, #tpu.memory_space<hbm>> -> memref<128xi32, #tpu.memory_space<hbm>>
        tpu.wait_dma2 semaphore(%arg14 : memref<!tpu.dma_semaphore, #tpu.memory_space<semaphore_mem>>) src(%dma_wait3A_198 : memref<128xi32, #tpu.memory_space<hbm>>) dst(%dma_wait3A_197 : memref<128xi32, #tpu.memory_space<vmem>>)
        %dma_start3A_199 = arith.constant 0 : i32
        %dma_start3A_200 = arith.constant 0 : i32
        %dma_start3A_201 = arith.constant 0 : i32
        %dma_start3A_202 = arith.constant 0 : i32
        %dma_start3A_203 = tpu.memref_slice %arg9[%dma_start3A_200, %dma_start3A_201, %dma_start3A_202] : memref<2x128x128xf32, #tpu.memory_space<vmem>> -> memref<1x128x128xf32, #tpu.memory_space<vmem>>
        %dma_start3A_204 = tpu.memref_squeeze %dma_start3A_203 : memref<1x128x128xf32, #tpu.memory_space<vmem>> -> memref<128x128xf32, #tpu.memory_space<vmem>>
        %dma_start3A_205 = arith.constant 0 : i32
        %dma_start3A_206 = tpu.memref_slice %arg7[%dma_start3A_199, %dma_start3A_205] : memref<4x128xi32, #tpu.memory_space<vmem>> -> memref<1x128xi32, #tpu.memory_space<vmem>>
        %dma_start3A_207 = tpu.memref_squeeze %dma_start3A_206 : memref<1x128xi32, #tpu.memory_space<vmem>> -> memref<128xi32, #tpu.memory_space<vmem>>
        %dma_start3A_208 = arith.constant 0 : i32
        %dma_start3A_209 = arith.constant 0 : i32
        %dma_start3A_210 = tpu.memref_slice %arg2[%dma_start3A_208, %dma_start3A_209] : memref<10000x128xf32, #tpu.memory_space<hbm>> -> memref<10000x128xf32, #tpu.memory_space<hbm>>
        tpu.enqueue_indirect_dma source(%dma_start3A_210 : memref<10000x128xf32, #tpu.memory_space<hbm>>) target(%dma_start3A_204 : memref<128x128xf32, #tpu.memory_space<vmem>>) offsets(%dma_start3A_207 : memref<128xi32, #tpu.memory_space<vmem>>) semaphore(%arg10 : memref<!tpu.dma_semaphore, #tpu.memory_space<semaphore_mem>>)
        %add3A_211 = arith.constant 2 : i32
        %add3A_212 = arith.addi %add3A_116, %add3A_211 : i32
        %lt3A_213 = arith.cmpi slt, %add3A_212, %add3A_7 : i32
        %convert_element_type3A_214 = arith.extui %lt3A_213 : i1 to i32
        %cond3A_215 = arith.constant 0 : i32
        %cond3A_216 = arith.cmpi ne, %convert_element_type3A_214, %cond3A_215 : i32
        scf.if %cond3A_216 {
          %add3A_217 = arith.constant 2 : i32
          %add3A_218 = arith.addi %add3A_116, %add3A_217 : i32
          %add3A_219 = arith.addi %add3A_4, %add3A_218 : i32
          %mul3A_220 = arith.constant 128 : i32
          %mul3A_221 = arith.muli %add3A_219, %mul3A_220 : i32
          %dma_start3A_222 = arith.constant 2 : i32
          %dma_start3A_223 = arith.constant 0 : i32
          %dma_start3A_224 = tpu.memref_slice %arg7[%dma_start3A_222, %dma_start3A_223] : memref<4x128xi32, #tpu.memory_space<vmem>> -> memref<1x128xi32, #tpu.memory_space<vmem>>
          %dma_start3A_225 = tpu.memref_squeeze %dma_start3A_224 : memref<1x128xi32, #tpu.memory_space<vmem>> -> memref<128xi32, #tpu.memory_space<vmem>>
          %dma_start3A_226 = tpu.memref_slice %arg3[%mul3A_221] : memref<320000xi32, #tpu.memory_space<hbm>> -> memref<128xi32, #tpu.memory_space<hbm>>
          %dma_start3A_227 = arith.constant 0 : i32
          %dma_start3A_228 = tpu.memref_slice %arg7[%dma_start3A_222, %dma_start3A_227] : memref<4x128xi32, #tpu.memory_space<vmem>> -> memref<1x128xi32, #tpu.memory_space<vmem>>
          %dma_start3A_229 = tpu.memref_squeeze %dma_start3A_228 : memref<1x128xi32, #tpu.memory_space<vmem>> -> memref<128xi32, #tpu.memory_space<vmem>>
          %dma_start3A_230 = tpu.memref_slice %arg3[%mul3A_221] : memref<320000xi32, #tpu.memory_space<hbm>> -> memref<128xi32, #tpu.memory_space<hbm>>
          tpu.enqueue_dma source(%dma_start3A_230 : memref<128xi32, #tpu.memory_space<hbm>>) target(%dma_start3A_229 : memref<128xi32, #tpu.memory_space<vmem>>) target_semaphore(%arg16 : memref<!tpu.dma_semaphore, #tpu.memory_space<semaphore_mem>>)
          %add3A_231 = arith.addi %add3A_4, %add3A_218 : i32
          %mul3A_232 = arith.constant 128 : i32
          %mul3A_233 = arith.muli %add3A_231, %mul3A_232 : i32
          %dma_start3A_234 = arith.constant 2 : i32
          %dma_start3A_235 = arith.constant 0 : i32
          %dma_start3A_236 = tpu.memref_slice %arg8[%dma_start3A_234, %dma_start3A_235] : memref<4x128xi32, #tpu.memory_space<vmem>> -> memref<1x128xi32, #tpu.memory_space<vmem>>
          %dma_start3A_237 = tpu.memref_squeeze %dma_start3A_236 : memref<1x128xi32, #tpu.memory_space<vmem>> -> memref<128xi32, #tpu.memory_space<vmem>>
          %dma_start3A_238 = tpu.memref_slice %arg4[%mul3A_233] : memref<320000xi32, #tpu.memory_space<hbm>> -> memref<128xi32, #tpu.memory_space<hbm>>
          %dma_start3A_239 = arith.constant 0 : i32
          %dma_start3A_240 = tpu.memref_slice %arg8[%dma_start3A_234, %dma_start3A_239] : memref<4x128xi32, #tpu.memory_space<vmem>> -> memref<1x128xi32, #tpu.memory_space<vmem>>
          %dma_start3A_241 = tpu.memref_squeeze %dma_start3A_240 : memref<1x128xi32, #tpu.memory_space<vmem>> -> memref<128xi32, #tpu.memory_space<vmem>>
          %dma_start3A_242 = tpu.memref_slice %arg4[%mul3A_233] : memref<320000xi32, #tpu.memory_space<hbm>> -> memref<128xi32, #tpu.memory_space<hbm>>
          tpu.enqueue_dma source(%dma_start3A_242 : memref<128xi32, #tpu.memory_space<hbm>>) target(%dma_start3A_241 : memref<128xi32, #tpu.memory_space<vmem>>) target_semaphore(%arg16 : memref<!tpu.dma_semaphore, #tpu.memory_space<semaphore_mem>>)
        } else {
        }
      } else {
      }
      %ge3A = arith.constant 1 : i32
      %ge3A_120 = arith.cmpi sge, %add3A_116, %ge3A : i32
      %le3A = arith.cmpi sle, %add3A_116, %add3A_7 : i32
      %and3A_121 = arith.andi %ge3A_120, %le3A : i1
      %convert_element_type3A_122 = arith.extui %and3A_121 : i1 to i32
      %cond3A_123 = arith.constant 0 : i32
      %cond3A_124 = arith.cmpi ne, %convert_element_type3A_122, %cond3A_123 : i32
      scf.if %cond3A_124 {
        %dma_wait3A_170 = arith.constant 3 : i32
        %dma_wait3A_171 = arith.constant 1 : i32
        %dma_wait3A_172 = arith.constant 0 : i32
        %dma_wait3A_173 = arith.constant 0 : i32
        %dma_wait3A_174 = tpu.memref_slice %arg9[%dma_wait3A_171, %dma_wait3A_172, %dma_wait3A_173] : memref<2x128x128xf32, #tpu.memory_space<vmem>> -> memref<1x128x128xf32, #tpu.memory_space<vmem>>
        %dma_wait3A_175 = tpu.memref_squeeze %dma_wait3A_174 : memref<1x128x128xf32, #tpu.memory_space<vmem>> -> memref<128x128xf32, #tpu.memory_space<vmem>>
        %dma_wait3A_176 = arith.constant 0 : i32
        %dma_wait3A_177 = tpu.memref_slice %arg7[%dma_wait3A_170, %dma_wait3A_176] : memref<4x128xi32, #tpu.memory_space<vmem>> -> memref<1x128xi32, #tpu.memory_space<vmem>>
        %dma_wait3A_178 = tpu.memref_squeeze %dma_wait3A_177 : memref<1x128xi32, #tpu.memory_space<vmem>> -> memref<128xi32, #tpu.memory_space<vmem>>
        %dma_wait3A_179 = arith.constant 0 : i32
        %dma_wait3A_180 = arith.constant 0 : i32
        %dma_wait3A_181 = tpu.memref_slice %arg2[%dma_wait3A_179, %dma_wait3A_180] : memref<10000x128xf32, #tpu.memory_space<hbm>> -> memref<10000x128xf32, #tpu.memory_space<hbm>>
        tpu.wait_indirect_dma semaphore(%arg11 : memref<!tpu.dma_semaphore, #tpu.memory_space<semaphore_mem>>) src(%dma_wait3A_181 : memref<10000x128xf32, #tpu.memory_space<hbm>>) dst(%dma_wait3A_175 : memref<128x128xf32, #tpu.memory_space<vmem>>)
        %dma_start3A_182 = arith.constant 1 : i32
        %dma_start3A_183 = arith.constant 3 : i32
        %dma_start3A_184 = arith.constant 0 : i32
        %dma_start3A_185 = arith.constant 0 : i32
        %dma_start3A_186 = tpu.memref_slice %arg9[%dma_start3A_182, %dma_start3A_184, %dma_start3A_185] : memref<2x128x128xf32, #tpu.memory_space<vmem>> -> memref<1x128x128xf32, #tpu.memory_space<vmem>>
        %dma_start3A_187 = tpu.memref_squeeze %dma_start3A_186 : memref<1x128x128xf32, #tpu.memory_space<vmem>> -> memref<128x128xf32, #tpu.memory_space<vmem>>
        %dma_start3A_188 = arith.constant 0 : i32
        %dma_start3A_189 = tpu.memref_slice %arg8[%dma_start3A_183, %dma_start3A_188] : memref<4x128xi32, #tpu.memory_space<vmem>> -> memref<1x128xi32, #tpu.memory_space<vmem>>
        %dma_start3A_190 = tpu.memref_squeeze %dma_start3A_189 : memref<1x128xi32, #tpu.memory_space<vmem>> -> memref<128xi32, #tpu.memory_space<vmem>>
        %dma_start3A_191 = arith.constant 0 : i32
        %dma_start3A_192 = arith.constant 0 : i32
        %dma_start3A_193 = tpu.memref_slice %arg18[%dma_start3A_191, %dma_start3A_192] : memref<10240x128xf32, #tpu.memory_space<vmem_shared>> -> memref<10240x128xf32, #tpu.memory_space<vmem_shared>>
        tpu.enqueue_indirect_dma source(%dma_start3A_187 : memref<128x128xf32, #tpu.memory_space<vmem>>) target(%dma_start3A_193 : memref<10240x128xf32, #tpu.memory_space<vmem_shared>>) offsets(%dma_start3A_190 : memref<128xi32, #tpu.memory_space<vmem>>) semaphore(%arg13 : memref<!tpu.dma_semaphore, #tpu.memory_space<semaphore_mem>>) {add = true}
      } else {
      }
      %mul3A_125 = arith.constant 4 : i32
      %mul3A_126 = arith.muli %while3A_112, %mul3A_125 : i32
      %add3A_127 = arith.constant 1 : i32
      %add3A_128 = arith.addi %mul3A_126, %add3A_127 : i32
      %lt3A_129 = arith.cmpi slt, %add3A_128, %add3A_7 : i32
      %convert_element_type3A_130 = arith.extui %lt3A_129 : i1 to i32
      %cond3A_131 = arith.constant 0 : i32
      %cond3A_132 = arith.cmpi ne, %convert_element_type3A_130, %cond3A_131 : i32
      scf.if %cond3A_132 {
        %ge3A_170 = arith.constant 2 : i32
        %ge3A_171 = arith.cmpi sge, %add3A_128, %ge3A_170 : i32
        %convert_element_type3A_172 = arith.extui %ge3A_171 : i1 to i32
        %cond3A_173 = arith.constant 0 : i32
        %cond3A_174 = arith.cmpi ne, %convert_element_type3A_172, %cond3A_173 : i32
        scf.if %cond3A_174 {
          %dma_wait3A_217 = arith.constant 1 : i32
          %dma_wait3A_218 = arith.constant 0 : i32
          %dma_wait3A_219 = arith.constant 0 : i32
          %dma_wait3A_220 = arith.constant 0 : i32
          %dma_wait3A_221 = tpu.memref_slice %arg9[%dma_wait3A_217, %dma_wait3A_219, %dma_wait3A_220] : memref<2x128x128xf32, #tpu.memory_space<vmem>> -> memref<1x128x128xf32, #tpu.memory_space<vmem>>
          %dma_wait3A_222 = tpu.memref_squeeze %dma_wait3A_221 : memref<1x128x128xf32, #tpu.memory_space<vmem>> -> memref<128x128xf32, #tpu.memory_space<vmem>>
          %dma_wait3A_223 = arith.constant 0 : i32
          %dma_wait3A_224 = tpu.memref_slice %arg8[%dma_wait3A_218, %dma_wait3A_223] : memref<4x128xi32, #tpu.memory_space<vmem>> -> memref<1x128xi32, #tpu.memory_space<vmem>>
          %dma_wait3A_225 = tpu.memref_squeeze %dma_wait3A_224 : memref<1x128xi32, #tpu.memory_space<vmem>> -> memref<128xi32, #tpu.memory_space<vmem>>
          %dma_wait3A_226 = arith.constant 0 : i32
          %dma_wait3A_227 = arith.constant 0 : i32
          %dma_wait3A_228 = tpu.memref_slice %arg18[%dma_wait3A_226, %dma_wait3A_227] : memref<10240x128xf32, #tpu.memory_space<vmem_shared>> -> memref<10240x128xf32, #tpu.memory_space<vmem_shared>>
          tpu.wait_indirect_dma semaphore(%arg13 : memref<!tpu.dma_semaphore, #tpu.memory_space<semaphore_mem>>) src(%dma_wait3A_222 : memref<128x128xf32, #tpu.memory_space<vmem>>) dst(%dma_wait3A_228 : memref<10240x128xf32, #tpu.memory_space<vmem_shared>>)
        } else {
        }
        %add3A_175 = arith.addi %add3A_4, %add3A_128 : i32
        %mul3A_176 = arith.constant 128 : i32
        %mul3A_177 = arith.muli %add3A_175, %mul3A_176 : i32
        %dma_wait3A_178 = arith.constant 1 : i32
        %dma_wait3A_179 = arith.constant 0 : i32
        %dma_wait3A_180 = tpu.memref_slice %arg7[%dma_wait3A_178, %dma_wait3A_179] : memref<4x128xi32, #tpu.memory_space<vmem>> -> memref<1x128xi32, #tpu.memory_space<vmem>>
        %dma_wait3A_181 = tpu.memref_squeeze %dma_wait3A_180 : memref<1x128xi32, #tpu.memory_space<vmem>> -> memref<128xi32, #tpu.memory_space<vmem>>
        %dma_wait3A_182 = tpu.memref_slice %arg3[%mul3A_177] : memref<320000xi32, #tpu.memory_space<hbm>> -> memref<128xi32, #tpu.memory_space<hbm>>
        %dma_wait3A_183 = arith.constant 0 : i32
        %dma_wait3A_184 = tpu.memref_slice %arg7[%dma_wait3A_178, %dma_wait3A_183] : memref<4x128xi32, #tpu.memory_space<vmem>> -> memref<1x128xi32, #tpu.memory_space<vmem>>
        %dma_wait3A_185 = tpu.memref_squeeze %dma_wait3A_184 : memref<1x128xi32, #tpu.memory_space<vmem>> -> memref<128xi32, #tpu.memory_space<vmem>>
        %dma_wait3A_186 = tpu.memref_slice %arg3[%mul3A_177] : memref<320000xi32, #tpu.memory_space<hbm>> -> memref<128xi32, #tpu.memory_space<hbm>>
        tpu.wait_dma2 semaphore(%arg15 : memref<!tpu.dma_semaphore, #tpu.memory_space<semaphore_mem>>) src(%dma_wait3A_186 : memref<128xi32, #tpu.memory_space<hbm>>) dst(%dma_wait3A_185 : memref<128xi32, #tpu.memory_space<vmem>>)
        %add3A_187 = arith.addi %add3A_4, %add3A_128 : i32
        %mul3A_188 = arith.constant 128 : i32
        %mul3A_189 = arith.muli %add3A_187, %mul3A_188 : i32
        %dma_wait3A_190 = arith.constant 1 : i32
        %dma_wait3A_191 = arith.constant 0 : i32
        %dma_wait3A_192 = tpu.memref_slice %arg8[%dma_wait3A_190, %dma_wait3A_191] : memref<4x128xi32, #tpu.memory_space<vmem>> -> memref<1x128xi32, #tpu.memory_space<vmem>>
        %dma_wait3A_193 = tpu.memref_squeeze %dma_wait3A_192 : memref<1x128xi32, #tpu.memory_space<vmem>> -> memref<128xi32, #tpu.memory_space<vmem>>
        %dma_wait3A_194 = tpu.memref_slice %arg4[%mul3A_189] : memref<320000xi32, #tpu.memory_space<hbm>> -> memref<128xi32, #tpu.memory_space<hbm>>
        %dma_wait3A_195 = arith.constant 0 : i32
        %dma_wait3A_196 = tpu.memref_slice %arg8[%dma_wait3A_190, %dma_wait3A_195] : memref<4x128xi32, #tpu.memory_space<vmem>> -> memref<1x128xi32, #tpu.memory_space<vmem>>
        %dma_wait3A_197 = tpu.memref_squeeze %dma_wait3A_196 : memref<1x128xi32, #tpu.memory_space<vmem>> -> memref<128xi32, #tpu.memory_space<vmem>>
        %dma_wait3A_198 = tpu.memref_slice %arg4[%mul3A_189] : memref<320000xi32, #tpu.memory_space<hbm>> -> memref<128xi32, #tpu.memory_space<hbm>>
        tpu.wait_dma2 semaphore(%arg15 : memref<!tpu.dma_semaphore, #tpu.memory_space<semaphore_mem>>) src(%dma_wait3A_198 : memref<128xi32, #tpu.memory_space<hbm>>) dst(%dma_wait3A_197 : memref<128xi32, #tpu.memory_space<vmem>>)
        %dma_start3A_199 = arith.constant 1 : i32
        %dma_start3A_200 = arith.constant 1 : i32
        %dma_start3A_201 = arith.constant 0 : i32
        %dma_start3A_202 = arith.constant 0 : i32
        %dma_start3A_203 = tpu.memref_slice %arg9[%dma_start3A_200, %dma_start3A_201, %dma_start3A_202] : memref<2x128x128xf32, #tpu.memory_space<vmem>> -> memref<1x128x128xf32, #tpu.memory_space<vmem>>
        %dma_start3A_204 = tpu.memref_squeeze %dma_start3A_203 : memref<1x128x128xf32, #tpu.memory_space<vmem>> -> memref<128x128xf32, #tpu.memory_space<vmem>>
        %dma_start3A_205 = arith.constant 0 : i32
        %dma_start3A_206 = tpu.memref_slice %arg7[%dma_start3A_199, %dma_start3A_205] : memref<4x128xi32, #tpu.memory_space<vmem>> -> memref<1x128xi32, #tpu.memory_space<vmem>>
        %dma_start3A_207 = tpu.memref_squeeze %dma_start3A_206 : memref<1x128xi32, #tpu.memory_space<vmem>> -> memref<128xi32, #tpu.memory_space<vmem>>
        %dma_start3A_208 = arith.constant 0 : i32
        %dma_start3A_209 = arith.constant 0 : i32
        %dma_start3A_210 = tpu.memref_slice %arg2[%dma_start3A_208, %dma_start3A_209] : memref<10000x128xf32, #tpu.memory_space<hbm>> -> memref<10000x128xf32, #tpu.memory_space<hbm>>
        tpu.enqueue_indirect_dma source(%dma_start3A_210 : memref<10000x128xf32, #tpu.memory_space<hbm>>) target(%dma_start3A_204 : memref<128x128xf32, #tpu.memory_space<vmem>>) offsets(%dma_start3A_207 : memref<128xi32, #tpu.memory_space<vmem>>) semaphore(%arg11 : memref<!tpu.dma_semaphore, #tpu.memory_space<semaphore_mem>>)
        %add3A_211 = arith.constant 2 : i32
        %add3A_212 = arith.addi %add3A_128, %add3A_211 : i32
        %lt3A_213 = arith.cmpi slt, %add3A_212, %add3A_7 : i32
        %convert_element_type3A_214 = arith.extui %lt3A_213 : i1 to i32
        %cond3A_215 = arith.constant 0 : i32
        %cond3A_216 = arith.cmpi ne, %convert_element_type3A_214, %cond3A_215 : i32
        scf.if %cond3A_216 {
          %add3A_217 = arith.constant 2 : i32
          %add3A_218 = arith.addi %add3A_128, %add3A_217 : i32
          %add3A_219 = arith.addi %add3A_4, %add3A_218 : i32
          %mul3A_220 = arith.constant 128 : i32
          %mul3A_221 = arith.muli %add3A_219, %mul3A_220 : i32
          %dma_start3A_222 = arith.constant 3 : i32
          %dma_start3A_223 = arith.constant 0 : i32
          %dma_start3A_224 = tpu.memref_slice %arg7[%dma_start3A_222, %dma_start3A_223] : memref<4x128xi32, #tpu.memory_space<vmem>> -> memref<1x128xi32, #tpu.memory_space<vmem>>
          %dma_start3A_225 = tpu.memref_squeeze %dma_start3A_224 : memref<1x128xi32, #tpu.memory_space<vmem>> -> memref<128xi32, #tpu.memory_space<vmem>>
          %dma_start3A_226 = tpu.memref_slice %arg3[%mul3A_221] : memref<320000xi32, #tpu.memory_space<hbm>> -> memref<128xi32, #tpu.memory_space<hbm>>
          %dma_start3A_227 = arith.constant 0 : i32
          %dma_start3A_228 = tpu.memref_slice %arg7[%dma_start3A_222, %dma_start3A_227] : memref<4x128xi32, #tpu.memory_space<vmem>> -> memref<1x128xi32, #tpu.memory_space<vmem>>
          %dma_start3A_229 = tpu.memref_squeeze %dma_start3A_228 : memref<1x128xi32, #tpu.memory_space<vmem>> -> memref<128xi32, #tpu.memory_space<vmem>>
          %dma_start3A_230 = tpu.memref_slice %arg3[%mul3A_221] : memref<320000xi32, #tpu.memory_space<hbm>> -> memref<128xi32, #tpu.memory_space<hbm>>
          tpu.enqueue_dma source(%dma_start3A_230 : memref<128xi32, #tpu.memory_space<hbm>>) target(%dma_start3A_229 : memref<128xi32, #tpu.memory_space<vmem>>) target_semaphore(%arg17 : memref<!tpu.dma_semaphore, #tpu.memory_space<semaphore_mem>>)
          %add3A_231 = arith.addi %add3A_4, %add3A_218 : i32
          %mul3A_232 = arith.constant 128 : i32
          %mul3A_233 = arith.muli %add3A_231, %mul3A_232 : i32
          %dma_start3A_234 = arith.constant 3 : i32
          %dma_start3A_235 = arith.constant 0 : i32
          %dma_start3A_236 = tpu.memref_slice %arg8[%dma_start3A_234, %dma_start3A_235] : memref<4x128xi32, #tpu.memory_space<vmem>> -> memref<1x128xi32, #tpu.memory_space<vmem>>
          %dma_start3A_237 = tpu.memref_squeeze %dma_start3A_236 : memref<1x128xi32, #tpu.memory_space<vmem>> -> memref<128xi32, #tpu.memory_space<vmem>>
          %dma_start3A_238 = tpu.memref_slice %arg4[%mul3A_233] : memref<320000xi32, #tpu.memory_space<hbm>> -> memref<128xi32, #tpu.memory_space<hbm>>
          %dma_start3A_239 = arith.constant 0 : i32
          %dma_start3A_240 = tpu.memref_slice %arg8[%dma_start3A_234, %dma_start3A_239] : memref<4x128xi32, #tpu.memory_space<vmem>> -> memref<1x128xi32, #tpu.memory_space<vmem>>
          %dma_start3A_241 = tpu.memref_squeeze %dma_start3A_240 : memref<1x128xi32, #tpu.memory_space<vmem>> -> memref<128xi32, #tpu.memory_space<vmem>>
          %dma_start3A_242 = tpu.memref_slice %arg4[%mul3A_233] : memref<320000xi32, #tpu.memory_space<hbm>> -> memref<128xi32, #tpu.memory_space<hbm>>
          tpu.enqueue_dma source(%dma_start3A_242 : memref<128xi32, #tpu.memory_space<hbm>>) target(%dma_start3A_241 : memref<128xi32, #tpu.memory_space<vmem>>) target_semaphore(%arg17 : memref<!tpu.dma_semaphore, #tpu.memory_space<semaphore_mem>>)
        } else {
        }
      } else {
      }
      %ge3A_133 = arith.constant 1 : i32
      %ge3A_134 = arith.cmpi sge, %add3A_128, %ge3A_133 : i32
      %le3A_135 = arith.cmpi sle, %add3A_128, %add3A_7 : i32
      %and3A_136 = arith.andi %ge3A_134, %le3A_135 : i1
      %convert_element_type3A_137 = arith.extui %and3A_136 : i1 to i32
      %cond3A_138 = arith.constant 0 : i32
      %cond3A_139 = arith.cmpi ne, %convert_element_type3A_137, %cond3A_138 : i32
      scf.if %cond3A_139 {
        %dma_wait3A_170 = arith.constant 0 : i32
        %dma_wait3A_171 = arith.constant 0 : i32
        %dma_wait3A_172 = arith.constant 0 : i32
        %dma_wait3A_173 = arith.constant 0 : i32
        %dma_wait3A_174 = tpu.memref_slice %arg9[%dma_wait3A_171, %dma_wait3A_172, %dma_wait3A_173] : memref<2x128x128xf32, #tpu.memory_space<vmem>> -> memref<1x128x128xf32, #tpu.memory_space<vmem>>
        %dma_wait3A_175 = tpu.memref_squeeze %dma_wait3A_174 : memref<1x128x128xf32, #tpu.memory_space<vmem>> -> memref<128x128xf32, #tpu.memory_space<vmem>>
        %dma_wait3A_176 = arith.constant 0 : i32
        %dma_wait3A_177 = tpu.memref_slice %arg7[%dma_wait3A_170, %dma_wait3A_176] : memref<4x128xi32, #tpu.memory_space<vmem>> -> memref<1x128xi32, #tpu.memory_space<vmem>>
        %dma_wait3A_178 = tpu.memref_squeeze %dma_wait3A_177 : memref<1x128xi32, #tpu.memory_space<vmem>> -> memref<128xi32, #tpu.memory_space<vmem>>
        %dma_wait3A_179 = arith.constant 0 : i32
        %dma_wait3A_180 = arith.constant 0 : i32
        %dma_wait3A_181 = tpu.memref_slice %arg2[%dma_wait3A_179, %dma_wait3A_180] : memref<10000x128xf32, #tpu.memory_space<hbm>> -> memref<10000x128xf32, #tpu.memory_space<hbm>>
        tpu.wait_indirect_dma semaphore(%arg10 : memref<!tpu.dma_semaphore, #tpu.memory_space<semaphore_mem>>) src(%dma_wait3A_181 : memref<10000x128xf32, #tpu.memory_space<hbm>>) dst(%dma_wait3A_175 : memref<128x128xf32, #tpu.memory_space<vmem>>)
        %dma_start3A_182 = arith.constant 0 : i32
        %dma_start3A_183 = arith.constant 0 : i32
        %dma_start3A_184 = arith.constant 0 : i32
        %dma_start3A_185 = arith.constant 0 : i32
        %dma_start3A_186 = tpu.memref_slice %arg9[%dma_start3A_182, %dma_start3A_184, %dma_start3A_185] : memref<2x128x128xf32, #tpu.memory_space<vmem>> -> memref<1x128x128xf32, #tpu.memory_space<vmem>>
        %dma_start3A_187 = tpu.memref_squeeze %dma_start3A_186 : memref<1x128x128xf32, #tpu.memory_space<vmem>> -> memref<128x128xf32, #tpu.memory_space<vmem>>
        %dma_start3A_188 = arith.constant 0 : i32
        %dma_start3A_189 = tpu.memref_slice %arg8[%dma_start3A_183, %dma_start3A_188] : memref<4x128xi32, #tpu.memory_space<vmem>> -> memref<1x128xi32, #tpu.memory_space<vmem>>
        %dma_start3A_190 = tpu.memref_squeeze %dma_start3A_189 : memref<1x128xi32, #tpu.memory_space<vmem>> -> memref<128xi32, #tpu.memory_space<vmem>>
        %dma_start3A_191 = arith.constant 0 : i32
        %dma_start3A_192 = arith.constant 0 : i32
        %dma_start3A_193 = tpu.memref_slice %arg18[%dma_start3A_191, %dma_start3A_192] : memref<10240x128xf32, #tpu.memory_space<vmem_shared>> -> memref<10240x128xf32, #tpu.memory_space<vmem_shared>>
        tpu.enqueue_indirect_dma source(%dma_start3A_187 : memref<128x128xf32, #tpu.memory_space<vmem>>) target(%dma_start3A_193 : memref<10240x128xf32, #tpu.memory_space<vmem_shared>>) offsets(%dma_start3A_190 : memref<128xi32, #tpu.memory_space<vmem>>) semaphore(%arg12 : memref<!tpu.dma_semaphore, #tpu.memory_space<semaphore_mem>>) {add = true}
      } else {
      }
      %mul3A_140 = arith.constant 4 : i32
      %mul3A_141 = arith.muli %while3A_112, %mul3A_140 : i32
      %add3A_142 = arith.constant 2 : i32
      %add3A_143 = arith.addi %mul3A_141, %add3A_142 : i32
      %lt3A_144 = arith.cmpi slt, %add3A_143, %add3A_7 : i32
      %convert_element_type3A_145 = arith.extui %lt3A_144 : i1 to i32
      %cond3A_146 = arith.constant 0 : i32
      %cond3A_147 = arith.cmpi ne, %convert_element_type3A_145, %cond3A_146 : i32
      scf.if %cond3A_147 {
        %ge3A_170 = arith.constant 2 : i32
        %ge3A_171 = arith.cmpi sge, %add3A_143, %ge3A_170 : i32
        %convert_element_type3A_172 = arith.extui %ge3A_171 : i1 to i32
        %cond3A_173 = arith.constant 0 : i32
        %cond3A_174 = arith.cmpi ne, %convert_element_type3A_172, %cond3A_173 : i32
        scf.if %cond3A_174 {
          %dma_wait3A_217 = arith.constant 0 : i32
          %dma_wait3A_218 = arith.constant 0 : i32
          %dma_wait3A_219 = arith.constant 0 : i32
          %dma_wait3A_220 = arith.constant 0 : i32
          %dma_wait3A_221 = tpu.memref_slice %arg9[%dma_wait3A_217, %dma_wait3A_219, %dma_wait3A_220] : memref<2x128x128xf32, #tpu.memory_space<vmem>> -> memref<1x128x128xf32, #tpu.memory_space<vmem>>
          %dma_wait3A_222 = tpu.memref_squeeze %dma_wait3A_221 : memref<1x128x128xf32, #tpu.memory_space<vmem>> -> memref<128x128xf32, #tpu.memory_space<vmem>>
          %dma_wait3A_223 = arith.constant 0 : i32
          %dma_wait3A_224 = tpu.memref_slice %arg8[%dma_wait3A_218, %dma_wait3A_223] : memref<4x128xi32, #tpu.memory_space<vmem>> -> memref<1x128xi32, #tpu.memory_space<vmem>>
          %dma_wait3A_225 = tpu.memref_squeeze %dma_wait3A_224 : memref<1x128xi32, #tpu.memory_space<vmem>> -> memref<128xi32, #tpu.memory_space<vmem>>
          %dma_wait3A_226 = arith.constant 0 : i32
          %dma_wait3A_227 = arith.constant 0 : i32
          %dma_wait3A_228 = tpu.memref_slice %arg18[%dma_wait3A_226, %dma_wait3A_227] : memref<10240x128xf32, #tpu.memory_space<vmem_shared>> -> memref<10240x128xf32, #tpu.memory_space<vmem_shared>>
          tpu.wait_indirect_dma semaphore(%arg12 : memref<!tpu.dma_semaphore, #tpu.memory_space<semaphore_mem>>) src(%dma_wait3A_222 : memref<128x128xf32, #tpu.memory_space<vmem>>) dst(%dma_wait3A_228 : memref<10240x128xf32, #tpu.memory_space<vmem_shared>>)
        } else {
        }
        %add3A_175 = arith.addi %add3A_4, %add3A_143 : i32
        %mul3A_176 = arith.constant 128 : i32
        %mul3A_177 = arith.muli %add3A_175, %mul3A_176 : i32
        %dma_wait3A_178 = arith.constant 2 : i32
        %dma_wait3A_179 = arith.constant 0 : i32
        %dma_wait3A_180 = tpu.memref_slice %arg7[%dma_wait3A_178, %dma_wait3A_179] : memref<4x128xi32, #tpu.memory_space<vmem>> -> memref<1x128xi32, #tpu.memory_space<vmem>>
        %dma_wait3A_181 = tpu.memref_squeeze %dma_wait3A_180 : memref<1x128xi32, #tpu.memory_space<vmem>> -> memref<128xi32, #tpu.memory_space<vmem>>
        %dma_wait3A_182 = tpu.memref_slice %arg3[%mul3A_177] : memref<320000xi32, #tpu.memory_space<hbm>> -> memref<128xi32, #tpu.memory_space<hbm>>
        %dma_wait3A_183 = arith.constant 0 : i32
        %dma_wait3A_184 = tpu.memref_slice %arg7[%dma_wait3A_178, %dma_wait3A_183] : memref<4x128xi32, #tpu.memory_space<vmem>> -> memref<1x128xi32, #tpu.memory_space<vmem>>
        %dma_wait3A_185 = tpu.memref_squeeze %dma_wait3A_184 : memref<1x128xi32, #tpu.memory_space<vmem>> -> memref<128xi32, #tpu.memory_space<vmem>>
        %dma_wait3A_186 = tpu.memref_slice %arg3[%mul3A_177] : memref<320000xi32, #tpu.memory_space<hbm>> -> memref<128xi32, #tpu.memory_space<hbm>>
        tpu.wait_dma2 semaphore(%arg16 : memref<!tpu.dma_semaphore, #tpu.memory_space<semaphore_mem>>) src(%dma_wait3A_186 : memref<128xi32, #tpu.memory_space<hbm>>) dst(%dma_wait3A_185 : memref<128xi32, #tpu.memory_space<vmem>>)
        %add3A_187 = arith.addi %add3A_4, %add3A_143 : i32
        %mul3A_188 = arith.constant 128 : i32
        %mul3A_189 = arith.muli %add3A_187, %mul3A_188 : i32
        %dma_wait3A_190 = arith.constant 2 : i32
        %dma_wait3A_191 = arith.constant 0 : i32
        %dma_wait3A_192 = tpu.memref_slice %arg8[%dma_wait3A_190, %dma_wait3A_191] : memref<4x128xi32, #tpu.memory_space<vmem>> -> memref<1x128xi32, #tpu.memory_space<vmem>>
        %dma_wait3A_193 = tpu.memref_squeeze %dma_wait3A_192 : memref<1x128xi32, #tpu.memory_space<vmem>> -> memref<128xi32, #tpu.memory_space<vmem>>
        %dma_wait3A_194 = tpu.memref_slice %arg4[%mul3A_189] : memref<320000xi32, #tpu.memory_space<hbm>> -> memref<128xi32, #tpu.memory_space<hbm>>
        %dma_wait3A_195 = arith.constant 0 : i32
        %dma_wait3A_196 = tpu.memref_slice %arg8[%dma_wait3A_190, %dma_wait3A_195] : memref<4x128xi32, #tpu.memory_space<vmem>> -> memref<1x128xi32, #tpu.memory_space<vmem>>
        %dma_wait3A_197 = tpu.memref_squeeze %dma_wait3A_196 : memref<1x128xi32, #tpu.memory_space<vmem>> -> memref<128xi32, #tpu.memory_space<vmem>>
        %dma_wait3A_198 = tpu.memref_slice %arg4[%mul3A_189] : memref<320000xi32, #tpu.memory_space<hbm>> -> memref<128xi32, #tpu.memory_space<hbm>>
        tpu.wait_dma2 semaphore(%arg16 : memref<!tpu.dma_semaphore, #tpu.memory_space<semaphore_mem>>) src(%dma_wait3A_198 : memref<128xi32, #tpu.memory_space<hbm>>) dst(%dma_wait3A_197 : memref<128xi32, #tpu.memory_space<vmem>>)
        %dma_start3A_199 = arith.constant 2 : i32
        %dma_start3A_200 = arith.constant 0 : i32
        %dma_start3A_201 = arith.constant 0 : i32
        %dma_start3A_202 = arith.constant 0 : i32
        %dma_start3A_203 = tpu.memref_slice %arg9[%dma_start3A_200, %dma_start3A_201, %dma_start3A_202] : memref<2x128x128xf32, #tpu.memory_space<vmem>> -> memref<1x128x128xf32, #tpu.memory_space<vmem>>
        %dma_start3A_204 = tpu.memref_squeeze %dma_start3A_203 : memref<1x128x128xf32, #tpu.memory_space<vmem>> -> memref<128x128xf32, #tpu.memory_space<vmem>>
        %dma_start3A_205 = arith.constant 0 : i32
        %dma_start3A_206 = tpu.memref_slice %arg7[%dma_start3A_199, %dma_start3A_205] : memref<4x128xi32, #tpu.memory_space<vmem>> -> memref<1x128xi32, #tpu.memory_space<vmem>>
        %dma_start3A_207 = tpu.memref_squeeze %dma_start3A_206 : memref<1x128xi32, #tpu.memory_space<vmem>> -> memref<128xi32, #tpu.memory_space<vmem>>
        %dma_start3A_208 = arith.constant 0 : i32
        %dma_start3A_209 = arith.constant 0 : i32
        %dma_start3A_210 = tpu.memref_slice %arg2[%dma_start3A_208, %dma_start3A_209] : memref<10000x128xf32, #tpu.memory_space<hbm>> -> memref<10000x128xf32, #tpu.memory_space<hbm>>
        tpu.enqueue_indirect_dma source(%dma_start3A_210 : memref<10000x128xf32, #tpu.memory_space<hbm>>) target(%dma_start3A_204 : memref<128x128xf32, #tpu.memory_space<vmem>>) offsets(%dma_start3A_207 : memref<128xi32, #tpu.memory_space<vmem>>) semaphore(%arg10 : memref<!tpu.dma_semaphore, #tpu.memory_space<semaphore_mem>>)
        %add3A_211 = arith.constant 2 : i32
        %add3A_212 = arith.addi %add3A_143, %add3A_211 : i32
        %lt3A_213 = arith.cmpi slt, %add3A_212, %add3A_7 : i32
        %convert_element_type3A_214 = arith.extui %lt3A_213 : i1 to i32
        %cond3A_215 = arith.constant 0 : i32
        %cond3A_216 = arith.cmpi ne, %convert_element_type3A_214, %cond3A_215 : i32
        scf.if %cond3A_216 {
          %add3A_217 = arith.constant 2 : i32
          %add3A_218 = arith.addi %add3A_143, %add3A_217 : i32
          %add3A_219 = arith.addi %add3A_4, %add3A_218 : i32
          %mul3A_220 = arith.constant 128 : i32
          %mul3A_221 = arith.muli %add3A_219, %mul3A_220 : i32
          %dma_start3A_222 = arith.constant 0 : i32
          %dma_start3A_223 = arith.constant 0 : i32
          %dma_start3A_224 = tpu.memref_slice %arg7[%dma_start3A_222, %dma_start3A_223] : memref<4x128xi32, #tpu.memory_space<vmem>> -> memref<1x128xi32, #tpu.memory_space<vmem>>
          %dma_start3A_225 = tpu.memref_squeeze %dma_start3A_224 : memref<1x128xi32, #tpu.memory_space<vmem>> -> memref<128xi32, #tpu.memory_space<vmem>>
          %dma_start3A_226 = tpu.memref_slice %arg3[%mul3A_221] : memref<320000xi32, #tpu.memory_space<hbm>> -> memref<128xi32, #tpu.memory_space<hbm>>
          %dma_start3A_227 = arith.constant 0 : i32
          %dma_start3A_228 = tpu.memref_slice %arg7[%dma_start3A_222, %dma_start3A_227] : memref<4x128xi32, #tpu.memory_space<vmem>> -> memref<1x128xi32, #tpu.memory_space<vmem>>
          %dma_start3A_229 = tpu.memref_squeeze %dma_start3A_228 : memref<1x128xi32, #tpu.memory_space<vmem>> -> memref<128xi32, #tpu.memory_space<vmem>>
          %dma_start3A_230 = tpu.memref_slice %arg3[%mul3A_221] : memref<320000xi32, #tpu.memory_space<hbm>> -> memref<128xi32, #tpu.memory_space<hbm>>
          tpu.enqueue_dma source(%dma_start3A_230 : memref<128xi32, #tpu.memory_space<hbm>>) target(%dma_start3A_229 : memref<128xi32, #tpu.memory_space<vmem>>) target_semaphore(%arg14 : memref<!tpu.dma_semaphore, #tpu.memory_space<semaphore_mem>>)
          %add3A_231 = arith.addi %add3A_4, %add3A_218 : i32
          %mul3A_232 = arith.constant 128 : i32
          %mul3A_233 = arith.muli %add3A_231, %mul3A_232 : i32
          %dma_start3A_234 = arith.constant 0 : i32
          %dma_start3A_235 = arith.constant 0 : i32
          %dma_start3A_236 = tpu.memref_slice %arg8[%dma_start3A_234, %dma_start3A_235] : memref<4x128xi32, #tpu.memory_space<vmem>> -> memref<1x128xi32, #tpu.memory_space<vmem>>
          %dma_start3A_237 = tpu.memref_squeeze %dma_start3A_236 : memref<1x128xi32, #tpu.memory_space<vmem>> -> memref<128xi32, #tpu.memory_space<vmem>>
          %dma_start3A_238 = tpu.memref_slice %arg4[%mul3A_233] : memref<320000xi32, #tpu.memory_space<hbm>> -> memref<128xi32, #tpu.memory_space<hbm>>
          %dma_start3A_239 = arith.constant 0 : i32
          %dma_start3A_240 = tpu.memref_slice %arg8[%dma_start3A_234, %dma_start3A_239] : memref<4x128xi32, #tpu.memory_space<vmem>> -> memref<1x128xi32, #tpu.memory_space<vmem>>
          %dma_start3A_241 = tpu.memref_squeeze %dma_start3A_240 : memref<1x128xi32, #tpu.memory_space<vmem>> -> memref<128xi32, #tpu.memory_space<vmem>>
          %dma_start3A_242 = tpu.memref_slice %arg4[%mul3A_233] : memref<320000xi32, #tpu.memory_space<hbm>> -> memref<128xi32, #tpu.memory_space<hbm>>
          tpu.enqueue_dma source(%dma_start3A_242 : memref<128xi32, #tpu.memory_space<hbm>>) target(%dma_start3A_241 : memref<128xi32, #tpu.memory_space<vmem>>) target_semaphore(%arg14 : memref<!tpu.dma_semaphore, #tpu.memory_space<semaphore_mem>>)
        } else {
        }
      } else {
      }
      %ge3A_148 = arith.constant 1 : i32
      %ge3A_149 = arith.cmpi sge, %add3A_143, %ge3A_148 : i32
      %le3A_150 = arith.cmpi sle, %add3A_143, %add3A_7 : i32
      %and3A_151 = arith.andi %ge3A_149, %le3A_150 : i1
      %convert_element_type3A_152 = arith.extui %and3A_151 : i1 to i32
      %cond3A_153 = arith.constant 0 : i32
      %cond3A_154 = arith.cmpi ne, %convert_element_type3A_152, %cond3A_153 : i32
      scf.if %cond3A_154 {
        %dma_wait3A_170 = arith.constant 1 : i32
        %dma_wait3A_171 = arith.constant 1 : i32
        %dma_wait3A_172 = arith.constant 0 : i32
        %dma_wait3A_173 = arith.constant 0 : i32
        %dma_wait3A_174 = tpu.memref_slice %arg9[%dma_wait3A_171, %dma_wait3A_172, %dma_wait3A_173] : memref<2x128x128xf32, #tpu.memory_space<vmem>> -> memref<1x128x128xf32, #tpu.memory_space<vmem>>
        %dma_wait3A_175 = tpu.memref_squeeze %dma_wait3A_174 : memref<1x128x128xf32, #tpu.memory_space<vmem>> -> memref<128x128xf32, #tpu.memory_space<vmem>>
        %dma_wait3A_176 = arith.constant 0 : i32
        %dma_wait3A_177 = tpu.memref_slice %arg7[%dma_wait3A_170, %dma_wait3A_176] : memref<4x128xi32, #tpu.memory_space<vmem>> -> memref<1x128xi32, #tpu.memory_space<vmem>>
        %dma_wait3A_178 = tpu.memref_squeeze %dma_wait3A_177 : memref<1x128xi32, #tpu.memory_space<vmem>> -> memref<128xi32, #tpu.memory_space<vmem>>
        %dma_wait3A_179 = arith.constant 0 : i32
        %dma_wait3A_180 = arith.constant 0 : i32
        %dma_wait3A_181 = tpu.memref_slice %arg2[%dma_wait3A_179, %dma_wait3A_180] : memref<10000x128xf32, #tpu.memory_space<hbm>> -> memref<10000x128xf32, #tpu.memory_space<hbm>>
        tpu.wait_indirect_dma semaphore(%arg11 : memref<!tpu.dma_semaphore, #tpu.memory_space<semaphore_mem>>) src(%dma_wait3A_181 : memref<10000x128xf32, #tpu.memory_space<hbm>>) dst(%dma_wait3A_175 : memref<128x128xf32, #tpu.memory_space<vmem>>)
        %dma_start3A_182 = arith.constant 1 : i32
        %dma_start3A_183 = arith.constant 1 : i32
        %dma_start3A_184 = arith.constant 0 : i32
        %dma_start3A_185 = arith.constant 0 : i32
        %dma_start3A_186 = tpu.memref_slice %arg9[%dma_start3A_182, %dma_start3A_184, %dma_start3A_185] : memref<2x128x128xf32, #tpu.memory_space<vmem>> -> memref<1x128x128xf32, #tpu.memory_space<vmem>>
        %dma_start3A_187 = tpu.memref_squeeze %dma_start3A_186 : memref<1x128x128xf32, #tpu.memory_space<vmem>> -> memref<128x128xf32, #tpu.memory_space<vmem>>
        %dma_start3A_188 = arith.constant 0 : i32
        %dma_start3A_189 = tpu.memref_slice %arg8[%dma_start3A_183, %dma_start3A_188] : memref<4x128xi32, #tpu.memory_space<vmem>> -> memref<1x128xi32, #tpu.memory_space<vmem>>
        %dma_start3A_190 = tpu.memref_squeeze %dma_start3A_189 : memref<1x128xi32, #tpu.memory_space<vmem>> -> memref<128xi32, #tpu.memory_space<vmem>>
        %dma_start3A_191 = arith.constant 0 : i32
        %dma_start3A_192 = arith.constant 0 : i32
        %dma_start3A_193 = tpu.memref_slice %arg18[%dma_start3A_191, %dma_start3A_192] : memref<10240x128xf32, #tpu.memory_space<vmem_shared>> -> memref<10240x128xf32, #tpu.memory_space<vmem_shared>>
        tpu.enqueue_indirect_dma source(%dma_start3A_187 : memref<128x128xf32, #tpu.memory_space<vmem>>) target(%dma_start3A_193 : memref<10240x128xf32, #tpu.memory_space<vmem_shared>>) offsets(%dma_start3A_190 : memref<128xi32, #tpu.memory_space<vmem>>) semaphore(%arg13 : memref<!tpu.dma_semaphore, #tpu.memory_space<semaphore_mem>>) {add = true}
      } else {
      }
      %mul3A_155 = arith.constant 4 : i32
      %mul3A_156 = arith.muli %while3A_112, %mul3A_155 : i32
      %add3A_157 = arith.constant 3 : i32
      %add3A_158 = arith.addi %mul3A_156, %add3A_157 : i32
      %lt3A_159 = arith.cmpi slt, %add3A_158, %add3A_7 : i32
      %convert_element_type3A_160 = arith.extui %lt3A_159 : i1 to i32
      %cond3A_161 = arith.constant 0 : i32
      %cond3A_162 = arith.cmpi ne, %convert_element_type3A_160, %cond3A_161 : i32
      scf.if %cond3A_162 {
        %ge3A_170 = arith.constant 2 : i32
        %ge3A_171 = arith.cmpi sge, %add3A_158, %ge3A_170 : i32
        %convert_element_type3A_172 = arith.extui %ge3A_171 : i1 to i32
        %cond3A_173 = arith.constant 0 : i32
        %cond3A_174 = arith.cmpi ne, %convert_element_type3A_172, %cond3A_173 : i32
        scf.if %cond3A_174 {
          %dma_wait3A_217 = arith.constant 1 : i32
          %dma_wait3A_218 = arith.constant 0 : i32
          %dma_wait3A_219 = arith.constant 0 : i32
          %dma_wait3A_220 = arith.constant 0 : i32
          %dma_wait3A_221 = tpu.memref_slice %arg9[%dma_wait3A_217, %dma_wait3A_219, %dma_wait3A_220] : memref<2x128x128xf32, #tpu.memory_space<vmem>> -> memref<1x128x128xf32, #tpu.memory_space<vmem>>
          %dma_wait3A_222 = tpu.memref_squeeze %dma_wait3A_221 : memref<1x128x128xf32, #tpu.memory_space<vmem>> -> memref<128x128xf32, #tpu.memory_space<vmem>>
          %dma_wait3A_223 = arith.constant 0 : i32
          %dma_wait3A_224 = tpu.memref_slice %arg8[%dma_wait3A_218, %dma_wait3A_223] : memref<4x128xi32, #tpu.memory_space<vmem>> -> memref<1x128xi32, #tpu.memory_space<vmem>>
          %dma_wait3A_225 = tpu.memref_squeeze %dma_wait3A_224 : memref<1x128xi32, #tpu.memory_space<vmem>> -> memref<128xi32, #tpu.memory_space<vmem>>
          %dma_wait3A_226 = arith.constant 0 : i32
          %dma_wait3A_227 = arith.constant 0 : i32
          %dma_wait3A_228 = tpu.memref_slice %arg18[%dma_wait3A_226, %dma_wait3A_227] : memref<10240x128xf32, #tpu.memory_space<vmem_shared>> -> memref<10240x128xf32, #tpu.memory_space<vmem_shared>>
          tpu.wait_indirect_dma semaphore(%arg13 : memref<!tpu.dma_semaphore, #tpu.memory_space<semaphore_mem>>) src(%dma_wait3A_222 : memref<128x128xf32, #tpu.memory_space<vmem>>) dst(%dma_wait3A_228 : memref<10240x128xf32, #tpu.memory_space<vmem_shared>>)
        } else {
        }
        %add3A_175 = arith.addi %add3A_4, %add3A_158 : i32
        %mul3A_176 = arith.constant 128 : i32
        %mul3A_177 = arith.muli %add3A_175, %mul3A_176 : i32
        %dma_wait3A_178 = arith.constant 3 : i32
        %dma_wait3A_179 = arith.constant 0 : i32
        %dma_wait3A_180 = tpu.memref_slice %arg7[%dma_wait3A_178, %dma_wait3A_179] : memref<4x128xi32, #tpu.memory_space<vmem>> -> memref<1x128xi32, #tpu.memory_space<vmem>>
        %dma_wait3A_181 = tpu.memref_squeeze %dma_wait3A_180 : memref<1x128xi32, #tpu.memory_space<vmem>> -> memref<128xi32, #tpu.memory_space<vmem>>
        %dma_wait3A_182 = tpu.memref_slice %arg3[%mul3A_177] : memref<320000xi32, #tpu.memory_space<hbm>> -> memref<128xi32, #tpu.memory_space<hbm>>
        %dma_wait3A_183 = arith.constant 0 : i32
        %dma_wait3A_184 = tpu.memref_slice %arg7[%dma_wait3A_178, %dma_wait3A_183] : memref<4x128xi32, #tpu.memory_space<vmem>> -> memref<1x128xi32, #tpu.memory_space<vmem>>
        %dma_wait3A_185 = tpu.memref_squeeze %dma_wait3A_184 : memref<1x128xi32, #tpu.memory_space<vmem>> -> memref<128xi32, #tpu.memory_space<vmem>>
        %dma_wait3A_186 = tpu.memref_slice %arg3[%mul3A_177] : memref<320000xi32, #tpu.memory_space<hbm>> -> memref<128xi32, #tpu.memory_space<hbm>>
        tpu.wait_dma2 semaphore(%arg17 : memref<!tpu.dma_semaphore, #tpu.memory_space<semaphore_mem>>) src(%dma_wait3A_186 : memref<128xi32, #tpu.memory_space<hbm>>) dst(%dma_wait3A_185 : memref<128xi32, #tpu.memory_space<vmem>>)
        %add3A_187 = arith.addi %add3A_4, %add3A_158 : i32
        %mul3A_188 = arith.constant 128 : i32
        %mul3A_189 = arith.muli %add3A_187, %mul3A_188 : i32
        %dma_wait3A_190 = arith.constant 3 : i32
        %dma_wait3A_191 = arith.constant 0 : i32
        %dma_wait3A_192 = tpu.memref_slice %arg8[%dma_wait3A_190, %dma_wait3A_191] : memref<4x128xi32, #tpu.memory_space<vmem>> -> memref<1x128xi32, #tpu.memory_space<vmem>>
        %dma_wait3A_193 = tpu.memref_squeeze %dma_wait3A_192 : memref<1x128xi32, #tpu.memory_space<vmem>> -> memref<128xi32, #tpu.memory_space<vmem>>
        %dma_wait3A_194 = tpu.memref_slice %arg4[%mul3A_189] : memref<320000xi32, #tpu.memory_space<hbm>> -> memref<128xi32, #tpu.memory_space<hbm>>
        %dma_wait3A_195 = arith.constant 0 : i32
        %dma_wait3A_196 = tpu.memref_slice %arg8[%dma_wait3A_190, %dma_wait3A_195] : memref<4x128xi32, #tpu.memory_space<vmem>> -> memref<1x128xi32, #tpu.memory_space<vmem>>
        %dma_wait3A_197 = tpu.memref_squeeze %dma_wait3A_196 : memref<1x128xi32, #tpu.memory_space<vmem>> -> memref<128xi32, #tpu.memory_space<vmem>>
        %dma_wait3A_198 = tpu.memref_slice %arg4[%mul3A_189] : memref<320000xi32, #tpu.memory_space<hbm>> -> memref<128xi32, #tpu.memory_space<hbm>>
        tpu.wait_dma2 semaphore(%arg17 : memref<!tpu.dma_semaphore, #tpu.memory_space<semaphore_mem>>) src(%dma_wait3A_198 : memref<128xi32, #tpu.memory_space<hbm>>) dst(%dma_wait3A_197 : memref<128xi32, #tpu.memory_space<vmem>>)
        %dma_start3A_199 = arith.constant 3 : i32
        %dma_start3A_200 = arith.constant 1 : i32
        %dma_start3A_201 = arith.constant 0 : i32
        %dma_start3A_202 = arith.constant 0 : i32
        %dma_start3A_203 = tpu.memref_slice %arg9[%dma_start3A_200, %dma_start3A_201, %dma_start3A_202] : memref<2x128x128xf32, #tpu.memory_space<vmem>> -> memref<1x128x128xf32, #tpu.memory_space<vmem>>
        %dma_start3A_204 = tpu.memref_squeeze %dma_start3A_203 : memref<1x128x128xf32, #tpu.memory_space<vmem>> -> memref<128x128xf32, #tpu.memory_space<vmem>>
        %dma_start3A_205 = arith.constant 0 : i32
        %dma_start3A_206 = tpu.memref_slice %arg7[%dma_start3A_199, %dma_start3A_205] : memref<4x128xi32, #tpu.memory_space<vmem>> -> memref<1x128xi32, #tpu.memory_space<vmem>>
        %dma_start3A_207 = tpu.memref_squeeze %dma_start3A_206 : memref<1x128xi32, #tpu.memory_space<vmem>> -> memref<128xi32, #tpu.memory_space<vmem>>
        %dma_start3A_208 = arith.constant 0 : i32
        %dma_start3A_209 = arith.constant 0 : i32
        %dma_start3A_210 = tpu.memref_slice %arg2[%dma_start3A_208, %dma_start3A_209] : memref<10000x128xf32, #tpu.memory_space<hbm>> -> memref<10000x128xf32, #tpu.memory_space<hbm>>
        tpu.enqueue_indirect_dma source(%dma_start3A_210 : memref<10000x128xf32, #tpu.memory_space<hbm>>) target(%dma_start3A_204 : memref<128x128xf32, #tpu.memory_space<vmem>>) offsets(%dma_start3A_207 : memref<128xi32, #tpu.memory_space<vmem>>) semaphore(%arg11 : memref<!tpu.dma_semaphore, #tpu.memory_space<semaphore_mem>>)
        %add3A_211 = arith.constant 2 : i32
        %add3A_212 = arith.addi %add3A_158, %add3A_211 : i32
        %lt3A_213 = arith.cmpi slt, %add3A_212, %add3A_7 : i32
        %convert_element_type3A_214 = arith.extui %lt3A_213 : i1 to i32
        %cond3A_215 = arith.constant 0 : i32
        %cond3A_216 = arith.cmpi ne, %convert_element_type3A_214, %cond3A_215 : i32
        scf.if %cond3A_216 {
          %add3A_217 = arith.constant 2 : i32
          %add3A_218 = arith.addi %add3A_158, %add3A_217 : i32
          %add3A_219 = arith.addi %add3A_4, %add3A_218 : i32
          %mul3A_220 = arith.constant 128 : i32
          %mul3A_221 = arith.muli %add3A_219, %mul3A_220 : i32
          %dma_start3A_222 = arith.constant 1 : i32
          %dma_start3A_223 = arith.constant 0 : i32
          %dma_start3A_224 = tpu.memref_slice %arg7[%dma_start3A_222, %dma_start3A_223] : memref<4x128xi32, #tpu.memory_space<vmem>> -> memref<1x128xi32, #tpu.memory_space<vmem>>
          %dma_start3A_225 = tpu.memref_squeeze %dma_start3A_224 : memref<1x128xi32, #tpu.memory_space<vmem>> -> memref<128xi32, #tpu.memory_space<vmem>>
          %dma_start3A_226 = tpu.memref_slice %arg3[%mul3A_221] : memref<320000xi32, #tpu.memory_space<hbm>> -> memref<128xi32, #tpu.memory_space<hbm>>
          %dma_start3A_227 = arith.constant 0 : i32
          %dma_start3A_228 = tpu.memref_slice %arg7[%dma_start3A_222, %dma_start3A_227] : memref<4x128xi32, #tpu.memory_space<vmem>> -> memref<1x128xi32, #tpu.memory_space<vmem>>
          %dma_start3A_229 = tpu.memref_squeeze %dma_start3A_228 : memref<1x128xi32, #tpu.memory_space<vmem>> -> memref<128xi32, #tpu.memory_space<vmem>>
          %dma_start3A_230 = tpu.memref_slice %arg3[%mul3A_221] : memref<320000xi32, #tpu.memory_space<hbm>> -> memref<128xi32, #tpu.memory_space<hbm>>
          tpu.enqueue_dma source(%dma_start3A_230 : memref<128xi32, #tpu.memory_space<hbm>>) target(%dma_start3A_229 : memref<128xi32, #tpu.memory_space<vmem>>) target_semaphore(%arg15 : memref<!tpu.dma_semaphore, #tpu.memory_space<semaphore_mem>>)
          %add3A_231 = arith.addi %add3A_4, %add3A_218 : i32
          %mul3A_232 = arith.constant 128 : i32
          %mul3A_233 = arith.muli %add3A_231, %mul3A_232 : i32
          %dma_start3A_234 = arith.constant 1 : i32
          %dma_start3A_235 = arith.constant 0 : i32
          %dma_start3A_236 = tpu.memref_slice %arg8[%dma_start3A_234, %dma_start3A_235] : memref<4x128xi32, #tpu.memory_space<vmem>> -> memref<1x128xi32, #tpu.memory_space<vmem>>
          %dma_start3A_237 = tpu.memref_squeeze %dma_start3A_236 : memref<1x128xi32, #tpu.memory_space<vmem>> -> memref<128xi32, #tpu.memory_space<vmem>>
          %dma_start3A_238 = tpu.memref_slice %arg4[%mul3A_233] : memref<320000xi32, #tpu.memory_space<hbm>> -> memref<128xi32, #tpu.memory_space<hbm>>
          %dma_start3A_239 = arith.constant 0 : i32
          %dma_start3A_240 = tpu.memref_slice %arg8[%dma_start3A_234, %dma_start3A_239] : memref<4x128xi32, #tpu.memory_space<vmem>> -> memref<1x128xi32, #tpu.memory_space<vmem>>
          %dma_start3A_241 = tpu.memref_squeeze %dma_start3A_240 : memref<1x128xi32, #tpu.memory_space<vmem>> -> memref<128xi32, #tpu.memory_space<vmem>>
          %dma_start3A_242 = tpu.memref_slice %arg4[%mul3A_233] : memref<320000xi32, #tpu.memory_space<hbm>> -> memref<128xi32, #tpu.memory_space<hbm>>
          tpu.enqueue_dma source(%dma_start3A_242 : memref<128xi32, #tpu.memory_space<hbm>>) target(%dma_start3A_241 : memref<128xi32, #tpu.memory_space<vmem>>) target_semaphore(%arg15 : memref<!tpu.dma_semaphore, #tpu.memory_space<semaphore_mem>>)
        } else {
        }
      } else {
      }
      %ge3A_163 = arith.constant 1 : i32
      %ge3A_164 = arith.cmpi sge, %add3A_158, %ge3A_163 : i32
      %le3A_165 = arith.cmpi sle, %add3A_158, %add3A_7 : i32
      %and3A_166 = arith.andi %ge3A_164, %le3A_165 : i1
      %convert_element_type3A_167 = arith.extui %and3A_166 : i1 to i32
      %cond3A_168 = arith.constant 0 : i32
      %cond3A_169 = arith.cmpi ne, %convert_element_type3A_167, %cond3A_168 : i32
      scf.if %cond3A_169 {
        %dma_wait3A_170 = arith.constant 2 : i32
        %dma_wait3A_171 = arith.constant 0 : i32
        %dma_wait3A_172 = arith.constant 0 : i32
        %dma_wait3A_173 = arith.constant 0 : i32
        %dma_wait3A_174 = tpu.memref_slice %arg9[%dma_wait3A_171, %dma_wait3A_172, %dma_wait3A_173] : memref<2x128x128xf32, #tpu.memory_space<vmem>> -> memref<1x128x128xf32, #tpu.memory_space<vmem>>
        %dma_wait3A_175 = tpu.memref_squeeze %dma_wait3A_174 : memref<1x128x128xf32, #tpu.memory_space<vmem>> -> memref<128x128xf32, #tpu.memory_space<vmem>>
        %dma_wait3A_176 = arith.constant 0 : i32
        %dma_wait3A_177 = tpu.memref_slice %arg7[%dma_wait3A_170, %dma_wait3A_176] : memref<4x128xi32, #tpu.memory_space<vmem>> -> memref<1x128xi32, #tpu.memory_space<vmem>>
        %dma_wait3A_178 = tpu.memref_squeeze %dma_wait3A_177 : memref<1x128xi32, #tpu.memory_space<vmem>> -> memref<128xi32, #tpu.memory_space<vmem>>
        %dma_wait3A_179 = arith.constant 0 : i32
        %dma_wait3A_180 = arith.constant 0 : i32
        %dma_wait3A_181 = tpu.memref_slice %arg2[%dma_wait3A_179, %dma_wait3A_180] : memref<10000x128xf32, #tpu.memory_space<hbm>> -> memref<10000x128xf32, #tpu.memory_space<hbm>>
        tpu.wait_indirect_dma semaphore(%arg10 : memref<!tpu.dma_semaphore, #tpu.memory_space<semaphore_mem>>) src(%dma_wait3A_181 : memref<10000x128xf32, #tpu.memory_space<hbm>>) dst(%dma_wait3A_175 : memref<128x128xf32, #tpu.memory_space<vmem>>)
        %dma_start3A_182 = arith.constant 0 : i32
        %dma_start3A_183 = arith.constant 2 : i32
        %dma_start3A_184 = arith.constant 0 : i32
        %dma_start3A_185 = arith.constant 0 : i32
        %dma_start3A_186 = tpu.memref_slice %arg9[%dma_start3A_182, %dma_start3A_184, %dma_start3A_185] : memref<2x128x128xf32, #tpu.memory_space<vmem>> -> memref<1x128x128xf32, #tpu.memory_space<vmem>>
        %dma_start3A_187 = tpu.memref_squeeze %dma_start3A_186 : memref<1x128x128xf32, #tpu.memory_space<vmem>> -> memref<128x128xf32, #tpu.memory_space<vmem>>
        %dma_start3A_188 = arith.constant 0 : i32
        %dma_start3A_189 = tpu.memref_slice %arg8[%dma_start3A_183, %dma_start3A_188] : memref<4x128xi32, #tpu.memory_space<vmem>> -> memref<1x128xi32, #tpu.memory_space<vmem>>
        %dma_start3A_190 = tpu.memref_squeeze %dma_start3A_189 : memref<1x128xi32, #tpu.memory_space<vmem>> -> memref<128xi32, #tpu.memory_space<vmem>>
        %dma_start3A_191 = arith.constant 0 : i32
        %dma_start3A_192 = arith.constant 0 : i32
        %dma_start3A_193 = tpu.memref_slice %arg18[%dma_start3A_191, %dma_start3A_192] : memref<10240x128xf32, #tpu.memory_space<vmem_shared>> -> memref<10240x128xf32, #tpu.memory_space<vmem_shared>>
        tpu.enqueue_indirect_dma source(%dma_start3A_187 : memref<128x128xf32, #tpu.memory_space<vmem>>) target(%dma_start3A_193 : memref<10240x128xf32, #tpu.memory_space<vmem_shared>>) offsets(%dma_start3A_190 : memref<128xi32, #tpu.memory_space<vmem>>) semaphore(%arg12 : memref<!tpu.dma_semaphore, #tpu.memory_space<semaphore_mem>>) {add = true}
      } else {
      }
    }
    %dma_wait3A = arith.constant 0 : i32
    %dma_wait3A_88 = arith.constant 0 : i32
    %dma_wait3A_89 = arith.constant 0 : i32
    %dma_wait3A_90 = arith.constant 0 : i32
    %dma_wait3A_91 = tpu.memref_slice %arg9[%dma_wait3A, %dma_wait3A_89, %dma_wait3A_90] : memref<2x128x128xf32, #tpu.memory_space<vmem>> -> memref<1x128x128xf32, #tpu.memory_space<vmem>>
    %dma_wait3A_92 = tpu.memref_squeeze %dma_wait3A_91 : memref<1x128x128xf32, #tpu.memory_space<vmem>> -> memref<128x128xf32, #tpu.memory_space<vmem>>
    %dma_wait3A_93 = arith.constant 0 : i32
    %dma_wait3A_94 = tpu.memref_slice %arg8[%dma_wait3A_88, %dma_wait3A_93] : memref<4x128xi32, #tpu.memory_space<vmem>> -> memref<1x128xi32, #tpu.memory_space<vmem>>
    %dma_wait3A_95 = tpu.memref_squeeze %dma_wait3A_94 : memref<1x128xi32, #tpu.memory_space<vmem>> -> memref<128xi32, #tpu.memory_space<vmem>>
    %dma_wait3A_96 = arith.constant 0 : i32
    %dma_wait3A_97 = arith.constant 0 : i32
    %dma_wait3A_98 = tpu.memref_slice %arg18[%dma_wait3A_96, %dma_wait3A_97] : memref<10240x128xf32, #tpu.memory_space<vmem_shared>> -> memref<10240x128xf32, #tpu.memory_space<vmem_shared>>
    tpu.wait_indirect_dma semaphore(%arg12 : memref<!tpu.dma_semaphore, #tpu.memory_space<semaphore_mem>>) src(%dma_wait3A_92 : memref<128x128xf32, #tpu.memory_space<vmem>>) dst(%dma_wait3A_98 : memref<10240x128xf32, #tpu.memory_space<vmem_shared>>)
    %dma_wait3A_99 = arith.constant 1 : i32
    %dma_wait3A_100 = arith.constant 0 : i32
    %dma_wait3A_101 = arith.constant 0 : i32
    %dma_wait3A_102 = arith.constant 0 : i32
    %dma_wait3A_103 = tpu.memref_slice %arg9[%dma_wait3A_99, %dma_wait3A_101, %dma_wait3A_102] : memref<2x128x128xf32, #tpu.memory_space<vmem>> -> memref<1x128x128xf32, #tpu.memory_space<vmem>>
    %dma_wait3A_104 = tpu.memref_squeeze %dma_wait3A_103 : memref<1x128x128xf32, #tpu.memory_space<vmem>> -> memref<128x128xf32, #tpu.memory_space<vmem>>
    %dma_wait3A_105 = arith.constant 0 : i32
    %dma_wait3A_106 = tpu.memref_slice %arg8[%dma_wait3A_100, %dma_wait3A_105] : memref<4x128xi32, #tpu.memory_space<vmem>> -> memref<1x128xi32, #tpu.memory_space<vmem>>
    %dma_wait3A_107 = tpu.memref_squeeze %dma_wait3A_106 : memref<1x128xi32, #tpu.memory_space<vmem>> -> memref<128xi32, #tpu.memory_space<vmem>>
    %dma_wait3A_108 = arith.constant 0 : i32
    %dma_wait3A_109 = arith.constant 0 : i32
    %dma_wait3A_110 = tpu.memref_slice %arg18[%dma_wait3A_108, %dma_wait3A_109] : memref<10240x128xf32, #tpu.memory_space<vmem_shared>> -> memref<10240x128xf32, #tpu.memory_space<vmem_shared>>
    tpu.wait_indirect_dma semaphore(%arg13 : memref<!tpu.dma_semaphore, #tpu.memory_space<semaphore_mem>>) src(%dma_wait3A_104 : memref<128x128xf32, #tpu.memory_space<vmem>>) dst(%dma_wait3A_110 : memref<10240x128xf32, #tpu.memory_space<vmem_shared>>)
    %barrier3A_111 = arith.constant 0 : index
    tpu.barrier barrier_id(%barrier3A_111)
    "tpu.region"() ({
      %run_scoped3A = tpu.sem_alloc : memref<!tpu.dma_semaphore, #tpu.memory_space<semaphore_mem>>
      %dma_start3A_112 = arith.constant 0 : i32
      %dma_start3A_113 = arith.constant 0 : i32
      %dma_start3A_114 = tpu.memref_slice %arg6[%arg0, %dma_start3A_112, %dma_start3A_113] : memref<2x10240x128xf32, #tpu.memory_space<hbm>> -> memref<1x10240x128xf32, #tpu.memory_space<hbm>>
      %dma_start3A_115 = tpu.memref_squeeze %dma_start3A_114 : memref<1x10240x128xf32, #tpu.memory_space<hbm>> -> memref<10240x128xf32, #tpu.memory_space<hbm>>
      %dma_start3A_116 = arith.constant 0 : i32
      %dma_start3A_117 = tpu.memref_slice %dma_start3A_115[%mul3A_9, %dma_start3A_116] : memref<10240x128xf32, #tpu.memory_space<hbm>> -> memref<640x128xf32, #tpu.memory_space<hbm>>
      %dma_start3A_118 = arith.constant 0 : i32
      %dma_start3A_119 = tpu.memref_slice %arg18[%mul3A_9, %dma_start3A_118] : memref<10240x128xf32, #tpu.memory_space<vmem_shared>> -> memref<640x128xf32, #tpu.memory_space<vmem_shared>>
      tpu.enqueue_dma source(%dma_start3A_119 : memref<640x128xf32, #tpu.memory_space<vmem_shared>>) target(%dma_start3A_117 : memref<640x128xf32, #tpu.memory_space<hbm>>) target_semaphore(%run_scoped3A : memref<!tpu.dma_semaphore, #tpu.memory_space<semaphore_mem>>)
      %dma_wait3A_120 = arith.constant 0 : i32
      %dma_wait3A_121 = arith.constant 0 : i32
      %dma_wait3A_122 = tpu.memref_slice %arg6[%arg0, %dma_wait3A_120, %dma_wait3A_121] : memref<2x10240x128xf32, #tpu.memory_space<hbm>> -> memref<1x10240x128xf32, #tpu.memory_space<hbm>>
      %dma_wait3A_123 = tpu.memref_squeeze %dma_wait3A_122 : memref<1x10240x128xf32, #tpu.memory_space<hbm>> -> memref<10240x128xf32, #tpu.memory_space<hbm>>
      %dma_wait3A_124 = arith.constant 0 : i32
      %dma_wait3A_125 = tpu.memref_slice %dma_wait3A_123[%mul3A_9, %dma_wait3A_124] : memref<10240x128xf32, #tpu.memory_space<hbm>> -> memref<640x128xf32, #tpu.memory_space<hbm>>
      %dma_wait3A_126 = arith.constant 0 : i32
      %dma_wait3A_127 = tpu.memref_slice %arg18[%mul3A_9, %dma_wait3A_126] : memref<10240x128xf32, #tpu.memory_space<vmem_shared>> -> memref<640x128xf32, #tpu.memory_space<vmem_shared>>
      tpu.wait_dma2 semaphore(%run_scoped3A : memref<!tpu.dma_semaphore, #tpu.memory_space<semaphore_mem>>) src(%dma_wait3A_127 : memref<640x128xf32, #tpu.memory_space<vmem_shared>>) dst(%dma_wait3A_125 : memref<640x128xf32, #tpu.memory_space<hbm>>)
      tpu.yield
    }) : () -> ()
    return
  }
}

module attributes {stable_mosaic.version = 14 : i64} {
  func.func @_t1_body(%arg0: memref<2x32x10240xf32, #tpu.memory_space<vmem>>, %arg1: memref<10000x128xf32, #tpu.memory_space<vmem>>, %arg2: memref<128x128xf32, #tpu.memory_space<vmem>>, %arg3: memref<10000x128xf32, #tpu.memory_space<vmem>>) attributes {dimension_semantics = [], scalar_prefetch = 0 : i64, scratch_operands = 0 : i64, tpu.core_type = #tpu.core_type<tc>} {
    %get3A = arith.constant 0 : index
    %get3A_0 = arith.constant 0 : index
    %get3A_1 = arith.constant 0 : index
    %get3A_2 = vector.load %arg0[%get3A, %get3A_0, %get3A_1] : memref<2x32x10240xf32, #tpu.memory_space<vmem>>, vector<2x32x10240xf32>
    %get3A_3 = arith.constant 0 : index
    %get3A_4 = arith.constant 0 : index
    %get3A_5 = vector.load %arg1[%get3A_3, %get3A_4] : memref<10000x128xf32, #tpu.memory_space<vmem>>, vector<10000x128xf32>
    %slice3A = vector.extract_strided_slice %get3A_2 {offsets = [0, 0, 0], sizes = [1, 32, 10240], strides = [1, 1, 1]} : vector<2x32x10240xf32> to vector<1x32x10240xf32>
    %squeeze3A = vector.shape_cast %slice3A : vector<1x32x10240xf32> to vector<32x10240xf32>
    %reduce_sum3A = arith.constant dense<0.000000e+00> : vector<10240xf32>
    %reduce_sum3A_6 = vector.multi_reduction <add>, %squeeze3A, %reduce_sum3A [0] : vector<32x10240xf32> to vector<10240xf32>
    %broadcast_in_dim3A = vector.shape_cast %reduce_sum3A_6 : vector<10240xf32> to vector<1x10240xf32>
    %transpose3A = tpu.transpose %broadcast_in_dim3A, [1, 0] : vector<1x10240xf32> -> vector<10240x1xf32>
    %slice3A_7 = vector.extract_strided_slice %transpose3A {offsets = [0, 0], sizes = [10000, 1], strides = [1, 1]} : vector<10240x1xf32> to vector<10000x1xf32>
    %max3A = arith.constant 1.000000e+00 : f32
    %max3A_8 = vector.broadcast %max3A : f32 to vector<10000x1xf32>
    %max3A_9 = arith.maximumf %slice3A_7, %max3A_8 : vector<10000x1xf32>
    %rsqrt3A = math.rsqrt %max3A_9 : vector<10000x1xf32>
    %mul3A = vector.broadcast %rsqrt3A : vector<10000x1xf32> to vector<10000x128xf32>
    %mul3A_10 = arith.mulf %get3A_5, %mul3A : vector<10000x128xf32>
    %get3A_11 = arith.constant 0 : index
    %get3A_12 = arith.constant 0 : index
    %get3A_13 = vector.load %arg2[%get3A_11, %get3A_12] : memref<128x128xf32, #tpu.memory_space<vmem>>, vector<128x128xf32>
    %dot_general3A = arith.constant dense<0.000000e+00> : vector<10000x128xf32>
    %dot_general3A_14 = tpu.matmul %mul3A_10, %get3A_13, %dot_general3A {dimension_numbers = #tpu.dot_dimension_numbers<[1], [0], [0], [1], [0, 0, 1, 1], [], []>, transpose_lhs_hint = false} : vector<10000x128xf32>, vector<128x128xf32>, vector<10000x128xf32> -> vector<10000x128xf32>
    %swap3A = arith.constant 0 : index
    %swap3A_15 = arith.constant 0 : index
    %swap3A_16 = vector.load %arg3[%swap3A, %swap3A_15] : memref<10000x128xf32, #tpu.memory_space<vmem>>, vector<10000x128xf32>
    tpu.vector_store %arg3[%swap3A, %swap3A_15], %dot_general3A_14 {strides = array<i32>} : memref<10000x128xf32, #tpu.memory_space<vmem>>, vector<10000x128xf32>,
    return
  }
}

module attributes {stable_mosaic.version = 14 : i64} {
  func.func @_t2_body(%arg0: memref<2x32x10240xf32, #tpu.memory_space<vmem>>, %arg1: memref<2x10240x128xf32, #tpu.memory_space<vmem>>, %arg2: memref<128xf32, #tpu.memory_space<vmem>>, %arg3: memref<10000x128xf32, #tpu.memory_space<vmem>>) attributes {dimension_semantics = [], scalar_prefetch = 0 : i64, scratch_operands = 0 : i64, tpu.core_type = #tpu.core_type<tc>} {
    %get3A = arith.constant 0 : index
    %get3A_0 = arith.constant 0 : index
    %get3A_1 = arith.constant 0 : index
    %get3A_2 = vector.load %arg0[%get3A, %get3A_0, %get3A_1] : memref<2x32x10240xf32, #tpu.memory_space<vmem>>, vector<2x32x10240xf32>
    %get3A_3 = arith.constant 0 : index
    %get3A_4 = arith.constant 0 : index
    %get3A_5 = arith.constant 0 : index
    %get3A_6 = vector.load %arg1[%get3A_3, %get3A_4, %get3A_5] : memref<2x10240x128xf32, #tpu.memory_space<vmem>>, vector<1x10000x128xf32>
    %get3A_7 = vector.shape_cast %get3A_6 : vector<1x10000x128xf32> to vector<10000x128xf32>
    %get3A_8 = arith.constant 1 : index
    %get3A_9 = arith.constant 0 : index
    %get3A_10 = arith.constant 0 : index
    %get3A_11 = vector.load %arg1[%get3A_8, %get3A_9, %get3A_10] : memref<2x10240x128xf32, #tpu.memory_space<vmem>>, vector<1x10000x128xf32>
    %get3A_12 = vector.shape_cast %get3A_11 : vector<1x10000x128xf32> to vector<10000x128xf32>
    %add3A = arith.addf %get3A_7, %get3A_12 : vector<10000x128xf32>
    %slice3A = vector.extract_strided_slice %get3A_2 {offsets = [1, 0, 0], sizes = [1, 32, 10240], strides = [1, 1, 1]} : vector<2x32x10240xf32> to vector<1x32x10240xf32>
    %squeeze3A = vector.shape_cast %slice3A : vector<1x32x10240xf32> to vector<32x10240xf32>
    %reduce_sum3A = arith.constant dense<0.000000e+00> : vector<10240xf32>
    %reduce_sum3A_13 = vector.multi_reduction <add>, %squeeze3A, %reduce_sum3A [0] : vector<32x10240xf32> to vector<10240xf32>
    %broadcast_in_dim3A = vector.shape_cast %reduce_sum3A_13 : vector<10240xf32> to vector<1x10240xf32>
    %transpose3A = tpu.transpose %broadcast_in_dim3A, [1, 0] : vector<1x10240xf32> -> vector<10240x1xf32>
    %slice3A_14 = vector.extract_strided_slice %transpose3A {offsets = [0, 0], sizes = [10000, 1], strides = [1, 1]} : vector<10240x1xf32> to vector<10000x1xf32>
    %max3A = arith.constant 1.000000e+00 : f32
    %max3A_15 = vector.broadcast %max3A : f32 to vector<10000x1xf32>
    %max3A_16 = arith.maximumf %slice3A_14, %max3A_15 : vector<10000x1xf32>
    %rsqrt3A = math.rsqrt %max3A_16 : vector<10000x1xf32>
    %mul3A = vector.broadcast %rsqrt3A : vector<10000x1xf32> to vector<10000x128xf32>
    %mul3A_17 = arith.mulf %add3A, %mul3A : vector<10000x128xf32>
    %get3A_18 = arith.constant 0 : index
    %get3A_19 = vector.load %arg2[%get3A_18] : memref<128xf32, #tpu.memory_space<vmem>>, vector<128xf32>
    %broadcast_in_dim3A_20 = vector.shape_cast %get3A_19 : vector<128xf32> to vector<1x128xf32>
    %add3A_21 = vector.broadcast %broadcast_in_dim3A_20 : vector<1x128xf32> to vector<10000x128xf32>
    %add3A_22 = arith.addf %mul3A_17, %add3A_21 : vector<10000x128xf32>
    %max3A_23 = arith.constant 0.000000e+00 : f32
    %max3A_24 = vector.broadcast %max3A_23 : f32 to vector<10000x128xf32>
    %max3A_25 = arith.maximumf %add3A_22, %max3A_24 : vector<10000x128xf32>
    %slice3A_26 = vector.extract_strided_slice %get3A_2 {offsets = [0, 0, 0], sizes = [1, 32, 10240], strides = [1, 1, 1]} : vector<2x32x10240xf32> to vector<1x32x10240xf32>
    %squeeze3A_27 = vector.shape_cast %slice3A_26 : vector<1x32x10240xf32> to vector<32x10240xf32>
    %reduce_sum3A_28 = arith.constant dense<0.000000e+00> : vector<10240xf32>
    %reduce_sum3A_29 = vector.multi_reduction <add>, %squeeze3A_27, %reduce_sum3A_28 [0] : vector<32x10240xf32> to vector<10240xf32>
    %broadcast_in_dim3A_30 = vector.shape_cast %reduce_sum3A_29 : vector<10240xf32> to vector<1x10240xf32>
    %transpose3A_31 = tpu.transpose %broadcast_in_dim3A_30, [1, 0] : vector<1x10240xf32> -> vector<10240x1xf32>
    %slice3A_32 = vector.extract_strided_slice %transpose3A_31 {offsets = [0, 0], sizes = [10000, 1], strides = [1, 1]} : vector<10240x1xf32> to vector<10000x1xf32>
    %max3A_33 = arith.constant 1.000000e+00 : f32
    %max3A_34 = vector.broadcast %max3A_33 : f32 to vector<10000x1xf32>
    %max3A_35 = arith.maximumf %slice3A_32, %max3A_34 : vector<10000x1xf32>
    %rsqrt3A_36 = math.rsqrt %max3A_35 : vector<10000x1xf32>
    %mul3A_37 = vector.broadcast %rsqrt3A_36 : vector<10000x1xf32> to vector<10000x128xf32>
    %mul3A_38 = arith.mulf %max3A_25, %mul3A_37 : vector<10000x128xf32>
    %swap3A = arith.constant 0 : index
    %swap3A_39 = arith.constant 0 : index
    %swap3A_40 = vector.load %arg3[%swap3A, %swap3A_39] : memref<10000x128xf32, #tpu.memory_space<vmem>>, vector<10000x128xf32>
    tpu.vector_store %arg3[%swap3A, %swap3A_39], %mul3A_38 {strides = array<i32>} : memref<10000x128xf32, #tpu.memory_space<vmem>>, vector<10000x128xf32>,
    return
  }
}

module attributes {stable_mosaic.version = 14 : i64} {
  func.func @_t3_body(%arg0: memref<2x32x10240xf32, #tpu.memory_space<vmem>>, %arg1: memref<2x10240x128xf32, #tpu.memory_space<vmem>>, %arg2: memref<64xf32, #tpu.memory_space<vmem>>, %arg3: memref<128x64xf32, #tpu.memory_space<vmem>>, %arg4: memref<10000x64xf32, #tpu.memory_space<vmem>>) attributes {dimension_semantics = [], scalar_prefetch = 0 : i64, scratch_operands = 0 : i64, tpu.core_type = #tpu.core_type<tc>} {
    %get3A = arith.constant 0 : index
    %get3A_0 = arith.constant 0 : index
    %get3A_1 = arith.constant 0 : index
    %get3A_2 = vector.load %arg0[%get3A, %get3A_0, %get3A_1] : memref<2x32x10240xf32, #tpu.memory_space<vmem>>, vector<2x32x10240xf32>
    %get3A_3 = arith.constant 0 : index
    %get3A_4 = arith.constant 0 : index
    %get3A_5 = arith.constant 0 : index
    %get3A_6 = vector.load %arg1[%get3A_3, %get3A_4, %get3A_5] : memref<2x10240x128xf32, #tpu.memory_space<vmem>>, vector<1x10000x128xf32>
    %get3A_7 = vector.shape_cast %get3A_6 : vector<1x10000x128xf32> to vector<10000x128xf32>
    %get3A_8 = arith.constant 1 : index
    %get3A_9 = arith.constant 0 : index
    %get3A_10 = arith.constant 0 : index
    %get3A_11 = vector.load %arg1[%get3A_8, %get3A_9, %get3A_10] : memref<2x10240x128xf32, #tpu.memory_space<vmem>>, vector<1x10000x128xf32>
    %get3A_12 = vector.shape_cast %get3A_11 : vector<1x10000x128xf32> to vector<10000x128xf32>
    %add3A = arith.addf %get3A_7, %get3A_12 : vector<10000x128xf32>
    %get3A_13 = arith.constant 0 : index
    %get3A_14 = arith.constant 0 : index
    %get3A_15 = vector.load %arg3[%get3A_13, %get3A_14] : memref<128x64xf32, #tpu.memory_space<vmem>>, vector<128x64xf32>
    %dot_general3A = arith.constant dense<0.000000e+00> : vector<10000x64xf32>
    %dot_general3A_16 = tpu.matmul %add3A, %get3A_15, %dot_general3A {dimension_numbers = #tpu.dot_dimension_numbers<[1], [0], [0], [1], [0, 0, 1, 1], [], []>, transpose_lhs_hint = false} : vector<10000x128xf32>, vector<128x64xf32>, vector<10000x64xf32> -> vector<10000x64xf32>
    %slice3A = vector.extract_strided_slice %get3A_2 {offsets = [1, 0, 0], sizes = [1, 32, 10240], strides = [1, 1, 1]} : vector<2x32x10240xf32> to vector<1x32x10240xf32>
    %squeeze3A = vector.shape_cast %slice3A : vector<1x32x10240xf32> to vector<32x10240xf32>
    %reduce_sum3A = arith.constant dense<0.000000e+00> : vector<10240xf32>
    %reduce_sum3A_17 = vector.multi_reduction <add>, %squeeze3A, %reduce_sum3A [0] : vector<32x10240xf32> to vector<10240xf32>
    %broadcast_in_dim3A = vector.shape_cast %reduce_sum3A_17 : vector<10240xf32> to vector<1x10240xf32>
    %transpose3A = tpu.transpose %broadcast_in_dim3A, [1, 0] : vector<1x10240xf32> -> vector<10240x1xf32>
    %slice3A_18 = vector.extract_strided_slice %transpose3A {offsets = [0, 0], sizes = [10000, 1], strides = [1, 1]} : vector<10240x1xf32> to vector<10000x1xf32>
    %max3A = arith.constant 1.000000e+00 : f32
    %max3A_19 = vector.broadcast %max3A : f32 to vector<10000x1xf32>
    %max3A_20 = arith.maximumf %slice3A_18, %max3A_19 : vector<10000x1xf32>
    %rsqrt3A = math.rsqrt %max3A_20 : vector<10000x1xf32>
    %mul3A = vector.broadcast %rsqrt3A : vector<10000x1xf32> to vector<10000x64xf32>
    %mul3A_21 = arith.mulf %dot_general3A_16, %mul3A : vector<10000x64xf32>
    %get3A_22 = arith.constant 0 : index
    %get3A_23 = vector.load %arg2[%get3A_22] : memref<64xf32, #tpu.memory_space<vmem>>, vector<64xf32>
    %broadcast_in_dim3A_24 = vector.shape_cast %get3A_23 : vector<64xf32> to vector<1x64xf32>
    %add3A_25 = vector.broadcast %broadcast_in_dim3A_24 : vector<1x64xf32> to vector<10000x64xf32>
    %add3A_26 = arith.addf %mul3A_21, %add3A_25 : vector<10000x64xf32>
    %max3A_27 = arith.constant 0.000000e+00 : f32
    %max3A_28 = vector.broadcast %max3A_27 : f32 to vector<10000x64xf32>
    %max3A_29 = arith.maximumf %add3A_26, %max3A_28 : vector<10000x64xf32>
    %swap3A = arith.constant 0 : index
    %swap3A_30 = arith.constant 0 : index
    %swap3A_31 = vector.load %arg4[%swap3A, %swap3A_30] : memref<10000x64xf32, #tpu.memory_space<vmem>>, vector<10000x64xf32>
    tpu.vector_store %arg4[%swap3A, %swap3A_30], %max3A_29 {strides = array<i32>} : memref<10000x64xf32, #tpu.memory_space<vmem>>, vector<10000x64xf32>,
    return
  }
}

module attributes {stable_mosaic.version = 14 : i64} {
  func.func @_adj_body(%arg0: i32, %arg1: memref<200x64xf32, #tpu.memory_space<vmem>>, %arg2: memref<10000x64xf32, #tpu.memory_space<vmem>>, %arg3: memref<200x10000xf32, #tpu.memory_space<vmem>>) attributes {dimension_semantics = [#tpu.dimension_semantics<arbitrary>], iteration_bounds = array<i64: 50>, scalar_prefetch = 0 : i64, scratch_operands = 0 : i64, tpu.core_type = #tpu.core_type<tc>, window_params = [{transform_indices = @transform_0, window_bounds = array<i64: 200, 64>}, {pipeline_mode = #tpu.pipeline_mode<synchronous>, transform_indices = @transform_1, window_bounds = array<i64: 10000, 64>}, {transform_indices = @transform_2, window_bounds = array<i64: 200, 10000>}]} {
    %get3A = arith.constant 0 : index
    %get3A_0 = arith.constant 0 : index
    %get3A_1 = vector.load %arg1[%get3A, %get3A_0] : memref<200x64xf32, #tpu.memory_space<vmem>>, vector<200x64xf32>
    %get3A_2 = arith.constant 0 : index
    %get3A_3 = arith.constant 0 : index
    %get3A_4 = vector.load %arg2[%get3A_2, %get3A_3] : memref<10000x64xf32, #tpu.memory_space<vmem>>, vector<10000x64xf32>
    %dot_general3A = arith.constant dense<0.000000e+00> : vector<200x10000xf32>
    %dot_general3A_5 = tpu.matmul %get3A_1, %get3A_4, %dot_general3A {dimension_numbers = #tpu.dot_dimension_numbers<[1], [1], [0], [0], [0, 0, 1, 0], [], []>, transpose_lhs_hint = false} : vector<200x64xf32>, vector<10000x64xf32>, vector<200x10000xf32> -> vector<200x10000xf32>
    %swap3A = arith.constant 0 : index
    %swap3A_6 = arith.constant 0 : index
    %swap3A_7 = vector.load %arg3[%swap3A, %swap3A_6] : memref<200x10000xf32, #tpu.memory_space<vmem>>, vector<200x10000xf32>
    tpu.vector_store %arg3[%swap3A, %swap3A_6], %dot_general3A_5 {strides = array<i32>} : memref<200x10000xf32, #tpu.memory_space<vmem>>, vector<200x10000xf32>,
    return
  }
  func.func @transform_0(%arg0: i32) -> (i32, i32) {
    %c0_i32 = arith.constant 0 : i32
    %c0_i32_0 = arith.constant 0 : i32
    return %arg0, %c0_i32 : i32, i32
  }
  func.func @transform_1(%arg0: i32) -> (i32, i32) {
    %c0_i32 = arith.constant 0 : i32
    %c0_i32_0 = arith.constant 0 : i32
    %c0_i32_1 = arith.constant 0 : i32
    return %c0_i32, %c0_i32_0 : i32, i32
  }
  func.func @transform_2(%arg0: i32) -> (i32, i32) {
    %c0_i32 = arith.constant 0 : i32
    %c0_i32_0 = arith.constant 0 : i32
    return %arg0, %c0_i32 : i32, i32
  }
}

</mosaic_0001>

<sc_bundles>
// kernel: kernel.12.cloned.1.call-start
scs
__scs_entry_jumppad:
0x0: {  	(pc) =	sbr.rel $0x88, $3  }
0x1: {  	(tag) =	ssettag $0x0;
	lr =	simm.s32 $0x1  }
0x2: {  	[smem:$0x3F9B] =	sst lr;
	_ =	strace $0xD0000000  }
0x3: {  	_ = 	snop  }
0x4: {  	_ = 	snop  }
0x5: {  	_ = 	snop  }
0x6: {  	_ = 	snop  }
0x7: {  	_ = 	snop  }
__scs_overlays_trampoline_lowered:
0x8: {  	[smem:$0x3FAA] =	sst s0  }
0x9: {  	[smem:$0x3FAB] =	sst s1  }
0xa: {  	[smem:$0x3FAC] =	sst s2  }
0xb: {  	[smem:$0x3FAD] =	sst s3  }
0xc: {  	[smem:$0x3FAE] =	sst s4  }
0xd: {  	[smem:$0x3FAF] =	sst s5  }
0xe: {  	[smem:$0x3FB0] =	sst s6  }
0xf: {  	[smem:$0x3FB1] =	sst s7  }
0x10: {  	[smem:$0x3FB2] =	sst s8  }
0x11: {  	[smem:$0x3FB3] =	sst s9;
	s0 =	simm.s32 @!p0 $0x0  }
0x12: {  	s1 =	sld [smem:$0x3F99];
	s0 =	simm.s32 @p0 $0x1  }
0x13: {  	[smem:$0x3FB4] =	sst s0;
	s0 =	simm.s32 @!p1 $0x0  }
0x14: {  	s2 =	sld [smem:$0x3F98];
	s0 =	simm.s32 @p1 $0x1  }
0x15: {  	[smem:$0x3FB5] =	sst s0;
	s0 =	simm.s32 @!p2 $0x0  }
0x16: {  	s3 =	sld [smem:$0x3FDB];
	s0 =	simm.s32 @p2 $0x1  }
0x17: {  	s4 =	simm.s32 $0x1BF5;
	[smem:$0x3FB7] =	sst s0  }
0x18: {  	s0 =	sld [smem:$0x3F9A];
	_ =	swait.ge [sflag:s4], $0x0  }
0x19: {  	s7 =	sld [smem:$0x3F9B]  }
0x1a: {  	s8 =	sadd.s32 $0xFFFFE003, lr  }
0x1b: {  	s9 =	sadd.s32 $0xFFFFFEF7, lr;
	s5 =	simm.s32 $0xFFFFFFFF;
	p2 =	slt.u32 s8, $0xFFFFF086  }
0x1c: {  	p1 =	slt.u32 s9, $0xF7A;
	s5 =	simm.s32 @!p2 $0x0  }
0x1d: {  	s5 =	simm.s32 @p1 $0x1;
	p0 =	seq.s32 s7, s2  }
0x1e: {  	s7 =	smul.u32 @!p0 $0xF7A, s2;
	p2 =	seq.s32 @!p0 s5, $0x0  }
0x1f: {  	s9 =	smul.u32 $0xF7A, s1;
	s8 =	simm.s32 @!p0 $0x1BF5;
	p2 =	por !p2, p0  }
0x20: {  	[sflag:s8] =	ssyncset.s32 @!p0 $0xFFFFF086;
	s6 =	sadd.s32 @!p0 s3, s7;
	s7 =	simm.s32 @!p0 $0x108  }
0x21: {  	s3 =	sadd.s32 s3, s9;
	s6 =	sadd.s32 @!p0 $0x88, s6;
	s7 =	simm.s32 @p2 $0x1082  }
0x22: {  	[simem:s7], [sflag:s8] =	dma.local @!p0 [hbm:s6], $0xF7A  }
0x23: {  	s9 =	sor.u32 $0xD0000000, s2;
	s6 =	simm.s32 $0x108;
	_ =	swait.ge @!p0 [sflag:s8], $0x0  }
0x24: {  	s3 =	sadd.s32 $0x88, s3;
	s6 =	simm.s32 @!p1 $0x1082;
	[sflag:s4] =	ssyncset.s32 $0xFFFFF086  }
0x25: {  	[simem:s6], [sflag:s4] =	dma.local [hbm:s3], $0xF7A  }
0x26: {  	[smem:$0x3F9B] =	sst s1;
	(tag) =	ssettag s2;
	_ =	strace s9  }
0x27: {  	s1 =	sld [smem:$0x3FAB]  }
0x28: {  	s2 =	sld [smem:$0x3FAC]  }
0x29: {  	s4 =	sld [smem:$0x3FAE]  }
0x2a: {  	p0 =	seq.s32 s5, $0x0;
	s5 =	sld [smem:$0x3FAF]  }
0x2b: {  	s6 =	sld [smem:$0x3FB0]  }
0x2c: {  	s7 =	sld [smem:$0x3FB1]  }
0x2d: {  	s3 =	simm.s32 $0x108;
	s8 =	sld [smem:$0x3FB2]  }
0x2e: {  	s3 =	simm.s32 @!p0 $0x1082;
	s9 =	sld [smem:$0x3FB3]  }
0x2f: {  	lr =	sadd.s32 s0, s3;
	s0 =	sld [smem:$0x3FAA]  }
0x30: {  	s3 =	sld [smem:$0x3FAD]  }
0x31: {  	[smem:$0x3FB6] =	sst s10  }
0x32: {  	s10 =	sld [smem:$0x3FB4];
	_ =	sdelay $0x3  }
0x33: {  	p0 =	seq.s32 s10, $0x1;
	s10 =	sld [smem:$0x3FB6];
	_ =	sdelay $0x3  }
0x34: {  	[smem:$0x3FB6] =	sst s10  }
0x35: {  	s10 =	sld [smem:$0x3FB5];
	_ =	sdelay $0x3  }
0x36: {  	p1 =	seq.s32 s10, $0x1;
	s10 =	sld [smem:$0x3FB6];
	_ =	sdelay $0x3  }
0x37: {  	[smem:$0x3FB6] =	sst s10  }
0x38: {  	s10 =	sld [smem:$0x3FB7]  }
0x39: {  	_ = 	snop;
	(pc) =	sbr.ind lr, $3  }
0x3a: {  	_ = 	snop  }
0x3b: {  	_ = 	snop  }
0x3c: {  	p2 =	seq.s32 s10, $0x1;
	s10 =	sld [smem:$0x3FB6]  }
0x3d: {  	_ =	shalt  }
0x3e: {  	_ =	shalt  }
0x3f: {  	_ =	shalt  }
0x40: {  	_ =	shalt  }
0x41: {  	_ =	shalt  }
0x42: {  	_ =	shalt  }
0x43: {  	_ =	shalt  }
0x44: {  	_ =	shalt  }
0x45: {  	_ =	shalt  }
0x46: {  	_ =	shalt  }
0x47: {  	_ =	shalt  }
0x48: {  	_ =	shalt  }
0x49: {  	_ =	shalt  }
0x4a: {  	_ =	shalt  }
0x4b: {  	_ =	shalt  }
0x4c: {  	_ =	shalt  }
0x4d: {  	_ =	shalt  }
0x4e: {  	_ =	shalt  }
0x4f: {  	_ =	shalt  }
0x50: {  	_ =	shalt  }
0x51: {  	_ =	shalt  }
0x52: {  	_ =	shalt  }
0x53: {  	_ =	shalt  }
0x54: {  	_ =	shalt  }
0x55: {  	_ =	shalt  }
0x56: {  	_ =	shalt  }
0x57: {  	_ =	shalt  }
0x58: {  	_ =	shalt  }
0x59: {  	_ =	shalt  }
0x5a: {  	_ =	shalt  }
0x5b: {  	_ =	shalt  }
0x5c: {  	_ =	shalt  }
0x5d: {  	_ =	shalt  }
0x5e: {  	_ =	shalt  }
0x5f: {  	_ =	shalt  }
0x60: {  	_ =	shalt  }
0x61: {  	_ =	shalt  }
0x62: {  	_ =	shalt  }
0x63: {  	_ =	shalt  }
0x64: {  	_ =	shalt  }
0x65: {  	_ =	shalt  }
0x66: {  	_ =	shalt  }
0x67: {  	_ =	shalt  }
0x68: {  	_ =	shalt  }
0x69: {  	_ =	shalt  }
0x6a: {  	_ =	shalt  }
0x6b: {  	_ =	shalt  }
0x6c: {  	_ =	shalt  }
0x6d: {  	_ =	shalt  }
0x6e: {  	_ =	shalt  }
0x6f: {  	_ =	shalt  }
0x70: {  	_ =	shalt  }
0x71: {  	_ =	shalt  }
0x72: {  	_ =	shalt  }
0x73: {  	_ =	shalt  }
0x74: {  	_ =	shalt  }
0x75: {  	_ =	shalt  }
0x76: {  	_ =	shalt  }
0x77: {  	_ =	shalt  }
0x78: {  	_ =	shalt  }
0x79: {  	_ =	shalt  }
0x7a: {  	_ =	shalt  }
0x7b: {  	_ =	shalt  }
0x7c: {  	_ =	shalt  }
0x7d: {  	_ =	shalt  }
0x7e: {  	_ =	shalt  }
0x7f: {  	_ =	shalt  }
0x80: {  	_ =	shalt  }
0x81: {  	_ =	shalt  }
0x82: {  	_ =	shalt  }
0x83: {  	_ =	shalt  }
0x84: {  	_ =	shalt  }
0x85: {  	_ =	shalt  }
0x86: {  	_ =	shalt  }
0x87: {  	_ =	shalt  }
.Lfunc_end0:
.L_simem_size_0:
called_computation.1_lowered:
.L_overlay_start_0:
0x88: {  	s2 =	sld [smem:$0x3FD9]  }
0x89: {  	s3 =	sld [smem:$0x3FFE];
	_ =	sdelay $0x1  }
0x8a: {  	s1 =	srdreg.scid  }
0x8b: {  	s0 =	sand.u32 $0x1, s1  }
0x8c: {  	s14 =	sshll.u32 s0, $0xA;
	s2 =	sadd.s32 s3, s2  }
0x8d: {  	s2 =	sadd.s32 s2, s14  }
0x8e: {  	[smem:$0x3FC2] =	sst s2  }
0x8f: {  	_ = 	snop  }
0x90: {  	s2 =	sld [smem:$0x3FD0];
	_ =	sdelay $0x2  }
0x91: {  	s15 =	simm.s32 $0xA;
	s4 =	simm.s32 $0x10  }
0x92: {  	[smem:s4], [sflag:s15] =	dma.local [hbm:s2], $0x1  }
0x93: {  	_ =	swait.eq [sflag:s15], $0x1  }
0x94: {  	[sflag:s15] =	ssyncset.done $0x0  }
0x95: {  	s16 =	sld [smem:$0x10];
	[sflag:s15] =	ssyncadd.s32 $0xFFFFFFFF  }
0x96: {  	s17 =	sld [smem:$0x11];
	(tm) =	ssettm $0x1  }
0x97: {  	s18 =	sld [smem:$0x3FFB];
	_ =	sdelay $0x3  }
0x98: {  	_ =	strace s18  }
0x99: {  	s4 =	sld [smem:$0x3FFC];
	_ =	sdelay $0x3  }
0x9a: {  	_ =	strace s4  }
0x9b: {  	s4 =	sld [smem:$0x3FFD];
	_ =	sdelay $0x3  }
0x9c: {  	_ =	strace s4  }
0x9d: {  	_ =	strace $0x8FFFFFFF  }
0x9e: {  	s19 =	sld [smem:$0x3FDB];
	_ =	sdelay $0x1  }
0x9f: {  	s5 =	simm.s32 $_scs_section_size  }
0xa0: {  	s6 =	simm.s32 $_size__tile_overlayer_lowered;
	s7 =	simm.s32 $_tile_overlayer_lowered  }
0xa1: {  	s22 =	simm.s32 $0x1BFF;
	s21 =	sshll.u32 s7, $0x1;
	s4 =	sadd.s32 s5, s19  }
0xa2: {  	s8 =	simm.s32 $0x0;
	s20 =	sshll.u32 s6, $0x1;
	s6 =	sadd.s32 s21, s4  }
0xa3: {  	[timem:s8], [sflag:s22] =	dma.local [hbm:s6], s20  }
0xa4: {  	_ =	swait.ge [sflag:s22], s20  }
0xa5: {  	s5 =	ssub.s32 $0x0, s20;
	[sflag:s22] =	ssyncset.done $0x0  }
0xa6: {  	[sflag:s22] =	ssyncadd.s32 s5;
	_ =	sdelay $0x1  }
0xa7: {  	s23 =	simm.s32 $0x1B8B  }
0xa8: {  	_ =	swait.ge [sflag:s23], $0x1  }
0xa9: {  	[sflag:s23] =	ssyncset.done $0x0  }
0xaa: {  	s25 =	simm.s32 $0x1B8E;
	s24 =	sld [smem:$0x3FFE];
	[sflag:s23] =	ssyncadd.s32 $0xFFFFFFFF  }
0xab: {  	s26 =	simm.s32 $execute0_lowered;
	[smem:$0x3FD2] =	sst s25  }
0xac: {  	s6 =	sshll.u32 s26, $0x1;
	_ =	strace $0x80000049;
	[dreg:$0x1] =	wrdreg $0xFFFFFFFF  }
0xad: {  	s28 =	simm.s32 $_size_execute0_lowered;
	s4 =	sadd.s32 s4, s6;
	[dreg:$0x0] =	wrdreg $0x0  }
0xae: {  	s6 =	sshll.u32 s28, $0x1;
	[dreg:$0x2] =	wrdreg s4  }
0xaf: {  	[dreg:$0x3] =	wrdreg s6  }
0xb0: {  	[dreg:$0x4] =	wrdreg $0xC0  }
0xb1: {  	_ =	task [dreg:s8], $0x5FFFF  }
0xb2: {  	[dreg:$0x1] =	wrdreg $0xFFFFFFFF  }
0xb3: {  	[dreg:$0x0] =	wrdreg $0x60  }
0xb4: {  	[dreg:$0x2] =	wrdreg s24  }
0xb5: {  	[dreg:$0x3] =	wrdreg s17  }
0xb6: {  	[dreg:$0x4] =	wrdreg s16  }
0xb7: {  	[dreg:$0x5] =	wrdreg $0x84000  }
0xb8: {  	[dreg:$0x6] =	wrdreg $0x9  }
0xb9: {  	_ =	task.clear_ibuf [dreg:s8], $0x7FFFF;
	_ =	strace $0x90000049  }
0xba: {  	s29 =	simm.s32 $0x9;
	_ =	strace $0x8000004B  }
0xbb: {  	_ =	swait.ge [sflag:s29], $0x1  }
0xbc: {  	[sflag:s29] =	ssyncadd.s32 $0xFFFFFFFF  }
0xbd: {  	_ =	strace $0x9000004B  }
0xbe: {  	_ =	sfence  }
0xbf: {  	s30 =	sld [smem:$0x0];
	_ =	sdelay $0x2  }
0xc0: {  	s31 =	sshll.u32 s1, $0xD;
	s1 =	sshrl.u32 s1, $0x2  }
0xc1: {  	s3 =	sand.u32 $0x4000, s31;
	s1 =	sadd.s32 s1, s30  }
0xc2: {  	s0 =	sor.u32 s3, s0;
	s1 =	sshll.u32 s1, $0x11  }
0xc3: {  	s0 =	sor.u32 s1, s0  }
0xc4: {  	s0 =	sadd.s32 $0x8F2B, s0  }
0xc5: {  	[sflag:s0] =	ssyncadd.remote.s32 $0x1  }
0xc6: {  	_ =	sfence.sel $0xFFFF  }
0xc7: {  	[dreg:$0x0] =	wrdreg $0xFFFFFFFF;
	(pc) =	sbr.abs _section_cstart, $3  }
0xc8: {  	[dreg:$0x1] =	wrdreg $0xFFFFFFFF  }
0xc9: {  	_ =	task.clear_ibuf [dreg:s8], $0x2FFFF;
	_ =	strace $0x9FFFFFFF  }
0xca: {  	(tm) =	ssettm $0x7FFFFFFF  }
0xcb: {  	_ =	shalt  }
tec
execute0_lowered:
.L_overlay_start_1:
0x0: {  	(tag) =	ssettag $0x1  }
0x1: {  	s5 =	rddreg [dreg:$0x0]  }
0x2: {  	s2 =	rddreg [dreg:$0x1]  }
0x3: {  	s6 =	rddreg [dreg:$0x2]  }
0x4: {  	s1 =	rddreg [dreg:$0x3];
	s3 =	simm.s32 $0x0  }
0x5: {  	s0 =	srdreg.scid;
	s16 =	stileid.u32;
	s28 =	simm.s32 $0x0  }
0x6: {  	[smem:$0x7FF] =	sst s3;
	s7 =	sand.u32 $0x1, s0;
	s0 =	smul.u32 $0x2800, s16  }
0x7: {  	s4 =	sadd.s32 $0xBA00, s5;
	s9 =	sadd.s32 $0x1C00, s5;
	s14 =	smul.u32 $0x50000, s16  }
0x8: {  	s15 =	smul.u32 $0x4E, s16;
	s29 =	sshll.u32 s16, $0x6;
	_ =	strace $0x8000004A  }
0x9: {  	s8 =	sshll.u32 s7, $0x4;
	s10 =	ssub.s32 $0x2, s7;
	s26 =	smul.u32 $0x4E0, s7  }
0xa: {  	s7 =	smul.u32 $0x28000, s7;
	s8 =	sor.u32 s16, s8;
	s11 =	sadd.s32 s0, s5  }
0xb: {  	s25 =	sshrl.u32 s10, $0x1;
	s5 =	simm.s32 $0x4F;
	s14 =	sshrl.u32 s14, $0x2  }
0xc: {  	s12 =	smul.u32 $0x4E, s8;
	s10 =	ssub.s32 s10, s25;
	s13 =	smin.u32 s8, $0x4  }
0xd: {  	p0 =	slt.u32 s8, $0x4;
	s14 =	sadd.s32 s14, s1;
	s11 =	sadd.s32 $0x32C00, s11  }
0xe: {  	s30 =	sadd.s32 s15, s26;
	s8 =	sor.u32 $0x1C09, s29;
	s6 =	sadd.s32 s6, s7  }
0xf: {  	s5 =	simm.s32 @!p0 $0x4E;
	[dreg:$0xe] =	wrdreg s14;
	s14 =	sadd.s32 s13, s30  }
0x10: {  	[dreg:$0xf] =	wrdreg s11;
	s12 =	sadd.s32 s13, s12;
	s11 =	sshll.u32 s14, $0x4  }
0x11: {  	s17 =	sadd.s32 $0xFFFFFFFE, s5;
	s14 =	simm.s32 $0x9;
	s12 =	sshll.u32 s12, $0x4  }
0x12: {  	s18 =	sadd.s32 $0x20, s11;
	[dreg:$0x5] =	wrdreg s17;
	s21 =	sadd.s32 $0x30, s11  }
0x13: {  	s24 =	sadd.s32 s11, s9;
	s26 =	sadd.s32 s11, s2;
	s31 =	sadd.s32 s9, s12  }
0x14: {  	s11 =	sadd.s32 $0x50, s11;
	s15 =	sadd.s32 s2, s12;
	[dreg:$0x10] =	wrdreg s31  }
0x15: {  	s17 =	simm.s32 $0x280;
	s19 =	sadd.s32 s18, s9;
	[dreg:$0x11] =	wrdreg s15  }
0x16: {  	s12 =	sadd.s32 $0x10, s12;
	s20 =	sadd.s32 s18, s2;
	[dreg:$0x6] =	wrdreg s19  }
0x17: {  	s22 =	sadd.s32 s21, s9;
	s23 =	sadd.s32 s21, s2;
	[dreg:$0x7] =	wrdreg s20  }
0x18: {  	s25 =	sadd.s32 $0x40, s24;
	s29 =	sadd.s32 $0x40, s26;
	[dreg:$0x8] =	wrdreg s22  }
0x19: {  	s30 =	sadd.s32 s11, s9;
	s18 =	simm.s32 $0x5;
	[dreg:$0x9] =	wrdreg s23  }
0x1a: {  	s21 =	simm.s32 $0x4400;
	s24 =	sadd.s32 s0, s6;
	[dreg:$0xa] =	wrdreg s25  }
0x1b: {  	s26 =	simm.s32 $0x4;
	s16 =	sadd.s32 s9, s12;
	[dreg:$0xb] =	wrdreg s29  }
0x1c: {  	s12 =	sadd.s32 s2, s12;
	s31 =	smax.u32 s10, $0x1;
	[dreg:$0xc] =	wrdreg s30  }
0x1d: {  	s2 =	sadd.s32 s11, s2;
	s15 =	simm.s32 $0x200;
	[dreg:$0x12] =	wrdreg s16  }
0x1e: {  	s19 =	simm.s32 $0x400;
	s20 =	simm.s32 $0x6;
	[dreg:$0x13] =	wrdreg s12  }
0x1f: {  	s22 =	simm.s32 $0x1;
	s23 =	simm.s32 $0x2;
	[dreg:$0x14] =	wrdreg s31  }
0x20: {  	s25 =	simm.s32 $0x3;
	[dreg:$0xd] =	wrdreg s2;
	s16 =	simm.s32 $0x80  }
.LBB2_1:
0x21: {  	s0 =	rddreg [dreg:$0xe]  }
0x22: {  	s7 =	rddreg [dreg:$0xf];
	s29 =	sshrl.u32 s0, $0x3  }
0x23: {  	[spmem:s29], [sflag:s8] =	dma.local [hbm:s7], $0x2800  }
0x24: {  	_ =	swait.ge [sflag:s14], $0x2800  }
0x25: {  	[sflag:s14] =	ssyncset.done $0x0  }
0x26: {  	s9 =	rddreg [dreg:$0x10];
	[sflag:s14] =	ssyncadd.s32 $0xFFFFD800  }
0x27: {  	[tilespmem:s3], [sflag:$0x5] =	stream.linear.gather [hbm4b:s9+s3], $0x80, $0x38;
	[tilespmem:$0x1C400] =	vst v63  }
0x28: {  	s10 =	rddreg [dreg:$0x11]  }
0x29: {  	[tilespmem:s15], [sflag:$0x5] =	stream.linear.gather [hbm4b:s10+s3], $0x80, $0x38;
	[tilespmem:$0x1C400] =	vst v63  }
0x2a: {  	s11 =	rddreg [dreg:$0x12]  }
0x2b: {  	[tilespmem:s16], [sflag:$0x6] =	stream.linear.gather [hbm4b:s11+s3], $0x80, $0x38;
	[tilespmem:$0x1C400] =	vst v63  }
0x2c: {  	p0 =	por $0x1, $0x1;
	s12 =	rddreg [dreg:$0x13]  }
0x2d: {  	[tilespmem:s17], [sflag:$0x6] =	stream.linear.gather [hbm4b:s12+s3], $0x80, $0x38;
	[tilespmem:$0x1C400] =	vst v63  }
0x2e: {  	s0 =	simm.s32 @!p0 $0x3;
	[bflag:$0x0] =	sbarrier.arrive $0xFFFF  }
0x2f: {  	_ =	swait.ge @!p0 [sflag:s0], $0x4000  }
0x30: {  	[sflag:s0] =	ssyncset.done @!p0 $0x0  }
0x31: {  	[sflag:s0] =	ssyncadd.s32 @!p0 $0xFFFFC000  }
0x32: {  	_ =	swait.ge [sflag:s18], $0x80  }
0x33: {  	[sflag:s18] =	ssyncset.done $0x0  }
0x34: {  	[sflag:s18] =	ssyncadd.s32 $0xFFFFFF80  }
0x35: {  	_ =	swait.ge [sflag:s18], $0x80  }
0x36: {  	p1 =	sle.u32 s5, $0x2;
	[sflag:s18] =	ssyncset.done $0x0  }
0x37: {  	s6 =	simm.s32 @!p1 $0x0;
	s0 =	rddreg [dreg:$0x6];
	[sflag:s18] =	ssyncadd.s32 $0xFFFFFF80  }
0x38: {  	[tilespmem:s19], [sflag:$0x1] =	stream.indirect.gather [hbm4b:s4+s16], $0x80, s3, s16, $0xb8;
	[tilespmem:$0x1C400] =	vst v63  }
0x39: {  	s7 =	simm.s32 @!p1 $0x100;
	s2 =	rddreg [dreg:$0x7];
	s0 =	sadd.s32 @!p1 $0x0, s0  }
0x3a: {  	[tilespmem:s7], [sflag:$0x7] =	stream.linear.gather @!p1 [hbm4b:s0+s6], $0x80, $0x38;
	[tilespmem:$0x1C400] =	vst v63  }
0x3b: {  	s0 =	sadd.s32 @!p1 $0x0, s2;
	s2 =	simm.s32 @!p1 $0x300;
	s7 =	simm.s32 @!p0 $0x2  }
0x3c: {  	[tilespmem:s2], [sflag:$0x7] =	stream.linear.gather @!p1 [hbm4b:s0+s6], $0x80, $0x38;
	[tilespmem:$0x1C400] =	vst v63  }
0x3d: {  	_ =	swait.ge @!p0 [sflag:s7], $0x4000  }
0x3e: {  	s0 =	simm.s32 @!p0 $0x4400;
	s2 =	simm.s32 @!p0 $0x4;
	[sflag:s7] =	ssyncset.done @!p0 $0x0  }
0x3f: {  	s6 =	simm.s32 @!p0 $0x80;
	[sflag:s7] =	ssyncadd.s32 @!p0 $0xFFFFC000;
	s7 =	simm.s32 @!p0 $0x380  }
0x40: {  	[spmem:s1] =	stream.indirect.scatter.add.f32 @!p0 [tilespmem:s0], [sflag:$0x4], $0x80, s7, s6, $0xb8;
	[tilespmem:$0x1C400] =	vst v63  }
0x41: {  	_ =	swait.ge @!p0 [sflag:s2], $0x4000  }
0x42: {  	[sflag:s2] =	ssyncset.done @!p0 $0x0  }
0x43: {  	[sflag:s2] =	ssyncadd.s32 @!p0 $0xFFFFC000  }
0x44: {  	_ =	swait.ge [sflag:s20], $0x80  }
0x45: {  	[sflag:s20] =	ssyncset.done $0x0  }
0x46: {  	[sflag:s20] =	ssyncadd.s32 $0xFFFFFF80  }
0x47: {  	_ =	swait.ge [sflag:s20], $0x80  }
0x48: {  	p0 =	sle.u32 s5, $0x3;
	[sflag:s20] =	ssyncset.done $0x0  }
0x49: {  	s7 =	simm.s32 @!p0 $0x0;
	s0 =	rddreg [dreg:$0x8];
	[sflag:s20] =	ssyncadd.s32 $0xFFFFFF80  }
0x4a: {  	[tilespmem:s21], [sflag:$0x2] =	stream.indirect.gather [hbm4b:s4+s16], $0x80, s16, s16, $0xb8;
	[tilespmem:$0x1C400] =	vst v63  }
0x4b: {  	s6 =	simm.s32 @!p0 $0x180;
	s2 =	rddreg [dreg:$0x9];
	s0 =	sadd.s32 @!p0 $0x0, s0  }
0x4c: {  	[tilespmem:s6], [sflag:$0x8] =	stream.linear.gather @!p0 [hbm4b:s0+s7], $0x80, $0x38;
	[tilespmem:$0x1C400] =	vst v63  }
0x4d: {  	s0 =	sadd.s32 @!p0 $0x0, s2;
	s2 =	simm.s32 @!p0 $0x380  }
0x4e: {  	[tilespmem:s2], [sflag:$0x8] =	stream.linear.gather @!p0 [hbm4b:s0+s7], $0x80, $0x38;
	[tilespmem:$0x1C400] =	vst v63  }
0x4f: {  	_ =	swait.ge [sflag:s22], $0x4000  }
0x50: {  	[sflag:s22] =	ssyncset.done $0x0;
	s13 =	rddreg [dreg:$0x5]  }
0x51: {  	[sflag:s22] =	ssyncadd.s32 $0xFFFFC000;
	p1 =	sle.u32 s13, $0x0  }
0x52: {  	[spmem:s1] =	stream.indirect.scatter.add.f32 [tilespmem:s19], [sflag:$0x3], $0x80, s15, s16, $0xb8;
	[tilespmem:$0x1C400] =	vst v63  }
0x53: {  	s0 =	simm.s32 @!p1 $0x3  }
0x54: {  	_ =	swait.ge @!p1 [sflag:s0], $0x4000  }
0x55: {  	[sflag:s0] =	ssyncset.done @!p1 $0x0  }
0x56: {  	[sflag:s0] =	ssyncadd.s32 @!p1 $0xFFFFC000;
	s0 =	simm.s32 @!p1 $0x7  }
0x57: {  	_ =	swait.ge @!p1 [sflag:s0], $0x80  }
0x58: {  	[sflag:s0] =	ssyncset.done @!p1 $0x0  }
0x59: {  	[sflag:s0] =	ssyncadd.s32 @!p1 $0xFFFFFF80  }
0x5a: {  	p2 =	sle.u32 @!p1 s5, $0x4;
	s2 =	simm.s32 @!p1 $0x100;
	_ =	swait.ge @!p1 [sflag:s0], $0x80  }
0x5b: {  	s7 =	simm.s32 @!p1 $0x400;
	s9 =	simm.s32 @!p1 $0x80;
	[sflag:s0] =	ssyncset.done @!p1 $0x0  }
0x5c: {  	p2 =	por p2, p1;
	s10 =	rddreg [dreg:$0xa];
	[sflag:s0] =	ssyncadd.s32 @!p1 $0xFFFFFF80  }
0x5d: {  	[tilespmem:s7], [sflag:$0x1] =	stream.indirect.gather @!p1 [hbm4b:s4+s9], $0x80, s2, s9, $0xb8;
	[tilespmem:$0x1C400] =	vst v63  }
0x5e: {  	s0 =	rddreg [dreg:$0xb];
	s2 =	sadd.s32 @!p2 $0x0, s10;
	s7 =	simm.s32 @!p2 $0x0  }
0x5f: {  	[tilespmem:s7], [sflag:$0x5] =	stream.linear.gather @!p2 [hbm4b:s2+s7], $0x80, $0x38;
	[tilespmem:$0x1C400] =	vst v63  }
0x60: {  	s0 =	sadd.s32 @!p2 $0x0, s0;
	s2 =	simm.s32 @!p2 $0x200  }
0x61: {  	[tilespmem:s2], [sflag:$0x5] =	stream.linear.gather @!p2 [hbm4b:s0+s7], $0x80, $0x38;
	[tilespmem:$0x1C400] =	vst v63  }
0x62: {  	_ =	swait.ge [sflag:s23], $0x4000  }
0x63: {  	[sflag:s23] =	ssyncset.done $0x0  }
0x64: {  	s0 =	simm.s32 @!p0 $0x4;
	[sflag:s23] =	ssyncadd.s32 $0xFFFFC000  }
0x65: {  	[spmem:s1] =	stream.indirect.scatter.add.f32 [tilespmem:s21], [sflag:$0x4], $0x80, s17, s16, $0xb8;
	[tilespmem:$0x1C400] =	vst v63  }
0x66: {  	_ =	swait.ge @!p0 [sflag:s0], $0x4000  }
0x67: {  	[sflag:s0] =	ssyncset.done @!p0 $0x0  }
0x68: {  	s2 =	simm.s32 @!p0 $0x8;
	[sflag:s0] =	ssyncadd.s32 @!p0 $0xFFFFC000  }
0x69: {  	s30 =	simm.s32 $0x40;
	s31 =	simm.s32 $0x4;
	_ =	swait.ge @!p0 [sflag:s2], $0x80  }
0x6a: {  	p3 =	slt.u32 s5, $0x3;
	s11 =	simm.s32 @!p0 $0x80;
	[sflag:s2] =	ssyncset.done @!p0 $0x0  }
0x6b: {  	p1 =	sle.u32 @!p0 s5, $0x5;
	s9 =	simm.s32 @!p0 $0x4400;
	[sflag:s2] =	ssyncadd.s32 @!p0 $0xFFFFFF80  }
0x6c: {  	p4 =	por p1, p0;
	p2 =	por $0x0, $0x0;
	_ =	swait.ge @!p0 [sflag:s2], $0x80  }
0x6d: {  	s0 =	simm.s32 $0x80;
	[sflag:s2] =	ssyncset.done @!p0 $0x0;
	s12 =	rddreg [dreg:$0xc]  }
0x6e: {  	s10 =	rddreg [dreg:$0xd];
	[sflag:s2] =	ssyncadd.s32 @!p0 $0xFFFFFF80;
	s2 =	simm.s32 $0x0  }
.LBB2_2:
0x6f: {  	[tilespmem:s9], [sflag:$0x2] =	stream.indirect.gather @!p0 [hbm4b:s4+s11], $0x80, s6, s11, $0xb8;
	[tilespmem:$0x1C400] =	vst v63  }
0x70: {  	s7 =	sadd.s32 @!p4 s2, s12;
	s9 =	simm.s32 @!p4 $0x0;
	s11 =	simm.s32 @!p4 $0x80  }
0x71: {  	[tilespmem:s11], [sflag:$0x6] =	stream.linear.gather @!p4 [hbm4b:s7+s9], $0x80, $0x38;
	[tilespmem:$0x1C400] =	vst v63  }
0x72: {  	s2 =	sadd.s32 @!p4 s2, s10;
	s10 =	simm.s32 @!p3 $0x1;
	s7 =	simm.s32 @!p4 $0x280  }
0x73: {  	[tilespmem:s7], [sflag:$0x6] =	stream.linear.gather @!p4 [hbm4b:s2+s9], $0x80, $0x38;
	[tilespmem:$0x1C400] =	vst v63  }
0x74: {  	_ =	swait.ge @!p3 [sflag:s10], $0x4000  }
0x75: {  	s12 =	simm.s32 @!p3 $0x300;
	s11 =	simm.s32 @!p3 $0x80;
	[sflag:s10] =	ssyncset.done @!p3 $0x0  }
0x76: {  	s7 =	simm.s32 @!p2 $0x3;
	s9 =	simm.s32 @!p3 $0x400;
	[sflag:s10] =	ssyncadd.s32 @!p3 $0xFFFFC000  }
0x77: {  	[spmem:s1] =	stream.indirect.scatter.add.f32 @!p3 [tilespmem:s9], [sflag:$0x3], $0x80, s12, s11, $0xb8;
	[tilespmem:$0x1C400] =	vst v63  }
0x78: {  	_ =	swait.ge @!p2 [sflag:s7], $0x4000  }
0x79: {  	[sflag:s7] =	ssyncset.done @!p2 $0x0  }
0x7a: {  	[sflag:s7] =	ssyncadd.s32 @!p2 $0xFFFFC000  }
0x7b: {  	_ =	swait.ge [sflag:s18], $0x80  }
0x7c: {  	[sflag:s18] =	ssyncset.done $0x0  }
0x7d: {  	[sflag:s18] =	ssyncadd.s32 $0xFFFFFF80  }
0x7e: {  	s12 =	sadd.s32 $0x2, s31;
	_ =	swait.ge [sflag:s18], $0x80  }
0x7f: {  	s2 =	smov.u32 s30;
	p0 =	sge.u32 s12, s5;
	[sflag:s18] =	ssyncset.done $0x0  }
0x80: {  	s6 =	simm.s32 @!p0 $0x0;
	s10 =	rddreg [dreg:$0x6];
	[sflag:s18] =	ssyncadd.s32 $0xFFFFFF80  }
0x81: {  	[tilespmem:s19], [sflag:$0x1] =	stream.indirect.gather [hbm4b:s4+s16], $0x80, s3, s16, $0xb8;
	[tilespmem:$0x1C400] =	vst v63  }
0x82: {  	s7 =	simm.s32 @!p0 $0x100;
	s9 =	rddreg [dreg:$0x7];
	s10 =	sadd.s32 @!p0 s2, s10  }
0x83: {  	[tilespmem:s7], [sflag:$0x7] =	stream.linear.gather @!p0 [hbm4b:s10+s6], $0x80, $0x38;
	[tilespmem:$0x1C400] =	vst v63  }
0x84: {  	s9 =	sadd.s32 @!p0 s2, s9;
	s7 =	simm.s32 @!p0 $0x300;
	s10 =	simm.s32 @!p2 $0x2  }
0x85: {  	[tilespmem:s7], [sflag:$0x7] =	stream.linear.gather @!p0 [hbm4b:s9+s6], $0x80, $0x38;
	[tilespmem:$0x1C400] =	vst v63  }
0x86: {  	_ =	swait.ge @!p2 [sflag:s10], $0x4000  }
0x87: {  	s6 =	simm.s32 @!p2 $0x4400;
	s7 =	simm.s32 @!p2 $0x4;
	[sflag:s10] =	ssyncset.done @!p2 $0x0  }
0x88: {  	s9 =	simm.s32 @!p2 $0x80;
	[sflag:s10] =	ssyncadd.s32 @!p2 $0xFFFFC000;
	s10 =	simm.s32 @!p2 $0x380  }
0x89: {  	[spmem:s1] =	stream.indirect.scatter.add.f32 @!p2 [tilespmem:s6], [sflag:$0x4], $0x80, s10, s9, $0xb8;
	[tilespmem:$0x1C400] =	vst v63  }
0x8a: {  	_ =	swait.ge @!p2 [sflag:s7], $0x4000  }
0x8b: {  	[sflag:s7] =	ssyncset.done @!p2 $0x0  }
0x8c: {  	[sflag:s7] =	ssyncadd.s32 @!p2 $0xFFFFC000  }
0x8d: {  	_ =	swait.ge [sflag:s20], $0x80  }
0x8e: {  	[sflag:s20] =	ssyncset.done $0x0  }
0x8f: {  	[sflag:s20] =	ssyncadd.s32 $0xFFFFFF80  }
0x90: {  	s7 =	sadd.s32 $0x3, s31;
	_ =	swait.ge [sflag:s20], $0x80  }
0x91: {  	p0 =	sge.u32 s7, s5;
	[sflag:s20] =	ssyncset.done $0x0  }
0x92: {  	s12 =	simm.s32 @!p0 $0x0;
	s6 =	rddreg [dreg:$0x8];
	[sflag:s20] =	ssyncadd.s32 $0xFFFFFF80  }
0x93: {  	[tilespmem:s21], [sflag:$0x2] =	stream.indirect.gather [hbm4b:s4+s16], $0x80, s16, s16, $0xb8;
	[tilespmem:$0x1C400] =	vst v63  }
0x94: {  	s9 =	rddreg [dreg:$0x9];
	s11 =	sadd.s32 @!p0 s2, s6;
	s6 =	simm.s32 @!p0 $0x180  }
0x95: {  	[tilespmem:s6], [sflag:$0x8] =	stream.linear.gather @!p0 [hbm4b:s11+s12], $0x80, $0x38;
	[tilespmem:$0x1C400] =	vst v63  }
0x96: {  	s9 =	sadd.s32 @!p0 s2, s9;
	s11 =	simm.s32 @!p0 $0x380  }
0x97: {  	[tilespmem:s11], [sflag:$0x8] =	stream.linear.gather @!p0 [hbm4b:s9+s12], $0x80, $0x38;
	[tilespmem:$0x1C400] =	vst v63  }
0x98: {  	s13 =	smov.u32 s0;
	_ =	swait.ge [sflag:s22], $0x4000  }
0x99: {  	s30 =	smov.u32 s13;
	[sflag:s22] =	ssyncset.done $0x0;
	s13 =	rddreg [dreg:$0x5]  }
0x9a: {  	[sflag:s22] =	ssyncadd.s32 $0xFFFFC000;
	p2 =	sge.u32 s31, s13  }
0x9b: {  	[spmem:s1] =	stream.indirect.scatter.add.f32 [tilespmem:s19], [sflag:$0x3], $0x80, s15, s16, $0xb8;
	[tilespmem:$0x1C400] =	vst v63  }
0x9c: {  	s9 =	simm.s32 @!p2 $0x3  }
0x9d: {  	_ =	swait.ge @!p2 [sflag:s9], $0x4000  }
0x9e: {  	[sflag:s9] =	ssyncset.done @!p2 $0x0  }
0x9f: {  	[sflag:s9] =	ssyncadd.s32 @!p2 $0xFFFFC000;
	s9 =	simm.s32 @!p2 $0x7  }
0xa0: {  	_ =	swait.ge @!p2 [sflag:s9], $0x80  }
0xa1: {  	s10 =	sadd.s32 @!p0 $0x5, s31;
	[sflag:s9] =	ssyncset.done @!p2 $0x0  }
0xa2: {  	p3 =	sge.u32 @!p0 s10, s5;
	s10 =	sadd.s32 @!p2 $0x4, s31;
	[sflag:s9] =	ssyncadd.s32 @!p2 $0xFFFFFF80  }
0xa3: {  	s11 =	simm.s32 @!p2 $0x400;
	s12 =	simm.s32 @!p2 $0x80;
	_ =	swait.ge @!p2 [sflag:s9], $0x80  }
0xa4: {  	p4 =	sge.u32 @!p2 s10, s5;
	s10 =	simm.s32 @!p2 $0x100;
	[sflag:s9] =	ssyncset.done @!p2 $0x0  }
0xa5: {  	p4 =	por p4, p2;
	s13 =	rddreg [dreg:$0xa];
	[sflag:s9] =	ssyncadd.s32 @!p2 $0xFFFFFF80  }
0xa6: {  	[tilespmem:s11], [sflag:$0x1] =	stream.indirect.gather @!p2 [hbm4b:s4+s12], $0x80, s10, s12, $0xb8;
	[tilespmem:$0x1C400] =	vst v63  }
0xa7: {  	s9 =	rddreg [dreg:$0xb];
	s10 =	sadd.s32 @!p4 s2, s13;
	s11 =	simm.s32 @!p4 $0x0  }
0xa8: {  	[tilespmem:s11], [sflag:$0x5] =	stream.linear.gather @!p4 [hbm4b:s10+s11], $0x80, $0x38;
	[tilespmem:$0x1C400] =	vst v63  }
0xa9: {  	s9 =	sadd.s32 @!p4 s2, s9;
	s10 =	simm.s32 @!p4 $0x200  }
0xaa: {  	[tilespmem:s10], [sflag:$0x5] =	stream.linear.gather @!p4 [hbm4b:s9+s11], $0x80, $0x38;
	[tilespmem:$0x1C400] =	vst v63  }
0xab: {  	_ =	swait.ge [sflag:s23], $0x4000  }
0xac: {  	[sflag:s23] =	ssyncset.done $0x0  }
0xad: {  	s9 =	simm.s32 @!p0 $0x4;
	[sflag:s23] =	ssyncadd.s32 $0xFFFFC000  }
0xae: {  	[spmem:s1] =	stream.indirect.scatter.add.f32 [tilespmem:s21], [sflag:$0x4], $0x80, s17, s16, $0xb8;
	[tilespmem:$0x1C400] =	vst v63  }
0xaf: {  	_ =	swait.ge @!p0 [sflag:s9], $0x4000  }
0xb0: {  	[sflag:s9] =	ssyncset.done @!p0 $0x0  }
0xb1: {  	s0 =	sadd.s32 $0x40, s0;
	s10 =	simm.s32 @!p0 $0x8;
	[sflag:s9] =	ssyncadd.s32 @!p0 $0xFFFFC000  }
0xb2: {  	p1 =	sne.s32 s0, $0x500;
	_ =	swait.ge @!p0 [sflag:s10], $0x80  }
.Ltmp0:
0xb3: {  	[sflag:s10] =	ssyncset.done @!p0 $0x0;
	(pc) =	sbr.rel @p1 .LBB2_2-.Ltmp0, $4  }
0xb4: {  	s31 =	sadd.s32 $0x4, s31;
	p2 =	seq.s32 s30, $0x0;
	[sflag:s10] =	ssyncadd.s32 @!p0 $0xFFFFFF80  }
0xb5: {  	s11 =	simm.s32 @!p0 $0x80;
	p4 =	por p3, p0;
	_ =	swait.ge @!p0 [sflag:s10], $0x80  }
0xb6: {  	p3 =	sgt.u32 s7, s5;
	[sflag:s10] =	ssyncset.done @!p0 $0x0;
	s12 =	rddreg [dreg:$0xc]  }
0xb7: {  	s9 =	simm.s32 @!p0 $0x4400;
	[sflag:s10] =	ssyncadd.s32 @!p0 $0xFFFFFF80;
	s10 =	rddreg [dreg:$0xd]  }
0xb8: {  	[tilespmem:s9], [sflag:$0x2] =	stream.indirect.gather @!p0 [hbm4b:s4+s11], $0x80, s6, s11, $0xb8;
	[tilespmem:$0x1C400] =	vst v63  }
0xb9: {  	s0 =	sadd.s32 @!p4 s2, s12;
	s6 =	simm.s32 @!p4 $0x0;
	s7 =	simm.s32 @!p4 $0x80  }
0xba: {  	[tilespmem:s7], [sflag:$0x6] =	stream.linear.gather @!p4 [hbm4b:s0+s6], $0x80, $0x38;
	[tilespmem:$0x1C400] =	vst v63  }
0xbb: {  	s0 =	sadd.s32 @!p4 s2, s10;
	s2 =	simm.s32 @!p4 $0x280;
	s7 =	simm.s32 @!p3 $0x1  }
0xbc: {  	[tilespmem:s2], [sflag:$0x6] =	stream.linear.gather @!p4 [hbm4b:s0+s6], $0x80, $0x38;
	[tilespmem:$0x1C400] =	vst v63  }
0xbd: {  	_ =	swait.ge @!p3 [sflag:s7], $0x4000  }
0xbe: {  	s9 =	simm.s32 @!p3 $0x300;
	s0 =	simm.s32 @!p2 $0x3;
	[sflag:s7] =	ssyncset.done @!p3 $0x0  }
0xbf: {  	s2 =	simm.s32 @!p3 $0x400;
	s6 =	simm.s32 @!p3 $0x80;
	[sflag:s7] =	ssyncadd.s32 @!p3 $0xFFFFC000  }
0xc0: {  	[spmem:s1] =	stream.indirect.scatter.add.f32 @!p3 [tilespmem:s2], [sflag:$0x3], $0x80, s9, s6, $0xb8;
	[tilespmem:$0x1C400] =	vst v63  }
0xc1: {  	_ =	swait.ge @!p2 [sflag:s0], $0x4000  }
0xc2: {  	[sflag:s0] =	ssyncset.done @!p2 $0x0  }
0xc3: {  	[sflag:s0] =	ssyncadd.s32 @!p2 $0xFFFFC000  }
0xc4: {  	_ =	swait.ge [sflag:s18], $0x80  }
0xc5: {  	[sflag:s18] =	ssyncset.done $0x0  }
0xc6: {  	[sflag:s18] =	ssyncadd.s32 $0xFFFFFF80  }
0xc7: {  	s11 =	sadd.s32 $0x2, s31;
	_ =	swait.ge [sflag:s18], $0x80  }
0xc8: {  	p0 =	sge.u32 s11, s5;
	[sflag:s18] =	ssyncset.done $0x0  }
0xc9: {  	s7 =	simm.s32 @!p0 $0x100;
	s2 =	rddreg [dreg:$0x6];
	[sflag:s18] =	ssyncadd.s32 $0xFFFFFF80  }
0xca: {  	[tilespmem:s19], [sflag:$0x1] =	stream.indirect.gather [hbm4b:s4+s16], $0x80, s3, s16, $0xb8;
	[tilespmem:$0x1C400] =	vst v63  }
0xcb: {  	s6 =	simm.s32 @!p0 $0x0;
	s0 =	rddreg [dreg:$0x7];
	s2 =	sadd.s32 @!p0 s30, s2  }
0xcc: {  	[tilespmem:s7], [sflag:$0x7] =	stream.linear.gather @!p0 [hbm4b:s2+s6], $0x80, $0x38;
	[tilespmem:$0x1C400] =	vst v63  }
0xcd: {  	s0 =	sadd.s32 @!p0 s30, s0;
	s2 =	simm.s32 @!p0 $0x300;
	s7 =	simm.s32 @!p2 $0x2  }
0xce: {  	[tilespmem:s2], [sflag:$0x7] =	stream.linear.gather @!p0 [hbm4b:s0+s6], $0x80, $0x38;
	[tilespmem:$0x1C400] =	vst v63  }
0xcf: {  	_ =	swait.ge @!p2 [sflag:s7], $0x4000  }
0xd0: {  	s0 =	simm.s32 @!p2 $0x4400;
	s2 =	simm.s32 @!p2 $0x4;
	[sflag:s7] =	ssyncset.done @!p2 $0x0  }
0xd1: {  	s6 =	simm.s32 @!p2 $0x80;
	[sflag:s7] =	ssyncadd.s32 @!p2 $0xFFFFC000;
	s7 =	simm.s32 @!p2 $0x380  }
0xd2: {  	[spmem:s1] =	stream.indirect.scatter.add.f32 @!p2 [tilespmem:s0], [sflag:$0x4], $0x80, s7, s6, $0xb8;
	[tilespmem:$0x1C400] =	vst v63  }
0xd3: {  	_ =	swait.ge @!p2 [sflag:s2], $0x4000  }
0xd4: {  	[sflag:s2] =	ssyncset.done @!p2 $0x0  }
0xd5: {  	[sflag:s2] =	ssyncadd.s32 @!p2 $0xFFFFC000  }
0xd6: {  	_ =	swait.ge [sflag:s20], $0x80  }
0xd7: {  	[sflag:s20] =	ssyncset.done $0x0  }
0xd8: {  	[sflag:s20] =	ssyncadd.s32 $0xFFFFFF80  }
0xd9: {  	s12 =	sadd.s32 $0x3, s31;
	_ =	swait.ge [sflag:s20], $0x80  }
0xda: {  	p0 =	sge.u32 s12, s5;
	[sflag:s20] =	ssyncset.done $0x0  }
0xdb: {  	s9 =	simm.s32 @!p0 $0x180;
	s2 =	rddreg [dreg:$0x8];
	[sflag:s20] =	ssyncadd.s32 $0xFFFFFF80  }
0xdc: {  	[tilespmem:s21], [sflag:$0x2] =	stream.indirect.gather [hbm4b:s4+s16], $0x80, s16, s16, $0xb8;
	[tilespmem:$0x1C400] =	vst v63  }
0xdd: {  	s7 =	simm.s32 @!p0 $0x0;
	s6 =	rddreg [dreg:$0x9];
	s2 =	sadd.s32 @!p0 s30, s2  }
0xde: {  	[tilespmem:s9], [sflag:$0x8] =	stream.linear.gather @!p0 [hbm4b:s2+s7], $0x80, $0x38;
	[tilespmem:$0x1C400] =	vst v63  }
0xdf: {  	s2 =	sadd.s32 @!p0 s30, s6;
	s6 =	simm.s32 @!p0 $0x380  }
0xe0: {  	[tilespmem:s6], [sflag:$0x8] =	stream.linear.gather @!p0 [hbm4b:s2+s7], $0x80, $0x38;
	[tilespmem:$0x1C400] =	vst v63  }
0xe1: {  	_ =	swait.ge [sflag:s22], $0x4000  }
0xe2: {  	[sflag:s22] =	ssyncset.done $0x0;
	s13 =	rddreg [dreg:$0x5]  }
0xe3: {  	[sflag:s22] =	ssyncadd.s32 $0xFFFFC000;
	p1 =	sge.u32 s31, s13  }
0xe4: {  	[spmem:s1] =	stream.indirect.scatter.add.f32 [tilespmem:s19], [sflag:$0x3], $0x80, s15, s16, $0xb8;
	[tilespmem:$0x1C400] =	vst v63  }
0xe5: {  	s2 =	simm.s32 @!p1 $0x3  }
0xe6: {  	_ =	swait.ge @!p1 [sflag:s2], $0x4000  }
0xe7: {  	[sflag:s2] =	ssyncset.done @!p1 $0x0  }
0xe8: {  	[sflag:s2] =	ssyncadd.s32 @!p1 $0xFFFFC000;
	s2 =	simm.s32 @!p1 $0x7  }
0xe9: {  	_ =	swait.ge @!p1 [sflag:s2], $0x80  }
0xea: {  	[sflag:s2] =	ssyncset.done @!p1 $0x0  }
0xeb: {  	[sflag:s2] =	ssyncadd.s32 @!p1 $0xFFFFFF80  }
0xec: {  	_ =	swait.ge @!p1 [sflag:s2], $0x80  }
0xed: {  	s6 =	simm.s32 @!p1 $0x100;
	[sflag:s2] =	ssyncset.done @!p1 $0x0  }
0xee: {  	s7 =	simm.s32 @!p1 $0x400;
	[sflag:s2] =	ssyncadd.s32 @!p1 $0xFFFFFF80;
	s2 =	simm.s32 @!p1 $0x80  }
0xef: {  	[tilespmem:s7], [sflag:$0x1] =	stream.indirect.gather @!p1 [hbm4b:s4+s2], $0x80, s6, s2, $0xb8;
	[tilespmem:$0x1C400] =	vst v63  }
0xf0: {  	s2 =	sadd.s32 @!p1 $0x4, s31  }
0xf1: {  	p2 =	sge.u32 @!p1 s2, s5  }
0xf2: {  	s6 =	rddreg [dreg:$0xa];
	p1 =	por p2, p1  }
0xf3: {  	s2 =	rddreg [dreg:$0xb];
	s6 =	sadd.s32 @!p1 s30, s6;
	s7 =	simm.s32 @!p1 $0x0  }
0xf4: {  	[tilespmem:s7], [sflag:$0x5] =	stream.linear.gather @!p1 [hbm4b:s6+s7], $0x80, $0x38;
	[tilespmem:$0x1C400] =	vst v63  }
0xf5: {  	s2 =	sadd.s32 @!p1 s30, s2;
	s6 =	simm.s32 @!p1 $0x200  }
0xf6: {  	[tilespmem:s6], [sflag:$0x5] =	stream.linear.gather @!p1 [hbm4b:s2+s7], $0x80, $0x38;
	[tilespmem:$0x1C400] =	vst v63  }
0xf7: {  	_ =	swait.ge [sflag:s23], $0x4000  }
0xf8: {  	[sflag:s23] =	ssyncset.done $0x0  }
0xf9: {  	s2 =	simm.s32 @!p0 $0x4;
	[sflag:s23] =	ssyncadd.s32 $0xFFFFC000  }
0xfa: {  	[spmem:s1] =	stream.indirect.scatter.add.f32 [tilespmem:s21], [sflag:$0x4], $0x80, s17, s16, $0xb8;
	[tilespmem:$0x1C400] =	vst v63  }
0xfb: {  	_ =	swait.ge @!p0 [sflag:s2], $0x4000  }
0xfc: {  	[sflag:s2] =	ssyncset.done @!p0 $0x0  }
0xfd: {  	s6 =	simm.s32 @!p0 $0x8;
	[sflag:s2] =	ssyncadd.s32 @!p0 $0xFFFFC000  }
0xfe: {  	_ =	swait.ge @!p0 [sflag:s6], $0x80  }
0xff: {  	[sflag:s6] =	ssyncset.done @!p0 $0x0  }
0x100: {  	[sflag:s6] =	ssyncadd.s32 @!p0 $0xFFFFFF80  }
0x101: {  	s2 =	sadd.s32 @!p0 $0x5, s31;
	_ =	swait.ge @!p0 [sflag:s6], $0x80  }
0x102: {  	s7 =	simm.s32 @!p0 $0x80;
	p1 =	sge.u32 @!p0 s2, s5;
	[sflag:s6] =	ssyncset.done @!p0 $0x0  }
0x103: {  	s2 =	simm.s32 @!p0 $0x4400;
	[sflag:s6] =	ssyncadd.s32 @!p0 $0xFFFFFF80;
	s6 =	rddreg [dreg:$0xc]  }
0x104: {  	[tilespmem:s2], [sflag:$0x2] =	stream.indirect.gather @!p0 [hbm4b:s4+s7], $0x80, s9, s7, $0xb8;
	[tilespmem:$0x1C400] =	vst v63  }
0x105: {  	p0 =	por p1, p0;
	s2 =	rddreg [dreg:$0xd]  }
0x106: {  	s6 =	sadd.s32 @!p0 s30, s6;
	s7 =	simm.s32 @!p0 $0x0;
	s9 =	simm.s32 @!p0 $0x80  }
0x107: {  	[tilespmem:s9], [sflag:$0x6] =	stream.linear.gather @!p0 [hbm4b:s6+s7], $0x80, $0x38;
	[tilespmem:$0x1C400] =	vst v63  }
0x108: {  	p1 =	sgt.u32 s12, s5;
	s0 =	sadd.s32 @!p0 s30, s2;
	s2 =	simm.s32 @!p0 $0x280  }
0x109: {  	[tilespmem:s2], [sflag:$0x6] =	stream.linear.gather @!p0 [hbm4b:s0+s7], $0x80, $0x38;
	[tilespmem:$0x1C400] =	vst v63  }
0x10a: {  	s0 =	simm.s32 @!p1 $0x1  }
0x10b: {  	_ =	swait.ge @!p1 [sflag:s0], $0x4000  }
0x10c: {  	s6 =	simm.s32 @!p1 $0x80;
	[sflag:s0] =	ssyncset.done @!p1 $0x0  }
0x10d: {  	s2 =	simm.s32 @!p1 $0x400;
	[sflag:s0] =	ssyncadd.s32 @!p1 $0xFFFFC000;
	s0 =	simm.s32 @!p1 $0x300  }
0x10e: {  	[spmem:s1] =	stream.indirect.scatter.add.f32 @!p1 [tilespmem:s2], [sflag:$0x3], $0x80, s0, s6, $0xb8;
	[tilespmem:$0x1C400] =	vst v63  }
0x10f: {  	_ =	swait.ge [sflag:s25], $0x4000  }
0x110: {  	[sflag:s25] =	ssyncset.done $0x0  }
0x111: {  	[sflag:s25] =	ssyncadd.s32 $0xFFFFC000  }
0x112: {  	_ =	swait.ge [sflag:s26], $0x4000  }
0x113: {  	[sflag:s26] =	ssyncset.done $0x0  }
0x114: {  	[sflag:s26] =	ssyncadd.s32 $0xFFFFC000  }
0x115: {  	[bflag:$0x0] =	sbarrier.arrive $0xFFFF  }
0x116: {  	[hbm:s24], [sflag:s8] =	dma.local [spmem:s29], $0x2800  }
0x117: {  	_ =	swait.ge [sflag:s14], $0x2800  }
0x118: {  	s28 =	sadd.s32 $0x1, s28;
	s31 =	rddreg [dreg:$0x14]  }
0x119: {  	p0 =	sne.s32 s28, s31  }
.Ltmp1:
0x11a: {  	_ = 	snop;
	(pc) =	sbr.rel @p0 .LBB2_1-.Ltmp1, $3  }
0x11b: {  	_ =	sdelay $0x1  }
0x11c: {  	[sflag:s14] =	ssyncset.done $0x0  }
0x11d: {  	[sflag:s14] =	ssyncadd.s32 $0xFFFFD800  }
0x11e: {  	_ =	sfence.sel $0x180000  }
0x11f: {  	[bflag:$0x0] =	sbarrier.arrive $0xFFFF  }
0x120: {  	_ =	strace $0x9000004A  }
0x121: {  	s0 =	stileid.u32;
	[bflag:$0x2] =	sbarrier.arrive $0xFFFF  }
0x122: {  	p0 =	sne.s32 s0, $0x0;
	s0 =	rddreg [dreg:$0x4]  }
0x123: {  	s0 =	sadd.s32 @!p0 $0x100000, s0  }
0x124: {  	[sflag:s0] =	ssyncadd.tile.s32 @!p0 $0x1;
	_ =	shalt  }
.Lfunc_end2:
_tile_overlayer_lowered:
.L_overlay_start_2:
0x125: {  	(tag) =	ssettag $0x2  }
0x126: {  	s0 =	rddreg [dreg:$0x0];
	s2 =	stileid.u32  }
0x127: {  	s1 =	rddreg [dreg:$0x1];
	p0 =	sne.s32 s2, $0x0  }
0x128: {  	s3 =	rddreg [dreg:$0x2];
	[bflag:$0x3] =	sbarrier.arrive $0xFFFF;
	s2 =	simm.s32 @!p0 $0x1C09  }
0x129: {  	[timem:s3], [sflag:s2] =	dma.local @!p0 [hbm:s0], s1  }
0x12a: {  	s0 =	simm.s32 @!p0 $0x9  }
0x12b: {  	_ =	swait.ge @!p0 [sflag:s0], s1  }
0x12c: {  	s1 =	ssub.s32 @!p0 $0x0, s1;
	[sflag:s0] =	ssyncset.done @!p0 $0x0  }
0x12d: {  	[sflag:s0] =	ssyncadd.s32 @!p0 s1  }
0x12e: {  	[bflag:$0x3] =	sbarrier.arrive $0xFFFF  }
0x12f: {  	_ =	shalt  }

// kernel: kernel.15.cloned.1.call-start
scs
__scs_entry_jumppad:
0x0: {  	(pc) =	sbr.rel $0x88, $3  }
0x1: {  	(tag) =	ssettag $0x0;
	lr =	simm.s32 $0x1  }
0x2: {  	[smem:$0x3F9B] =	sst lr;
	_ =	strace $0xD0000000  }
0x3: {  	_ = 	snop  }
0x4: {  	_ = 	snop  }
0x5: {  	_ = 	snop  }
0x6: {  	_ = 	snop  }
0x7: {  	_ = 	snop  }
__scs_overlays_trampoline_lowered:
0x8: {  	[smem:$0x3FAA] =	sst s0  }
0x9: {  	[smem:$0x3FAB] =	sst s1  }
0xa: {  	[smem:$0x3FAC] =	sst s2  }
0xb: {  	[smem:$0x3FAD] =	sst s3  }
0xc: {  	[smem:$0x3FAE] =	sst s4  }
0xd: {  	[smem:$0x3FAF] =	sst s5  }
0xe: {  	[smem:$0x3FB0] =	sst s6  }
0xf: {  	[smem:$0x3FB1] =	sst s7  }
0x10: {  	[smem:$0x3FB2] =	sst s8  }
0x11: {  	[smem:$0x3FB3] =	sst s9;
	s0 =	simm.s32 @!p0 $0x0  }
0x12: {  	s1 =	sld [smem:$0x3F99];
	s0 =	simm.s32 @p0 $0x1  }
0x13: {  	[smem:$0x3FB4] =	sst s0;
	s0 =	simm.s32 @!p1 $0x0  }
0x14: {  	s2 =	sld [smem:$0x3F98];
	s0 =	simm.s32 @p1 $0x1  }
0x15: {  	[smem:$0x3FB5] =	sst s0;
	s0 =	simm.s32 @!p2 $0x0  }
0x16: {  	s3 =	sld [smem:$0x3FDB];
	s0 =	simm.s32 @p2 $0x1  }
0x17: {  	s4 =	simm.s32 $0x1BF5;
	[smem:$0x3FB7] =	sst s0  }
0x18: {  	s0 =	sld [smem:$0x3F9A];
	_ =	swait.ge [sflag:s4], $0x0  }
0x19: {  	s7 =	sld [smem:$0x3F9B]  }
0x1a: {  	s8 =	sadd.s32 $0xFFFFE003, lr  }
0x1b: {  	s9 =	sadd.s32 $0xFFFFFEF7, lr;
	s5 =	simm.s32 $0xFFFFFFFF;
	p2 =	slt.u32 s8, $0xFFFFF086  }
0x1c: {  	p1 =	slt.u32 s9, $0xF7A;
	s5 =	simm.s32 @!p2 $0x0  }
0x1d: {  	s5 =	simm.s32 @p1 $0x1;
	p0 =	seq.s32 s7, s2  }
0x1e: {  	s7 =	smul.u32 @!p0 $0xF7A, s2;
	p2 =	seq.s32 @!p0 s5, $0x0  }
0x1f: {  	s9 =	smul.u32 $0xF7A, s1;
	s8 =	simm.s32 @!p0 $0x1BF5;
	p2 =	por !p2, p0  }
0x20: {  	[sflag:s8] =	ssyncset.s32 @!p0 $0xFFFFF086;
	s6 =	sadd.s32 @!p0 s3, s7;
	s7 =	simm.s32 @!p0 $0x108  }
0x21: {  	s3 =	sadd.s32 s3, s9;
	s6 =	sadd.s32 @!p0 $0x88, s6;
	s7 =	simm.s32 @p2 $0x1082  }
0x22: {  	[simem:s7], [sflag:s8] =	dma.local @!p0 [hbm:s6], $0xF7A  }
0x23: {  	s9 =	sor.u32 $0xD0000000, s2;
	s6 =	simm.s32 $0x108;
	_ =	swait.ge @!p0 [sflag:s8], $0x0  }
0x24: {  	s3 =	sadd.s32 $0x88, s3;
	s6 =	simm.s32 @!p1 $0x1082;
	[sflag:s4] =	ssyncset.s32 $0xFFFFF086  }
0x25: {  	[simem:s6], [sflag:s4] =	dma.local [hbm:s3], $0xF7A  }
0x26: {  	[smem:$0x3F9B] =	sst s1;
	(tag) =	ssettag s2;
	_ =	strace s9  }
0x27: {  	s1 =	sld [smem:$0x3FAB]  }
0x28: {  	s2 =	sld [smem:$0x3FAC]  }
0x29: {  	s4 =	sld [smem:$0x3FAE]  }
0x2a: {  	p0 =	seq.s32 s5, $0x0;
	s5 =	sld [smem:$0x3FAF]  }
0x2b: {  	s6 =	sld [smem:$0x3FB0]  }
0x2c: {  	s7 =	sld [smem:$0x3FB1]  }
0x2d: {  	s3 =	simm.s32 $0x108;
	s8 =	sld [smem:$0x3FB2]  }
0x2e: {  	s3 =	simm.s32 @!p0 $0x1082;
	s9 =	sld [smem:$0x3FB3]  }
0x2f: {  	lr =	sadd.s32 s0, s3;
	s0 =	sld [smem:$0x3FAA]  }
0x30: {  	s3 =	sld [smem:$0x3FAD]  }
0x31: {  	[smem:$0x3FB6] =	sst s10  }
0x32: {  	s10 =	sld [smem:$0x3FB4];
	_ =	sdelay $0x3  }
0x33: {  	p0 =	seq.s32 s10, $0x1;
	s10 =	sld [smem:$0x3FB6];
	_ =	sdelay $0x3  }
0x34: {  	[smem:$0x3FB6] =	sst s10  }
0x35: {  	s10 =	sld [smem:$0x3FB5];
	_ =	sdelay $0x3  }
0x36: {  	p1 =	seq.s32 s10, $0x1;
	s10 =	sld [smem:$0x3FB6];
	_ =	sdelay $0x3  }
0x37: {  	[smem:$0x3FB6] =	sst s10  }
0x38: {  	s10 =	sld [smem:$0x3FB7]  }
0x39: {  	_ = 	snop;
	(pc) =	sbr.ind lr, $3  }
0x3a: {  	_ = 	snop  }
0x3b: {  	_ = 	snop  }
0x3c: {  	p2 =	seq.s32 s10, $0x1;
	s10 =	sld [smem:$0x3FB6]  }
0x3d: {  	_ =	shalt  }
0x3e: {  	_ =	shalt  }
0x3f: {  	_ =	shalt  }
0x40: {  	_ =	shalt  }
0x41: {  	_ =	shalt  }
0x42: {  	_ =	shalt  }
0x43: {  	_ =	shalt  }
0x44: {  	_ =	shalt  }
0x45: {  	_ =	shalt  }
0x46: {  	_ =	shalt  }
0x47: {  	_ =	shalt  }
0x48: {  	_ =	shalt  }
0x49: {  	_ =	shalt  }
0x4a: {  	_ =	shalt  }
0x4b: {  	_ =	shalt  }
0x4c: {  	_ =	shalt  }
0x4d: {  	_ =	shalt  }
0x4e: {  	_ =	shalt  }
0x4f: {  	_ =	shalt  }
0x50: {  	_ =	shalt  }
0x51: {  	_ =	shalt  }
0x52: {  	_ =	shalt  }
0x53: {  	_ =	shalt  }
0x54: {  	_ =	shalt  }
0x55: {  	_ =	shalt  }
0x56: {  	_ =	shalt  }
0x57: {  	_ =	shalt  }
0x58: {  	_ =	shalt  }
0x59: {  	_ =	shalt  }
0x5a: {  	_ =	shalt  }
0x5b: {  	_ =	shalt  }
0x5c: {  	_ =	shalt  }
0x5d: {  	_ =	shalt  }
0x5e: {  	_ =	shalt  }
0x5f: {  	_ =	shalt  }
0x60: {  	_ =	shalt  }
0x61: {  	_ =	shalt  }
0x62: {  	_ =	shalt  }
0x63: {  	_ =	shalt  }
0x64: {  	_ =	shalt  }
0x65: {  	_ =	shalt  }
0x66: {  	_ =	shalt  }
0x67: {  	_ =	shalt  }
0x68: {  	_ =	shalt  }
0x69: {  	_ =	shalt  }
0x6a: {  	_ =	shalt  }
0x6b: {  	_ =	shalt  }
0x6c: {  	_ =	shalt  }
0x6d: {  	_ =	shalt  }
0x6e: {  	_ =	shalt  }
0x6f: {  	_ =	shalt  }
0x70: {  	_ =	shalt  }
0x71: {  	_ =	shalt  }
0x72: {  	_ =	shalt  }
0x73: {  	_ =	shalt  }
0x74: {  	_ =	shalt  }
0x75: {  	_ =	shalt  }
0x76: {  	_ =	shalt  }
0x77: {  	_ =	shalt  }
0x78: {  	_ =	shalt  }
0x79: {  	_ =	shalt  }
0x7a: {  	_ =	shalt  }
0x7b: {  	_ =	shalt  }
0x7c: {  	_ =	shalt  }
0x7d: {  	_ =	shalt  }
0x7e: {  	_ =	shalt  }
0x7f: {  	_ =	shalt  }
0x80: {  	_ =	shalt  }
0x81: {  	_ =	shalt  }
0x82: {  	_ =	shalt  }
0x83: {  	_ =	shalt  }
0x84: {  	_ =	shalt  }
0x85: {  	_ =	shalt  }
0x86: {  	_ =	shalt  }
0x87: {  	_ =	shalt  }
.Lfunc_end0:
.L_simem_size_0:
called_computation.2_lowered:
.L_overlay_start_0:
0x88: {  	s2 =	sld [smem:$0x3FD9]  }
0x89: {  	s3 =	sld [smem:$0x3FFE];
	_ =	sdelay $0x1  }
0x8a: {  	s1 =	srdreg.scid  }
0x8b: {  	s0 =	sand.u32 $0x1, s1  }
0x8c: {  	s14 =	sshll.u32 s0, $0xA;
	s2 =	sadd.s32 s3, s2  }
0x8d: {  	s2 =	sadd.s32 s2, s14  }
0x8e: {  	[smem:$0x3FC2] =	sst s2  }
0x8f: {  	_ = 	snop  }
0x90: {  	s2 =	sld [smem:$0x3FD0];
	_ =	sdelay $0x2  }
0x91: {  	s15 =	simm.s32 $0xA;
	s4 =	simm.s32 $0x10  }
0x92: {  	[smem:s4], [sflag:s15] =	dma.local [hbm:s2], $0x1  }
0x93: {  	_ =	swait.eq [sflag:s15], $0x1  }
0x94: {  	[sflag:s15] =	ssyncset.done $0x0  }
0x95: {  	s16 =	sld [smem:$0x10];
	[sflag:s15] =	ssyncadd.s32 $0xFFFFFFFF  }
0x96: {  	s17 =	sld [smem:$0x11];
	(tm) =	ssettm $0x1  }
0x97: {  	s18 =	sld [smem:$0x3FFB];
	_ =	sdelay $0x3  }
0x98: {  	_ =	strace s18  }
0x99: {  	s4 =	sld [smem:$0x3FFC];
	_ =	sdelay $0x3  }
0x9a: {  	_ =	strace s4  }
0x9b: {  	s4 =	sld [smem:$0x3FFD];
	_ =	sdelay $0x3  }
0x9c: {  	_ =	strace s4  }
0x9d: {  	_ =	strace $0x8FFFFFFF  }
0x9e: {  	s19 =	sld [smem:$0x3FDB];
	_ =	sdelay $0x1  }
0x9f: {  	s5 =	simm.s32 $_scs_section_size  }
0xa0: {  	s6 =	simm.s32 $_size__tile_overlayer_lowered;
	s7 =	simm.s32 $_tile_overlayer_lowered  }
0xa1: {  	s22 =	simm.s32 $0x1BFF;
	s21 =	sshll.u32 s7, $0x1;
	s4 =	sadd.s32 s5, s19  }
0xa2: {  	s8 =	simm.s32 $0x0;
	s20 =	sshll.u32 s6, $0x1;
	s6 =	sadd.s32 s21, s4  }
0xa3: {  	[timem:s8], [sflag:s22] =	dma.local [hbm:s6], s20  }
0xa4: {  	_ =	swait.ge [sflag:s22], s20  }
0xa5: {  	s5 =	ssub.s32 $0x0, s20;
	[sflag:s22] =	ssyncset.done $0x0  }
0xa6: {  	[sflag:s22] =	ssyncadd.s32 s5;
	_ =	sdelay $0x1  }
0xa7: {  	s23 =	simm.s32 $0x1B8B  }
0xa8: {  	_ =	swait.ge [sflag:s23], $0x1  }
0xa9: {  	[sflag:s23] =	ssyncset.done $0x0  }
0xaa: {  	s25 =	simm.s32 $0x1B8E;
	s24 =	sld [smem:$0x3FFE];
	[sflag:s23] =	ssyncadd.s32 $0xFFFFFFFF  }
0xab: {  	s26 =	simm.s32 $execute0_lowered;
	[smem:$0x3FD2] =	sst s25  }
0xac: {  	s6 =	sshll.u32 s26, $0x1;
	_ =	strace $0x8000004C;
	[dreg:$0x1] =	wrdreg $0xFFFFFFFF  }
0xad: {  	s28 =	simm.s32 $_size_execute0_lowered;
	s4 =	sadd.s32 s4, s6;
	[dreg:$0x0] =	wrdreg $0x0  }
0xae: {  	s6 =	sshll.u32 s28, $0x1;
	[dreg:$0x2] =	wrdreg s4  }
0xaf: {  	[dreg:$0x3] =	wrdreg s6  }
0xb0: {  	[dreg:$0x4] =	wrdreg $0xC0  }
0xb1: {  	_ =	task [dreg:s8], $0x5FFFF  }
0xb2: {  	[dreg:$0x1] =	wrdreg $0xFFFFFFFF  }
0xb3: {  	[dreg:$0x0] =	wrdreg $0x60  }
0xb4: {  	[dreg:$0x2] =	wrdreg s24  }
0xb5: {  	[dreg:$0x3] =	wrdreg s17  }
0xb6: {  	[dreg:$0x4] =	wrdreg s16  }
0xb7: {  	[dreg:$0x5] =	wrdreg $0x84000  }
0xb8: {  	[dreg:$0x6] =	wrdreg $0x9  }
0xb9: {  	_ =	task.clear_ibuf [dreg:s8], $0x7FFFF;
	_ =	strace $0x9000004C  }
0xba: {  	s29 =	simm.s32 $0x9;
	_ =	strace $0x8000004E  }
0xbb: {  	_ =	swait.ge [sflag:s29], $0x1  }
0xbc: {  	[sflag:s29] =	ssyncadd.s32 $0xFFFFFFFF  }
0xbd: {  	_ =	strace $0x9000004E  }
0xbe: {  	_ =	sfence  }
0xbf: {  	s30 =	sld [smem:$0x0];
	_ =	sdelay $0x2  }
0xc0: {  	s31 =	sshll.u32 s1, $0xD;
	s1 =	sshrl.u32 s1, $0x2  }
0xc1: {  	s3 =	sand.u32 $0x4000, s31;
	s1 =	sadd.s32 s1, s30  }
0xc2: {  	s0 =	sor.u32 s3, s0;
	s1 =	sshll.u32 s1, $0x11  }
0xc3: {  	s0 =	sor.u32 s1, s0  }
0xc4: {  	s0 =	sadd.s32 $0x8F2B, s0  }
0xc5: {  	[sflag:s0] =	ssyncadd.remote.s32 $0x1  }
0xc6: {  	_ =	sfence.sel $0xFFFF  }
0xc7: {  	[dreg:$0x0] =	wrdreg $0xFFFFFFFF;
	(pc) =	sbr.abs _section_cstart, $3  }
0xc8: {  	[dreg:$0x1] =	wrdreg $0xFFFFFFFF  }
0xc9: {  	_ =	task.clear_ibuf [dreg:s8], $0x2FFFF;
	_ =	strace $0x9FFFFFFF  }
0xca: {  	(tm) =	ssettm $0x7FFFFFFF  }
0xcb: {  	_ =	shalt  }
tec
execute0_lowered:
.L_overlay_start_1:
0x0: {  	(tag) =	ssettag $0x1  }
0x1: {  	s5 =	rddreg [dreg:$0x0]  }
0x2: {  	s2 =	rddreg [dreg:$0x1]  }
0x3: {  	s6 =	rddreg [dreg:$0x2]  }
0x4: {  	s1 =	rddreg [dreg:$0x3];
	s3 =	simm.s32 $0x0  }
0x5: {  	s0 =	srdreg.scid;
	s16 =	stileid.u32;
	s28 =	simm.s32 $0x0  }
0x6: {  	[smem:$0x7FF] =	sst s3;
	s7 =	sand.u32 $0x1, s0;
	s0 =	smul.u32 $0x2800, s16  }
0x7: {  	s4 =	sadd.s32 $0xBA00, s5;
	s9 =	sadd.s32 $0x1C00, s5;
	s14 =	smul.u32 $0x50000, s16  }
0x8: {  	s15 =	smul.u32 $0x4E, s16;
	s29 =	sshll.u32 s16, $0x6;
	_ =	strace $0x8000004D  }
0x9: {  	s8 =	sshll.u32 s7, $0x4;
	s10 =	ssub.s32 $0x2, s7;
	s26 =	smul.u32 $0x4E0, s7  }
0xa: {  	s7 =	smul.u32 $0x28000, s7;
	s8 =	sor.u32 s16, s8;
	s11 =	sadd.s32 s0, s5  }
0xb: {  	s25 =	sshrl.u32 s10, $0x1;
	s5 =	simm.s32 $0x4F;
	s14 =	sshrl.u32 s14, $0x2  }
0xc: {  	s12 =	smul.u32 $0x4E, s8;
	s10 =	ssub.s32 s10, s25;
	s13 =	smin.u32 s8, $0x4  }
0xd: {  	p0 =	slt.u32 s8, $0x4;
	s14 =	sadd.s32 s14, s1;
	s11 =	sadd.s32 $0x32C00, s11  }
0xe: {  	s30 =	sadd.s32 s15, s26;
	s8 =	sor.u32 $0x1C09, s29;
	s6 =	sadd.s32 s6, s7  }
0xf: {  	s5 =	simm.s32 @!p0 $0x4E;
	[dreg:$0xe] =	wrdreg s14;
	s14 =	sadd.s32 s13, s30  }
0x10: {  	[dreg:$0xf] =	wrdreg s11;
	s12 =	sadd.s32 s13, s12;
	s11 =	sshll.u32 s14, $0x4  }
0x11: {  	s17 =	sadd.s32 $0xFFFFFFFE, s5;
	s14 =	simm.s32 $0x9;
	s12 =	sshll.u32 s12, $0x4  }
0x12: {  	s18 =	sadd.s32 $0x20, s11;
	[dreg:$0x5] =	wrdreg s17;
	s21 =	sadd.s32 $0x30, s11  }
0x13: {  	s24 =	sadd.s32 s11, s9;
	s26 =	sadd.s32 s11, s2;
	s31 =	sadd.s32 s9, s12  }
0x14: {  	s11 =	sadd.s32 $0x50, s11;
	s15 =	sadd.s32 s2, s12;
	[dreg:$0x10] =	wrdreg s31  }
0x15: {  	s17 =	simm.s32 $0x280;
	s19 =	sadd.s32 s18, s9;
	[dreg:$0x11] =	wrdreg s15  }
0x16: {  	s12 =	sadd.s32 $0x10, s12;
	s20 =	sadd.s32 s18, s2;
	[dreg:$0x6] =	wrdreg s19  }
0x17: {  	s22 =	sadd.s32 s21, s9;
	s23 =	sadd.s32 s21, s2;
	[dreg:$0x7] =	wrdreg s20  }
0x18: {  	s25 =	sadd.s32 $0x40, s24;
	s29 =	sadd.s32 $0x40, s26;
	[dreg:$0x8] =	wrdreg s22  }
0x19: {  	s30 =	sadd.s32 s11, s9;
	s18 =	simm.s32 $0x5;
	[dreg:$0x9] =	wrdreg s23  }
0x1a: {  	s21 =	simm.s32 $0x4400;
	s24 =	sadd.s32 s0, s6;
	[dreg:$0xa] =	wrdreg s25  }
0x1b: {  	s26 =	simm.s32 $0x4;
	s16 =	sadd.s32 s9, s12;
	[dreg:$0xb] =	wrdreg s29  }
0x1c: {  	s12 =	sadd.s32 s2, s12;
	s31 =	smax.u32 s10, $0x1;
	[dreg:$0xc] =	wrdreg s30  }
0x1d: {  	s2 =	sadd.s32 s11, s2;
	s15 =	simm.s32 $0x200;
	[dreg:$0x12] =	wrdreg s16  }
0x1e: {  	s19 =	simm.s32 $0x400;
	s20 =	simm.s32 $0x6;
	[dreg:$0x13] =	wrdreg s12  }
0x1f: {  	s22 =	simm.s32 $0x1;
	s23 =	simm.s32 $0x2;
	[dreg:$0x14] =	wrdreg s31  }
0x20: {  	s25 =	simm.s32 $0x3;
	[dreg:$0xd] =	wrdreg s2;
	s16 =	simm.s32 $0x80  }
.LBB2_1:
0x21: {  	s0 =	rddreg [dreg:$0xe]  }
0x22: {  	s7 =	rddreg [dreg:$0xf];
	s29 =	sshrl.u32 s0, $0x3  }
0x23: {  	[spmem:s29], [sflag:s8] =	dma.local [hbm:s7], $0x2800  }
0x24: {  	_ =	swait.ge [sflag:s14], $0x2800  }
0x25: {  	[sflag:s14] =	ssyncset.done $0x0  }
0x26: {  	s9 =	rddreg [dreg:$0x10];
	[sflag:s14] =	ssyncadd.s32 $0xFFFFD800  }
0x27: {  	[tilespmem:s3], [sflag:$0x5] =	stream.linear.gather [hbm4b:s9+s3], $0x80, $0x38;
	[tilespmem:$0x1C400] =	vst v63  }
0x28: {  	s10 =	rddreg [dreg:$0x11]  }
0x29: {  	[tilespmem:s15], [sflag:$0x5] =	stream.linear.gather [hbm4b:s10+s3], $0x80, $0x38;
	[tilespmem:$0x1C400] =	vst v63  }
0x2a: {  	s11 =	rddreg [dreg:$0x12]  }
0x2b: {  	[tilespmem:s16], [sflag:$0x6] =	stream.linear.gather [hbm4b:s11+s3], $0x80, $0x38;
	[tilespmem:$0x1C400] =	vst v63  }
0x2c: {  	p0 =	por $0x1, $0x1;
	s12 =	rddreg [dreg:$0x13]  }
0x2d: {  	[tilespmem:s17], [sflag:$0x6] =	stream.linear.gather [hbm4b:s12+s3], $0x80, $0x38;
	[tilespmem:$0x1C400] =	vst v63  }
0x2e: {  	s0 =	simm.s32 @!p0 $0x3;
	[bflag:$0x0] =	sbarrier.arrive $0xFFFF  }
0x2f: {  	_ =	swait.ge @!p0 [sflag:s0], $0x4000  }
0x30: {  	[sflag:s0] =	ssyncset.done @!p0 $0x0  }
0x31: {  	[sflag:s0] =	ssyncadd.s32 @!p0 $0xFFFFC000  }
0x32: {  	_ =	swait.ge [sflag:s18], $0x80  }
0x33: {  	[sflag:s18] =	ssyncset.done $0x0  }
0x34: {  	[sflag:s18] =	ssyncadd.s32 $0xFFFFFF80  }
0x35: {  	_ =	swait.ge [sflag:s18], $0x80  }
0x36: {  	p1 =	sle.u32 s5, $0x2;
	[sflag:s18] =	ssyncset.done $0x0  }
0x37: {  	s6 =	simm.s32 @!p1 $0x0;
	s0 =	rddreg [dreg:$0x6];
	[sflag:s18] =	ssyncadd.s32 $0xFFFFFF80  }
0x38: {  	[tilespmem:s19], [sflag:$0x1] =	stream.indirect.gather [hbm4b:s4+s16], $0x80, s3, s16, $0xb8;
	[tilespmem:$0x1C400] =	vst v63  }
0x39: {  	s7 =	simm.s32 @!p1 $0x100;
	s2 =	rddreg [dreg:$0x7];
	s0 =	sadd.s32 @!p1 $0x0, s0  }
0x3a: {  	[tilespmem:s7], [sflag:$0x7] =	stream.linear.gather @!p1 [hbm4b:s0+s6], $0x80, $0x38;
	[tilespmem:$0x1C400] =	vst v63  }
0x3b: {  	s0 =	sadd.s32 @!p1 $0x0, s2;
	s2 =	simm.s32 @!p1 $0x300;
	s7 =	simm.s32 @!p0 $0x2  }
0x3c: {  	[tilespmem:s2], [sflag:$0x7] =	stream.linear.gather @!p1 [hbm4b:s0+s6], $0x80, $0x38;
	[tilespmem:$0x1C400] =	vst v63  }
0x3d: {  	_ =	swait.ge @!p0 [sflag:s7], $0x4000  }
0x3e: {  	s0 =	simm.s32 @!p0 $0x4400;
	s2 =	simm.s32 @!p0 $0x4;
	[sflag:s7] =	ssyncset.done @!p0 $0x0  }
0x3f: {  	s6 =	simm.s32 @!p0 $0x80;
	[sflag:s7] =	ssyncadd.s32 @!p0 $0xFFFFC000;
	s7 =	simm.s32 @!p0 $0x380  }
0x40: {  	[spmem:s1] =	stream.indirect.scatter.add.f32 @!p0 [tilespmem:s0], [sflag:$0x4], $0x80, s7, s6, $0xb8;
	[tilespmem:$0x1C400] =	vst v63  }
0x41: {  	_ =	swait.ge @!p0 [sflag:s2], $0x4000  }
0x42: {  	[sflag:s2] =	ssyncset.done @!p0 $0x0  }
0x43: {  	[sflag:s2] =	ssyncadd.s32 @!p0 $0xFFFFC000  }
0x44: {  	_ =	swait.ge [sflag:s20], $0x80  }
0x45: {  	[sflag:s20] =	ssyncset.done $0x0  }
0x46: {  	[sflag:s20] =	ssyncadd.s32 $0xFFFFFF80  }
0x47: {  	_ =	swait.ge [sflag:s20], $0x80  }
0x48: {  	p0 =	sle.u32 s5, $0x3;
	[sflag:s20] =	ssyncset.done $0x0  }
0x49: {  	s7 =	simm.s32 @!p0 $0x0;
	s0 =	rddreg [dreg:$0x8];
	[sflag:s20] =	ssyncadd.s32 $0xFFFFFF80  }
0x4a: {  	[tilespmem:s21], [sflag:$0x2] =	stream.indirect.gather [hbm4b:s4+s16], $0x80, s16, s16, $0xb8;
	[tilespmem:$0x1C400] =	vst v63  }
0x4b: {  	s6 =	simm.s32 @!p0 $0x180;
	s2 =	rddreg [dreg:$0x9];
	s0 =	sadd.s32 @!p0 $0x0, s0  }
0x4c: {  	[tilespmem:s6], [sflag:$0x8] =	stream.linear.gather @!p0 [hbm4b:s0+s7], $0x80, $0x38;
	[tilespmem:$0x1C400] =	vst v63  }
0x4d: {  	s0 =	sadd.s32 @!p0 $0x0, s2;
	s2 =	simm.s32 @!p0 $0x380  }
0x4e: {  	[tilespmem:s2], [sflag:$0x8] =	stream.linear.gather @!p0 [hbm4b:s0+s7], $0x80, $0x38;
	[tilespmem:$0x1C400] =	vst v63  }
0x4f: {  	_ =	swait.ge [sflag:s22], $0x4000  }
0x50: {  	[sflag:s22] =	ssyncset.done $0x0;
	s13 =	rddreg [dreg:$0x5]  }
0x51: {  	[sflag:s22] =	ssyncadd.s32 $0xFFFFC000;
	p1 =	sle.u32 s13, $0x0  }
0x52: {  	[spmem:s1] =	stream.indirect.scatter.add.f32 [tilespmem:s19], [sflag:$0x3], $0x80, s15, s16, $0xb8;
	[tilespmem:$0x1C400] =	vst v63  }
0x53: {  	s0 =	simm.s32 @!p1 $0x3  }
0x54: {  	_ =	swait.ge @!p1 [sflag:s0], $0x4000  }
0x55: {  	[sflag:s0] =	ssyncset.done @!p1 $0x0  }
0x56: {  	[sflag:s0] =	ssyncadd.s32 @!p1 $0xFFFFC000;
	s0 =	simm.s32 @!p1 $0x7  }
0x57: {  	_ =	swait.ge @!p1 [sflag:s0], $0x80  }
0x58: {  	[sflag:s0] =	ssyncset.done @!p1 $0x0  }
0x59: {  	[sflag:s0] =	ssyncadd.s32 @!p1 $0xFFFFFF80  }
0x5a: {  	p2 =	sle.u32 @!p1 s5, $0x4;
	s2 =	simm.s32 @!p1 $0x100;
	_ =	swait.ge @!p1 [sflag:s0], $0x80  }
0x5b: {  	s7 =	simm.s32 @!p1 $0x400;
	s9 =	simm.s32 @!p1 $0x80;
	[sflag:s0] =	ssyncset.done @!p1 $0x0  }
0x5c: {  	p2 =	por p2, p1;
	s10 =	rddreg [dreg:$0xa];
	[sflag:s0] =	ssyncadd.s32 @!p1 $0xFFFFFF80  }
0x5d: {  	[tilespmem:s7], [sflag:$0x1] =	stream.indirect.gather @!p1 [hbm4b:s4+s9], $0x80, s2, s9, $0xb8;
	[tilespmem:$0x1C400] =	vst v63  }
0x5e: {  	s0 =	rddreg [dreg:$0xb];
	s2 =	sadd.s32 @!p2 $0x0, s10;
	s7 =	simm.s32 @!p2 $0x0  }
0x5f: {  	[tilespmem:s7], [sflag:$0x5] =	stream.linear.gather @!p2 [hbm4b:s2+s7], $0x80, $0x38;
	[tilespmem:$0x1C400] =	vst v63  }
0x60: {  	s0 =	sadd.s32 @!p2 $0x0, s0;
	s2 =	simm.s32 @!p2 $0x200  }
0x61: {  	[tilespmem:s2], [sflag:$0x5] =	stream.linear.gather @!p2 [hbm4b:s0+s7], $0x80, $0x38;
	[tilespmem:$0x1C400] =	vst v63  }
0x62: {  	_ =	swait.ge [sflag:s23], $0x4000  }
0x63: {  	[sflag:s23] =	ssyncset.done $0x0  }
0x64: {  	s0 =	simm.s32 @!p0 $0x4;
	[sflag:s23] =	ssyncadd.s32 $0xFFFFC000  }
0x65: {  	[spmem:s1] =	stream.indirect.scatter.add.f32 [tilespmem:s21], [sflag:$0x4], $0x80, s17, s16, $0xb8;
	[tilespmem:$0x1C400] =	vst v63  }
0x66: {  	_ =	swait.ge @!p0 [sflag:s0], $0x4000  }
0x67: {  	[sflag:s0] =	ssyncset.done @!p0 $0x0  }
0x68: {  	s2 =	simm.s32 @!p0 $0x8;
	[sflag:s0] =	ssyncadd.s32 @!p0 $0xFFFFC000  }
0x69: {  	s30 =	simm.s32 $0x40;
	s31 =	simm.s32 $0x4;
	_ =	swait.ge @!p0 [sflag:s2], $0x80  }
0x6a: {  	p3 =	slt.u32 s5, $0x3;
	s11 =	simm.s32 @!p0 $0x80;
	[sflag:s2] =	ssyncset.done @!p0 $0x0  }
0x6b: {  	p1 =	sle.u32 @!p0 s5, $0x5;
	s9 =	simm.s32 @!p0 $0x4400;
	[sflag:s2] =	ssyncadd.s32 @!p0 $0xFFFFFF80  }
0x6c: {  	p4 =	por p1, p0;
	p2 =	por $0x0, $0x0;
	_ =	swait.ge @!p0 [sflag:s2], $0x80  }
0x6d: {  	s0 =	simm.s32 $0x80;
	[sflag:s2] =	ssyncset.done @!p0 $0x0;
	s12 =	rddreg [dreg:$0xc]  }
0x6e: {  	s10 =	rddreg [dreg:$0xd];
	[sflag:s2] =	ssyncadd.s32 @!p0 $0xFFFFFF80;
	s2 =	simm.s32 $0x0  }
.LBB2_2:
0x6f: {  	[tilespmem:s9], [sflag:$0x2] =	stream.indirect.gather @!p0 [hbm4b:s4+s11], $0x80, s6, s11, $0xb8;
	[tilespmem:$0x1C400] =	vst v63  }
0x70: {  	s7 =	sadd.s32 @!p4 s2, s12;
	s9 =	simm.s32 @!p4 $0x0;
	s11 =	simm.s32 @!p4 $0x80  }
0x71: {  	[tilespmem:s11], [sflag:$0x6] =	stream.linear.gather @!p4 [hbm4b:s7+s9], $0x80, $0x38;
	[tilespmem:$0x1C400] =	vst v63  }
0x72: {  	s2 =	sadd.s32 @!p4 s2, s10;
	s10 =	simm.s32 @!p3 $0x1;
	s7 =	simm.s32 @!p4 $0x280  }
0x73: {  	[tilespmem:s7], [sflag:$0x6] =	stream.linear.gather @!p4 [hbm4b:s2+s9], $0x80, $0x38;
	[tilespmem:$0x1C400] =	vst v63  }
0x74: {  	_ =	swait.ge @!p3 [sflag:s10], $0x4000  }
0x75: {  	s12 =	simm.s32 @!p3 $0x300;
	s11 =	simm.s32 @!p3 $0x80;
	[sflag:s10] =	ssyncset.done @!p3 $0x0  }
0x76: {  	s7 =	simm.s32 @!p2 $0x3;
	s9 =	simm.s32 @!p3 $0x400;
	[sflag:s10] =	ssyncadd.s32 @!p3 $0xFFFFC000  }
0x77: {  	[spmem:s1] =	stream.indirect.scatter.add.f32 @!p3 [tilespmem:s9], [sflag:$0x3], $0x80, s12, s11, $0xb8;
	[tilespmem:$0x1C400] =	vst v63  }
0x78: {  	_ =	swait.ge @!p2 [sflag:s7], $0x4000  }
0x79: {  	[sflag:s7] =	ssyncset.done @!p2 $0x0  }
0x7a: {  	[sflag:s7] =	ssyncadd.s32 @!p2 $0xFFFFC000  }
0x7b: {  	_ =	swait.ge [sflag:s18], $0x80  }
0x7c: {  	[sflag:s18] =	ssyncset.done $0x0  }
0x7d: {  	[sflag:s18] =	ssyncadd.s32 $0xFFFFFF80  }
0x7e: {  	s12 =	sadd.s32 $0x2, s31;
	_ =	swait.ge [sflag:s18], $0x80  }
0x7f: {  	s2 =	smov.u32 s30;
	p0 =	sge.u32 s12, s5;
	[sflag:s18] =	ssyncset.done $0x0  }
0x80: {  	s6 =	simm.s32 @!p0 $0x0;
	s10 =	rddreg [dreg:$0x6];
	[sflag:s18] =	ssyncadd.s32 $0xFFFFFF80  }
0x81: {  	[tilespmem:s19], [sflag:$0x1] =	stream.indirect.gather [hbm4b:s4+s16], $0x80, s3, s16, $0xb8;
	[tilespmem:$0x1C400] =	vst v63  }
0x82: {  	s7 =	simm.s32 @!p0 $0x100;
	s9 =	rddreg [dreg:$0x7];
	s10 =	sadd.s32 @!p0 s2, s10  }
0x83: {  	[tilespmem:s7], [sflag:$0x7] =	stream.linear.gather @!p0 [hbm4b:s10+s6], $0x80, $0x38;
	[tilespmem:$0x1C400] =	vst v63  }
0x84: {  	s9 =	sadd.s32 @!p0 s2, s9;
	s7 =	simm.s32 @!p0 $0x300;
	s10 =	simm.s32 @!p2 $0x2  }
0x85: {  	[tilespmem:s7], [sflag:$0x7] =	stream.linear.gather @!p0 [hbm4b:s9+s6], $0x80, $0x38;
	[tilespmem:$0x1C400] =	vst v63  }
0x86: {  	_ =	swait.ge @!p2 [sflag:s10], $0x4000  }
0x87: {  	s6 =	simm.s32 @!p2 $0x4400;
	s7 =	simm.s32 @!p2 $0x4;
	[sflag:s10] =	ssyncset.done @!p2 $0x0  }
0x88: {  	s9 =	simm.s32 @!p2 $0x80;
	[sflag:s10] =	ssyncadd.s32 @!p2 $0xFFFFC000;
	s10 =	simm.s32 @!p2 $0x380  }
0x89: {  	[spmem:s1] =	stream.indirect.scatter.add.f32 @!p2 [tilespmem:s6], [sflag:$0x4], $0x80, s10, s9, $0xb8;
	[tilespmem:$0x1C400] =	vst v63  }
0x8a: {  	_ =	swait.ge @!p2 [sflag:s7], $0x4000  }
0x8b: {  	[sflag:s7] =	ssyncset.done @!p2 $0x0  }
0x8c: {  	[sflag:s7] =	ssyncadd.s32 @!p2 $0xFFFFC000  }
0x8d: {  	_ =	swait.ge [sflag:s20], $0x80  }
0x8e: {  	[sflag:s20] =	ssyncset.done $0x0  }
0x8f: {  	[sflag:s20] =	ssyncadd.s32 $0xFFFFFF80  }
0x90: {  	s7 =	sadd.s32 $0x3, s31;
	_ =	swait.ge [sflag:s20], $0x80  }
0x91: {  	p0 =	sge.u32 s7, s5;
	[sflag:s20] =	ssyncset.done $0x0  }
0x92: {  	s12 =	simm.s32 @!p0 $0x0;
	s6 =	rddreg [dreg:$0x8];
	[sflag:s20] =	ssyncadd.s32 $0xFFFFFF80  }
0x93: {  	[tilespmem:s21], [sflag:$0x2] =	stream.indirect.gather [hbm4b:s4+s16], $0x80, s16, s16, $0xb8;
	[tilespmem:$0x1C400] =	vst v63  }
0x94: {  	s9 =	rddreg [dreg:$0x9];
	s11 =	sadd.s32 @!p0 s2, s6;
	s6 =	simm.s32 @!p0 $0x180  }
0x95: {  	[tilespmem:s6], [sflag:$0x8] =	stream.linear.gather @!p0 [hbm4b:s11+s12], $0x80, $0x38;
	[tilespmem:$0x1C400] =	vst v63  }
0x96: {  	s9 =	sadd.s32 @!p0 s2, s9;
	s11 =	simm.s32 @!p0 $0x380  }
0x97: {  	[tilespmem:s11], [sflag:$0x8] =	stream.linear.gather @!p0 [hbm4b:s9+s12], $0x80, $0x38;
	[tilespmem:$0x1C400] =	vst v63  }
0x98: {  	s13 =	smov.u32 s0;
	_ =	swait.ge [sflag:s22], $0x4000  }
0x99: {  	s30 =	smov.u32 s13;
	[sflag:s22] =	ssyncset.done $0x0;
	s13 =	rddreg [dreg:$0x5]  }
0x9a: {  	[sflag:s22] =	ssyncadd.s32 $0xFFFFC000;
	p2 =	sge.u32 s31, s13  }
0x9b: {  	[spmem:s1] =	stream.indirect.scatter.add.f32 [tilespmem:s19], [sflag:$0x3], $0x80, s15, s16, $0xb8;
	[tilespmem:$0x1C400] =	vst v63  }
0x9c: {  	s9 =	simm.s32 @!p2 $0x3  }
0x9d: {  	_ =	swait.ge @!p2 [sflag:s9], $0x4000  }
0x9e: {  	[sflag:s9] =	ssyncset.done @!p2 $0x0  }
0x9f: {  	[sflag:s9] =	ssyncadd.s32 @!p2 $0xFFFFC000;
	s9 =	simm.s32 @!p2 $0x7  }
0xa0: {  	_ =	swait.ge @!p2 [sflag:s9], $0x80  }
0xa1: {  	s10 =	sadd.s32 @!p0 $0x5, s31;
	[sflag:s9] =	ssyncset.done @!p2 $0x0  }
0xa2: {  	p3 =	sge.u32 @!p0 s10, s5;
	s10 =	sadd.s32 @!p2 $0x4, s31;
	[sflag:s9] =	ssyncadd.s32 @!p2 $0xFFFFFF80  }
0xa3: {  	s11 =	simm.s32 @!p2 $0x400;
	s12 =	simm.s32 @!p2 $0x80;
	_ =	swait.ge @!p2 [sflag:s9], $0x80  }
0xa4: {  	p4 =	sge.u32 @!p2 s10, s5;
	s10 =	simm.s32 @!p2 $0x100;
	[sflag:s9] =	ssyncset.done @!p2 $0x0  }
0xa5: {  	p4 =	por p4, p2;
	s13 =	rddreg [dreg:$0xa];
	[sflag:s9] =	ssyncadd.s32 @!p2 $0xFFFFFF80  }
0xa6: {  	[tilespmem:s11], [sflag:$0x1] =	stream.indirect.gather @!p2 [hbm4b:s4+s12], $0x80, s10, s12, $0xb8;
	[tilespmem:$0x1C400] =	vst v63  }
0xa7: {  	s9 =	rddreg [dreg:$0xb];
	s10 =	sadd.s32 @!p4 s2, s13;
	s11 =	simm.s32 @!p4 $0x0  }
0xa8: {  	[tilespmem:s11], [sflag:$0x5] =	stream.linear.gather @!p4 [hbm4b:s10+s11], $0x80, $0x38;
	[tilespmem:$0x1C400] =	vst v63  }
0xa9: {  	s9 =	sadd.s32 @!p4 s2, s9;
	s10 =	simm.s32 @!p4 $0x200  }
0xaa: {  	[tilespmem:s10], [sflag:$0x5] =	stream.linear.gather @!p4 [hbm4b:s9+s11], $0x80, $0x38;
	[tilespmem:$0x1C400] =	vst v63  }
0xab: {  	_ =	swait.ge [sflag:s23], $0x4000  }
0xac: {  	[sflag:s23] =	ssyncset.done $0x0  }
0xad: {  	s9 =	simm.s32 @!p0 $0x4;
	[sflag:s23] =	ssyncadd.s32 $0xFFFFC000  }
0xae: {  	[spmem:s1] =	stream.indirect.scatter.add.f32 [tilespmem:s21], [sflag:$0x4], $0x80, s17, s16, $0xb8;
	[tilespmem:$0x1C400] =	vst v63  }
0xaf: {  	_ =	swait.ge @!p0 [sflag:s9], $0x4000  }
0xb0: {  	[sflag:s9] =	ssyncset.done @!p0 $0x0  }
0xb1: {  	s0 =	sadd.s32 $0x40, s0;
	s10 =	simm.s32 @!p0 $0x8;
	[sflag:s9] =	ssyncadd.s32 @!p0 $0xFFFFC000  }
0xb2: {  	p1 =	sne.s32 s0, $0x500;
	_ =	swait.ge @!p0 [sflag:s10], $0x80  }
.Ltmp0:
0xb3: {  	[sflag:s10] =	ssyncset.done @!p0 $0x0;
	(pc) =	sbr.rel @p1 .LBB2_2-.Ltmp0, $4  }
0xb4: {  	s31 =	sadd.s32 $0x4, s31;
	p2 =	seq.s32 s30, $0x0;
	[sflag:s10] =	ssyncadd.s32 @!p0 $0xFFFFFF80  }
0xb5: {  	s11 =	simm.s32 @!p0 $0x80;
	p4 =	por p3, p0;
	_ =	swait.ge @!p0 [sflag:s10], $0x80  }
0xb6: {  	p3 =	sgt.u32 s7, s5;
	[sflag:s10] =	ssyncset.done @!p0 $0x0;
	s12 =	rddreg [dreg:$0xc]  }
0xb7: {  	s9 =	simm.s32 @!p0 $0x4400;
	[sflag:s10] =	ssyncadd.s32 @!p0 $0xFFFFFF80;
	s10 =	rddreg [dreg:$0xd]  }
0xb8: {  	[tilespmem:s9], [sflag:$0x2] =	stream.indirect.gather @!p0 [hbm4b:s4+s11], $0x80, s6, s11, $0xb8;
	[tilespmem:$0x1C400] =	vst v63  }
0xb9: {  	s0 =	sadd.s32 @!p4 s2, s12;
	s6 =	simm.s32 @!p4 $0x0;
	s7 =	simm.s32 @!p4 $0x80  }
0xba: {  	[tilespmem:s7], [sflag:$0x6] =	stream.linear.gather @!p4 [hbm4b:s0+s6], $0x80, $0x38;
	[tilespmem:$0x1C400] =	vst v63  }
0xbb: {  	s0 =	sadd.s32 @!p4 s2, s10;
	s2 =	simm.s32 @!p4 $0x280;
	s7 =	simm.s32 @!p3 $0x1  }
0xbc: {  	[tilespmem:s2], [sflag:$0x6] =	stream.linear.gather @!p4 [hbm4b:s0+s6], $0x80, $0x38;
	[tilespmem:$0x1C400] =	vst v63  }
0xbd: {  	_ =	swait.ge @!p3 [sflag:s7], $0x4000  }
0xbe: {  	s9 =	simm.s32 @!p3 $0x300;
	s0 =	simm.s32 @!p2 $0x3;
	[sflag:s7] =	ssyncset.done @!p3 $0x0  }
0xbf: {  	s2 =	simm.s32 @!p3 $0x400;
	s6 =	simm.s32 @!p3 $0x80;
	[sflag:s7] =	ssyncadd.s32 @!p3 $0xFFFFC000  }
0xc0: {  	[spmem:s1] =	stream.indirect.scatter.add.f32 @!p3 [tilespmem:s2], [sflag:$0x3], $0x80, s9, s6, $0xb8;
	[tilespmem:$0x1C400] =	vst v63  }
0xc1: {  	_ =	swait.ge @!p2 [sflag:s0], $0x4000  }
0xc2: {  	[sflag:s0] =	ssyncset.done @!p2 $0x0  }
0xc3: {  	[sflag:s0] =	ssyncadd.s32 @!p2 $0xFFFFC000  }
0xc4: {  	_ =	swait.ge [sflag:s18], $0x80  }
0xc5: {  	[sflag:s18] =	ssyncset.done $0x0  }
0xc6: {  	[sflag:s18] =	ssyncadd.s32 $0xFFFFFF80  }
0xc7: {  	s11 =	sadd.s32 $0x2, s31;
	_ =	swait.ge [sflag:s18], $0x80  }
0xc8: {  	p0 =	sge.u32 s11, s5;
	[sflag:s18] =	ssyncset.done $0x0  }
0xc9: {  	s7 =	simm.s32 @!p0 $0x100;
	s2 =	rddreg [dreg:$0x6];
	[sflag:s18] =	ssyncadd.s32 $0xFFFFFF80  }
0xca: {  	[tilespmem:s19], [sflag:$0x1] =	stream.indirect.gather [hbm4b:s4+s16], $0x80, s3, s16, $0xb8;
	[tilespmem:$0x1C400] =	vst v63  }
0xcb: {  	s6 =	simm.s32 @!p0 $0x0;
	s0 =	rddreg [dreg:$0x7];
	s2 =	sadd.s32 @!p0 s30, s2  }
0xcc: {  	[tilespmem:s7], [sflag:$0x7] =	stream.linear.gather @!p0 [hbm4b:s2+s6], $0x80, $0x38;
	[tilespmem:$0x1C400] =	vst v63  }
0xcd: {  	s0 =	sadd.s32 @!p0 s30, s0;
	s2 =	simm.s32 @!p0 $0x300;
	s7 =	simm.s32 @!p2 $0x2  }
0xce: {  	[tilespmem:s2], [sflag:$0x7] =	stream.linear.gather @!p0 [hbm4b:s0+s6], $0x80, $0x38;
	[tilespmem:$0x1C400] =	vst v63  }
0xcf: {  	_ =	swait.ge @!p2 [sflag:s7], $0x4000  }
0xd0: {  	s0 =	simm.s32 @!p2 $0x4400;
	s2 =	simm.s32 @!p2 $0x4;
	[sflag:s7] =	ssyncset.done @!p2 $0x0  }
0xd1: {  	s6 =	simm.s32 @!p2 $0x80;
	[sflag:s7] =	ssyncadd.s32 @!p2 $0xFFFFC000;
	s7 =	simm.s32 @!p2 $0x380  }
0xd2: {  	[spmem:s1] =	stream.indirect.scatter.add.f32 @!p2 [tilespmem:s0], [sflag:$0x4], $0x80, s7, s6, $0xb8;
	[tilespmem:$0x1C400] =	vst v63  }
0xd3: {  	_ =	swait.ge @!p2 [sflag:s2], $0x4000  }
0xd4: {  	[sflag:s2] =	ssyncset.done @!p2 $0x0  }
0xd5: {  	[sflag:s2] =	ssyncadd.s32 @!p2 $0xFFFFC000  }
0xd6: {  	_ =	swait.ge [sflag:s20], $0x80  }
0xd7: {  	[sflag:s20] =	ssyncset.done $0x0  }
0xd8: {  	[sflag:s20] =	ssyncadd.s32 $0xFFFFFF80  }
0xd9: {  	s12 =	sadd.s32 $0x3, s31;
	_ =	swait.ge [sflag:s20], $0x80  }
0xda: {  	p0 =	sge.u32 s12, s5;
	[sflag:s20] =	ssyncset.done $0x0  }
0xdb: {  	s9 =	simm.s32 @!p0 $0x180;
	s2 =	rddreg [dreg:$0x8];
	[sflag:s20] =	ssyncadd.s32 $0xFFFFFF80  }
0xdc: {  	[tilespmem:s21], [sflag:$0x2] =	stream.indirect.gather [hbm4b:s4+s16], $0x80, s16, s16, $0xb8;
	[tilespmem:$0x1C400] =	vst v63  }
0xdd: {  	s7 =	simm.s32 @!p0 $0x0;
	s6 =	rddreg [dreg:$0x9];
	s2 =	sadd.s32 @!p0 s30, s2  }
0xde: {  	[tilespmem:s9], [sflag:$0x8] =	stream.linear.gather @!p0 [hbm4b:s2+s7], $0x80, $0x38;
	[tilespmem:$0x1C400] =	vst v63  }
0xdf: {  	s2 =	sadd.s32 @!p0 s30, s6;
	s6 =	simm.s32 @!p0 $0x380  }
0xe0: {  	[tilespmem:s6], [sflag:$0x8] =	stream.linear.gather @!p0 [hbm4b:s2+s7], $0x80, $0x38;
	[tilespmem:$0x1C400] =	vst v63  }
0xe1: {  	_ =	swait.ge [sflag:s22], $0x4000  }
0xe2: {  	[sflag:s22] =	ssyncset.done $0x0;
	s13 =	rddreg [dreg:$0x5]  }
0xe3: {  	[sflag:s22] =	ssyncadd.s32 $0xFFFFC000;
	p1 =	sge.u32 s31, s13  }
0xe4: {  	[spmem:s1] =	stream.indirect.scatter.add.f32 [tilespmem:s19], [sflag:$0x3], $0x80, s15, s16, $0xb8;
	[tilespmem:$0x1C400] =	vst v63  }
0xe5: {  	s2 =	simm.s32 @!p1 $0x3  }
0xe6: {  	_ =	swait.ge @!p1 [sflag:s2], $0x4000  }
0xe7: {  	[sflag:s2] =	ssyncset.done @!p1 $0x0  }
0xe8: {  	[sflag:s2] =	ssyncadd.s32 @!p1 $0xFFFFC000;
	s2 =	simm.s32 @!p1 $0x7  }
0xe9: {  	_ =	swait.ge @!p1 [sflag:s2], $0x80  }
0xea: {  	[sflag:s2] =	ssyncset.done @!p1 $0x0  }
0xeb: {  	[sflag:s2] =	ssyncadd.s32 @!p1 $0xFFFFFF80  }
0xec: {  	_ =	swait.ge @!p1 [sflag:s2], $0x80  }
0xed: {  	s6 =	simm.s32 @!p1 $0x100;
	[sflag:s2] =	ssyncset.done @!p1 $0x0  }
0xee: {  	s7 =	simm.s32 @!p1 $0x400;
	[sflag:s2] =	ssyncadd.s32 @!p1 $0xFFFFFF80;
	s2 =	simm.s32 @!p1 $0x80  }
0xef: {  	[tilespmem:s7], [sflag:$0x1] =	stream.indirect.gather @!p1 [hbm4b:s4+s2], $0x80, s6, s2, $0xb8;
	[tilespmem:$0x1C400] =	vst v63  }
0xf0: {  	s2 =	sadd.s32 @!p1 $0x4, s31  }
0xf1: {  	p2 =	sge.u32 @!p1 s2, s5  }
0xf2: {  	s6 =	rddreg [dreg:$0xa];
	p1 =	por p2, p1  }
0xf3: {  	s2 =	rddreg [dreg:$0xb];
	s6 =	sadd.s32 @!p1 s30, s6;
	s7 =	simm.s32 @!p1 $0x0  }
0xf4: {  	[tilespmem:s7], [sflag:$0x5] =	stream.linear.gather @!p1 [hbm4b:s6+s7], $0x80, $0x38;
	[tilespmem:$0x1C400] =	vst v63  }
0xf5: {  	s2 =	sadd.s32 @!p1 s30, s2;
	s6 =	simm.s32 @!p1 $0x200  }
0xf6: {  	[tilespmem:s6], [sflag:$0x5] =	stream.linear.gather @!p1 [hbm4b:s2+s7], $0x80, $0x38;
	[tilespmem:$0x1C400] =	vst v63  }
0xf7: {  	_ =	swait.ge [sflag:s23], $0x4000  }
0xf8: {  	[sflag:s23] =	ssyncset.done $0x0  }
0xf9: {  	s2 =	simm.s32 @!p0 $0x4;
	[sflag:s23] =	ssyncadd.s32 $0xFFFFC000  }
0xfa: {  	[spmem:s1] =	stream.indirect.scatter.add.f32 [tilespmem:s21], [sflag:$0x4], $0x80, s17, s16, $0xb8;
	[tilespmem:$0x1C400] =	vst v63  }
0xfb: {  	_ =	swait.ge @!p0 [sflag:s2], $0x4000  }
0xfc: {  	[sflag:s2] =	ssyncset.done @!p0 $0x0  }
0xfd: {  	s6 =	simm.s32 @!p0 $0x8;
	[sflag:s2] =	ssyncadd.s32 @!p0 $0xFFFFC000  }
0xfe: {  	_ =	swait.ge @!p0 [sflag:s6], $0x80  }
0xff: {  	[sflag:s6] =	ssyncset.done @!p0 $0x0  }
0x100: {  	[sflag:s6] =	ssyncadd.s32 @!p0 $0xFFFFFF80  }
0x101: {  	s2 =	sadd.s32 @!p0 $0x5, s31;
	_ =	swait.ge @!p0 [sflag:s6], $0x80  }
0x102: {  	s7 =	simm.s32 @!p0 $0x80;
	p1 =	sge.u32 @!p0 s2, s5;
	[sflag:s6] =	ssyncset.done @!p0 $0x0  }
0x103: {  	s2 =	simm.s32 @!p0 $0x4400;
	[sflag:s6] =	ssyncadd.s32 @!p0 $0xFFFFFF80;
	s6 =	rddreg [dreg:$0xc]  }
0x104: {  	[tilespmem:s2], [sflag:$0x2] =	stream.indirect.gather @!p0 [hbm4b:s4+s7], $0x80, s9, s7, $0xb8;
	[tilespmem:$0x1C400] =	vst v63  }
0x105: {  	p0 =	por p1, p0;
	s2 =	rddreg [dreg:$0xd]  }
0x106: {  	s6 =	sadd.s32 @!p0 s30, s6;
	s7 =	simm.s32 @!p0 $0x0;
	s9 =	simm.s32 @!p0 $0x80  }
0x107: {  	[tilespmem:s9], [sflag:$0x6] =	stream.linear.gather @!p0 [hbm4b:s6+s7], $0x80, $0x38;
	[tilespmem:$0x1C400] =	vst v63  }
0x108: {  	p1 =	sgt.u32 s12, s5;
	s0 =	sadd.s32 @!p0 s30, s2;
	s2 =	simm.s32 @!p0 $0x280  }
0x109: {  	[tilespmem:s2], [sflag:$0x6] =	stream.linear.gather @!p0 [hbm4b:s0+s7], $0x80, $0x38;
	[tilespmem:$0x1C400] =	vst v63  }
0x10a: {  	s0 =	simm.s32 @!p1 $0x1  }
0x10b: {  	_ =	swait.ge @!p1 [sflag:s0], $0x4000  }
0x10c: {  	s6 =	simm.s32 @!p1 $0x80;
	[sflag:s0] =	ssyncset.done @!p1 $0x0  }
0x10d: {  	s2 =	simm.s32 @!p1 $0x400;
	[sflag:s0] =	ssyncadd.s32 @!p1 $0xFFFFC000;
	s0 =	simm.s32 @!p1 $0x300  }
0x10e: {  	[spmem:s1] =	stream.indirect.scatter.add.f32 @!p1 [tilespmem:s2], [sflag:$0x3], $0x80, s0, s6, $0xb8;
	[tilespmem:$0x1C400] =	vst v63  }
0x10f: {  	_ =	swait.ge [sflag:s25], $0x4000  }
0x110: {  	[sflag:s25] =	ssyncset.done $0x0  }
0x111: {  	[sflag:s25] =	ssyncadd.s32 $0xFFFFC000  }
0x112: {  	_ =	swait.ge [sflag:s26], $0x4000  }
0x113: {  	[sflag:s26] =	ssyncset.done $0x0  }
0x114: {  	[sflag:s26] =	ssyncadd.s32 $0xFFFFC000  }
0x115: {  	[bflag:$0x0] =	sbarrier.arrive $0xFFFF  }
0x116: {  	[hbm:s24], [sflag:s8] =	dma.local [spmem:s29], $0x2800  }
0x117: {  	_ =	swait.ge [sflag:s14], $0x2800  }
0x118: {  	s28 =	sadd.s32 $0x1, s28;
	s31 =	rddreg [dreg:$0x14]  }
0x119: {  	p0 =	sne.s32 s28, s31  }
.Ltmp1:
0x11a: {  	_ = 	snop;
	(pc) =	sbr.rel @p0 .LBB2_1-.Ltmp1, $3  }
0x11b: {  	_ =	sdelay $0x1  }
0x11c: {  	[sflag:s14] =	ssyncset.done $0x0  }
0x11d: {  	[sflag:s14] =	ssyncadd.s32 $0xFFFFD800  }
0x11e: {  	_ =	sfence.sel $0x180000  }
0x11f: {  	[bflag:$0x0] =	sbarrier.arrive $0xFFFF  }
0x120: {  	_ =	strace $0x9000004D  }
0x121: {  	s0 =	stileid.u32;
	[bflag:$0x2] =	sbarrier.arrive $0xFFFF  }
0x122: {  	p0 =	sne.s32 s0, $0x0;
	s0 =	rddreg [dreg:$0x4]  }
0x123: {  	s0 =	sadd.s32 @!p0 $0x100000, s0  }
0x124: {  	[sflag:s0] =	ssyncadd.tile.s32 @!p0 $0x1;
	_ =	shalt  }
.Lfunc_end2:
_tile_overlayer_lowered:
.L_overlay_start_2:
0x125: {  	(tag) =	ssettag $0x2  }
0x126: {  	s0 =	rddreg [dreg:$0x0];
	s2 =	stileid.u32  }
0x127: {  	s1 =	rddreg [dreg:$0x1];
	p0 =	sne.s32 s2, $0x0  }
0x128: {  	s3 =	rddreg [dreg:$0x2];
	[bflag:$0x3] =	sbarrier.arrive $0xFFFF;
	s2 =	simm.s32 @!p0 $0x1C09  }
0x129: {  	[timem:s3], [sflag:s2] =	dma.local @!p0 [hbm:s0], s1  }
0x12a: {  	s0 =	simm.s32 @!p0 $0x9  }
0x12b: {  	_ =	swait.ge @!p0 [sflag:s0], s1  }
0x12c: {  	s1 =	ssub.s32 @!p0 $0x0, s1;
	[sflag:s0] =	ssyncset.done @!p0 $0x0  }
0x12d: {  	[sflag:s0] =	ssyncadd.s32 @!p0 s1  }
0x12e: {  	[bflag:$0x3] =	sbarrier.arrive $0xFFFF  }
0x12f: {  	_ =	shalt  }

// kernel: kernel.9.cloned.1.call-start
scs
__scs_entry_jumppad:
0x0: {  	(pc) =	sbr.rel $0x88, $3  }
0x1: {  	(tag) =	ssettag $0x0;
	lr =	simm.s32 $0x1  }
0x2: {  	[smem:$0x3F9B] =	sst lr;
	_ =	strace $0xD0000000  }
0x3: {  	_ = 	snop  }
0x4: {  	_ = 	snop  }
0x5: {  	_ = 	snop  }
0x6: {  	_ = 	snop  }
0x7: {  	_ = 	snop  }
__scs_overlays_trampoline_lowered:
0x8: {  	[smem:$0x3FAA] =	sst s0  }
0x9: {  	[smem:$0x3FAB] =	sst s1  }
0xa: {  	[smem:$0x3FAC] =	sst s2  }
0xb: {  	[smem:$0x3FAD] =	sst s3  }
0xc: {  	[smem:$0x3FAE] =	sst s4  }
0xd: {  	[smem:$0x3FAF] =	sst s5  }
0xe: {  	[smem:$0x3FB0] =	sst s6  }
0xf: {  	[smem:$0x3FB1] =	sst s7  }
0x10: {  	[smem:$0x3FB2] =	sst s8  }
0x11: {  	[smem:$0x3FB3] =	sst s9;
	s0 =	simm.s32 @!p0 $0x0  }
0x12: {  	s1 =	sld [smem:$0x3F99];
	s0 =	simm.s32 @p0 $0x1  }
0x13: {  	[smem:$0x3FB4] =	sst s0;
	s0 =	simm.s32 @!p1 $0x0  }
0x14: {  	s2 =	sld [smem:$0x3F98];
	s0 =	simm.s32 @p1 $0x1  }
0x15: {  	[smem:$0x3FB5] =	sst s0;
	s0 =	simm.s32 @!p2 $0x0  }
0x16: {  	s3 =	sld [smem:$0x3FDB];
	s0 =	simm.s32 @p2 $0x1  }
0x17: {  	s4 =	simm.s32 $0x1BF5;
	[smem:$0x3FB7] =	sst s0  }
0x18: {  	s0 =	sld [smem:$0x3F9A];
	_ =	swait.ge [sflag:s4], $0x0  }
0x19: {  	s7 =	sld [smem:$0x3F9B]  }
0x1a: {  	s8 =	sadd.s32 $0xFFFFE003, lr  }
0x1b: {  	s9 =	sadd.s32 $0xFFFFFEF7, lr;
	s5 =	simm.s32 $0xFFFFFFFF;
	p2 =	slt.u32 s8, $0xFFFFF086  }
0x1c: {  	p1 =	slt.u32 s9, $0xF7A;
	s5 =	simm.s32 @!p2 $0x0  }
0x1d: {  	s5 =	simm.s32 @p1 $0x1;
	p0 =	seq.s32 s7, s2  }
0x1e: {  	s7 =	smul.u32 @!p0 $0xF7A, s2;
	p2 =	seq.s32 @!p0 s5, $0x0  }
0x1f: {  	s9 =	smul.u32 $0xF7A, s1;
	s8 =	simm.s32 @!p0 $0x1BF5;
	p2 =	por !p2, p0  }
0x20: {  	[sflag:s8] =	ssyncset.s32 @!p0 $0xFFFFF086;
	s6 =	sadd.s32 @!p0 s3, s7;
	s7 =	simm.s32 @!p0 $0x108  }
0x21: {  	s3 =	sadd.s32 s3, s9;
	s6 =	sadd.s32 @!p0 $0x88, s6;
	s7 =	simm.s32 @p2 $0x1082  }
0x22: {  	[simem:s7], [sflag:s8] =	dma.local @!p0 [hbm:s6], $0xF7A  }
0x23: {  	s9 =	sor.u32 $0xD0000000, s2;
	s6 =	simm.s32 $0x108;
	_ =	swait.ge @!p0 [sflag:s8], $0x0  }
0x24: {  	s3 =	sadd.s32 $0x88, s3;
	s6 =	simm.s32 @!p1 $0x1082;
	[sflag:s4] =	ssyncset.s32 $0xFFFFF086  }
0x25: {  	[simem:s6], [sflag:s4] =	dma.local [hbm:s3], $0xF7A  }
0x26: {  	[smem:$0x3F9B] =	sst s1;
	(tag) =	ssettag s2;
	_ =	strace s9  }
0x27: {  	s1 =	sld [smem:$0x3FAB]  }
0x28: {  	s2 =	sld [smem:$0x3FAC]  }
0x29: {  	s4 =	sld [smem:$0x3FAE]  }
0x2a: {  	p0 =	seq.s32 s5, $0x0;
	s5 =	sld [smem:$0x3FAF]  }
0x2b: {  	s6 =	sld [smem:$0x3FB0]  }
0x2c: {  	s7 =	sld [smem:$0x3FB1]  }
0x2d: {  	s3 =	simm.s32 $0x108;
	s8 =	sld [smem:$0x3FB2]  }
0x2e: {  	s3 =	simm.s32 @!p0 $0x1082;
	s9 =	sld [smem:$0x3FB3]  }
0x2f: {  	lr =	sadd.s32 s0, s3;
	s0 =	sld [smem:$0x3FAA]  }
0x30: {  	s3 =	sld [smem:$0x3FAD]  }
0x31: {  	[smem:$0x3FB6] =	sst s10  }
0x32: {  	s10 =	sld [smem:$0x3FB4];
	_ =	sdelay $0x3  }
0x33: {  	p0 =	seq.s32 s10, $0x1;
	s10 =	sld [smem:$0x3FB6];
	_ =	sdelay $0x3  }
0x34: {  	[smem:$0x3FB6] =	sst s10  }
0x35: {  	s10 =	sld [smem:$0x3FB5];
	_ =	sdelay $0x3  }
0x36: {  	p1 =	seq.s32 s10, $0x1;
	s10 =	sld [smem:$0x3FB6];
	_ =	sdelay $0x3  }
0x37: {  	[smem:$0x3FB6] =	sst s10  }
0x38: {  	s10 =	sld [smem:$0x3FB7]  }
0x39: {  	_ = 	snop;
	(pc) =	sbr.ind lr, $3  }
0x3a: {  	_ = 	snop  }
0x3b: {  	_ = 	snop  }
0x3c: {  	p2 =	seq.s32 s10, $0x1;
	s10 =	sld [smem:$0x3FB6]  }
0x3d: {  	_ =	shalt  }
0x3e: {  	_ =	shalt  }
0x3f: {  	_ =	shalt  }
0x40: {  	_ =	shalt  }
0x41: {  	_ =	shalt  }
0x42: {  	_ =	shalt  }
0x43: {  	_ =	shalt  }
0x44: {  	_ =	shalt  }
0x45: {  	_ =	shalt  }
0x46: {  	_ =	shalt  }
0x47: {  	_ =	shalt  }
0x48: {  	_ =	shalt  }
0x49: {  	_ =	shalt  }
0x4a: {  	_ =	shalt  }
0x4b: {  	_ =	shalt  }
0x4c: {  	_ =	shalt  }
0x4d: {  	_ =	shalt  }
0x4e: {  	_ =	shalt  }
0x4f: {  	_ =	shalt  }
0x50: {  	_ =	shalt  }
0x51: {  	_ =	shalt  }
0x52: {  	_ =	shalt  }
0x53: {  	_ =	shalt  }
0x54: {  	_ =	shalt  }
0x55: {  	_ =	shalt  }
0x56: {  	_ =	shalt  }
0x57: {  	_ =	shalt  }
0x58: {  	_ =	shalt  }
0x59: {  	_ =	shalt  }
0x5a: {  	_ =	shalt  }
0x5b: {  	_ =	shalt  }
0x5c: {  	_ =	shalt  }
0x5d: {  	_ =	shalt  }
0x5e: {  	_ =	shalt  }
0x5f: {  	_ =	shalt  }
0x60: {  	_ =	shalt  }
0x61: {  	_ =	shalt  }
0x62: {  	_ =	shalt  }
0x63: {  	_ =	shalt  }
0x64: {  	_ =	shalt  }
0x65: {  	_ =	shalt  }
0x66: {  	_ =	shalt  }
0x67: {  	_ =	shalt  }
0x68: {  	_ =	shalt  }
0x69: {  	_ =	shalt  }
0x6a: {  	_ =	shalt  }
0x6b: {  	_ =	shalt  }
0x6c: {  	_ =	shalt  }
0x6d: {  	_ =	shalt  }
0x6e: {  	_ =	shalt  }
0x6f: {  	_ =	shalt  }
0x70: {  	_ =	shalt  }
0x71: {  	_ =	shalt  }
0x72: {  	_ =	shalt  }
0x73: {  	_ =	shalt  }
0x74: {  	_ =	shalt  }
0x75: {  	_ =	shalt  }
0x76: {  	_ =	shalt  }
0x77: {  	_ =	shalt  }
0x78: {  	_ =	shalt  }
0x79: {  	_ =	shalt  }
0x7a: {  	_ =	shalt  }
0x7b: {  	_ =	shalt  }
0x7c: {  	_ =	shalt  }
0x7d: {  	_ =	shalt  }
0x7e: {  	_ =	shalt  }
0x7f: {  	_ =	shalt  }
0x80: {  	_ =	shalt  }
0x81: {  	_ =	shalt  }
0x82: {  	_ =	shalt  }
0x83: {  	_ =	shalt  }
0x84: {  	_ =	shalt  }
0x85: {  	_ =	shalt  }
0x86: {  	_ =	shalt  }
0x87: {  	_ =	shalt  }
.Lfunc_end0:
.L_simem_size_0:
called_computation_lowered:
.L_overlay_start_0:
0x88: {  	s2 =	sld [smem:$0x3FD9]  }
0x89: {  	s3 =	sld [smem:$0x3FFE];
	_ =	sdelay $0x1  }
0x8a: {  	s1 =	srdreg.scid  }
0x8b: {  	s0 =	sand.u32 $0x1, s1  }
0x8c: {  	s14 =	sshll.u32 s0, $0xA;
	s2 =	sadd.s32 s3, s2  }
0x8d: {  	s2 =	sadd.s32 s2, s14  }
0x8e: {  	[smem:$0x3FC2] =	sst s2  }
0x8f: {  	_ = 	snop  }
0x90: {  	s2 =	sld [smem:$0x3FD0];
	_ =	sdelay $0x2  }
0x91: {  	s15 =	simm.s32 $0xA;
	s4 =	simm.s32 $0x10  }
0x92: {  	[smem:s4], [sflag:s15] =	dma.local [hbm:s2], $0x1  }
0x93: {  	_ =	swait.eq [sflag:s15], $0x1  }
0x94: {  	[sflag:s15] =	ssyncset.done $0x0  }
0x95: {  	s16 =	sld [smem:$0x10];
	[sflag:s15] =	ssyncadd.s32 $0xFFFFFFFF  }
0x96: {  	s17 =	sld [smem:$0x11];
	(tm) =	ssettm $0x1  }
0x97: {  	s18 =	sld [smem:$0x3FFB];
	_ =	sdelay $0x3  }
0x98: {  	_ =	strace s18  }
0x99: {  	s4 =	sld [smem:$0x3FFC];
	_ =	sdelay $0x3  }
0x9a: {  	_ =	strace s4  }
0x9b: {  	s4 =	sld [smem:$0x3FFD];
	_ =	sdelay $0x3  }
0x9c: {  	_ =	strace s4  }
0x9d: {  	_ =	strace $0x8FFFFFFF  }
0x9e: {  	s19 =	sld [smem:$0x3FDB];
	_ =	sdelay $0x1  }
0x9f: {  	s5 =	simm.s32 $_scs_section_size  }
0xa0: {  	s6 =	simm.s32 $_size__tile_overlayer_lowered;
	s7 =	simm.s32 $_tile_overlayer_lowered  }
0xa1: {  	s22 =	simm.s32 $0x1BFF;
	s21 =	sshll.u32 s7, $0x1;
	s4 =	sadd.s32 s5, s19  }
0xa2: {  	s8 =	simm.s32 $0x0;
	s20 =	sshll.u32 s6, $0x1;
	s6 =	sadd.s32 s21, s4  }
0xa3: {  	[timem:s8], [sflag:s22] =	dma.local [hbm:s6], s20  }
0xa4: {  	_ =	swait.ge [sflag:s22], s20  }
0xa5: {  	s5 =	ssub.s32 $0x0, s20;
	[sflag:s22] =	ssyncset.done $0x0  }
0xa6: {  	[sflag:s22] =	ssyncadd.s32 s5;
	_ =	sdelay $0x1  }
0xa7: {  	s23 =	simm.s32 $0x1B8B  }
0xa8: {  	_ =	swait.ge [sflag:s23], $0x1  }
0xa9: {  	[sflag:s23] =	ssyncset.done $0x0  }
0xaa: {  	s25 =	simm.s32 $0x1B8E;
	s24 =	sld [smem:$0x3FFE];
	[sflag:s23] =	ssyncadd.s32 $0xFFFFFFFF  }
0xab: {  	s26 =	simm.s32 $execute0_lowered;
	[smem:$0x3FD2] =	sst s25  }
0xac: {  	s6 =	sshll.u32 s26, $0x1;
	_ =	strace $0x80000046;
	[dreg:$0x1] =	wrdreg $0xFFFFFFFF  }
0xad: {  	s28 =	simm.s32 $_size_execute0_lowered;
	s4 =	sadd.s32 s4, s6;
	[dreg:$0x0] =	wrdreg $0x0  }
0xae: {  	s6 =	sshll.u32 s28, $0x1;
	[dreg:$0x2] =	wrdreg s4  }
0xaf: {  	[dreg:$0x3] =	wrdreg s6  }
0xb0: {  	[dreg:$0x4] =	wrdreg $0xC0  }
0xb1: {  	_ =	task [dreg:s8], $0x5FFFF  }
0xb2: {  	[dreg:$0x1] =	wrdreg $0xFFFFFFFF  }
0xb3: {  	[dreg:$0x0] =	wrdreg $0x60  }
0xb4: {  	[dreg:$0x2] =	wrdreg s24  }
0xb5: {  	[dreg:$0x3] =	wrdreg s17  }
0xb6: {  	[dreg:$0x4] =	wrdreg s16  }
0xb7: {  	[dreg:$0x5] =	wrdreg $0x9  }
0xb8: {  	_ =	task.clear_ibuf [dreg:s8], $0x6FFFF;
	_ =	strace $0x90000046  }
0xb9: {  	s29 =	simm.s32 $0x9;
	_ =	strace $0x80000048  }
0xba: {  	_ =	swait.ge [sflag:s29], $0x1  }
0xbb: {  	[sflag:s29] =	ssyncadd.s32 $0xFFFFFFFF  }
0xbc: {  	_ =	strace $0x90000048  }
0xbd: {  	_ =	sfence  }
0xbe: {  	s30 =	sld [smem:$0x0];
	_ =	sdelay $0x2  }
0xbf: {  	s31 =	sshll.u32 s1, $0xD;
	s1 =	sshrl.u32 s1, $0x2  }
0xc0: {  	s3 =	sand.u32 $0x4000, s31;
	s1 =	sadd.s32 s1, s30  }
0xc1: {  	s0 =	sor.u32 s3, s0;
	s1 =	sshll.u32 s1, $0x11  }
0xc2: {  	s0 =	sor.u32 s1, s0  }
0xc3: {  	s0 =	sadd.s32 $0x8F2B, s0  }
0xc4: {  	[sflag:s0] =	ssyncadd.remote.s32 $0x1  }
0xc5: {  	_ =	sfence.sel $0xFFFF  }
0xc6: {  	[dreg:$0x0] =	wrdreg $0xFFFFFFFF;
	(pc) =	sbr.abs _section_cstart, $3  }
0xc7: {  	[dreg:$0x1] =	wrdreg $0xFFFFFFFF  }
0xc8: {  	_ =	task.clear_ibuf [dreg:s8], $0x2FFFF;
	_ =	strace $0x9FFFFFFF  }
0xc9: {  	(tm) =	ssettm $0x7FFFFFFF  }
tec
execute0_lowered:
.L_overlay_start_1:
0x0: {  	(tag) =	ssettag $0x1  }
0x1: {  	s3 =	rddreg [dreg:$0x0]  }
0x2: {  	s9 =	rddreg [dreg:$0x1]  }
0x3: {  	s10 =	rddreg [dreg:$0x2]  }
0x4: {  	s1 =	srdreg.scid;
	s0 =	rddreg [dreg:$0x3]  }
0x5: {  	s2 =	simm.s32 $0x0;
	s4 =	sand.u32 $0x1, s1;
	s1 =	stileid.u32  }
0x6: {  	[smem:$0x7FF] =	sst s2;
	s12 =	sadd.s32 $0x1C00, s3;
	s3 =	simm.s32 $0x4F  }
0x7: {  	s5 =	sshll.u32 s4, $0x4;
	_ =	strace $0x80000047;
	s13 =	smul.u32 $0x4E0, s4  }
0x8: {  	s15 =	ssub.s32 $0x2, s4;
	s14 =	smul.u32 $0x4E, s1;
	s11 =	sor.u32 s1, s5  }
0x9: {  	s7 =	sshrl.u32 s15, $0x1;
	s6 =	smul.u32 $0x4E, s11;
	s8 =	smin.u32 s11, $0x4  }
0xa: {  	p0 =	slt.u32 s11, $0x4;
	s15 =	ssub.s32 s15, s7;
	s18 =	smul.u32 $0x500, s11  }
0xb: {  	s13 =	sadd.s32 s14, s13;
	s11 =	smul.u32 $0x2800, s11;
	s3 =	simm.s32 @!p0 $0x4E  }
0xc: {  	s14 =	simm.s32 $0x1;
	s6 =	sadd.s32 s8, s6;
	s17 =	sadd.s32 $0xFFFFFFFE, s3  }
0xd: {  	s8 =	sadd.s32 s8, s13;
	s19 =	sadd.s32 $0xFFFFFFFD, s3;
	[dreg:$0x8] =	wrdreg s17  }
0xe: {  	s11 =	sshrl.u32 s11, $0x3;
	s6 =	sshll.u32 s6, $0x4;
	[dreg:$0xb] =	wrdreg s19  }
0xf: {  	s17 =	simm.s32 $0x2;
	s19 =	simm.s32 $0x0;
	s16 =	sadd.s32 $0x10, s6  }
0x10: {  	s4 =	sadd.s32 s12, s6;
	s5 =	sadd.s32 s9, s6;
	s6 =	sadd.s32 s12, s16  }
0x11: {  	s7 =	sadd.s32 s9, s16;
	s16 =	sshll.u32 s8, $0x4;
	s8 =	sadd.s32 s10, s18  }
0x12: {  	s10 =	sadd.s32 s10, s11;
	s11 =	simm.s32 $0x200;
	s20 =	sadd.s32 $0x50, s16  }
0x13: {  	s18 =	simm.s32 $0x5;
	s22 =	sadd.s32 s16, s12;
	s21 =	sadd.s32 s20, s12  }
0x14: {  	s24 =	sadd.s32 s16, s9;
	s13 =	sadd.s32 s20, s9;
	[dreg:$0xc] =	wrdreg s21  }
0x15: {  	s26 =	sadd.s32 $0x20, s16;
	s23 =	sadd.s32 $0x40, s22;
	[dreg:$0xd] =	wrdreg s13  }
0x16: {  	s30 =	sadd.s32 $0x30, s16;
	s25 =	sadd.s32 $0x40, s24;
	[dreg:$0x9] =	wrdreg s23  }
0x17: {  	s16 =	simm.s32 $0x2C00;
	s28 =	sadd.s32 s26, s12;
	[dreg:$0xa] =	wrdreg s25  }
0x18: {  	s29 =	sadd.s32 s26, s9;
	s12 =	sadd.s32 s30, s12;
	[dreg:$0x4] =	wrdreg s28  }
0x19: {  	s31 =	sadd.s32 s30, s9;
	s9 =	sadd.s32 $0xA000, s10;
	[dreg:$0x5] =	wrdreg s29  }
0x1a: {  	s10 =	smax.u32 s15, $0x1;
	s15 =	simm.s32 $0x400;
	[dreg:$0x6] =	wrdreg s12  }
0x1b: {  	v0 =	vimm.f32 $0.0e+00;
	v1 =	vimm.f32 $1.000000000e+00;
	[dreg:$0x7] =	wrdreg s31;
	s12 =	simm.s32 $0x80;
	s13 =	simm.s32 $0x280  }
.LBB2_1:
0x1c: {  	[tilespmem:s2], [sflag:$0x1] =	stream.linear.gather [hbm4b:s4+s2], $0x80, $0x38;
	[tilespmem:$0x5400] =	vst v63  }
0x1d: {  	_ = 	snop  }
0x1e: {  	[tilespmem:s11], [sflag:$0x1] =	stream.linear.gather [hbm4b:s5+s2], $0x80, $0x38;
	[tilespmem:$0x5400] =	vst v63  }
0x1f: {  	_ = 	snop  }
0x20: {  	[tilespmem:s12], [sflag:$0x2] =	stream.linear.gather [hbm4b:s6+s2], $0x80, $0x38;
	[tilespmem:$0x5400] =	vst v63  }
0x21: {  	s20 =	simm.s32 $0x0  }
0x22: {  	[tilespmem:s13], [sflag:$0x2] =	stream.linear.gather [hbm4b:s7+s2], $0x80, $0x38;
	[tilespmem:$0x5400] =	vst v63  }
.LBB2_2:
0x23: {  	p0 =	sne.s32 s20, $0x9FC0  }
.Ltmp0:
0x24: {  	_ = 	snop;
	(pc) =	sbr.rel @p0 .LBB2_2-.Ltmp0, $4  }
0x25: {  	_ = 	snop  }
0x26: {  	s21 =	sshra.s32 s20, $0x2  }
0x27: {  	[tilespmem:s21+$0x400] =	vst v0  }
0x28: {  	s20 =	sadd.s32 $0x40, s20;
	[tilespmem:s21+$0x2C00] =	vst v0  }
0x29: {  	s20 =	simm.s32 $0x0;
	s21 =	simm.s32 $0x5  }
.LBB2_4:
0x2a: {  	_ =	swait.ge [sflag:s14], $0x80  }
0x2b: {  	s23 =	sadd.s32 $0xFFFFFFFD, s21;
	[sflag:s14] =	ssyncset.done $0x0  }
0x2c: {  	p0 =	sge.u32 s23, s3;
	[sflag:s14] =	ssyncadd.s32 $0xFFFFFF80  }
0x2d: {  	s24 =	simm.s32 @!p0 $0x0;
	_ =	swait.ge [sflag:s14], $0x80  }
0x2e: {  	s25 =	simm.s32 @!p0 $0x100;
	s22 =	rddreg [dreg:$0x4];
	[sflag:s14] =	ssyncset.done $0x0  }
0x2f: {  	s23 =	rddreg [dreg:$0x5];
	[sflag:s14] =	ssyncadd.s32 $0xFFFFFF80;
	s22 =	sadd.s32 @!p0 s20, s22  }
0x30: {  	[tilespmem:s25], [sflag:$0x3] =	stream.linear.gather @!p0 [hbm4b:s22+s24], $0x80, $0x38;
	[tilespmem:$0x5400] =	vst v63  }
0x31: {  	s22 =	sadd.s32 @!p0 s20, s23;
	s23 =	simm.s32 @!p0 $0x300  }
0x32: {  	[tilespmem:s23], [sflag:$0x3] =	stream.linear.gather @!p0 [hbm4b:s22+s24], $0x80, $0x38;
	[tilespmem:$0x5400] =	vst v63  }
0x33: {  	v2 =	vld [tilespmem:$0x0]  }
0x34: {  	v3 =	vld [tilespmem:$0x200];
	_ =	sdelay $0x6  }
0x35: {  	[tilespmem:v2+s15+$0x0] =	vst.idx.add.f32.msk $0xffff, v1  }
0x36: {  	[tilespmem:v3+s16+$0x0] =	vst.idx.add.f32.msk $0xffff, v1  }
0x37: {  	v2 =	vld [tilespmem:$0x10]  }
0x38: {  	v3 =	vld [tilespmem:$0x210];
	_ =	sdelay $0x6  }
0x39: {  	[tilespmem:v2+s15+$0x0] =	vst.idx.add.f32.msk $0xffff, v1  }
0x3a: {  	[tilespmem:v3+s16+$0x0] =	vst.idx.add.f32.msk $0xffff, v1  }
0x3b: {  	v2 =	vld [tilespmem:$0x20]  }
0x3c: {  	v3 =	vld [tilespmem:$0x220];
	_ =	sdelay $0x6  }
0x3d: {  	[tilespmem:v2+s15+$0x0] =	vst.idx.add.f32.msk $0xffff, v1  }
0x3e: {  	[tilespmem:v3+s16+$0x0] =	vst.idx.add.f32.msk $0xffff, v1  }
0x3f: {  	v2 =	vld [tilespmem:$0x30]  }
0x40: {  	v3 =	vld [tilespmem:$0x230];
	_ =	sdelay $0x6  }
0x41: {  	[tilespmem:v2+s15+$0x0] =	vst.idx.add.f32.msk $0xffff, v1  }
0x42: {  	[tilespmem:v3+s16+$0x0] =	vst.idx.add.f32.msk $0xffff, v1  }
0x43: {  	v2 =	vld [tilespmem:$0x40]  }
0x44: {  	v3 =	vld [tilespmem:$0x240];
	_ =	sdelay $0x6  }
0x45: {  	[tilespmem:v2+s15+$0x0] =	vst.idx.add.f32.msk $0xffff, v1  }
0x46: {  	[tilespmem:v3+s16+$0x0] =	vst.idx.add.f32.msk $0xffff, v1  }
0x47: {  	v2 =	vld [tilespmem:$0x50]  }
0x48: {  	v3 =	vld [tilespmem:$0x250];
	_ =	sdelay $0x6  }
0x49: {  	[tilespmem:v2+s15+$0x0] =	vst.idx.add.f32.msk $0xffff, v1  }
0x4a: {  	[tilespmem:v3+s16+$0x0] =	vst.idx.add.f32.msk $0xffff, v1  }
0x4b: {  	v2 =	vld [tilespmem:$0x60]  }
0x4c: {  	v3 =	vld [tilespmem:$0x260];
	_ =	sdelay $0x6  }
0x4d: {  	[tilespmem:v2+s15+$0x0] =	vst.idx.add.f32.msk $0xffff, v1  }
0x4e: {  	[tilespmem:v3+s16+$0x0] =	vst.idx.add.f32.msk $0xffff, v1  }
0x4f: {  	v2 =	vld [tilespmem:$0x70]  }
0x50: {  	v3 =	vld [tilespmem:$0x270];
	_ =	sdelay $0x6  }
0x51: {  	[tilespmem:v2+s15+$0x0] =	vst.idx.add.f32.msk $0xffff, v1  }
0x52: {  	[tilespmem:v3+s16+$0x0] =	vst.idx.add.f32.msk $0xffff, v1  }
0x53: {  	_ =	swait.ge [sflag:s17], $0x80  }
0x54: {  	s28 =	sadd.s32 $0xFFFFFFFE, s21;
	[sflag:s17] =	ssyncset.done $0x0  }
0x55: {  	p0 =	sge.u32 s28, s3;
	[sflag:s17] =	ssyncadd.s32 $0xFFFFFF80  }
0x56: {  	s24 =	simm.s32 @!p0 $0x0;
	_ =	swait.ge [sflag:s17], $0x80  }
0x57: {  	s25 =	simm.s32 @!p0 $0x180;
	s22 =	rddreg [dreg:$0x6];
	[sflag:s17] =	ssyncset.done $0x0  }
0x58: {  	s23 =	rddreg [dreg:$0x7];
	[sflag:s17] =	ssyncadd.s32 $0xFFFFFF80;
	s22 =	sadd.s32 @!p0 s20, s22  }
0x59: {  	[tilespmem:s25], [sflag:$0x4] =	stream.linear.gather @!p0 [hbm4b:s22+s24], $0x80, $0x38;
	[tilespmem:$0x5400] =	vst v63  }
0x5a: {  	s22 =	sadd.s32 @!p0 s20, s23;
	s23 =	simm.s32 @!p0 $0x380  }
0x5b: {  	[tilespmem:s23], [sflag:$0x4] =	stream.linear.gather @!p0 [hbm4b:s22+s24], $0x80, $0x38;
	[tilespmem:$0x5400] =	vst v63  }
0x5c: {  	v2 =	vld [tilespmem:$0x80]  }
0x5d: {  	v3 =	vld [tilespmem:$0x280];
	_ =	sdelay $0x6  }
0x5e: {  	[tilespmem:v2+s15+$0x0] =	vst.idx.add.f32.msk $0xffff, v1  }
0x5f: {  	[tilespmem:v3+s16+$0x0] =	vst.idx.add.f32.msk $0xffff, v1  }
0x60: {  	v2 =	vld [tilespmem:$0x90]  }
0x61: {  	v3 =	vld [tilespmem:$0x290];
	_ =	sdelay $0x6  }
0x62: {  	[tilespmem:v2+s15+$0x0] =	vst.idx.add.f32.msk $0xffff, v1  }
0x63: {  	[tilespmem:v3+s16+$0x0] =	vst.idx.add.f32.msk $0xffff, v1  }
0x64: {  	v2 =	vld [tilespmem:$0xA0]  }
0x65: {  	v3 =	vld [tilespmem:$0x2A0];
	_ =	sdelay $0x6  }
0x66: {  	[tilespmem:v2+s15+$0x0] =	vst.idx.add.f32.msk $0xffff, v1  }
0x67: {  	[tilespmem:v3+s16+$0x0] =	vst.idx.add.f32.msk $0xffff, v1  }
0x68: {  	v2 =	vld [tilespmem:$0xB0]  }
0x69: {  	v3 =	vld [tilespmem:$0x2B0];
	_ =	sdelay $0x6  }
0x6a: {  	[tilespmem:v2+s15+$0x0] =	vst.idx.add.f32.msk $0xffff, v1  }
0x6b: {  	[tilespmem:v3+s16+$0x0] =	vst.idx.add.f32.msk $0xffff, v1  }
0x6c: {  	v2 =	vld [tilespmem:$0xC0]  }
0x6d: {  	v3 =	vld [tilespmem:$0x2C0];
	_ =	sdelay $0x6  }
0x6e: {  	[tilespmem:v2+s15+$0x0] =	vst.idx.add.f32.msk $0xffff, v1  }
0x6f: {  	[tilespmem:v3+s16+$0x0] =	vst.idx.add.f32.msk $0xffff, v1  }
0x70: {  	v2 =	vld [tilespmem:$0xD0]  }
0x71: {  	v3 =	vld [tilespmem:$0x2D0];
	_ =	sdelay $0x6  }
0x72: {  	[tilespmem:v2+s15+$0x0] =	vst.idx.add.f32.msk $0xffff, v1  }
0x73: {  	[tilespmem:v3+s16+$0x0] =	vst.idx.add.f32.msk $0xffff, v1  }
0x74: {  	v2 =	vld [tilespmem:$0xE0]  }
0x75: {  	v3 =	vld [tilespmem:$0x2E0];
	_ =	sdelay $0x6  }
0x76: {  	[tilespmem:v2+s15+$0x0] =	vst.idx.add.f32.msk $0xffff, v1  }
0x77: {  	[tilespmem:v3+s16+$0x0] =	vst.idx.add.f32.msk $0xffff, v1  }
0x78: {  	v2 =	vld [tilespmem:$0xF0]  }
0x79: {  	v3 =	vld [tilespmem:$0x2F0];
	_ =	sdelay $0x5  }
0x7a: {  	s30 =	sadd.s32 $0xFFFFFFFB, s21;
	s29 =	rddreg [dreg:$0x8]  }
0x7b: {  	p0 =	sge.u32 s30, s29;
	[tilespmem:v2+s15+$0x0] =	vst.idx.add.f32.msk $0xffff, v1  }
0x7c: {  	s22 =	simm.s32 @!p0 $0x3;
	[tilespmem:v3+s16+$0x0] =	vst.idx.add.f32.msk $0xffff, v1  }
0x7d: {  	_ =	swait.ge @!p0 [sflag:s22], $0x80  }
0x7e: {  	[sflag:s22] =	ssyncset.done @!p0 $0x0  }
0x7f: {  	[sflag:s22] =	ssyncadd.s32 @!p0 $0xFFFFFF80  }
0x80: {  	s24 =	sadd.s32 @!p0 $0xFFFFFFFF, s21;
	_ =	swait.ge @!p0 [sflag:s22], $0x80  }
0x81: {  	p1 =	sge.u32 @!p0 s24, s3;
	s25 =	rddreg [dreg:$0x9]  }
0x82: {  	p1 =	por p1, p0;
	[sflag:s22] =	ssyncset.done @!p0 $0x0;
	s24 =	rddreg [dreg:$0xa]  }
0x83: {  	[sflag:s22] =	ssyncadd.s32 @!p0 $0xFFFFFF80;
	s22 =	sadd.s32 @!p1 s20, s25;
	s25 =	simm.s32 @!p1 $0x0  }
0x84: {  	[tilespmem:s25], [sflag:$0x1] =	stream.linear.gather @!p1 [hbm4b:s22+s25], $0x80, $0x38;
	[tilespmem:$0x5400] =	vst v63  }
0x85: {  	s22 =	sadd.s32 @!p1 s20, s24;
	s24 =	simm.s32 @!p1 $0x200  }
0x86: {  	[tilespmem:s24], [sflag:$0x1] =	stream.linear.gather @!p1 [hbm4b:s22+s25], $0x80, $0x38;
	[tilespmem:$0x5400] =	vst v63  }
0x87: {  	v2 =	vld @!p0 [tilespmem:$0x100]  }
0x88: {  	v3 =	vld @!p0 [tilespmem:$0x300];
	_ =	sdelay $0x5  }
0x89: {  	v4 =	vimm.f32 @!p0 $1.000000000e+00;
	s22 =	simm.s32 @!p0 $0x400  }
0x8a: {  	s24 =	simm.s32 @!p0 $0x2C00;
	[tilespmem:v2+s22+$0x0] =	vst.idx.add.f32.msk @!p0 $0xffff, v4  }
0x8b: {  	[tilespmem:v3+s24+$0x0] =	vst.idx.add.f32.msk @!p0 $0xffff, v4  }
0x8c: {  	v2 =	vld @!p0 [tilespmem:$0x110]  }
0x8d: {  	v3 =	vld @!p0 [tilespmem:$0x310];
	_ =	sdelay $0x6  }
0x8e: {  	[tilespmem:v2+s22+$0x0] =	vst.idx.add.f32.msk @!p0 $0xffff, v4  }
0x8f: {  	[tilespmem:v3+s24+$0x0] =	vst.idx.add.f32.msk @!p0 $0xffff, v4  }
0x90: {  	v2 =	vld @!p0 [tilespmem:$0x120]  }
0x91: {  	v3 =	vld @!p0 [tilespmem:$0x320];
	_ =	sdelay $0x6  }
0x92: {  	[tilespmem:v2+s22+$0x0] =	vst.idx.add.f32.msk @!p0 $0xffff, v4  }
0x93: {  	[tilespmem:v3+s24+$0x0] =	vst.idx.add.f32.msk @!p0 $0xffff, v4  }
0x94: {  	v2 =	vld @!p0 [tilespmem:$0x130]  }
0x95: {  	v3 =	vld @!p0 [tilespmem:$0x330];
	_ =	sdelay $0x6  }
0x96: {  	[tilespmem:v2+s22+$0x0] =	vst.idx.add.f32.msk @!p0 $0xffff, v4  }
0x97: {  	[tilespmem:v3+s24+$0x0] =	vst.idx.add.f32.msk @!p0 $0xffff, v4  }
0x98: {  	v2 =	vld @!p0 [tilespmem:$0x140]  }
0x99: {  	v3 =	vld @!p0 [tilespmem:$0x340];
	_ =	sdelay $0x6  }
0x9a: {  	[tilespmem:v2+s22+$0x0] =	vst.idx.add.f32.msk @!p0 $0xffff, v4  }
0x9b: {  	[tilespmem:v3+s24+$0x0] =	vst.idx.add.f32.msk @!p0 $0xffff, v4  }
0x9c: {  	v2 =	vld @!p0 [tilespmem:$0x150]  }
0x9d: {  	v3 =	vld @!p0 [tilespmem:$0x350];
	_ =	sdelay $0x6  }
0x9e: {  	[tilespmem:v2+s22+$0x0] =	vst.idx.add.f32.msk @!p0 $0xffff, v4  }
0x9f: {  	[tilespmem:v3+s24+$0x0] =	vst.idx.add.f32.msk @!p0 $0xffff, v4  }
0xa0: {  	v2 =	vld @!p0 [tilespmem:$0x160]  }
0xa1: {  	v3 =	vld @!p0 [tilespmem:$0x360];
	_ =	sdelay $0x6  }
0xa2: {  	[tilespmem:v2+s22+$0x0] =	vst.idx.add.f32.msk @!p0 $0xffff, v4  }
0xa3: {  	[tilespmem:v3+s24+$0x0] =	vst.idx.add.f32.msk @!p0 $0xffff, v4  }
0xa4: {  	v2 =	vld @!p0 [tilespmem:$0x170]  }
0xa5: {  	v3 =	vld @!p0 [tilespmem:$0x370];
	_ =	sdelay $0x5  }
0xa6: {  	s31 =	rddreg [dreg:$0xb]  }
0xa7: {  	p1 =	sge.u32 s30, s31;
	[tilespmem:v2+s22+$0x0] =	vst.idx.add.f32.msk @!p0 $0xffff, v4  }
0xa8: {  	s22 =	simm.s32 @!p1 $0x4;
	[tilespmem:v3+s24+$0x0] =	vst.idx.add.f32.msk @!p0 $0xffff, v4  }
0xa9: {  	_ =	swait.ge @!p1 [sflag:s22], $0x80  }
0xaa: {  	p0 =	sge.u32 @!p1 s21, s3;
	[sflag:s22] =	ssyncset.done @!p1 $0x0  }
0xab: {  	p0 =	por p0, p1;
	[sflag:s22] =	ssyncadd.s32 @!p1 $0xFFFFFF80  }
0xac: {  	s24 =	simm.s32 @!p0 $0x0;
	_ =	swait.ge @!p1 [sflag:s22], $0x80  }
0xad: {  	s25 =	simm.s32 @!p0 $0x80;
	s23 =	rddreg [dreg:$0xc];
	[sflag:s22] =	ssyncset.done @!p1 $0x0  }
0xae: {  	[sflag:s22] =	ssyncadd.s32 @!p1 $0xFFFFFF80;
	s22 =	rddreg [dreg:$0xd];
	s23 =	sadd.s32 @!p0 s20, s23  }
0xaf: {  	[tilespmem:s25], [sflag:$0x2] =	stream.linear.gather @!p0 [hbm4b:s23+s24], $0x80, $0x38;
	[tilespmem:$0x5400] =	vst v63  }
0xb0: {  	s22 =	sadd.s32 @!p0 s20, s22;
	s23 =	simm.s32 @!p0 $0x280  }
0xb1: {  	[tilespmem:s23], [sflag:$0x2] =	stream.linear.gather @!p0 [hbm4b:s22+s24], $0x80, $0x38;
	[tilespmem:$0x5400] =	vst v63  }
0xb2: {  	v2 =	vld @!p1 [tilespmem:$0x180]  }
0xb3: {  	v3 =	vld @!p1 [tilespmem:$0x380];
	_ =	sdelay $0x5  }
0xb4: {  	v4 =	vimm.f32 @!p1 $1.000000000e+00;
	s22 =	simm.s32 @!p1 $0x400  }
0xb5: {  	s23 =	simm.s32 @!p1 $0x2C00;
	[tilespmem:v2+s22+$0x0] =	vst.idx.add.f32.msk @!p1 $0xffff, v4  }
0xb6: {  	[tilespmem:v3+s23+$0x0] =	vst.idx.add.f32.msk @!p1 $0xffff, v4  }
0xb7: {  	v2 =	vld @!p1 [tilespmem:$0x190]  }
0xb8: {  	v3 =	vld @!p1 [tilespmem:$0x390];
	_ =	sdelay $0x6  }
0xb9: {  	[tilespmem:v2+s22+$0x0] =	vst.idx.add.f32.msk @!p1 $0xffff, v4  }
0xba: {  	[tilespmem:v3+s23+$0x0] =	vst.idx.add.f32.msk @!p1 $0xffff, v4  }
0xbb: {  	v2 =	vld @!p1 [tilespmem:$0x1A0]  }
0xbc: {  	v3 =	vld @!p1 [tilespmem:$0x3A0];
	_ =	sdelay $0x6  }
0xbd: {  	[tilespmem:v2+s22+$0x0] =	vst.idx.add.f32.msk @!p1 $0xffff, v4  }
0xbe: {  	[tilespmem:v3+s23+$0x0] =	vst.idx.add.f32.msk @!p1 $0xffff, v4  }
0xbf: {  	v2 =	vld @!p1 [tilespmem:$0x1B0]  }
0xc0: {  	v3 =	vld @!p1 [tilespmem:$0x3B0];
	_ =	sdelay $0x6  }
0xc1: {  	[tilespmem:v2+s22+$0x0] =	vst.idx.add.f32.msk @!p1 $0xffff, v4  }
0xc2: {  	[tilespmem:v3+s23+$0x0] =	vst.idx.add.f32.msk @!p1 $0xffff, v4  }
0xc3: {  	v2 =	vld @!p1 [tilespmem:$0x1C0]  }
0xc4: {  	v3 =	vld @!p1 [tilespmem:$0x3C0];
	_ =	sdelay $0x6  }
0xc5: {  	[tilespmem:v2+s22+$0x0] =	vst.idx.add.f32.msk @!p1 $0xffff, v4  }
0xc6: {  	[tilespmem:v3+s23+$0x0] =	vst.idx.add.f32.msk @!p1 $0xffff, v4  }
0xc7: {  	v2 =	vld @!p1 [tilespmem:$0x1D0]  }
0xc8: {  	v3 =	vld @!p1 [tilespmem:$0x3D0];
	_ =	sdelay $0x6  }
0xc9: {  	[tilespmem:v2+s22+$0x0] =	vst.idx.add.f32.msk @!p1 $0xffff, v4  }
0xca: {  	[tilespmem:v3+s23+$0x0] =	vst.idx.add.f32.msk @!p1 $0xffff, v4  }
0xcb: {  	v2 =	vld @!p1 [tilespmem:$0x1E0]  }
0xcc: {  	v3 =	vld @!p1 [tilespmem:$0x3E0];
	_ =	sdelay $0x6  }
0xcd: {  	[tilespmem:v2+s22+$0x0] =	vst.idx.add.f32.msk @!p1 $0xffff, v4  }
0xce: {  	[tilespmem:v3+s23+$0x0] =	vst.idx.add.f32.msk @!p1 $0xffff, v4  }
0xcf: {  	v2 =	vld @!p1 [tilespmem:$0x1F0]  }
0xd0: {  	v3 =	vld @!p1 [tilespmem:$0x3F0];
	_ =	sdelay $0x1  }
0xd1: {  	s20 =	sadd.s32 $0x40, s20  }
0xd2: {  	p0 =	sne.s32 s20, $0x500  }
.Ltmp1:
0xd3: {  	_ = 	snop;
	(pc) =	sbr.rel @p0 .LBB2_4-.Ltmp1, $3  }
0xd4: {  	_ =	sdelay $0x1  }
0xd5: {  	[tilespmem:v2+s22+$0x0] =	vst.idx.add.f32.msk @!p1 $0xffff, v4  }
0xd6: {  	s21 =	sadd.s32 $0x4, s21;
	[tilespmem:v3+s23+$0x0] =	vst.idx.add.f32.msk @!p1 $0xffff, v4  }
0xd7: {  	[hbm4b:s8+s2] =	stream.linear.scatter [tilespmem:s15], [sflag:$0x5], $0x2800, $0x38;
	[tilespmem:$0x5400] =	vst v63  }
0xd8: {  	s19 =	sadd.s32 $0x1, s19;
	_ =	swait.ge [sflag:s18], $0x2800  }
0xd9: {  	p0 =	sne.s32 s19, s10;
	[sflag:s18] =	ssyncset.done $0x0  }
.Ltmp2:
0xda: {  	[sflag:s18] =	ssyncadd.s32 $0xFFFFD800;
	(pc) =	sbr.rel @p0 .LBB2_1-.Ltmp2, $4  }
0xdb: {  	[hbm4b:s9+s2] =	stream.linear.scatter [tilespmem:s16], [sflag:$0x5], $0x2800, $0x38;
	[tilespmem:$0x5400] =	vst v63  }
0xdc: {  	_ =	swait.ge [sflag:s18], $0x2800  }
0xdd: {  	[sflag:s18] =	ssyncset.done $0x0  }
0xde: {  	[sflag:s18] =	ssyncadd.s32 $0xFFFFD800  }
0xdf: {  	_ =	sfence.sel $0x180000  }
0xe0: {  	[bflag:$0x0] =	sbarrier.arrive $0xFFFF  }
0xe1: {  	p0 =	sne.s32 s1, $0x0;
	_ =	strace $0x90000047  }
0xe2: {  	s0 =	sadd.s32 @!p0 $0x100000, s0;
	[bflag:$0x2] =	sbarrier.arrive $0xFFFF  }
0xe3: {  	[sflag:s0] =	ssyncadd.tile.s32 @!p0 $0x1;
	_ =	shalt  }
.Lfunc_end2:
_tile_overlayer_lowered:
.L_overlay_start_2:
0xe4: {  	(tag) =	ssettag $0x2  }
0xe5: {  	s0 =	rddreg [dreg:$0x0];
	s2 =	stileid.u32  }
0xe6: {  	s1 =	rddreg [dreg:$0x1];
	p0 =	sne.s32 s2, $0x0  }
0xe7: {  	s3 =	rddreg [dreg:$0x2];
	[bflag:$0x3] =	sbarrier.arrive $0xFFFF;
	s2 =	simm.s32 @!p0 $0x1C05  }
0xe8: {  	[timem:s3], [sflag:s2] =	dma.local @!p0 [hbm:s0], s1  }
0xe9: {  	s0 =	simm.s32 @!p0 $0x5  }
0xea: {  	_ =	swait.ge @!p0 [sflag:s0], s1  }
0xeb: {  	s1 =	ssub.s32 @!p0 $0x0, s1;
	[sflag:s0] =	ssyncset.done @!p0 $0x0  }
0xec: {  	[sflag:s0] =	ssyncadd.s32 @!p0 s1  }
0xed: {  	[bflag:$0x3] =	sbarrier.arrive $0xFFFF  }
0xee: {  	_ =	shalt  }

</sc_bundles>
